<compile_context>
chip_gen: v7x
topology: tpu7x:2x2x1
jax: 0.10.2.dev20260603
libtpu: 0.0.44.dev20260713+nightly
codegen_flags: <defaults>
</compile_context>

<pallas_src>
import functools

import numpy as np
import jax
import jax.numpy as jnp
from jax import lax
from jax.experimental import pallas as pl
from jax.experimental.pallas import tpu as pltpu
from jax.experimental.pallas import tpu_sc as plsc

_DIM = 64
_WSIZE = 1_048_576
_BATCH = 16_384
_M = _WSIZE - 1

_NW = 32
_BPW = _BATCH // _NW
_NCH = _BPW // 16
_ROWS = _BPW * _DIM // 128


def _hash_constants():
    r = np.random.RandomState(1024)
    rn = np.concatenate(
        [np.array([2038074743]), r.randint(0, 2038074743, (10,))]
    ).astype(np.int64)
    return int(rn[0]), int(rn[1]), int(rn[2]), int(rn[3])


_P, _A, _B, _C = _hash_constants()
_KD = [int((((d + 1) * _B + _C) % _P) - 2**31) for d in range(_DIM)]
_T0 = np.array([(k * _A) % _P for k in range(1024)], dtype=np.int64).astype(np.int32)
_T1B = np.array(
    [((k * 1024 * _A) % _P) - 2**31 for k in range(1024)], dtype=np.int64
).astype(np.int32)
_PBIAS = np.int32(_P - 2**31)
_R31 = np.int32(2**31 - _P)
_MIN32 = np.int32(-(2**31))

_mesh = plsc.VectorSubcoreMesh(core_axis_name="c", subcore_axis_name="s")


@functools.partial(
    pl.kernel,
    out_type=jax.ShapeDtypeStruct((_BATCH * _DIM // 128, 128), jnp.float32),
    mesh=_mesh,
    compiler_params=pltpu.CompilerParams(needs_layout_passes=False),
    scratch_types=[
        pltpu.VMEM((_BPW,), jnp.int32),
        pltpu.VMEM((1024,), jnp.int32),
        pltpu.VMEM((1024,), jnp.int32),
        pltpu.VMEM((_ROWS, 128), jnp.int32),
        pltpu.VMEM((_ROWS, 128), jnp.float32),
        pltpu.SemaphoreType.DMA,
    ],
)
def _robez_sc(idx_hbm, t0_hbm, t1_hbm, w_hbm, out_hbm,
              idx_v, t0_v, t1_v, gidx_v, rows_v, sem):
    wid = lax.axis_index("c") * 16 + lax.axis_index("s")
    pltpu.sync_copy(idx_hbm.at[pl.ds(wid * _BPW, _BPW)], idx_v)
    pltpu.sync_copy(t0_hbm, t0_v)
    pltpu.sync_copy(t1_hbm, t1_v)

    iota = lax.iota(jnp.int32, 16)
    rowbase = iota >> 1
    colbase = (iota & 1) * jnp.int32(_DIM)

    def chunk(c, carry):
        idxv = idx_v[pl.ds(c * 16, 16)]
        hi = idxv >> 10
        lo = idxv & 1023
        s = plsc.load_gather(t1_v, [hi]) + plsc.load_gather(t0_v, [lo])
        h = s + jnp.where(s >= _PBIAS, _R31, _MIN32)
        row = rowbase + c * jnp.int32(8)
        for d in range(_DIM):
            u = h + jnp.int32(_KD[d])
            t = u + jnp.where(u >= _PBIAS, _R31, _MIN32)
            g = (t >> 20) + (t & jnp.int32(_M))
            g = jnp.where(g >= jnp.int32(_M), g - jnp.int32(_M), g)
            plsc.store_scatter(gidx_v, [row, colbase + jnp.int32(d)], g)
        r0 = c * 8
        for j in range(8):
            pltpu.async_copy(w_hbm.at[gidx_v.at[r0 + j]], rows_v.at[r0 + j], sem)

        return carry
    lax.fori_loop(jnp.int32(0), jnp.int32(_NCH), chunk, jnp.int32(0))

    def drain(r, carry):
        pltpu.make_async_copy(w_hbm.at[gidx_v.at[r]], rows_v.at[r], sem).wait()
        return carry
    lax.fori_loop(jnp.int32(0), jnp.int32(_ROWS), drain, jnp.int32(0))

    pltpu.sync_copy(rows_v, out_hbm.at[pl.ds(wid * _ROWS, _ROWS), :])


def kernel(indices, weight):
    idx32 = indices.astype(jnp.int32)
    out = _robez_sc(idx32, _T0, _T1B, weight)
    return out.reshape(_BATCH, _DIM)

# --- scband reference (transcript-rebuilt; emitter-appended) ---
"""Pipeline reference for scband-robez-embedding-57999238365275 (READ-ONLY COPY).

The authoritative reference and input builder live on the scoring server;
editing this copy changes nothing except your own understanding.
"""

import jax, jax.numpy as jnp
import numpy as np

jax.config.update("jax_enable_x64", True)

NUM_EMBEDDINGS = 1000000
EMBEDDING_DIM = 64
WEIGHT_SIZE = 1048576  # flat ROBE-Z compressed parameter array (numel of _weight)
VAL_OFFSET = 0
CHUNK_SIZE = 1
SEED = 1024
BATCH = 16384


def _random_numbers():
    r = np.random.RandomState(SEED)
    rn = np.concatenate([np.array([2038074743]), r.randint(0, 2038074743, (10,))]).astype(np.int64)
    return rn


def _hashed_idx(indices):
    # Faithful translation of par_idx_py from RobezEmbedding
    rn = _random_numbers()
    P = jnp.int64(int(rn[0]))
    A = int(rn[1])
    B = jnp.int64(int(rn[2]))
    C = jnp.int64(int(rn[3]))
    helper_Eidx_base = jnp.arange(EMBEDDING_DIM, dtype=jnp.int64) // CHUNK_SIZE
    helper_Eidx_offset = jnp.arange(EMBEDDING_DIM, dtype=jnp.int64) % CHUNK_SIZE
    helper_E1sR = jnp.ones(EMBEDDING_DIM, dtype=jnp.int64) * A
    idx = (indices.astype(jnp.int64) + VAL_OFFset_safe()).reshape(-1, 1)
    hashed = (idx * helper_E1sR + (helper_Eidx_base + 1) * B + C) % P % (WEIGHT_SIZE - CHUNK_SIZE) + helper_Eidx_offset
    return hashed


def VAL_OFFset_safe():
    return jnp.int64(VAL_OFFSET)


def setup_inputs(seed: int = 0) -> dict:
    key = jax.random.key(seed)
    k1, k2 = jax.random.split(key)
    indices = jax.random.randint(k1, (BATCH,), 0, NUM_EMBEDDINGS, dtype=jnp.int64)
    weight = (jax.random.normal(k2, (WEIGHT_SIZE,), dtype=jnp.float32) / jnp.sqrt(jnp.float32(EMBEDDING_DIM)))
    return {"indices": indices, "weight": weight}


def reference(indices, weight):
    # hashed_idx: [BATCH, EMBEDDING_DIM] int64; gather rows element-wise from flat weight
    hashed = _hashed_idx(indices)
    return jnp.take(weight, hashed, axis=0)

if __name__ == "__main__":
    import jax
    _d = setup_inputs()
    print(jax.jit(kernel)(*tuple(_d.values())))

</pallas_src>

<mosaic_0001>
#map = affine_map<(d0, d1) -> (0)>
#map1 = affine_map<(d0, d1) -> (0, 0)>
module attributes {stable_mosaic.version = 14 : i64} {
  func.func @_robez_sc(%arg0: i32, %arg1: i32, %arg2: memref<16384xi32, #tpu.memory_space<hbm>>, %arg3: memref<1024xi32, #tpu.memory_space<hbm>>, %arg4: memref<1024xi32, #tpu.memory_space<hbm>>, %arg5: memref<1048576xf32, #tpu.memory_space<hbm>>, %arg6: memref<8192x128xf32, #tpu.memory_space<hbm>>, %arg7: memref<512xi32, #tpu.memory_space<vmem>>, %arg8: memref<1024xi32, #tpu.memory_space<vmem>>, %arg9: memref<1024xi32, #tpu.memory_space<vmem>>, %arg10: memref<256x128xi32, #tpu.memory_space<vmem>>, %arg11: memref<256x128xf32, #tpu.memory_space<vmem>>, %arg12: memref<!tpu.dma_semaphore, #tpu.memory_space<semaphore_mem>>) attributes {dimension_semantics = [#tpu.dimension_semantics<core_parallel>, #tpu.dimension_semantics<subcore_parallel>], iteration_bounds = array<i64: 2, 16>, scalar_prefetch = 0 : i64, scratch_operands = 6 : i64, tpu.core_type = #tpu.core_type<sc_vector_subcore>, window_params = [{transform_indices = #map}, {transform_indices = #map}, {transform_indices = #map}, {transform_indices = #map}, {transform_indices = #map1}]} {
    %mul3A = arith.constant 16 : i32
    %mul3A_0 = arith.muli %arg0, %mul3A : i32
    %add3A = arith.addi %mul3A_0, %arg1 : i32
    %mul3A_1 = arith.constant 512 : i32
    %mul3A_2 = arith.muli %add3A, %mul3A_1 : i32
    "tpu.region"() ({
      %run_scoped3A = tpu.sem_alloc : memref<!tpu.dma_semaphore, #tpu.memory_space<semaphore_mem>>
      %dma_start3A = tpu.memref_slice %arg2[%mul3A_2] : memref<16384xi32, #tpu.memory_space<hbm>> -> memref<512xi32, #tpu.memory_space<hbm>>
      %dma_start3A_33 = tpu.memref_slice %arg2[%mul3A_2] : memref<16384xi32, #tpu.memory_space<hbm>> -> memref<512xi32, #tpu.memory_space<hbm>>
      tpu.enqueue_dma source(%dma_start3A_33 : memref<512xi32, #tpu.memory_space<hbm>>) target(%arg7 : memref<512xi32, #tpu.memory_space<vmem>>) target_semaphore(%run_scoped3A : memref<!tpu.dma_semaphore, #tpu.memory_space<semaphore_mem>>)
      %dma_wait3A = tpu.memref_slice %arg2[%mul3A_2] : memref<16384xi32, #tpu.memory_space<hbm>> -> memref<512xi32, #tpu.memory_space<hbm>>
      %dma_wait3A_34 = tpu.memref_slice %arg2[%mul3A_2] : memref<16384xi32, #tpu.memory_space<hbm>> -> memref<512xi32, #tpu.memory_space<hbm>>
      tpu.wait_dma2 semaphore(%run_scoped3A : memref<!tpu.dma_semaphore, #tpu.memory_space<semaphore_mem>>) src(%dma_wait3A_34 : memref<512xi32, #tpu.memory_space<hbm>>) dst(%arg7 : memref<512xi32, #tpu.memory_space<vmem>>)
      tpu.yield
    }) : () -> ()
    "tpu.region"() ({
      %run_scoped3A = tpu.sem_alloc : memref<!tpu.dma_semaphore, #tpu.memory_space<semaphore_mem>>
      tpu.enqueue_dma source(%arg3 : memref<1024xi32, #tpu.memory_space<hbm>>) target(%arg8 : memref<1024xi32, #tpu.memory_space<vmem>>) target_semaphore(%run_scoped3A : memref<!tpu.dma_semaphore, #tpu.memory_space<semaphore_mem>>)
      tpu.wait_dma2 semaphore(%run_scoped3A : memref<!tpu.dma_semaphore, #tpu.memory_space<semaphore_mem>>) src(%arg3 : memref<1024xi32, #tpu.memory_space<hbm>>) dst(%arg8 : memref<1024xi32, #tpu.memory_space<vmem>>)
      tpu.yield
    }) : () -> ()
    "tpu.region"() ({
      %run_scoped3A = tpu.sem_alloc : memref<!tpu.dma_semaphore, #tpu.memory_space<semaphore_mem>>
      tpu.enqueue_dma source(%arg4 : memref<1024xi32, #tpu.memory_space<hbm>>) target(%arg9 : memref<1024xi32, #tpu.memory_space<vmem>>) target_semaphore(%run_scoped3A : memref<!tpu.dma_semaphore, #tpu.memory_space<semaphore_mem>>)
      tpu.wait_dma2 semaphore(%run_scoped3A : memref<!tpu.dma_semaphore, #tpu.memory_space<semaphore_mem>>) src(%arg4 : memref<1024xi32, #tpu.memory_space<hbm>>) dst(%arg9 : memref<1024xi32, #tpu.memory_space<vmem>>)
      tpu.yield
    }) : () -> ()
    %iota3A = tpu.iota {dimensions = array<i32: 0>} : vector<16xi32>
    %shift_right_arithmetic3A = arith.constant 1 : i32
    %shift_right_arithmetic3A_3 = vector.broadcast %shift_right_arithmetic3A : i32 to vector<16xi32>
    %shift_right_arithmetic3A_4 = arith.shrsi %iota3A, %shift_right_arithmetic3A_3 : vector<16xi32>
    %and3A = arith.constant 1 : i32
    %and3A_5 = vector.broadcast %and3A : i32 to vector<16xi32>
    %and3A_6 = arith.andi %iota3A, %and3A_5 : vector<16xi32>
    %mul3A_7 = arith.constant 64 : i32
    %mul3A_8 = vector.broadcast %mul3A_7 : i32 to vector<16xi32>
    %mul3A_9 = arith.muli %and3A_6, %mul3A_8 : vector<16xi32>
    %while3A = arith.constant 0 : i32
    %while3A_10 = arith.constant 0 : i32
    %while3A_11 = arith.constant 32 : i32
    %while3A_12 = arith.subi %while3A_11, %while3A_10 : i32
    %while3A_13 = arith.addi %while3A_10, %while3A_12 : i32
    %while3A_14 = arith.constant 1 : i32
    %while3A_15 = arith.divsi %while3A_12, %while3A_14 : i32
    %while3A_16 = arith.muli %while3A_15, %while3A_14 : i32
    %while3A_17 = arith.addi %while3A_10, %while3A_16 : i32
    %while3A_18 = arith.constant 1 : i32
    scf.for %while3A_33 = %while3A_10 to %while3A_17 step %while3A_18  : i32 {
      %mul3A_34 = arith.constant 16 : i32
      %mul3A_35 = arith.muli %while3A_33, %mul3A_34 : i32
      %get3A = arith.index_cast %mul3A_35 : i32 to index
      %get3A_36 = tpu.vector_load %arg7[%get3A] {strides = array<i32>} : memref<512xi32, #tpu.memory_space<vmem>>, vector<16xi32>,
      %shift_right_arithmetic3A_37 = arith.constant 10 : i32
      %shift_right_arithmetic3A_38 = vector.broadcast %shift_right_arithmetic3A_37 : i32 to vector<16xi32>
      %shift_right_arithmetic3A_39 = arith.shrsi %get3A_36, %shift_right_arithmetic3A_38 : vector<16xi32>
      %and3A_40 = arith.constant 1023 : i32
      %and3A_41 = vector.broadcast %and3A_40 : i32 to vector<16xi32>
      %and3A_42 = arith.andi %get3A_36, %and3A_41 : vector<16xi32>
      %gather3A = tpu.vector_load_idx %arg9[%shift_right_arithmetic3A_39] : memref<1024xi32, #tpu.memory_space<vmem>>[vector<16xi32>], vector<16xi32>,
      %gather3A_43 = tpu.vector_load_idx %arg8[%and3A_42] : memref<1024xi32, #tpu.memory_space<vmem>>[vector<16xi32>], vector<16xi32>,
      %add3A_44 = arith.addi %gather3A, %gather3A_43 : vector<16xi32>
      %ge3A = arith.constant -109408905 : i32
      %ge3A_45 = vector.broadcast %ge3A : i32 to vector<16xi32>
      %ge3A_46 = arith.cmpi sge, %add3A_44, %ge3A_45 : vector<16xi32>
      %jit3A = arith.constant 109408905 : i32
      %jit3A_47 = arith.constant -2147483648 : i32
      %broadcast_in_dim3A = vector.broadcast %jit3A : i32 to vector<16xi32>
      %broadcast_in_dim3A_48 = vector.broadcast %jit3A_47 : i32 to vector<16xi32>
      %select_n3A = arith.select %ge3A_46, %broadcast_in_dim3A, %broadcast_in_dim3A_48 : vector<16xi1>, vector<16xi32>
      %add3A_49 = arith.addi %add3A_44, %select_n3A : vector<16xi32>
      %mul3A_50 = arith.constant 8 : i32
      %mul3A_51 = arith.muli %while3A_33, %mul3A_50 : i32
      %add3A_52 = vector.broadcast %mul3A_51 : i32 to vector<16xi32>
      %add3A_53 = arith.addi %shift_right_arithmetic3A_4, %add3A_52 : vector<16xi32>
      %add3A_54 = arith.constant -1489100794 : i32
      %add3A_55 = vector.broadcast %add3A_54 : i32 to vector<16xi32>
      %add3A_56 = arith.addi %add3A_49, %add3A_55 : vector<16xi32>
      %ge3A_57 = arith.constant -109408905 : i32
      %ge3A_58 = vector.broadcast %ge3A_57 : i32 to vector<16xi32>
      %ge3A_59 = arith.cmpi sge, %add3A_56, %ge3A_58 : vector<16xi32>
      %jit3A_60 = arith.constant 109408905 : i32
      %jit3A_61 = arith.constant -2147483648 : i32
      %broadcast_in_dim3A_62 = vector.broadcast %jit3A_60 : i32 to vector<16xi32>
      %broadcast_in_dim3A_63 = vector.broadcast %jit3A_61 : i32 to vector<16xi32>
      %select_n3A_64 = arith.select %ge3A_59, %broadcast_in_dim3A_62, %broadcast_in_dim3A_63 : vector<16xi1>, vector<16xi32>
      %add3A_65 = arith.addi %add3A_56, %select_n3A_64 : vector<16xi32>
      %shift_right_arithmetic3A_66 = arith.constant 20 : i32
      %shift_right_arithmetic3A_67 = vector.broadcast %shift_right_arithmetic3A_66 : i32 to vector<16xi32>
      %shift_right_arithmetic3A_68 = arith.shrsi %add3A_65, %shift_right_arithmetic3A_67 : vector<16xi32>
      %and3A_69 = arith.constant 1048575 : i32
      %and3A_70 = vector.broadcast %and3A_69 : i32 to vector<16xi32>
      %and3A_71 = arith.andi %add3A_65, %and3A_70 : vector<16xi32>
      %add3A_72 = arith.addi %shift_right_arithmetic3A_68, %and3A_71 : vector<16xi32>
      %ge3A_73 = arith.constant 1048575 : i32
      %ge3A_74 = vector.broadcast %ge3A_73 : i32 to vector<16xi32>
      %ge3A_75 = arith.cmpi sge, %add3A_72, %ge3A_74 : vector<16xi32>
      %sub3A = arith.constant 1048575 : i32
      %sub3A_76 = vector.broadcast %sub3A : i32 to vector<16xi32>
      %sub3A_77 = arith.subi %add3A_72, %sub3A_76 : vector<16xi32>
      %select_n3A_78 = arith.select %ge3A_75, %sub3A_77, %add3A_72 : vector<16xi1>, vector<16xi32>
      %add3A_79 = arith.constant 0 : i32
      %add3A_80 = vector.broadcast %add3A_79 : i32 to vector<16xi32>
      %add3A_81 = arith.addi %mul3A_9, %add3A_80 : vector<16xi32>
      tpu.vector_store_idx %arg10[%add3A_53, %add3A_81], %select_n3A_78 : memref<256x128xi32, #tpu.memory_space<vmem>>[vector<16xi32>, vector<16xi32>], vector<16xi32>,
      %add3A_82 = arith.constant -1701923296 : i32
      %add3A_83 = vector.broadcast %add3A_82 : i32 to vector<16xi32>
      %add3A_84 = arith.addi %add3A_49, %add3A_83 : vector<16xi32>
      %ge3A_85 = arith.constant -109408905 : i32
      %ge3A_86 = vector.broadcast %ge3A_85 : i32 to vector<16xi32>
      %ge3A_87 = arith.cmpi sge, %add3A_84, %ge3A_86 : vector<16xi32>
      %jit3A_88 = arith.constant 109408905 : i32
      %jit3A_89 = arith.constant -2147483648 : i32
      %broadcast_in_dim3A_90 = vector.broadcast %jit3A_88 : i32 to vector<16xi32>
      %broadcast_in_dim3A_91 = vector.broadcast %jit3A_89 : i32 to vector<16xi32>
      %select_n3A_92 = arith.select %ge3A_87, %broadcast_in_dim3A_90, %broadcast_in_dim3A_91 : vector<16xi1>, vector<16xi32>
      %add3A_93 = arith.addi %add3A_84, %select_n3A_92 : vector<16xi32>
      %shift_right_arithmetic3A_94 = arith.constant 20 : i32
      %shift_right_arithmetic3A_95 = vector.broadcast %shift_right_arithmetic3A_94 : i32 to vector<16xi32>
      %shift_right_arithmetic3A_96 = arith.shrsi %add3A_93, %shift_right_arithmetic3A_95 : vector<16xi32>
      %and3A_97 = arith.constant 1048575 : i32
      %and3A_98 = vector.broadcast %and3A_97 : i32 to vector<16xi32>
      %and3A_99 = arith.andi %add3A_93, %and3A_98 : vector<16xi32>
      %add3A_100 = arith.addi %shift_right_arithmetic3A_96, %and3A_99 : vector<16xi32>
      %ge3A_101 = arith.constant 1048575 : i32
      %ge3A_102 = vector.broadcast %ge3A_101 : i32 to vector<16xi32>
      %ge3A_103 = arith.cmpi sge, %add3A_100, %ge3A_102 : vector<16xi32>
      %sub3A_104 = arith.constant 1048575 : i32
      %sub3A_105 = vector.broadcast %sub3A_104 : i32 to vector<16xi32>
      %sub3A_106 = arith.subi %add3A_100, %sub3A_105 : vector<16xi32>
      %select_n3A_107 = arith.select %ge3A_103, %sub3A_106, %add3A_100 : vector<16xi1>, vector<16xi32>
      %add3A_108 = arith.constant 1 : i32
      %add3A_109 = vector.broadcast %add3A_108 : i32 to vector<16xi32>
      %add3A_110 = arith.addi %mul3A_9, %add3A_109 : vector<16xi32>
      tpu.vector_store_idx %arg10[%add3A_53, %add3A_110], %select_n3A_107 : memref<256x128xi32, #tpu.memory_space<vmem>>[vector<16xi32>, vector<16xi32>], vector<16xi32>,
      %add3A_111 = arith.constant -1914745798 : i32
      %add3A_112 = vector.broadcast %add3A_111 : i32 to vector<16xi32>
      %add3A_113 = arith.addi %add3A_49, %add3A_112 : vector<16xi32>
      %ge3A_114 = arith.constant -109408905 : i32
      %ge3A_115 = vector.broadcast %ge3A_114 : i32 to vector<16xi32>
      %ge3A_116 = arith.cmpi sge, %add3A_113, %ge3A_115 : vector<16xi32>
      %jit3A_117 = arith.constant 109408905 : i32
      %jit3A_118 = arith.constant -2147483648 : i32
      %broadcast_in_dim3A_119 = vector.broadcast %jit3A_117 : i32 to vector<16xi32>
      %broadcast_in_dim3A_120 = vector.broadcast %jit3A_118 : i32 to vector<16xi32>
      %select_n3A_121 = arith.select %ge3A_116, %broadcast_in_dim3A_119, %broadcast_in_dim3A_120 : vector<16xi1>, vector<16xi32>
      %add3A_122 = arith.addi %add3A_113, %select_n3A_121 : vector<16xi32>
      %shift_right_arithmetic3A_123 = arith.constant 20 : i32
      %shift_right_arithmetic3A_124 = vector.broadcast %shift_right_arithmetic3A_123 : i32 to vector<16xi32>
      %shift_right_arithmetic3A_125 = arith.shrsi %add3A_122, %shift_right_arithmetic3A_124 : vector<16xi32>
      %and3A_126 = arith.constant 1048575 : i32
      %and3A_127 = vector.broadcast %and3A_126 : i32 to vector<16xi32>
      %and3A_128 = arith.andi %add3A_122, %and3A_127 : vector<16xi32>
      %add3A_129 = arith.addi %shift_right_arithmetic3A_125, %and3A_128 : vector<16xi32>
      %ge3A_130 = arith.constant 1048575 : i32
      %ge3A_131 = vector.broadcast %ge3A_130 : i32 to vector<16xi32>
      %ge3A_132 = arith.cmpi sge, %add3A_129, %ge3A_131 : vector<16xi32>
      %sub3A_133 = arith.constant 1048575 : i32
      %sub3A_134 = vector.broadcast %sub3A_133 : i32 to vector<16xi32>
      %sub3A_135 = arith.subi %add3A_129, %sub3A_134 : vector<16xi32>
      %select_n3A_136 = arith.select %ge3A_132, %sub3A_135, %add3A_129 : vector<16xi1>, vector<16xi32>
      %add3A_137 = arith.constant 2 : i32
      %add3A_138 = vector.broadcast %add3A_137 : i32 to vector<16xi32>
      %add3A_139 = arith.addi %mul3A_9, %add3A_138 : vector<16xi32>
      tpu.vector_store_idx %arg10[%add3A_53, %add3A_139], %select_n3A_136 : memref<256x128xi32, #tpu.memory_space<vmem>>[vector<16xi32>, vector<16xi32>], vector<16xi32>,
      %add3A_140 = arith.constant -2127568300 : i32
      %add3A_141 = vector.broadcast %add3A_140 : i32 to vector<16xi32>
      %add3A_142 = arith.addi %add3A_49, %add3A_141 : vector<16xi32>
      %ge3A_143 = arith.constant -109408905 : i32
      %ge3A_144 = vector.broadcast %ge3A_143 : i32 to vector<16xi32>
      %ge3A_145 = arith.cmpi sge, %add3A_142, %ge3A_144 : vector<16xi32>
      %jit3A_146 = arith.constant 109408905 : i32
      %jit3A_147 = arith.constant -2147483648 : i32
      %broadcast_in_dim3A_148 = vector.broadcast %jit3A_146 : i32 to vector<16xi32>
      %broadcast_in_dim3A_149 = vector.broadcast %jit3A_147 : i32 to vector<16xi32>
      %select_n3A_150 = arith.select %ge3A_145, %broadcast_in_dim3A_148, %broadcast_in_dim3A_149 : vector<16xi1>, vector<16xi32>
      %add3A_151 = arith.addi %add3A_142, %select_n3A_150 : vector<16xi32>
      %shift_right_arithmetic3A_152 = arith.constant 20 : i32
      %shift_right_arithmetic3A_153 = vector.broadcast %shift_right_arithmetic3A_152 : i32 to vector<16xi32>
      %shift_right_arithmetic3A_154 = arith.shrsi %add3A_151, %shift_right_arithmetic3A_153 : vector<16xi32>
      %and3A_155 = arith.constant 1048575 : i32
      %and3A_156 = vector.broadcast %and3A_155 : i32 to vector<16xi32>
      %and3A_157 = arith.andi %add3A_151, %and3A_156 : vector<16xi32>
      %add3A_158 = arith.addi %shift_right_arithmetic3A_154, %and3A_157 : vector<16xi32>
      %ge3A_159 = arith.constant 1048575 : i32
      %ge3A_160 = vector.broadcast %ge3A_159 : i32 to vector<16xi32>
      %ge3A_161 = arith.cmpi sge, %add3A_158, %ge3A_160 : vector<16xi32>
      %sub3A_162 = arith.constant 1048575 : i32
      %sub3A_163 = vector.broadcast %sub3A_162 : i32 to vector<16xi32>
      %sub3A_164 = arith.subi %add3A_158, %sub3A_163 : vector<16xi32>
      %select_n3A_165 = arith.select %ge3A_161, %sub3A_164, %add3A_158 : vector<16xi1>, vector<16xi32>
      %add3A_166 = arith.constant 3 : i32
      %add3A_167 = vector.broadcast %add3A_166 : i32 to vector<16xi32>
      %add3A_168 = arith.addi %mul3A_9, %add3A_167 : vector<16xi32>
      tpu.vector_store_idx %arg10[%add3A_53, %add3A_168], %select_n3A_165 : memref<256x128xi32, #tpu.memory_space<vmem>>[vector<16xi32>, vector<16xi32>], vector<16xi32>,
      %add3A_169 = arith.constant -302316059 : i32
      %add3A_170 = vector.broadcast %add3A_169 : i32 to vector<16xi32>
      %add3A_171 = arith.addi %add3A_49, %add3A_170 : vector<16xi32>
      %ge3A_172 = arith.constant -109408905 : i32
      %ge3A_173 = vector.broadcast %ge3A_172 : i32 to vector<16xi32>
      %ge3A_174 = arith.cmpi sge, %add3A_171, %ge3A_173 : vector<16xi32>
      %jit3A_175 = arith.constant 109408905 : i32
      %jit3A_176 = arith.constant -2147483648 : i32
      %broadcast_in_dim3A_177 = vector.broadcast %jit3A_175 : i32 to vector<16xi32>
      %broadcast_in_dim3A_178 = vector.broadcast %jit3A_176 : i32 to vector<16xi32>
      %select_n3A_179 = arith.select %ge3A_174, %broadcast_in_dim3A_177, %broadcast_in_dim3A_178 : vector<16xi1>, vector<16xi32>
      %add3A_180 = arith.addi %add3A_171, %select_n3A_179 : vector<16xi32>
      %shift_right_arithmetic3A_181 = arith.constant 20 : i32
      %shift_right_arithmetic3A_182 = vector.broadcast %shift_right_arithmetic3A_181 : i32 to vector<16xi32>
      %shift_right_arithmetic3A_183 = arith.shrsi %add3A_180, %shift_right_arithmetic3A_182 : vector<16xi32>
      %and3A_184 = arith.constant 1048575 : i32
      %and3A_185 = vector.broadcast %and3A_184 : i32 to vector<16xi32>
      %and3A_186 = arith.andi %add3A_180, %and3A_185 : vector<16xi32>
      %add3A_187 = arith.addi %shift_right_arithmetic3A_183, %and3A_186 : vector<16xi32>
      %ge3A_188 = arith.constant 1048575 : i32
      %ge3A_189 = vector.broadcast %ge3A_188 : i32 to vector<16xi32>
      %ge3A_190 = arith.cmpi sge, %add3A_187, %ge3A_189 : vector<16xi32>
      %sub3A_191 = arith.constant 1048575 : i32
      %sub3A_192 = vector.broadcast %sub3A_191 : i32 to vector<16xi32>
      %sub3A_193 = arith.subi %add3A_187, %sub3A_192 : vector<16xi32>
      %select_n3A_194 = arith.select %ge3A_190, %sub3A_193, %add3A_187 : vector<16xi1>, vector<16xi32>
      %add3A_195 = arith.constant 4 : i32
      %add3A_196 = vector.broadcast %add3A_195 : i32 to vector<16xi32>
      %add3A_197 = arith.addi %mul3A_9, %add3A_196 : vector<16xi32>
      tpu.vector_store_idx %arg10[%add3A_53, %add3A_197], %select_n3A_194 : memref<256x128xi32, #tpu.memory_space<vmem>>[vector<16xi32>, vector<16xi32>], vector<16xi32>,
      %add3A_198 = arith.constant -515138561 : i32
      %add3A_199 = vector.broadcast %add3A_198 : i32 to vector<16xi32>
      %add3A_200 = arith.addi %add3A_49, %add3A_199 : vector<16xi32>
      %ge3A_201 = arith.constant -109408905 : i32
      %ge3A_202 = vector.broadcast %ge3A_201 : i32 to vector<16xi32>
      %ge3A_203 = arith.cmpi sge, %add3A_200, %ge3A_202 : vector<16xi32>
      %jit3A_204 = arith.constant 109408905 : i32
      %jit3A_205 = arith.constant -2147483648 : i32
      %broadcast_in_dim3A_206 = vector.broadcast %jit3A_204 : i32 to vector<16xi32>
      %broadcast_in_dim3A_207 = vector.broadcast %jit3A_205 : i32 to vector<16xi32>
      %select_n3A_208 = arith.select %ge3A_203, %broadcast_in_dim3A_206, %broadcast_in_dim3A_207 : vector<16xi1>, vector<16xi32>
      %add3A_209 = arith.addi %add3A_200, %select_n3A_208 : vector<16xi32>
      %shift_right_arithmetic3A_210 = arith.constant 20 : i32
      %shift_right_arithmetic3A_211 = vector.broadcast %shift_right_arithmetic3A_210 : i32 to vector<16xi32>
      %shift_right_arithmetic3A_212 = arith.shrsi %add3A_209, %shift_right_arithmetic3A_211 : vector<16xi32>
      %and3A_213 = arith.constant 1048575 : i32
      %and3A_214 = vector.broadcast %and3A_213 : i32 to vector<16xi32>
      %and3A_215 = arith.andi %add3A_209, %and3A_214 : vector<16xi32>
      %add3A_216 = arith.addi %shift_right_arithmetic3A_212, %and3A_215 : vector<16xi32>
      %ge3A_217 = arith.constant 1048575 : i32
      %ge3A_218 = vector.broadcast %ge3A_217 : i32 to vector<16xi32>
      %ge3A_219 = arith.cmpi sge, %add3A_216, %ge3A_218 : vector<16xi32>
      %sub3A_220 = arith.constant 1048575 : i32
      %sub3A_221 = vector.broadcast %sub3A_220 : i32 to vector<16xi32>
      %sub3A_222 = arith.subi %add3A_216, %sub3A_221 : vector<16xi32>
      %select_n3A_223 = arith.select %ge3A_219, %sub3A_222, %add3A_216 : vector<16xi1>, vector<16xi32>
      %add3A_224 = arith.constant 5 : i32
      %add3A_225 = vector.broadcast %add3A_224 : i32 to vector<16xi32>
      %add3A_226 = arith.addi %mul3A_9, %add3A_225 : vector<16xi32>
      tpu.vector_store_idx %arg10[%add3A_53, %add3A_226], %select_n3A_223 : memref<256x128xi32, #tpu.memory_space<vmem>>[vector<16xi32>, vector<16xi32>], vector<16xi32>,
      %add3A_227 = arith.constant -727961063 : i32
      %add3A_228 = vector.broadcast %add3A_227 : i32 to vector<16xi32>
      %add3A_229 = arith.addi %add3A_49, %add3A_228 : vector<16xi32>
      %ge3A_230 = arith.constant -109408905 : i32
      %ge3A_231 = vector.broadcast %ge3A_230 : i32 to vector<16xi32>
      %ge3A_232 = arith.cmpi sge, %add3A_229, %ge3A_231 : vector<16xi32>
      %jit3A_233 = arith.constant 109408905 : i32
      %jit3A_234 = arith.constant -2147483648 : i32
      %broadcast_in_dim3A_235 = vector.broadcast %jit3A_233 : i32 to vector<16xi32>
      %broadcast_in_dim3A_236 = vector.broadcast %jit3A_234 : i32 to vector<16xi32>
      %select_n3A_237 = arith.select %ge3A_232, %broadcast_in_dim3A_235, %broadcast_in_dim3A_236 : vector<16xi1>, vector<16xi32>
      %add3A_238 = arith.addi %add3A_229, %select_n3A_237 : vector<16xi32>
      %shift_right_arithmetic3A_239 = arith.constant 20 : i32
      %shift_right_arithmetic3A_240 = vector.broadcast %shift_right_arithmetic3A_239 : i32 to vector<16xi32>
      %shift_right_arithmetic3A_241 = arith.shrsi %add3A_238, %shift_right_arithmetic3A_240 : vector<16xi32>
      %and3A_242 = arith.constant 1048575 : i32
      %and3A_243 = vector.broadcast %and3A_242 : i32 to vector<16xi32>
      %and3A_244 = arith.andi %add3A_238, %and3A_243 : vector<16xi32>
      %add3A_245 = arith.addi %shift_right_arithmetic3A_241, %and3A_244 : vector<16xi32>
      %ge3A_246 = arith.constant 1048575 : i32
      %ge3A_247 = vector.broadcast %ge3A_246 : i32 to vector<16xi32>
      %ge3A_248 = arith.cmpi sge, %add3A_245, %ge3A_247 : vector<16xi32>
      %sub3A_249 = arith.constant 1048575 : i32
      %sub3A_250 = vector.broadcast %sub3A_249 : i32 to vector<16xi32>
      %sub3A_251 = arith.subi %add3A_245, %sub3A_250 : vector<16xi32>
      %select_n3A_252 = arith.select %ge3A_248, %sub3A_251, %add3A_245 : vector<16xi1>, vector<16xi32>
      %add3A_253 = arith.constant 6 : i32
      %add3A_254 = vector.broadcast %add3A_253 : i32 to vector<16xi32>
      %add3A_255 = arith.addi %mul3A_9, %add3A_254 : vector<16xi32>
      tpu.vector_store_idx %arg10[%add3A_53, %add3A_255], %select_n3A_252 : memref<256x128xi32, #tpu.memory_space<vmem>>[vector<16xi32>, vector<16xi32>], vector<16xi32>,
      %add3A_256 = arith.constant -940783565 : i32
      %add3A_257 = vector.broadcast %add3A_256 : i32 to vector<16xi32>
      %add3A_258 = arith.addi %add3A_49, %add3A_257 : vector<16xi32>
      %ge3A_259 = arith.constant -109408905 : i32
      %ge3A_260 = vector.broadcast %ge3A_259 : i32 to vector<16xi32>
      %ge3A_261 = arith.cmpi sge, %add3A_258, %ge3A_260 : vector<16xi32>
      %jit3A_262 = arith.constant 109408905 : i32
      %jit3A_263 = arith.constant -2147483648 : i32
      %broadcast_in_dim3A_264 = vector.broadcast %jit3A_262 : i32 to vector<16xi32>
      %broadcast_in_dim3A_265 = vector.broadcast %jit3A_263 : i32 to vector<16xi32>
      %select_n3A_266 = arith.select %ge3A_261, %broadcast_in_dim3A_264, %broadcast_in_dim3A_265 : vector<16xi1>, vector<16xi32>
      %add3A_267 = arith.addi %add3A_258, %select_n3A_266 : vector<16xi32>
      %shift_right_arithmetic3A_268 = arith.constant 20 : i32
      %shift_right_arithmetic3A_269 = vector.broadcast %shift_right_arithmetic3A_268 : i32 to vector<16xi32>
      %shift_right_arithmetic3A_270 = arith.shrsi %add3A_267, %shift_right_arithmetic3A_269 : vector<16xi32>
      %and3A_271 = arith.constant 1048575 : i32
      %and3A_272 = vector.broadcast %and3A_271 : i32 to vector<16xi32>
      %and3A_273 = arith.andi %add3A_267, %and3A_272 : vector<16xi32>
      %add3A_274 = arith.addi %shift_right_arithmetic3A_270, %and3A_273 : vector<16xi32>
      %ge3A_275 = arith.constant 1048575 : i32
      %ge3A_276 = vector.broadcast %ge3A_275 : i32 to vector<16xi32>
      %ge3A_277 = arith.cmpi sge, %add3A_274, %ge3A_276 : vector<16xi32>
      %sub3A_278 = arith.constant 1048575 : i32
      %sub3A_279 = vector.broadcast %sub3A_278 : i32 to vector<16xi32>
      %sub3A_280 = arith.subi %add3A_274, %sub3A_279 : vector<16xi32>
      %select_n3A_281 = arith.select %ge3A_277, %sub3A_280, %add3A_274 : vector<16xi1>, vector<16xi32>
      %add3A_282 = arith.constant 7 : i32
      %add3A_283 = vector.broadcast %add3A_282 : i32 to vector<16xi32>
      %add3A_284 = arith.addi %mul3A_9, %add3A_283 : vector<16xi32>
      tpu.vector_store_idx %arg10[%add3A_53, %add3A_284], %select_n3A_281 : memref<256x128xi32, #tpu.memory_space<vmem>>[vector<16xi32>, vector<16xi32>], vector<16xi32>,
      %add3A_285 = arith.constant -1153606067 : i32
      %add3A_286 = vector.broadcast %add3A_285 : i32 to vector<16xi32>
      %add3A_287 = arith.addi %add3A_49, %add3A_286 : vector<16xi32>
      %ge3A_288 = arith.constant -109408905 : i32
      %ge3A_289 = vector.broadcast %ge3A_288 : i32 to vector<16xi32>
      %ge3A_290 = arith.cmpi sge, %add3A_287, %ge3A_289 : vector<16xi32>
      %jit3A_291 = arith.constant 109408905 : i32
      %jit3A_292 = arith.constant -2147483648 : i32
      %broadcast_in_dim3A_293 = vector.broadcast %jit3A_291 : i32 to vector<16xi32>
      %broadcast_in_dim3A_294 = vector.broadcast %jit3A_292 : i32 to vector<16xi32>
      %select_n3A_295 = arith.select %ge3A_290, %broadcast_in_dim3A_293, %broadcast_in_dim3A_294 : vector<16xi1>, vector<16xi32>
      %add3A_296 = arith.addi %add3A_287, %select_n3A_295 : vector<16xi32>
      %shift_right_arithmetic3A_297 = arith.constant 20 : i32
      %shift_right_arithmetic3A_298 = vector.broadcast %shift_right_arithmetic3A_297 : i32 to vector<16xi32>
      %shift_right_arithmetic3A_299 = arith.shrsi %add3A_296, %shift_right_arithmetic3A_298 : vector<16xi32>
      %and3A_300 = arith.constant 1048575 : i32
      %and3A_301 = vector.broadcast %and3A_300 : i32 to vector<16xi32>
      %and3A_302 = arith.andi %add3A_296, %and3A_301 : vector<16xi32>
      %add3A_303 = arith.addi %shift_right_arithmetic3A_299, %and3A_302 : vector<16xi32>
      %ge3A_304 = arith.constant 1048575 : i32
      %ge3A_305 = vector.broadcast %ge3A_304 : i32 to vector<16xi32>
      %ge3A_306 = arith.cmpi sge, %add3A_303, %ge3A_305 : vector<16xi32>
      %sub3A_307 = arith.constant 1048575 : i32
      %sub3A_308 = vector.broadcast %sub3A_307 : i32 to vector<16xi32>
      %sub3A_309 = arith.subi %add3A_303, %sub3A_308 : vector<16xi32>
      %select_n3A_310 = arith.select %ge3A_306, %sub3A_309, %add3A_303 : vector<16xi1>, vector<16xi32>
      %add3A_311 = arith.constant 8 : i32
      %add3A_312 = vector.broadcast %add3A_311 : i32 to vector<16xi32>
      %add3A_313 = arith.addi %mul3A_9, %add3A_312 : vector<16xi32>
      tpu.vector_store_idx %arg10[%add3A_53, %add3A_313], %select_n3A_310 : memref<256x128xi32, #tpu.memory_space<vmem>>[vector<16xi32>, vector<16xi32>], vector<16xi32>,
      %add3A_314 = arith.constant -1366428569 : i32
      %add3A_315 = vector.broadcast %add3A_314 : i32 to vector<16xi32>
      %add3A_316 = arith.addi %add3A_49, %add3A_315 : vector<16xi32>
      %ge3A_317 = arith.constant -109408905 : i32
      %ge3A_318 = vector.broadcast %ge3A_317 : i32 to vector<16xi32>
      %ge3A_319 = arith.cmpi sge, %add3A_316, %ge3A_318 : vector<16xi32>
      %jit3A_320 = arith.constant 109408905 : i32
      %jit3A_321 = arith.constant -2147483648 : i32
      %broadcast_in_dim3A_322 = vector.broadcast %jit3A_320 : i32 to vector<16xi32>
      %broadcast_in_dim3A_323 = vector.broadcast %jit3A_321 : i32 to vector<16xi32>
      %select_n3A_324 = arith.select %ge3A_319, %broadcast_in_dim3A_322, %broadcast_in_dim3A_323 : vector<16xi1>, vector<16xi32>
      %add3A_325 = arith.addi %add3A_316, %select_n3A_324 : vector<16xi32>
      %shift_right_arithmetic3A_326 = arith.constant 20 : i32
      %shift_right_arithmetic3A_327 = vector.broadcast %shift_right_arithmetic3A_326 : i32 to vector<16xi32>
      %shift_right_arithmetic3A_328 = arith.shrsi %add3A_325, %shift_right_arithmetic3A_327 : vector<16xi32>
      %and3A_329 = arith.constant 1048575 : i32
      %and3A_330 = vector.broadcast %and3A_329 : i32 to vector<16xi32>
      %and3A_331 = arith.andi %add3A_325, %and3A_330 : vector<16xi32>
      %add3A_332 = arith.addi %shift_right_arithmetic3A_328, %and3A_331 : vector<16xi32>
      %ge3A_333 = arith.constant 1048575 : i32
      %ge3A_334 = vector.broadcast %ge3A_333 : i32 to vector<16xi32>
      %ge3A_335 = arith.cmpi sge, %add3A_332, %ge3A_334 : vector<16xi32>
      %sub3A_336 = arith.constant 1048575 : i32
      %sub3A_337 = vector.broadcast %sub3A_336 : i32 to vector<16xi32>
      %sub3A_338 = arith.subi %add3A_332, %sub3A_337 : vector<16xi32>
      %select_n3A_339 = arith.select %ge3A_335, %sub3A_338, %add3A_332 : vector<16xi1>, vector<16xi32>
      %add3A_340 = arith.constant 9 : i32
      %add3A_341 = vector.broadcast %add3A_340 : i32 to vector<16xi32>
      %add3A_342 = arith.addi %mul3A_9, %add3A_341 : vector<16xi32>
      tpu.vector_store_idx %arg10[%add3A_53, %add3A_342], %select_n3A_339 : memref<256x128xi32, #tpu.memory_space<vmem>>[vector<16xi32>, vector<16xi32>], vector<16xi32>,
      %add3A_343 = arith.constant -1579251071 : i32
      %add3A_344 = vector.broadcast %add3A_343 : i32 to vector<16xi32>
      %add3A_345 = arith.addi %add3A_49, %add3A_344 : vector<16xi32>
      %ge3A_346 = arith.constant -109408905 : i32
      %ge3A_347 = vector.broadcast %ge3A_346 : i32 to vector<16xi32>
      %ge3A_348 = arith.cmpi sge, %add3A_345, %ge3A_347 : vector<16xi32>
      %jit3A_349 = arith.constant 109408905 : i32
      %jit3A_350 = arith.constant -2147483648 : i32
      %broadcast_in_dim3A_351 = vector.broadcast %jit3A_349 : i32 to vector<16xi32>
      %broadcast_in_dim3A_352 = vector.broadcast %jit3A_350 : i32 to vector<16xi32>
      %select_n3A_353 = arith.select %ge3A_348, %broadcast_in_dim3A_351, %broadcast_in_dim3A_352 : vector<16xi1>, vector<16xi32>
      %add3A_354 = arith.addi %add3A_345, %select_n3A_353 : vector<16xi32>
      %shift_right_arithmetic3A_355 = arith.constant 20 : i32
      %shift_right_arithmetic3A_356 = vector.broadcast %shift_right_arithmetic3A_355 : i32 to vector<16xi32>
      %shift_right_arithmetic3A_357 = arith.shrsi %add3A_354, %shift_right_arithmetic3A_356 : vector<16xi32>
      %and3A_358 = arith.constant 1048575 : i32
      %and3A_359 = vector.broadcast %and3A_358 : i32 to vector<16xi32>
      %and3A_360 = arith.andi %add3A_354, %and3A_359 : vector<16xi32>
      %add3A_361 = arith.addi %shift_right_arithmetic3A_357, %and3A_360 : vector<16xi32>
      %ge3A_362 = arith.constant 1048575 : i32
      %ge3A_363 = vector.broadcast %ge3A_362 : i32 to vector<16xi32>
      %ge3A_364 = arith.cmpi sge, %add3A_361, %ge3A_363 : vector<16xi32>
      %sub3A_365 = arith.constant 1048575 : i32
      %sub3A_366 = vector.broadcast %sub3A_365 : i32 to vector<16xi32>
      %sub3A_367 = arith.subi %add3A_361, %sub3A_366 : vector<16xi32>
      %select_n3A_368 = arith.select %ge3A_364, %sub3A_367, %add3A_361 : vector<16xi1>, vector<16xi32>
      %add3A_369 = arith.constant 10 : i32
      %add3A_370 = vector.broadcast %add3A_369 : i32 to vector<16xi32>
      %add3A_371 = arith.addi %mul3A_9, %add3A_370 : vector<16xi32>
      tpu.vector_store_idx %arg10[%add3A_53, %add3A_371], %select_n3A_368 : memref<256x128xi32, #tpu.memory_space<vmem>>[vector<16xi32>, vector<16xi32>], vector<16xi32>,
      %add3A_372 = arith.constant -1792073573 : i32
      %add3A_373 = vector.broadcast %add3A_372 : i32 to vector<16xi32>
      %add3A_374 = arith.addi %add3A_49, %add3A_373 : vector<16xi32>
      %ge3A_375 = arith.constant -109408905 : i32
      %ge3A_376 = vector.broadcast %ge3A_375 : i32 to vector<16xi32>
      %ge3A_377 = arith.cmpi sge, %add3A_374, %ge3A_376 : vector<16xi32>
      %jit3A_378 = arith.constant 109408905 : i32
      %jit3A_379 = arith.constant -2147483648 : i32
      %broadcast_in_dim3A_380 = vector.broadcast %jit3A_378 : i32 to vector<16xi32>
      %broadcast_in_dim3A_381 = vector.broadcast %jit3A_379 : i32 to vector<16xi32>
      %select_n3A_382 = arith.select %ge3A_377, %broadcast_in_dim3A_380, %broadcast_in_dim3A_381 : vector<16xi1>, vector<16xi32>
      %add3A_383 = arith.addi %add3A_374, %select_n3A_382 : vector<16xi32>
      %shift_right_arithmetic3A_384 = arith.constant 20 : i32
      %shift_right_arithmetic3A_385 = vector.broadcast %shift_right_arithmetic3A_384 : i32 to vector<16xi32>
      %shift_right_arithmetic3A_386 = arith.shrsi %add3A_383, %shift_right_arithmetic3A_385 : vector<16xi32>
      %and3A_387 = arith.constant 1048575 : i32
      %and3A_388 = vector.broadcast %and3A_387 : i32 to vector<16xi32>
      %and3A_389 = arith.andi %add3A_383, %and3A_388 : vector<16xi32>
      %add3A_390 = arith.addi %shift_right_arithmetic3A_386, %and3A_389 : vector<16xi32>
      %ge3A_391 = arith.constant 1048575 : i32
      %ge3A_392 = vector.broadcast %ge3A_391 : i32 to vector<16xi32>
      %ge3A_393 = arith.cmpi sge, %add3A_390, %ge3A_392 : vector<16xi32>
      %sub3A_394 = arith.constant 1048575 : i32
      %sub3A_395 = vector.broadcast %sub3A_394 : i32 to vector<16xi32>
      %sub3A_396 = arith.subi %add3A_390, %sub3A_395 : vector<16xi32>
      %select_n3A_397 = arith.select %ge3A_393, %sub3A_396, %add3A_390 : vector<16xi1>, vector<16xi32>
      %add3A_398 = arith.constant 11 : i32
      %add3A_399 = vector.broadcast %add3A_398 : i32 to vector<16xi32>
      %add3A_400 = arith.addi %mul3A_9, %add3A_399 : vector<16xi32>
      tpu.vector_store_idx %arg10[%add3A_53, %add3A_400], %select_n3A_397 : memref<256x128xi32, #tpu.memory_space<vmem>>[vector<16xi32>, vector<16xi32>], vector<16xi32>,
      %add3A_401 = arith.constant -2004896075 : i32
      %add3A_402 = vector.broadcast %add3A_401 : i32 to vector<16xi32>
      %add3A_403 = arith.addi %add3A_49, %add3A_402 : vector<16xi32>
      %ge3A_404 = arith.constant -109408905 : i32
      %ge3A_405 = vector.broadcast %ge3A_404 : i32 to vector<16xi32>
      %ge3A_406 = arith.cmpi sge, %add3A_403, %ge3A_405 : vector<16xi32>
      %jit3A_407 = arith.constant 109408905 : i32
      %jit3A_408 = arith.constant -2147483648 : i32
      %broadcast_in_dim3A_409 = vector.broadcast %jit3A_407 : i32 to vector<16xi32>
      %broadcast_in_dim3A_410 = vector.broadcast %jit3A_408 : i32 to vector<16xi32>
      %select_n3A_411 = arith.select %ge3A_406, %broadcast_in_dim3A_409, %broadcast_in_dim3A_410 : vector<16xi1>, vector<16xi32>
      %add3A_412 = arith.addi %add3A_403, %select_n3A_411 : vector<16xi32>
      %shift_right_arithmetic3A_413 = arith.constant 20 : i32
      %shift_right_arithmetic3A_414 = vector.broadcast %shift_right_arithmetic3A_413 : i32 to vector<16xi32>
      %shift_right_arithmetic3A_415 = arith.shrsi %add3A_412, %shift_right_arithmetic3A_414 : vector<16xi32>
      %and3A_416 = arith.constant 1048575 : i32
      %and3A_417 = vector.broadcast %and3A_416 : i32 to vector<16xi32>
      %and3A_418 = arith.andi %add3A_412, %and3A_417 : vector<16xi32>
      %add3A_419 = arith.addi %shift_right_arithmetic3A_415, %and3A_418 : vector<16xi32>
      %ge3A_420 = arith.constant 1048575 : i32
      %ge3A_421 = vector.broadcast %ge3A_420 : i32 to vector<16xi32>
      %ge3A_422 = arith.cmpi sge, %add3A_419, %ge3A_421 : vector<16xi32>
      %sub3A_423 = arith.constant 1048575 : i32
      %sub3A_424 = vector.broadcast %sub3A_423 : i32 to vector<16xi32>
      %sub3A_425 = arith.subi %add3A_419, %sub3A_424 : vector<16xi32>
      %select_n3A_426 = arith.select %ge3A_422, %sub3A_425, %add3A_419 : vector<16xi1>, vector<16xi32>
      %add3A_427 = arith.constant 12 : i32
      %add3A_428 = vector.broadcast %add3A_427 : i32 to vector<16xi32>
      %add3A_429 = arith.addi %mul3A_9, %add3A_428 : vector<16xi32>
      tpu.vector_store_idx %arg10[%add3A_53, %add3A_429], %select_n3A_426 : memref<256x128xi32, #tpu.memory_space<vmem>>[vector<16xi32>, vector<16xi32>], vector<16xi32>,
      %add3A_430 = arith.constant -179643834 : i32
      %add3A_431 = vector.broadcast %add3A_430 : i32 to vector<16xi32>
      %add3A_432 = arith.addi %add3A_49, %add3A_431 : vector<16xi32>
      %ge3A_433 = arith.constant -109408905 : i32
      %ge3A_434 = vector.broadcast %ge3A_433 : i32 to vector<16xi32>
      %ge3A_435 = arith.cmpi sge, %add3A_432, %ge3A_434 : vector<16xi32>
      %jit3A_436 = arith.constant 109408905 : i32
      %jit3A_437 = arith.constant -2147483648 : i32
      %broadcast_in_dim3A_438 = vector.broadcast %jit3A_436 : i32 to vector<16xi32>
      %broadcast_in_dim3A_439 = vector.broadcast %jit3A_437 : i32 to vector<16xi32>
      %select_n3A_440 = arith.select %ge3A_435, %broadcast_in_dim3A_438, %broadcast_in_dim3A_439 : vector<16xi1>, vector<16xi32>
      %add3A_441 = arith.addi %add3A_432, %select_n3A_440 : vector<16xi32>
      %shift_right_arithmetic3A_442 = arith.constant 20 : i32
      %shift_right_arithmetic3A_443 = vector.broadcast %shift_right_arithmetic3A_442 : i32 to vector<16xi32>
      %shift_right_arithmetic3A_444 = arith.shrsi %add3A_441, %shift_right_arithmetic3A_443 : vector<16xi32>
      %and3A_445 = arith.constant 1048575 : i32
      %and3A_446 = vector.broadcast %and3A_445 : i32 to vector<16xi32>
      %and3A_447 = arith.andi %add3A_441, %and3A_446 : vector<16xi32>
      %add3A_448 = arith.addi %shift_right_arithmetic3A_444, %and3A_447 : vector<16xi32>
      %ge3A_449 = arith.constant 1048575 : i32
      %ge3A_450 = vector.broadcast %ge3A_449 : i32 to vector<16xi32>
      %ge3A_451 = arith.cmpi sge, %add3A_448, %ge3A_450 : vector<16xi32>
      %sub3A_452 = arith.constant 1048575 : i32
      %sub3A_453 = vector.broadcast %sub3A_452 : i32 to vector<16xi32>
      %sub3A_454 = arith.subi %add3A_448, %sub3A_453 : vector<16xi32>
      %select_n3A_455 = arith.select %ge3A_451, %sub3A_454, %add3A_448 : vector<16xi1>, vector<16xi32>
      %add3A_456 = arith.constant 13 : i32
      %add3A_457 = vector.broadcast %add3A_456 : i32 to vector<16xi32>
      %add3A_458 = arith.addi %mul3A_9, %add3A_457 : vector<16xi32>
      tpu.vector_store_idx %arg10[%add3A_53, %add3A_458], %select_n3A_455 : memref<256x128xi32, #tpu.memory_space<vmem>>[vector<16xi32>, vector<16xi32>], vector<16xi32>,
      %add3A_459 = arith.constant -392466336 : i32
      %add3A_460 = vector.broadcast %add3A_459 : i32 to vector<16xi32>
      %add3A_461 = arith.addi %add3A_49, %add3A_460 : vector<16xi32>
      %ge3A_462 = arith.constant -109408905 : i32
      %ge3A_463 = vector.broadcast %ge3A_462 : i32 to vector<16xi32>
      %ge3A_464 = arith.cmpi sge, %add3A_461, %ge3A_463 : vector<16xi32>
      %jit3A_465 = arith.constant 109408905 : i32
      %jit3A_466 = arith.constant -2147483648 : i32
      %broadcast_in_dim3A_467 = vector.broadcast %jit3A_465 : i32 to vector<16xi32>
      %broadcast_in_dim3A_468 = vector.broadcast %jit3A_466 : i32 to vector<16xi32>
      %select_n3A_469 = arith.select %ge3A_464, %broadcast_in_dim3A_467, %broadcast_in_dim3A_468 : vector<16xi1>, vector<16xi32>
      %add3A_470 = arith.addi %add3A_461, %select_n3A_469 : vector<16xi32>
      %shift_right_arithmetic3A_471 = arith.constant 20 : i32
      %shift_right_arithmetic3A_472 = vector.broadcast %shift_right_arithmetic3A_471 : i32 to vector<16xi32>
      %shift_right_arithmetic3A_473 = arith.shrsi %add3A_470, %shift_right_arithmetic3A_472 : vector<16xi32>
      %and3A_474 = arith.constant 1048575 : i32
      %and3A_475 = vector.broadcast %and3A_474 : i32 to vector<16xi32>
      %and3A_476 = arith.andi %add3A_470, %and3A_475 : vector<16xi32>
      %add3A_477 = arith.addi %shift_right_arithmetic3A_473, %and3A_476 : vector<16xi32>
      %ge3A_478 = arith.constant 1048575 : i32
      %ge3A_479 = vector.broadcast %ge3A_478 : i32 to vector<16xi32>
      %ge3A_480 = arith.cmpi sge, %add3A_477, %ge3A_479 : vector<16xi32>
      %sub3A_481 = arith.constant 1048575 : i32
      %sub3A_482 = vector.broadcast %sub3A_481 : i32 to vector<16xi32>
      %sub3A_483 = arith.subi %add3A_477, %sub3A_482 : vector<16xi32>
      %select_n3A_484 = arith.select %ge3A_480, %sub3A_483, %add3A_477 : vector<16xi1>, vector<16xi32>
      %add3A_485 = arith.constant 14 : i32
      %add3A_486 = vector.broadcast %add3A_485 : i32 to vector<16xi32>
      %add3A_487 = arith.addi %mul3A_9, %add3A_486 : vector<16xi32>
      tpu.vector_store_idx %arg10[%add3A_53, %add3A_487], %select_n3A_484 : memref<256x128xi32, #tpu.memory_space<vmem>>[vector<16xi32>, vector<16xi32>], vector<16xi32>,
      %add3A_488 = arith.constant -605288838 : i32
      %add3A_489 = vector.broadcast %add3A_488 : i32 to vector<16xi32>
      %add3A_490 = arith.addi %add3A_49, %add3A_489 : vector<16xi32>
      %ge3A_491 = arith.constant -109408905 : i32
      %ge3A_492 = vector.broadcast %ge3A_491 : i32 to vector<16xi32>
      %ge3A_493 = arith.cmpi sge, %add3A_490, %ge3A_492 : vector<16xi32>
      %jit3A_494 = arith.constant 109408905 : i32
      %jit3A_495 = arith.constant -2147483648 : i32
      %broadcast_in_dim3A_496 = vector.broadcast %jit3A_494 : i32 to vector<16xi32>
      %broadcast_in_dim3A_497 = vector.broadcast %jit3A_495 : i32 to vector<16xi32>
      %select_n3A_498 = arith.select %ge3A_493, %broadcast_in_dim3A_496, %broadcast_in_dim3A_497 : vector<16xi1>, vector<16xi32>
      %add3A_499 = arith.addi %add3A_490, %select_n3A_498 : vector<16xi32>
      %shift_right_arithmetic3A_500 = arith.constant 20 : i32
      %shift_right_arithmetic3A_501 = vector.broadcast %shift_right_arithmetic3A_500 : i32 to vector<16xi32>
      %shift_right_arithmetic3A_502 = arith.shrsi %add3A_499, %shift_right_arithmetic3A_501 : vector<16xi32>
      %and3A_503 = arith.constant 1048575 : i32
      %and3A_504 = vector.broadcast %and3A_503 : i32 to vector<16xi32>
      %and3A_505 = arith.andi %add3A_499, %and3A_504 : vector<16xi32>
      %add3A_506 = arith.addi %shift_right_arithmetic3A_502, %and3A_505 : vector<16xi32>
      %ge3A_507 = arith.constant 1048575 : i32
      %ge3A_508 = vector.broadcast %ge3A_507 : i32 to vector<16xi32>
      %ge3A_509 = arith.cmpi sge, %add3A_506, %ge3A_508 : vector<16xi32>
      %sub3A_510 = arith.constant 1048575 : i32
      %sub3A_511 = vector.broadcast %sub3A_510 : i32 to vector<16xi32>
      %sub3A_512 = arith.subi %add3A_506, %sub3A_511 : vector<16xi32>
      %select_n3A_513 = arith.select %ge3A_509, %sub3A_512, %add3A_506 : vector<16xi1>, vector<16xi32>
      %add3A_514 = arith.constant 15 : i32
      %add3A_515 = vector.broadcast %add3A_514 : i32 to vector<16xi32>
      %add3A_516 = arith.addi %mul3A_9, %add3A_515 : vector<16xi32>
      tpu.vector_store_idx %arg10[%add3A_53, %add3A_516], %select_n3A_513 : memref<256x128xi32, #tpu.memory_space<vmem>>[vector<16xi32>, vector<16xi32>], vector<16xi32>,
      %add3A_517 = arith.constant -818111340 : i32
      %add3A_518 = vector.broadcast %add3A_517 : i32 to vector<16xi32>
      %add3A_519 = arith.addi %add3A_49, %add3A_518 : vector<16xi32>
      %ge3A_520 = arith.constant -109408905 : i32
      %ge3A_521 = vector.broadcast %ge3A_520 : i32 to vector<16xi32>
      %ge3A_522 = arith.cmpi sge, %add3A_519, %ge3A_521 : vector<16xi32>
      %jit3A_523 = arith.constant 109408905 : i32
      %jit3A_524 = arith.constant -2147483648 : i32
      %broadcast_in_dim3A_525 = vector.broadcast %jit3A_523 : i32 to vector<16xi32>
      %broadcast_in_dim3A_526 = vector.broadcast %jit3A_524 : i32 to vector<16xi32>
      %select_n3A_527 = arith.select %ge3A_522, %broadcast_in_dim3A_525, %broadcast_in_dim3A_526 : vector<16xi1>, vector<16xi32>
      %add3A_528 = arith.addi %add3A_519, %select_n3A_527 : vector<16xi32>
      %shift_right_arithmetic3A_529 = arith.constant 20 : i32
      %shift_right_arithmetic3A_530 = vector.broadcast %shift_right_arithmetic3A_529 : i32 to vector<16xi32>
      %shift_right_arithmetic3A_531 = arith.shrsi %add3A_528, %shift_right_arithmetic3A_530 : vector<16xi32>
      %and3A_532 = arith.constant 1048575 : i32
      %and3A_533 = vector.broadcast %and3A_532 : i32 to vector<16xi32>
      %and3A_534 = arith.andi %add3A_528, %and3A_533 : vector<16xi32>
      %add3A_535 = arith.addi %shift_right_arithmetic3A_531, %and3A_534 : vector<16xi32>
      %ge3A_536 = arith.constant 1048575 : i32
      %ge3A_537 = vector.broadcast %ge3A_536 : i32 to vector<16xi32>
      %ge3A_538 = arith.cmpi sge, %add3A_535, %ge3A_537 : vector<16xi32>
      %sub3A_539 = arith.constant 1048575 : i32
      %sub3A_540 = vector.broadcast %sub3A_539 : i32 to vector<16xi32>
      %sub3A_541 = arith.subi %add3A_535, %sub3A_540 : vector<16xi32>
      %select_n3A_542 = arith.select %ge3A_538, %sub3A_541, %add3A_535 : vector<16xi1>, vector<16xi32>
      %add3A_543 = arith.constant 16 : i32
      %add3A_544 = vector.broadcast %add3A_543 : i32 to vector<16xi32>
      %add3A_545 = arith.addi %mul3A_9, %add3A_544 : vector<16xi32>
      tpu.vector_store_idx %arg10[%add3A_53, %add3A_545], %select_n3A_542 : memref<256x128xi32, #tpu.memory_space<vmem>>[vector<16xi32>, vector<16xi32>], vector<16xi32>,
      %add3A_546 = arith.constant -1030933842 : i32
      %add3A_547 = vector.broadcast %add3A_546 : i32 to vector<16xi32>
      %add3A_548 = arith.addi %add3A_49, %add3A_547 : vector<16xi32>
      %ge3A_549 = arith.constant -109408905 : i32
      %ge3A_550 = vector.broadcast %ge3A_549 : i32 to vector<16xi32>
      %ge3A_551 = arith.cmpi sge, %add3A_548, %ge3A_550 : vector<16xi32>
      %jit3A_552 = arith.constant 109408905 : i32
      %jit3A_553 = arith.constant -2147483648 : i32
      %broadcast_in_dim3A_554 = vector.broadcast %jit3A_552 : i32 to vector<16xi32>
      %broadcast_in_dim3A_555 = vector.broadcast %jit3A_553 : i32 to vector<16xi32>
      %select_n3A_556 = arith.select %ge3A_551, %broadcast_in_dim3A_554, %broadcast_in_dim3A_555 : vector<16xi1>, vector<16xi32>
      %add3A_557 = arith.addi %add3A_548, %select_n3A_556 : vector<16xi32>
      %shift_right_arithmetic3A_558 = arith.constant 20 : i32
      %shift_right_arithmetic3A_559 = vector.broadcast %shift_right_arithmetic3A_558 : i32 to vector<16xi32>
      %shift_right_arithmetic3A_560 = arith.shrsi %add3A_557, %shift_right_arithmetic3A_559 : vector<16xi32>
      %and3A_561 = arith.constant 1048575 : i32
      %and3A_562 = vector.broadcast %and3A_561 : i32 to vector<16xi32>
      %and3A_563 = arith.andi %add3A_557, %and3A_562 : vector<16xi32>
      %add3A_564 = arith.addi %shift_right_arithmetic3A_560, %and3A_563 : vector<16xi32>
      %ge3A_565 = arith.constant 1048575 : i32
      %ge3A_566 = vector.broadcast %ge3A_565 : i32 to vector<16xi32>
      %ge3A_567 = arith.cmpi sge, %add3A_564, %ge3A_566 : vector<16xi32>
      %sub3A_568 = arith.constant 1048575 : i32
      %sub3A_569 = vector.broadcast %sub3A_568 : i32 to vector<16xi32>
      %sub3A_570 = arith.subi %add3A_564, %sub3A_569 : vector<16xi32>
      %select_n3A_571 = arith.select %ge3A_567, %sub3A_570, %add3A_564 : vector<16xi1>, vector<16xi32>
      %add3A_572 = arith.constant 17 : i32
      %add3A_573 = vector.broadcast %add3A_572 : i32 to vector<16xi32>
      %add3A_574 = arith.addi %mul3A_9, %add3A_573 : vector<16xi32>
      tpu.vector_store_idx %arg10[%add3A_53, %add3A_574], %select_n3A_571 : memref<256x128xi32, #tpu.memory_space<vmem>>[vector<16xi32>, vector<16xi32>], vector<16xi32>,
      %add3A_575 = arith.constant -1243756344 : i32
      %add3A_576 = vector.broadcast %add3A_575 : i32 to vector<16xi32>
      %add3A_577 = arith.addi %add3A_49, %add3A_576 : vector<16xi32>
      %ge3A_578 = arith.constant -109408905 : i32
      %ge3A_579 = vector.broadcast %ge3A_578 : i32 to vector<16xi32>
      %ge3A_580 = arith.cmpi sge, %add3A_577, %ge3A_579 : vector<16xi32>
      %jit3A_581 = arith.constant 109408905 : i32
      %jit3A_582 = arith.constant -2147483648 : i32
      %broadcast_in_dim3A_583 = vector.broadcast %jit3A_581 : i32 to vector<16xi32>
      %broadcast_in_dim3A_584 = vector.broadcast %jit3A_582 : i32 to vector<16xi32>
      %select_n3A_585 = arith.select %ge3A_580, %broadcast_in_dim3A_583, %broadcast_in_dim3A_584 : vector<16xi1>, vector<16xi32>
      %add3A_586 = arith.addi %add3A_577, %select_n3A_585 : vector<16xi32>
      %shift_right_arithmetic3A_587 = arith.constant 20 : i32
      %shift_right_arithmetic3A_588 = vector.broadcast %shift_right_arithmetic3A_587 : i32 to vector<16xi32>
      %shift_right_arithmetic3A_589 = arith.shrsi %add3A_586, %shift_right_arithmetic3A_588 : vector<16xi32>
      %and3A_590 = arith.constant 1048575 : i32
      %and3A_591 = vector.broadcast %and3A_590 : i32 to vector<16xi32>
      %and3A_592 = arith.andi %add3A_586, %and3A_591 : vector<16xi32>
      %add3A_593 = arith.addi %shift_right_arithmetic3A_589, %and3A_592 : vector<16xi32>
      %ge3A_594 = arith.constant 1048575 : i32
      %ge3A_595 = vector.broadcast %ge3A_594 : i32 to vector<16xi32>
      %ge3A_596 = arith.cmpi sge, %add3A_593, %ge3A_595 : vector<16xi32>
      %sub3A_597 = arith.constant 1048575 : i32
      %sub3A_598 = vector.broadcast %sub3A_597 : i32 to vector<16xi32>
      %sub3A_599 = arith.subi %add3A_593, %sub3A_598 : vector<16xi32>
      %select_n3A_600 = arith.select %ge3A_596, %sub3A_599, %add3A_593 : vector<16xi1>, vector<16xi32>
      %add3A_601 = arith.constant 18 : i32
      %add3A_602 = vector.broadcast %add3A_601 : i32 to vector<16xi32>
      %add3A_603 = arith.addi %mul3A_9, %add3A_602 : vector<16xi32>
      tpu.vector_store_idx %arg10[%add3A_53, %add3A_603], %select_n3A_600 : memref<256x128xi32, #tpu.memory_space<vmem>>[vector<16xi32>, vector<16xi32>], vector<16xi32>,
      %add3A_604 = arith.constant -1456578846 : i32
      %add3A_605 = vector.broadcast %add3A_604 : i32 to vector<16xi32>
      %add3A_606 = arith.addi %add3A_49, %add3A_605 : vector<16xi32>
      %ge3A_607 = arith.constant -109408905 : i32
      %ge3A_608 = vector.broadcast %ge3A_607 : i32 to vector<16xi32>
      %ge3A_609 = arith.cmpi sge, %add3A_606, %ge3A_608 : vector<16xi32>
      %jit3A_610 = arith.constant 109408905 : i32
      %jit3A_611 = arith.constant -2147483648 : i32
      %broadcast_in_dim3A_612 = vector.broadcast %jit3A_610 : i32 to vector<16xi32>
      %broadcast_in_dim3A_613 = vector.broadcast %jit3A_611 : i32 to vector<16xi32>
      %select_n3A_614 = arith.select %ge3A_609, %broadcast_in_dim3A_612, %broadcast_in_dim3A_613 : vector<16xi1>, vector<16xi32>
      %add3A_615 = arith.addi %add3A_606, %select_n3A_614 : vector<16xi32>
      %shift_right_arithmetic3A_616 = arith.constant 20 : i32
      %shift_right_arithmetic3A_617 = vector.broadcast %shift_right_arithmetic3A_616 : i32 to vector<16xi32>
      %shift_right_arithmetic3A_618 = arith.shrsi %add3A_615, %shift_right_arithmetic3A_617 : vector<16xi32>
      %and3A_619 = arith.constant 1048575 : i32
      %and3A_620 = vector.broadcast %and3A_619 : i32 to vector<16xi32>
      %and3A_621 = arith.andi %add3A_615, %and3A_620 : vector<16xi32>
      %add3A_622 = arith.addi %shift_right_arithmetic3A_618, %and3A_621 : vector<16xi32>
      %ge3A_623 = arith.constant 1048575 : i32
      %ge3A_624 = vector.broadcast %ge3A_623 : i32 to vector<16xi32>
      %ge3A_625 = arith.cmpi sge, %add3A_622, %ge3A_624 : vector<16xi32>
      %sub3A_626 = arith.constant 1048575 : i32
      %sub3A_627 = vector.broadcast %sub3A_626 : i32 to vector<16xi32>
      %sub3A_628 = arith.subi %add3A_622, %sub3A_627 : vector<16xi32>
      %select_n3A_629 = arith.select %ge3A_625, %sub3A_628, %add3A_622 : vector<16xi1>, vector<16xi32>
      %add3A_630 = arith.constant 19 : i32
      %add3A_631 = vector.broadcast %add3A_630 : i32 to vector<16xi32>
      %add3A_632 = arith.addi %mul3A_9, %add3A_631 : vector<16xi32>
      tpu.vector_store_idx %arg10[%add3A_53, %add3A_632], %select_n3A_629 : memref<256x128xi32, #tpu.memory_space<vmem>>[vector<16xi32>, vector<16xi32>], vector<16xi32>,
      %add3A_633 = arith.constant -1669401348 : i32
      %add3A_634 = vector.broadcast %add3A_633 : i32 to vector<16xi32>
      %add3A_635 = arith.addi %add3A_49, %add3A_634 : vector<16xi32>
      %ge3A_636 = arith.constant -109408905 : i32
      %ge3A_637 = vector.broadcast %ge3A_636 : i32 to vector<16xi32>
      %ge3A_638 = arith.cmpi sge, %add3A_635, %ge3A_637 : vector<16xi32>
      %jit3A_639 = arith.constant 109408905 : i32
      %jit3A_640 = arith.constant -2147483648 : i32
      %broadcast_in_dim3A_641 = vector.broadcast %jit3A_639 : i32 to vector<16xi32>
      %broadcast_in_dim3A_642 = vector.broadcast %jit3A_640 : i32 to vector<16xi32>
      %select_n3A_643 = arith.select %ge3A_638, %broadcast_in_dim3A_641, %broadcast_in_dim3A_642 : vector<16xi1>, vector<16xi32>
      %add3A_644 = arith.addi %add3A_635, %select_n3A_643 : vector<16xi32>
      %shift_right_arithmetic3A_645 = arith.constant 20 : i32
      %shift_right_arithmetic3A_646 = vector.broadcast %shift_right_arithmetic3A_645 : i32 to vector<16xi32>
      %shift_right_arithmetic3A_647 = arith.shrsi %add3A_644, %shift_right_arithmetic3A_646 : vector<16xi32>
      %and3A_648 = arith.constant 1048575 : i32
      %and3A_649 = vector.broadcast %and3A_648 : i32 to vector<16xi32>
      %and3A_650 = arith.andi %add3A_644, %and3A_649 : vector<16xi32>
      %add3A_651 = arith.addi %shift_right_arithmetic3A_647, %and3A_650 : vector<16xi32>
      %ge3A_652 = arith.constant 1048575 : i32
      %ge3A_653 = vector.broadcast %ge3A_652 : i32 to vector<16xi32>
      %ge3A_654 = arith.cmpi sge, %add3A_651, %ge3A_653 : vector<16xi32>
      %sub3A_655 = arith.constant 1048575 : i32
      %sub3A_656 = vector.broadcast %sub3A_655 : i32 to vector<16xi32>
      %sub3A_657 = arith.subi %add3A_651, %sub3A_656 : vector<16xi32>
      %select_n3A_658 = arith.select %ge3A_654, %sub3A_657, %add3A_651 : vector<16xi1>, vector<16xi32>
      %add3A_659 = arith.constant 20 : i32
      %add3A_660 = vector.broadcast %add3A_659 : i32 to vector<16xi32>
      %add3A_661 = arith.addi %mul3A_9, %add3A_660 : vector<16xi32>
      tpu.vector_store_idx %arg10[%add3A_53, %add3A_661], %select_n3A_658 : memref<256x128xi32, #tpu.memory_space<vmem>>[vector<16xi32>, vector<16xi32>], vector<16xi32>,
      %add3A_662 = arith.constant -1882223850 : i32
      %add3A_663 = vector.broadcast %add3A_662 : i32 to vector<16xi32>
      %add3A_664 = arith.addi %add3A_49, %add3A_663 : vector<16xi32>
      %ge3A_665 = arith.constant -109408905 : i32
      %ge3A_666 = vector.broadcast %ge3A_665 : i32 to vector<16xi32>
      %ge3A_667 = arith.cmpi sge, %add3A_664, %ge3A_666 : vector<16xi32>
      %jit3A_668 = arith.constant 109408905 : i32
      %jit3A_669 = arith.constant -2147483648 : i32
      %broadcast_in_dim3A_670 = vector.broadcast %jit3A_668 : i32 to vector<16xi32>
      %broadcast_in_dim3A_671 = vector.broadcast %jit3A_669 : i32 to vector<16xi32>
      %select_n3A_672 = arith.select %ge3A_667, %broadcast_in_dim3A_670, %broadcast_in_dim3A_671 : vector<16xi1>, vector<16xi32>
      %add3A_673 = arith.addi %add3A_664, %select_n3A_672 : vector<16xi32>
      %shift_right_arithmetic3A_674 = arith.constant 20 : i32
      %shift_right_arithmetic3A_675 = vector.broadcast %shift_right_arithmetic3A_674 : i32 to vector<16xi32>
      %shift_right_arithmetic3A_676 = arith.shrsi %add3A_673, %shift_right_arithmetic3A_675 : vector<16xi32>
      %and3A_677 = arith.constant 1048575 : i32
      %and3A_678 = vector.broadcast %and3A_677 : i32 to vector<16xi32>
      %and3A_679 = arith.andi %add3A_673, %and3A_678 : vector<16xi32>
      %add3A_680 = arith.addi %shift_right_arithmetic3A_676, %and3A_679 : vector<16xi32>
      %ge3A_681 = arith.constant 1048575 : i32
      %ge3A_682 = vector.broadcast %ge3A_681 : i32 to vector<16xi32>
      %ge3A_683 = arith.cmpi sge, %add3A_680, %ge3A_682 : vector<16xi32>
      %sub3A_684 = arith.constant 1048575 : i32
      %sub3A_685 = vector.broadcast %sub3A_684 : i32 to vector<16xi32>
      %sub3A_686 = arith.subi %add3A_680, %sub3A_685 : vector<16xi32>
      %select_n3A_687 = arith.select %ge3A_683, %sub3A_686, %add3A_680 : vector<16xi1>, vector<16xi32>
      %add3A_688 = arith.constant 21 : i32
      %add3A_689 = vector.broadcast %add3A_688 : i32 to vector<16xi32>
      %add3A_690 = arith.addi %mul3A_9, %add3A_689 : vector<16xi32>
      tpu.vector_store_idx %arg10[%add3A_53, %add3A_690], %select_n3A_687 : memref<256x128xi32, #tpu.memory_space<vmem>>[vector<16xi32>, vector<16xi32>], vector<16xi32>,
      %add3A_691 = arith.constant -2095046352 : i32
      %add3A_692 = vector.broadcast %add3A_691 : i32 to vector<16xi32>
      %add3A_693 = arith.addi %add3A_49, %add3A_692 : vector<16xi32>
      %ge3A_694 = arith.constant -109408905 : i32
      %ge3A_695 = vector.broadcast %ge3A_694 : i32 to vector<16xi32>
      %ge3A_696 = arith.cmpi sge, %add3A_693, %ge3A_695 : vector<16xi32>
      %jit3A_697 = arith.constant 109408905 : i32
      %jit3A_698 = arith.constant -2147483648 : i32
      %broadcast_in_dim3A_699 = vector.broadcast %jit3A_697 : i32 to vector<16xi32>
      %broadcast_in_dim3A_700 = vector.broadcast %jit3A_698 : i32 to vector<16xi32>
      %select_n3A_701 = arith.select %ge3A_696, %broadcast_in_dim3A_699, %broadcast_in_dim3A_700 : vector<16xi1>, vector<16xi32>
      %add3A_702 = arith.addi %add3A_693, %select_n3A_701 : vector<16xi32>
      %shift_right_arithmetic3A_703 = arith.constant 20 : i32
      %shift_right_arithmetic3A_704 = vector.broadcast %shift_right_arithmetic3A_703 : i32 to vector<16xi32>
      %shift_right_arithmetic3A_705 = arith.shrsi %add3A_702, %shift_right_arithmetic3A_704 : vector<16xi32>
      %and3A_706 = arith.constant 1048575 : i32
      %and3A_707 = vector.broadcast %and3A_706 : i32 to vector<16xi32>
      %and3A_708 = arith.andi %add3A_702, %and3A_707 : vector<16xi32>
      %add3A_709 = arith.addi %shift_right_arithmetic3A_705, %and3A_708 : vector<16xi32>
      %ge3A_710 = arith.constant 1048575 : i32
      %ge3A_711 = vector.broadcast %ge3A_710 : i32 to vector<16xi32>
      %ge3A_712 = arith.cmpi sge, %add3A_709, %ge3A_711 : vector<16xi32>
      %sub3A_713 = arith.constant 1048575 : i32
      %sub3A_714 = vector.broadcast %sub3A_713 : i32 to vector<16xi32>
      %sub3A_715 = arith.subi %add3A_709, %sub3A_714 : vector<16xi32>
      %select_n3A_716 = arith.select %ge3A_712, %sub3A_715, %add3A_709 : vector<16xi1>, vector<16xi32>
      %add3A_717 = arith.constant 22 : i32
      %add3A_718 = vector.broadcast %add3A_717 : i32 to vector<16xi32>
      %add3A_719 = arith.addi %mul3A_9, %add3A_718 : vector<16xi32>
      tpu.vector_store_idx %arg10[%add3A_53, %add3A_719], %select_n3A_716 : memref<256x128xi32, #tpu.memory_space<vmem>>[vector<16xi32>, vector<16xi32>], vector<16xi32>,
      %add3A_720 = arith.constant -269794111 : i32
      %add3A_721 = vector.broadcast %add3A_720 : i32 to vector<16xi32>
      %add3A_722 = arith.addi %add3A_49, %add3A_721 : vector<16xi32>
      %ge3A_723 = arith.constant -109408905 : i32
      %ge3A_724 = vector.broadcast %ge3A_723 : i32 to vector<16xi32>
      %ge3A_725 = arith.cmpi sge, %add3A_722, %ge3A_724 : vector<16xi32>
      %jit3A_726 = arith.constant 109408905 : i32
      %jit3A_727 = arith.constant -2147483648 : i32
      %broadcast_in_dim3A_728 = vector.broadcast %jit3A_726 : i32 to vector<16xi32>
      %broadcast_in_dim3A_729 = vector.broadcast %jit3A_727 : i32 to vector<16xi32>
      %select_n3A_730 = arith.select %ge3A_725, %broadcast_in_dim3A_728, %broadcast_in_dim3A_729 : vector<16xi1>, vector<16xi32>
      %add3A_731 = arith.addi %add3A_722, %select_n3A_730 : vector<16xi32>
      %shift_right_arithmetic3A_732 = arith.constant 20 : i32
      %shift_right_arithmetic3A_733 = vector.broadcast %shift_right_arithmetic3A_732 : i32 to vector<16xi32>
      %shift_right_arithmetic3A_734 = arith.shrsi %add3A_731, %shift_right_arithmetic3A_733 : vector<16xi32>
      %and3A_735 = arith.constant 1048575 : i32
      %and3A_736 = vector.broadcast %and3A_735 : i32 to vector<16xi32>
      %and3A_737 = arith.andi %add3A_731, %and3A_736 : vector<16xi32>
      %add3A_738 = arith.addi %shift_right_arithmetic3A_734, %and3A_737 : vector<16xi32>
      %ge3A_739 = arith.constant 1048575 : i32
      %ge3A_740 = vector.broadcast %ge3A_739 : i32 to vector<16xi32>
      %ge3A_741 = arith.cmpi sge, %add3A_738, %ge3A_740 : vector<16xi32>
      %sub3A_742 = arith.constant 1048575 : i32
      %sub3A_743 = vector.broadcast %sub3A_742 : i32 to vector<16xi32>
      %sub3A_744 = arith.subi %add3A_738, %sub3A_743 : vector<16xi32>
      %select_n3A_745 = arith.select %ge3A_741, %sub3A_744, %add3A_738 : vector<16xi1>, vector<16xi32>
      %add3A_746 = arith.constant 23 : i32
      %add3A_747 = vector.broadcast %add3A_746 : i32 to vector<16xi32>
      %add3A_748 = arith.addi %mul3A_9, %add3A_747 : vector<16xi32>
      tpu.vector_store_idx %arg10[%add3A_53, %add3A_748], %select_n3A_745 : memref<256x128xi32, #tpu.memory_space<vmem>>[vector<16xi32>, vector<16xi32>], vector<16xi32>,
      %add3A_749 = arith.constant -482616613 : i32
      %add3A_750 = vector.broadcast %add3A_749 : i32 to vector<16xi32>
      %add3A_751 = arith.addi %add3A_49, %add3A_750 : vector<16xi32>
      %ge3A_752 = arith.constant -109408905 : i32
      %ge3A_753 = vector.broadcast %ge3A_752 : i32 to vector<16xi32>
      %ge3A_754 = arith.cmpi sge, %add3A_751, %ge3A_753 : vector<16xi32>
      %jit3A_755 = arith.constant 109408905 : i32
      %jit3A_756 = arith.constant -2147483648 : i32
      %broadcast_in_dim3A_757 = vector.broadcast %jit3A_755 : i32 to vector<16xi32>
      %broadcast_in_dim3A_758 = vector.broadcast %jit3A_756 : i32 to vector<16xi32>
      %select_n3A_759 = arith.select %ge3A_754, %broadcast_in_dim3A_757, %broadcast_in_dim3A_758 : vector<16xi1>, vector<16xi32>
      %add3A_760 = arith.addi %add3A_751, %select_n3A_759 : vector<16xi32>
      %shift_right_arithmetic3A_761 = arith.constant 20 : i32
      %shift_right_arithmetic3A_762 = vector.broadcast %shift_right_arithmetic3A_761 : i32 to vector<16xi32>
      %shift_right_arithmetic3A_763 = arith.shrsi %add3A_760, %shift_right_arithmetic3A_762 : vector<16xi32>
      %and3A_764 = arith.constant 1048575 : i32
      %and3A_765 = vector.broadcast %and3A_764 : i32 to vector<16xi32>
      %and3A_766 = arith.andi %add3A_760, %and3A_765 : vector<16xi32>
      %add3A_767 = arith.addi %shift_right_arithmetic3A_763, %and3A_766 : vector<16xi32>
      %ge3A_768 = arith.constant 1048575 : i32
      %ge3A_769 = vector.broadcast %ge3A_768 : i32 to vector<16xi32>
      %ge3A_770 = arith.cmpi sge, %add3A_767, %ge3A_769 : vector<16xi32>
      %sub3A_771 = arith.constant 1048575 : i32
      %sub3A_772 = vector.broadcast %sub3A_771 : i32 to vector<16xi32>
      %sub3A_773 = arith.subi %add3A_767, %sub3A_772 : vector<16xi32>
      %select_n3A_774 = arith.select %ge3A_770, %sub3A_773, %add3A_767 : vector<16xi1>, vector<16xi32>
      %add3A_775 = arith.constant 24 : i32
      %add3A_776 = vector.broadcast %add3A_775 : i32 to vector<16xi32>
      %add3A_777 = arith.addi %mul3A_9, %add3A_776 : vector<16xi32>
      tpu.vector_store_idx %arg10[%add3A_53, %add3A_777], %select_n3A_774 : memref<256x128xi32, #tpu.memory_space<vmem>>[vector<16xi32>, vector<16xi32>], vector<16xi32>,
      %add3A_778 = arith.constant -695439115 : i32
      %add3A_779 = vector.broadcast %add3A_778 : i32 to vector<16xi32>
      %add3A_780 = arith.addi %add3A_49, %add3A_779 : vector<16xi32>
      %ge3A_781 = arith.constant -109408905 : i32
      %ge3A_782 = vector.broadcast %ge3A_781 : i32 to vector<16xi32>
      %ge3A_783 = arith.cmpi sge, %add3A_780, %ge3A_782 : vector<16xi32>
      %jit3A_784 = arith.constant 109408905 : i32
      %jit3A_785 = arith.constant -2147483648 : i32
      %broadcast_in_dim3A_786 = vector.broadcast %jit3A_784 : i32 to vector<16xi32>
      %broadcast_in_dim3A_787 = vector.broadcast %jit3A_785 : i32 to vector<16xi32>
      %select_n3A_788 = arith.select %ge3A_783, %broadcast_in_dim3A_786, %broadcast_in_dim3A_787 : vector<16xi1>, vector<16xi32>
      %add3A_789 = arith.addi %add3A_780, %select_n3A_788 : vector<16xi32>
      %shift_right_arithmetic3A_790 = arith.constant 20 : i32
      %shift_right_arithmetic3A_791 = vector.broadcast %shift_right_arithmetic3A_790 : i32 to vector<16xi32>
      %shift_right_arithmetic3A_792 = arith.shrsi %add3A_789, %shift_right_arithmetic3A_791 : vector<16xi32>
      %and3A_793 = arith.constant 1048575 : i32
      %and3A_794 = vector.broadcast %and3A_793 : i32 to vector<16xi32>
      %and3A_795 = arith.andi %add3A_789, %and3A_794 : vector<16xi32>
      %add3A_796 = arith.addi %shift_right_arithmetic3A_792, %and3A_795 : vector<16xi32>
      %ge3A_797 = arith.constant 1048575 : i32
      %ge3A_798 = vector.broadcast %ge3A_797 : i32 to vector<16xi32>
      %ge3A_799 = arith.cmpi sge, %add3A_796, %ge3A_798 : vector<16xi32>
      %sub3A_800 = arith.constant 1048575 : i32
      %sub3A_801 = vector.broadcast %sub3A_800 : i32 to vector<16xi32>
      %sub3A_802 = arith.subi %add3A_796, %sub3A_801 : vector<16xi32>
      %select_n3A_803 = arith.select %ge3A_799, %sub3A_802, %add3A_796 : vector<16xi1>, vector<16xi32>
      %add3A_804 = arith.constant 25 : i32
      %add3A_805 = vector.broadcast %add3A_804 : i32 to vector<16xi32>
      %add3A_806 = arith.addi %mul3A_9, %add3A_805 : vector<16xi32>
      tpu.vector_store_idx %arg10[%add3A_53, %add3A_806], %select_n3A_803 : memref<256x128xi32, #tpu.memory_space<vmem>>[vector<16xi32>, vector<16xi32>], vector<16xi32>,
      %add3A_807 = arith.constant -908261617 : i32
      %add3A_808 = vector.broadcast %add3A_807 : i32 to vector<16xi32>
      %add3A_809 = arith.addi %add3A_49, %add3A_808 : vector<16xi32>
      %ge3A_810 = arith.constant -109408905 : i32
      %ge3A_811 = vector.broadcast %ge3A_810 : i32 to vector<16xi32>
      %ge3A_812 = arith.cmpi sge, %add3A_809, %ge3A_811 : vector<16xi32>
      %jit3A_813 = arith.constant 109408905 : i32
      %jit3A_814 = arith.constant -2147483648 : i32
      %broadcast_in_dim3A_815 = vector.broadcast %jit3A_813 : i32 to vector<16xi32>
      %broadcast_in_dim3A_816 = vector.broadcast %jit3A_814 : i32 to vector<16xi32>
      %select_n3A_817 = arith.select %ge3A_812, %broadcast_in_dim3A_815, %broadcast_in_dim3A_816 : vector<16xi1>, vector<16xi32>
      %add3A_818 = arith.addi %add3A_809, %select_n3A_817 : vector<16xi32>
      %shift_right_arithmetic3A_819 = arith.constant 20 : i32
      %shift_right_arithmetic3A_820 = vector.broadcast %shift_right_arithmetic3A_819 : i32 to vector<16xi32>
      %shift_right_arithmetic3A_821 = arith.shrsi %add3A_818, %shift_right_arithmetic3A_820 : vector<16xi32>
      %and3A_822 = arith.constant 1048575 : i32
      %and3A_823 = vector.broadcast %and3A_822 : i32 to vector<16xi32>
      %and3A_824 = arith.andi %add3A_818, %and3A_823 : vector<16xi32>
      %add3A_825 = arith.addi %shift_right_arithmetic3A_821, %and3A_824 : vector<16xi32>
      %ge3A_826 = arith.constant 1048575 : i32
      %ge3A_827 = vector.broadcast %ge3A_826 : i32 to vector<16xi32>
      %ge3A_828 = arith.cmpi sge, %add3A_825, %ge3A_827 : vector<16xi32>
      %sub3A_829 = arith.constant 1048575 : i32
      %sub3A_830 = vector.broadcast %sub3A_829 : i32 to vector<16xi32>
      %sub3A_831 = arith.subi %add3A_825, %sub3A_830 : vector<16xi32>
      %select_n3A_832 = arith.select %ge3A_828, %sub3A_831, %add3A_825 : vector<16xi1>, vector<16xi32>
      %add3A_833 = arith.constant 26 : i32
      %add3A_834 = vector.broadcast %add3A_833 : i32 to vector<16xi32>
      %add3A_835 = arith.addi %mul3A_9, %add3A_834 : vector<16xi32>
      tpu.vector_store_idx %arg10[%add3A_53, %add3A_835], %select_n3A_832 : memref<256x128xi32, #tpu.memory_space<vmem>>[vector<16xi32>, vector<16xi32>], vector<16xi32>,
      %add3A_836 = arith.constant -1121084119 : i32
      %add3A_837 = vector.broadcast %add3A_836 : i32 to vector<16xi32>
      %add3A_838 = arith.addi %add3A_49, %add3A_837 : vector<16xi32>
      %ge3A_839 = arith.constant -109408905 : i32
      %ge3A_840 = vector.broadcast %ge3A_839 : i32 to vector<16xi32>
      %ge3A_841 = arith.cmpi sge, %add3A_838, %ge3A_840 : vector<16xi32>
      %jit3A_842 = arith.constant 109408905 : i32
      %jit3A_843 = arith.constant -2147483648 : i32
      %broadcast_in_dim3A_844 = vector.broadcast %jit3A_842 : i32 to vector<16xi32>
      %broadcast_in_dim3A_845 = vector.broadcast %jit3A_843 : i32 to vector<16xi32>
      %select_n3A_846 = arith.select %ge3A_841, %broadcast_in_dim3A_844, %broadcast_in_dim3A_845 : vector<16xi1>, vector<16xi32>
      %add3A_847 = arith.addi %add3A_838, %select_n3A_846 : vector<16xi32>
      %shift_right_arithmetic3A_848 = arith.constant 20 : i32
      %shift_right_arithmetic3A_849 = vector.broadcast %shift_right_arithmetic3A_848 : i32 to vector<16xi32>
      %shift_right_arithmetic3A_850 = arith.shrsi %add3A_847, %shift_right_arithmetic3A_849 : vector<16xi32>
      %and3A_851 = arith.constant 1048575 : i32
      %and3A_852 = vector.broadcast %and3A_851 : i32 to vector<16xi32>
      %and3A_853 = arith.andi %add3A_847, %and3A_852 : vector<16xi32>
      %add3A_854 = arith.addi %shift_right_arithmetic3A_850, %and3A_853 : vector<16xi32>
      %ge3A_855 = arith.constant 1048575 : i32
      %ge3A_856 = vector.broadcast %ge3A_855 : i32 to vector<16xi32>
      %ge3A_857 = arith.cmpi sge, %add3A_854, %ge3A_856 : vector<16xi32>
      %sub3A_858 = arith.constant 1048575 : i32
      %sub3A_859 = vector.broadcast %sub3A_858 : i32 to vector<16xi32>
      %sub3A_860 = arith.subi %add3A_854, %sub3A_859 : vector<16xi32>
      %select_n3A_861 = arith.select %ge3A_857, %sub3A_860, %add3A_854 : vector<16xi1>, vector<16xi32>
      %add3A_862 = arith.constant 27 : i32
      %add3A_863 = vector.broadcast %add3A_862 : i32 to vector<16xi32>
      %add3A_864 = arith.addi %mul3A_9, %add3A_863 : vector<16xi32>
      tpu.vector_store_idx %arg10[%add3A_53, %add3A_864], %select_n3A_861 : memref<256x128xi32, #tpu.memory_space<vmem>>[vector<16xi32>, vector<16xi32>], vector<16xi32>,
      %add3A_865 = arith.constant -1333906621 : i32
      %add3A_866 = vector.broadcast %add3A_865 : i32 to vector<16xi32>
      %add3A_867 = arith.addi %add3A_49, %add3A_866 : vector<16xi32>
      %ge3A_868 = arith.constant -109408905 : i32
      %ge3A_869 = vector.broadcast %ge3A_868 : i32 to vector<16xi32>
      %ge3A_870 = arith.cmpi sge, %add3A_867, %ge3A_869 : vector<16xi32>
      %jit3A_871 = arith.constant 109408905 : i32
      %jit3A_872 = arith.constant -2147483648 : i32
      %broadcast_in_dim3A_873 = vector.broadcast %jit3A_871 : i32 to vector<16xi32>
      %broadcast_in_dim3A_874 = vector.broadcast %jit3A_872 : i32 to vector<16xi32>
      %select_n3A_875 = arith.select %ge3A_870, %broadcast_in_dim3A_873, %broadcast_in_dim3A_874 : vector<16xi1>, vector<16xi32>
      %add3A_876 = arith.addi %add3A_867, %select_n3A_875 : vector<16xi32>
      %shift_right_arithmetic3A_877 = arith.constant 20 : i32
      %shift_right_arithmetic3A_878 = vector.broadcast %shift_right_arithmetic3A_877 : i32 to vector<16xi32>
      %shift_right_arithmetic3A_879 = arith.shrsi %add3A_876, %shift_right_arithmetic3A_878 : vector<16xi32>
      %and3A_880 = arith.constant 1048575 : i32
      %and3A_881 = vector.broadcast %and3A_880 : i32 to vector<16xi32>
      %and3A_882 = arith.andi %add3A_876, %and3A_881 : vector<16xi32>
      %add3A_883 = arith.addi %shift_right_arithmetic3A_879, %and3A_882 : vector<16xi32>
      %ge3A_884 = arith.constant 1048575 : i32
      %ge3A_885 = vector.broadcast %ge3A_884 : i32 to vector<16xi32>
      %ge3A_886 = arith.cmpi sge, %add3A_883, %ge3A_885 : vector<16xi32>
      %sub3A_887 = arith.constant 1048575 : i32
      %sub3A_888 = vector.broadcast %sub3A_887 : i32 to vector<16xi32>
      %sub3A_889 = arith.subi %add3A_883, %sub3A_888 : vector<16xi32>
      %select_n3A_890 = arith.select %ge3A_886, %sub3A_889, %add3A_883 : vector<16xi1>, vector<16xi32>
      %add3A_891 = arith.constant 28 : i32
      %add3A_892 = vector.broadcast %add3A_891 : i32 to vector<16xi32>
      %add3A_893 = arith.addi %mul3A_9, %add3A_892 : vector<16xi32>
      tpu.vector_store_idx %arg10[%add3A_53, %add3A_893], %select_n3A_890 : memref<256x128xi32, #tpu.memory_space<vmem>>[vector<16xi32>, vector<16xi32>], vector<16xi32>,
      %add3A_894 = arith.constant -1546729123 : i32
      %add3A_895 = vector.broadcast %add3A_894 : i32 to vector<16xi32>
      %add3A_896 = arith.addi %add3A_49, %add3A_895 : vector<16xi32>
      %ge3A_897 = arith.constant -109408905 : i32
      %ge3A_898 = vector.broadcast %ge3A_897 : i32 to vector<16xi32>
      %ge3A_899 = arith.cmpi sge, %add3A_896, %ge3A_898 : vector<16xi32>
      %jit3A_900 = arith.constant 109408905 : i32
      %jit3A_901 = arith.constant -2147483648 : i32
      %broadcast_in_dim3A_902 = vector.broadcast %jit3A_900 : i32 to vector<16xi32>
      %broadcast_in_dim3A_903 = vector.broadcast %jit3A_901 : i32 to vector<16xi32>
      %select_n3A_904 = arith.select %ge3A_899, %broadcast_in_dim3A_902, %broadcast_in_dim3A_903 : vector<16xi1>, vector<16xi32>
      %add3A_905 = arith.addi %add3A_896, %select_n3A_904 : vector<16xi32>
      %shift_right_arithmetic3A_906 = arith.constant 20 : i32
      %shift_right_arithmetic3A_907 = vector.broadcast %shift_right_arithmetic3A_906 : i32 to vector<16xi32>
      %shift_right_arithmetic3A_908 = arith.shrsi %add3A_905, %shift_right_arithmetic3A_907 : vector<16xi32>
      %and3A_909 = arith.constant 1048575 : i32
      %and3A_910 = vector.broadcast %and3A_909 : i32 to vector<16xi32>
      %and3A_911 = arith.andi %add3A_905, %and3A_910 : vector<16xi32>
      %add3A_912 = arith.addi %shift_right_arithmetic3A_908, %and3A_911 : vector<16xi32>
      %ge3A_913 = arith.constant 1048575 : i32
      %ge3A_914 = vector.broadcast %ge3A_913 : i32 to vector<16xi32>
      %ge3A_915 = arith.cmpi sge, %add3A_912, %ge3A_914 : vector<16xi32>
      %sub3A_916 = arith.constant 1048575 : i32
      %sub3A_917 = vector.broadcast %sub3A_916 : i32 to vector<16xi32>
      %sub3A_918 = arith.subi %add3A_912, %sub3A_917 : vector<16xi32>
      %select_n3A_919 = arith.select %ge3A_915, %sub3A_918, %add3A_912 : vector<16xi1>, vector<16xi32>
      %add3A_920 = arith.constant 29 : i32
      %add3A_921 = vector.broadcast %add3A_920 : i32 to vector<16xi32>
      %add3A_922 = arith.addi %mul3A_9, %add3A_921 : vector<16xi32>
      tpu.vector_store_idx %arg10[%add3A_53, %add3A_922], %select_n3A_919 : memref<256x128xi32, #tpu.memory_space<vmem>>[vector<16xi32>, vector<16xi32>], vector<16xi32>,
      %add3A_923 = arith.constant -1759551625 : i32
      %add3A_924 = vector.broadcast %add3A_923 : i32 to vector<16xi32>
      %add3A_925 = arith.addi %add3A_49, %add3A_924 : vector<16xi32>
      %ge3A_926 = arith.constant -109408905 : i32
      %ge3A_927 = vector.broadcast %ge3A_926 : i32 to vector<16xi32>
      %ge3A_928 = arith.cmpi sge, %add3A_925, %ge3A_927 : vector<16xi32>
      %jit3A_929 = arith.constant 109408905 : i32
      %jit3A_930 = arith.constant -2147483648 : i32
      %broadcast_in_dim3A_931 = vector.broadcast %jit3A_929 : i32 to vector<16xi32>
      %broadcast_in_dim3A_932 = vector.broadcast %jit3A_930 : i32 to vector<16xi32>
      %select_n3A_933 = arith.select %ge3A_928, %broadcast_in_dim3A_931, %broadcast_in_dim3A_932 : vector<16xi1>, vector<16xi32>
      %add3A_934 = arith.addi %add3A_925, %select_n3A_933 : vector<16xi32>
      %shift_right_arithmetic3A_935 = arith.constant 20 : i32
      %shift_right_arithmetic3A_936 = vector.broadcast %shift_right_arithmetic3A_935 : i32 to vector<16xi32>
      %shift_right_arithmetic3A_937 = arith.shrsi %add3A_934, %shift_right_arithmetic3A_936 : vector<16xi32>
      %and3A_938 = arith.constant 1048575 : i32
      %and3A_939 = vector.broadcast %and3A_938 : i32 to vector<16xi32>
      %and3A_940 = arith.andi %add3A_934, %and3A_939 : vector<16xi32>
      %add3A_941 = arith.addi %shift_right_arithmetic3A_937, %and3A_940 : vector<16xi32>
      %ge3A_942 = arith.constant 1048575 : i32
      %ge3A_943 = vector.broadcast %ge3A_942 : i32 to vector<16xi32>
      %ge3A_944 = arith.cmpi sge, %add3A_941, %ge3A_943 : vector<16xi32>
      %sub3A_945 = arith.constant 1048575 : i32
      %sub3A_946 = vector.broadcast %sub3A_945 : i32 to vector<16xi32>
      %sub3A_947 = arith.subi %add3A_941, %sub3A_946 : vector<16xi32>
      %select_n3A_948 = arith.select %ge3A_944, %sub3A_947, %add3A_941 : vector<16xi1>, vector<16xi32>
      %add3A_949 = arith.constant 30 : i32
      %add3A_950 = vector.broadcast %add3A_949 : i32 to vector<16xi32>
      %add3A_951 = arith.addi %mul3A_9, %add3A_950 : vector<16xi32>
      tpu.vector_store_idx %arg10[%add3A_53, %add3A_951], %select_n3A_948 : memref<256x128xi32, #tpu.memory_space<vmem>>[vector<16xi32>, vector<16xi32>], vector<16xi32>,
      %add3A_952 = arith.constant -1972374127 : i32
      %add3A_953 = vector.broadcast %add3A_952 : i32 to vector<16xi32>
      %add3A_954 = arith.addi %add3A_49, %add3A_953 : vector<16xi32>
      %ge3A_955 = arith.constant -109408905 : i32
      %ge3A_956 = vector.broadcast %ge3A_955 : i32 to vector<16xi32>
      %ge3A_957 = arith.cmpi sge, %add3A_954, %ge3A_956 : vector<16xi32>
      %jit3A_958 = arith.constant 109408905 : i32
      %jit3A_959 = arith.constant -2147483648 : i32
      %broadcast_in_dim3A_960 = vector.broadcast %jit3A_958 : i32 to vector<16xi32>
      %broadcast_in_dim3A_961 = vector.broadcast %jit3A_959 : i32 to vector<16xi32>
      %select_n3A_962 = arith.select %ge3A_957, %broadcast_in_dim3A_960, %broadcast_in_dim3A_961 : vector<16xi1>, vector<16xi32>
      %add3A_963 = arith.addi %add3A_954, %select_n3A_962 : vector<16xi32>
      %shift_right_arithmetic3A_964 = arith.constant 20 : i32
      %shift_right_arithmetic3A_965 = vector.broadcast %shift_right_arithmetic3A_964 : i32 to vector<16xi32>
      %shift_right_arithmetic3A_966 = arith.shrsi %add3A_963, %shift_right_arithmetic3A_965 : vector<16xi32>
      %and3A_967 = arith.constant 1048575 : i32
      %and3A_968 = vector.broadcast %and3A_967 : i32 to vector<16xi32>
      %and3A_969 = arith.andi %add3A_963, %and3A_968 : vector<16xi32>
      %add3A_970 = arith.addi %shift_right_arithmetic3A_966, %and3A_969 : vector<16xi32>
      %ge3A_971 = arith.constant 1048575 : i32
      %ge3A_972 = vector.broadcast %ge3A_971 : i32 to vector<16xi32>
      %ge3A_973 = arith.cmpi sge, %add3A_970, %ge3A_972 : vector<16xi32>
      %sub3A_974 = arith.constant 1048575 : i32
      %sub3A_975 = vector.broadcast %sub3A_974 : i32 to vector<16xi32>
      %sub3A_976 = arith.subi %add3A_970, %sub3A_975 : vector<16xi32>
      %select_n3A_977 = arith.select %ge3A_973, %sub3A_976, %add3A_970 : vector<16xi1>, vector<16xi32>
      %add3A_978 = arith.constant 31 : i32
      %add3A_979 = vector.broadcast %add3A_978 : i32 to vector<16xi32>
      %add3A_980 = arith.addi %mul3A_9, %add3A_979 : vector<16xi32>
      tpu.vector_store_idx %arg10[%add3A_53, %add3A_980], %select_n3A_977 : memref<256x128xi32, #tpu.memory_space<vmem>>[vector<16xi32>, vector<16xi32>], vector<16xi32>,
      %add3A_981 = arith.constant -147121886 : i32
      %add3A_982 = vector.broadcast %add3A_981 : i32 to vector<16xi32>
      %add3A_983 = arith.addi %add3A_49, %add3A_982 : vector<16xi32>
      %ge3A_984 = arith.constant -109408905 : i32
      %ge3A_985 = vector.broadcast %ge3A_984 : i32 to vector<16xi32>
      %ge3A_986 = arith.cmpi sge, %add3A_983, %ge3A_985 : vector<16xi32>
      %jit3A_987 = arith.constant 109408905 : i32
      %jit3A_988 = arith.constant -2147483648 : i32
      %broadcast_in_dim3A_989 = vector.broadcast %jit3A_987 : i32 to vector<16xi32>
      %broadcast_in_dim3A_990 = vector.broadcast %jit3A_988 : i32 to vector<16xi32>
      %select_n3A_991 = arith.select %ge3A_986, %broadcast_in_dim3A_989, %broadcast_in_dim3A_990 : vector<16xi1>, vector<16xi32>
      %add3A_992 = arith.addi %add3A_983, %select_n3A_991 : vector<16xi32>
      %shift_right_arithmetic3A_993 = arith.constant 20 : i32
      %shift_right_arithmetic3A_994 = vector.broadcast %shift_right_arithmetic3A_993 : i32 to vector<16xi32>
      %shift_right_arithmetic3A_995 = arith.shrsi %add3A_992, %shift_right_arithmetic3A_994 : vector<16xi32>
      %and3A_996 = arith.constant 1048575 : i32
      %and3A_997 = vector.broadcast %and3A_996 : i32 to vector<16xi32>
      %and3A_998 = arith.andi %add3A_992, %and3A_997 : vector<16xi32>
      %add3A_999 = arith.addi %shift_right_arithmetic3A_995, %and3A_998 : vector<16xi32>
      %ge3A_1000 = arith.constant 1048575 : i32
      %ge3A_1001 = vector.broadcast %ge3A_1000 : i32 to vector<16xi32>
      %ge3A_1002 = arith.cmpi sge, %add3A_999, %ge3A_1001 : vector<16xi32>
      %sub3A_1003 = arith.constant 1048575 : i32
      %sub3A_1004 = vector.broadcast %sub3A_1003 : i32 to vector<16xi32>
      %sub3A_1005 = arith.subi %add3A_999, %sub3A_1004 : vector<16xi32>
      %select_n3A_1006 = arith.select %ge3A_1002, %sub3A_1005, %add3A_999 : vector<16xi1>, vector<16xi32>
      %add3A_1007 = arith.constant 32 : i32
      %add3A_1008 = vector.broadcast %add3A_1007 : i32 to vector<16xi32>
      %add3A_1009 = arith.addi %mul3A_9, %add3A_1008 : vector<16xi32>
      tpu.vector_store_idx %arg10[%add3A_53, %add3A_1009], %select_n3A_1006 : memref<256x128xi32, #tpu.memory_space<vmem>>[vector<16xi32>, vector<16xi32>], vector<16xi32>,
      %add3A_1010 = arith.constant -359944388 : i32
      %add3A_1011 = vector.broadcast %add3A_1010 : i32 to vector<16xi32>
      %add3A_1012 = arith.addi %add3A_49, %add3A_1011 : vector<16xi32>
      %ge3A_1013 = arith.constant -109408905 : i32
      %ge3A_1014 = vector.broadcast %ge3A_1013 : i32 to vector<16xi32>
      %ge3A_1015 = arith.cmpi sge, %add3A_1012, %ge3A_1014 : vector<16xi32>
      %jit3A_1016 = arith.constant 109408905 : i32
      %jit3A_1017 = arith.constant -2147483648 : i32
      %broadcast_in_dim3A_1018 = vector.broadcast %jit3A_1016 : i32 to vector<16xi32>
      %broadcast_in_dim3A_1019 = vector.broadcast %jit3A_1017 : i32 to vector<16xi32>
      %select_n3A_1020 = arith.select %ge3A_1015, %broadcast_in_dim3A_1018, %broadcast_in_dim3A_1019 : vector<16xi1>, vector<16xi32>
      %add3A_1021 = arith.addi %add3A_1012, %select_n3A_1020 : vector<16xi32>
      %shift_right_arithmetic3A_1022 = arith.constant 20 : i32
      %shift_right_arithmetic3A_1023 = vector.broadcast %shift_right_arithmetic3A_1022 : i32 to vector<16xi32>
      %shift_right_arithmetic3A_1024 = arith.shrsi %add3A_1021, %shift_right_arithmetic3A_1023 : vector<16xi32>
      %and3A_1025 = arith.constant 1048575 : i32
      %and3A_1026 = vector.broadcast %and3A_1025 : i32 to vector<16xi32>
      %and3A_1027 = arith.andi %add3A_1021, %and3A_1026 : vector<16xi32>
      %add3A_1028 = arith.addi %shift_right_arithmetic3A_1024, %and3A_1027 : vector<16xi32>
      %ge3A_1029 = arith.constant 1048575 : i32
      %ge3A_1030 = vector.broadcast %ge3A_1029 : i32 to vector<16xi32>
      %ge3A_1031 = arith.cmpi sge, %add3A_1028, %ge3A_1030 : vector<16xi32>
      %sub3A_1032 = arith.constant 1048575 : i32
      %sub3A_1033 = vector.broadcast %sub3A_1032 : i32 to vector<16xi32>
      %sub3A_1034 = arith.subi %add3A_1028, %sub3A_1033 : vector<16xi32>
      %select_n3A_1035 = arith.select %ge3A_1031, %sub3A_1034, %add3A_1028 : vector<16xi1>, vector<16xi32>
      %add3A_1036 = arith.constant 33 : i32
      %add3A_1037 = vector.broadcast %add3A_1036 : i32 to vector<16xi32>
      %add3A_1038 = arith.addi %mul3A_9, %add3A_1037 : vector<16xi32>
      tpu.vector_store_idx %arg10[%add3A_53, %add3A_1038], %select_n3A_1035 : memref<256x128xi32, #tpu.memory_space<vmem>>[vector<16xi32>, vector<16xi32>], vector<16xi32>,
      %add3A_1039 = arith.constant -572766890 : i32
      %add3A_1040 = vector.broadcast %add3A_1039 : i32 to vector<16xi32>
      %add3A_1041 = arith.addi %add3A_49, %add3A_1040 : vector<16xi32>
      %ge3A_1042 = arith.constant -109408905 : i32
      %ge3A_1043 = vector.broadcast %ge3A_1042 : i32 to vector<16xi32>
      %ge3A_1044 = arith.cmpi sge, %add3A_1041, %ge3A_1043 : vector<16xi32>
      %jit3A_1045 = arith.constant 109408905 : i32
      %jit3A_1046 = arith.constant -2147483648 : i32
      %broadcast_in_dim3A_1047 = vector.broadcast %jit3A_1045 : i32 to vector<16xi32>
      %broadcast_in_dim3A_1048 = vector.broadcast %jit3A_1046 : i32 to vector<16xi32>
      %select_n3A_1049 = arith.select %ge3A_1044, %broadcast_in_dim3A_1047, %broadcast_in_dim3A_1048 : vector<16xi1>, vector<16xi32>
      %add3A_1050 = arith.addi %add3A_1041, %select_n3A_1049 : vector<16xi32>
      %shift_right_arithmetic3A_1051 = arith.constant 20 : i32
      %shift_right_arithmetic3A_1052 = vector.broadcast %shift_right_arithmetic3A_1051 : i32 to vector<16xi32>
      %shift_right_arithmetic3A_1053 = arith.shrsi %add3A_1050, %shift_right_arithmetic3A_1052 : vector<16xi32>
      %and3A_1054 = arith.constant 1048575 : i32
      %and3A_1055 = vector.broadcast %and3A_1054 : i32 to vector<16xi32>
      %and3A_1056 = arith.andi %add3A_1050, %and3A_1055 : vector<16xi32>
      %add3A_1057 = arith.addi %shift_right_arithmetic3A_1053, %and3A_1056 : vector<16xi32>
      %ge3A_1058 = arith.constant 1048575 : i32
      %ge3A_1059 = vector.broadcast %ge3A_1058 : i32 to vector<16xi32>
      %ge3A_1060 = arith.cmpi sge, %add3A_1057, %ge3A_1059 : vector<16xi32>
      %sub3A_1061 = arith.constant 1048575 : i32
      %sub3A_1062 = vector.broadcast %sub3A_1061 : i32 to vector<16xi32>
      %sub3A_1063 = arith.subi %add3A_1057, %sub3A_1062 : vector<16xi32>
      %select_n3A_1064 = arith.select %ge3A_1060, %sub3A_1063, %add3A_1057 : vector<16xi1>, vector<16xi32>
      %add3A_1065 = arith.constant 34 : i32
      %add3A_1066 = vector.broadcast %add3A_1065 : i32 to vector<16xi32>
      %add3A_1067 = arith.addi %mul3A_9, %add3A_1066 : vector<16xi32>
      tpu.vector_store_idx %arg10[%add3A_53, %add3A_1067], %select_n3A_1064 : memref<256x128xi32, #tpu.memory_space<vmem>>[vector<16xi32>, vector<16xi32>], vector<16xi32>,
      %add3A_1068 = arith.constant -785589392 : i32
      %add3A_1069 = vector.broadcast %add3A_1068 : i32 to vector<16xi32>
      %add3A_1070 = arith.addi %add3A_49, %add3A_1069 : vector<16xi32>
      %ge3A_1071 = arith.constant -109408905 : i32
      %ge3A_1072 = vector.broadcast %ge3A_1071 : i32 to vector<16xi32>
      %ge3A_1073 = arith.cmpi sge, %add3A_1070, %ge3A_1072 : vector<16xi32>
      %jit3A_1074 = arith.constant 109408905 : i32
      %jit3A_1075 = arith.constant -2147483648 : i32
      %broadcast_in_dim3A_1076 = vector.broadcast %jit3A_1074 : i32 to vector<16xi32>
      %broadcast_in_dim3A_1077 = vector.broadcast %jit3A_1075 : i32 to vector<16xi32>
      %select_n3A_1078 = arith.select %ge3A_1073, %broadcast_in_dim3A_1076, %broadcast_in_dim3A_1077 : vector<16xi1>, vector<16xi32>
      %add3A_1079 = arith.addi %add3A_1070, %select_n3A_1078 : vector<16xi32>
      %shift_right_arithmetic3A_1080 = arith.constant 20 : i32
      %shift_right_arithmetic3A_1081 = vector.broadcast %shift_right_arithmetic3A_1080 : i32 to vector<16xi32>
      %shift_right_arithmetic3A_1082 = arith.shrsi %add3A_1079, %shift_right_arithmetic3A_1081 : vector<16xi32>
      %and3A_1083 = arith.constant 1048575 : i32
      %and3A_1084 = vector.broadcast %and3A_1083 : i32 to vector<16xi32>
      %and3A_1085 = arith.andi %add3A_1079, %and3A_1084 : vector<16xi32>
      %add3A_1086 = arith.addi %shift_right_arithmetic3A_1082, %and3A_1085 : vector<16xi32>
      %ge3A_1087 = arith.constant 1048575 : i32
      %ge3A_1088 = vector.broadcast %ge3A_1087 : i32 to vector<16xi32>
      %ge3A_1089 = arith.cmpi sge, %add3A_1086, %ge3A_1088 : vector<16xi32>
      %sub3A_1090 = arith.constant 1048575 : i32
      %sub3A_1091 = vector.broadcast %sub3A_1090 : i32 to vector<16xi32>
      %sub3A_1092 = arith.subi %add3A_1086, %sub3A_1091 : vector<16xi32>
      %select_n3A_1093 = arith.select %ge3A_1089, %sub3A_1092, %add3A_1086 : vector<16xi1>, vector<16xi32>
      %add3A_1094 = arith.constant 35 : i32
      %add3A_1095 = vector.broadcast %add3A_1094 : i32 to vector<16xi32>
      %add3A_1096 = arith.addi %mul3A_9, %add3A_1095 : vector<16xi32>
      tpu.vector_store_idx %arg10[%add3A_53, %add3A_1096], %select_n3A_1093 : memref<256x128xi32, #tpu.memory_space<vmem>>[vector<16xi32>, vector<16xi32>], vector<16xi32>,
      %add3A_1097 = arith.constant -998411894 : i32
      %add3A_1098 = vector.broadcast %add3A_1097 : i32 to vector<16xi32>
      %add3A_1099 = arith.addi %add3A_49, %add3A_1098 : vector<16xi32>
      %ge3A_1100 = arith.constant -109408905 : i32
      %ge3A_1101 = vector.broadcast %ge3A_1100 : i32 to vector<16xi32>
      %ge3A_1102 = arith.cmpi sge, %add3A_1099, %ge3A_1101 : vector<16xi32>
      %jit3A_1103 = arith.constant 109408905 : i32
      %jit3A_1104 = arith.constant -2147483648 : i32
      %broadcast_in_dim3A_1105 = vector.broadcast %jit3A_1103 : i32 to vector<16xi32>
      %broadcast_in_dim3A_1106 = vector.broadcast %jit3A_1104 : i32 to vector<16xi32>
      %select_n3A_1107 = arith.select %ge3A_1102, %broadcast_in_dim3A_1105, %broadcast_in_dim3A_1106 : vector<16xi1>, vector<16xi32>
      %add3A_1108 = arith.addi %add3A_1099, %select_n3A_1107 : vector<16xi32>
      %shift_right_arithmetic3A_1109 = arith.constant 20 : i32
      %shift_right_arithmetic3A_1110 = vector.broadcast %shift_right_arithmetic3A_1109 : i32 to vector<16xi32>
      %shift_right_arithmetic3A_1111 = arith.shrsi %add3A_1108, %shift_right_arithmetic3A_1110 : vector<16xi32>
      %and3A_1112 = arith.constant 1048575 : i32
      %and3A_1113 = vector.broadcast %and3A_1112 : i32 to vector<16xi32>
      %and3A_1114 = arith.andi %add3A_1108, %and3A_1113 : vector<16xi32>
      %add3A_1115 = arith.addi %shift_right_arithmetic3A_1111, %and3A_1114 : vector<16xi32>
      %ge3A_1116 = arith.constant 1048575 : i32
      %ge3A_1117 = vector.broadcast %ge3A_1116 : i32 to vector<16xi32>
      %ge3A_1118 = arith.cmpi sge, %add3A_1115, %ge3A_1117 : vector<16xi32>
      %sub3A_1119 = arith.constant 1048575 : i32
      %sub3A_1120 = vector.broadcast %sub3A_1119 : i32 to vector<16xi32>
      %sub3A_1121 = arith.subi %add3A_1115, %sub3A_1120 : vector<16xi32>
      %select_n3A_1122 = arith.select %ge3A_1118, %sub3A_1121, %add3A_1115 : vector<16xi1>, vector<16xi32>
      %add3A_1123 = arith.constant 36 : i32
      %add3A_1124 = vector.broadcast %add3A_1123 : i32 to vector<16xi32>
      %add3A_1125 = arith.addi %mul3A_9, %add3A_1124 : vector<16xi32>
      tpu.vector_store_idx %arg10[%add3A_53, %add3A_1125], %select_n3A_1122 : memref<256x128xi32, #tpu.memory_space<vmem>>[vector<16xi32>, vector<16xi32>], vector<16xi32>,
      %add3A_1126 = arith.constant -1211234396 : i32
      %add3A_1127 = vector.broadcast %add3A_1126 : i32 to vector<16xi32>
      %add3A_1128 = arith.addi %add3A_49, %add3A_1127 : vector<16xi32>
      %ge3A_1129 = arith.constant -109408905 : i32
      %ge3A_1130 = vector.broadcast %ge3A_1129 : i32 to vector<16xi32>
      %ge3A_1131 = arith.cmpi sge, %add3A_1128, %ge3A_1130 : vector<16xi32>
      %jit3A_1132 = arith.constant 109408905 : i32
      %jit3A_1133 = arith.constant -2147483648 : i32
      %broadcast_in_dim3A_1134 = vector.broadcast %jit3A_1132 : i32 to vector<16xi32>
      %broadcast_in_dim3A_1135 = vector.broadcast %jit3A_1133 : i32 to vector<16xi32>
      %select_n3A_1136 = arith.select %ge3A_1131, %broadcast_in_dim3A_1134, %broadcast_in_dim3A_1135 : vector<16xi1>, vector<16xi32>
      %add3A_1137 = arith.addi %add3A_1128, %select_n3A_1136 : vector<16xi32>
      %shift_right_arithmetic3A_1138 = arith.constant 20 : i32
      %shift_right_arithmetic3A_1139 = vector.broadcast %shift_right_arithmetic3A_1138 : i32 to vector<16xi32>
      %shift_right_arithmetic3A_1140 = arith.shrsi %add3A_1137, %shift_right_arithmetic3A_1139 : vector<16xi32>
      %and3A_1141 = arith.constant 1048575 : i32
      %and3A_1142 = vector.broadcast %and3A_1141 : i32 to vector<16xi32>
      %and3A_1143 = arith.andi %add3A_1137, %and3A_1142 : vector<16xi32>
      %add3A_1144 = arith.addi %shift_right_arithmetic3A_1140, %and3A_1143 : vector<16xi32>
      %ge3A_1145 = arith.constant 1048575 : i32
      %ge3A_1146 = vector.broadcast %ge3A_1145 : i32 to vector<16xi32>
      %ge3A_1147 = arith.cmpi sge, %add3A_1144, %ge3A_1146 : vector<16xi32>
      %sub3A_1148 = arith.constant 1048575 : i32
      %sub3A_1149 = vector.broadcast %sub3A_1148 : i32 to vector<16xi32>
      %sub3A_1150 = arith.subi %add3A_1144, %sub3A_1149 : vector<16xi32>
      %select_n3A_1151 = arith.select %ge3A_1147, %sub3A_1150, %add3A_1144 : vector<16xi1>, vector<16xi32>
      %add3A_1152 = arith.constant 37 : i32
      %add3A_1153 = vector.broadcast %add3A_1152 : i32 to vector<16xi32>
      %add3A_1154 = arith.addi %mul3A_9, %add3A_1153 : vector<16xi32>
      tpu.vector_store_idx %arg10[%add3A_53, %add3A_1154], %select_n3A_1151 : memref<256x128xi32, #tpu.memory_space<vmem>>[vector<16xi32>, vector<16xi32>], vector<16xi32>,
      %add3A_1155 = arith.constant -1424056898 : i32
      %add3A_1156 = vector.broadcast %add3A_1155 : i32 to vector<16xi32>
      %add3A_1157 = arith.addi %add3A_49, %add3A_1156 : vector<16xi32>
      %ge3A_1158 = arith.constant -109408905 : i32
      %ge3A_1159 = vector.broadcast %ge3A_1158 : i32 to vector<16xi32>
      %ge3A_1160 = arith.cmpi sge, %add3A_1157, %ge3A_1159 : vector<16xi32>
      %jit3A_1161 = arith.constant 109408905 : i32
      %jit3A_1162 = arith.constant -2147483648 : i32
      %broadcast_in_dim3A_1163 = vector.broadcast %jit3A_1161 : i32 to vector<16xi32>
      %broadcast_in_dim3A_1164 = vector.broadcast %jit3A_1162 : i32 to vector<16xi32>
      %select_n3A_1165 = arith.select %ge3A_1160, %broadcast_in_dim3A_1163, %broadcast_in_dim3A_1164 : vector<16xi1>, vector<16xi32>
      %add3A_1166 = arith.addi %add3A_1157, %select_n3A_1165 : vector<16xi32>
      %shift_right_arithmetic3A_1167 = arith.constant 20 : i32
      %shift_right_arithmetic3A_1168 = vector.broadcast %shift_right_arithmetic3A_1167 : i32 to vector<16xi32>
      %shift_right_arithmetic3A_1169 = arith.shrsi %add3A_1166, %shift_right_arithmetic3A_1168 : vector<16xi32>
      %and3A_1170 = arith.constant 1048575 : i32
      %and3A_1171 = vector.broadcast %and3A_1170 : i32 to vector<16xi32>
      %and3A_1172 = arith.andi %add3A_1166, %and3A_1171 : vector<16xi32>
      %add3A_1173 = arith.addi %shift_right_arithmetic3A_1169, %and3A_1172 : vector<16xi32>
      %ge3A_1174 = arith.constant 1048575 : i32
      %ge3A_1175 = vector.broadcast %ge3A_1174 : i32 to vector<16xi32>
      %ge3A_1176 = arith.cmpi sge, %add3A_1173, %ge3A_1175 : vector<16xi32>
      %sub3A_1177 = arith.constant 1048575 : i32
      %sub3A_1178 = vector.broadcast %sub3A_1177 : i32 to vector<16xi32>
      %sub3A_1179 = arith.subi %add3A_1173, %sub3A_1178 : vector<16xi32>
      %select_n3A_1180 = arith.select %ge3A_1176, %sub3A_1179, %add3A_1173 : vector<16xi1>, vector<16xi32>
      %add3A_1181 = arith.constant 38 : i32
      %add3A_1182 = vector.broadcast %add3A_1181 : i32 to vector<16xi32>
      %add3A_1183 = arith.addi %mul3A_9, %add3A_1182 : vector<16xi32>
      tpu.vector_store_idx %arg10[%add3A_53, %add3A_1183], %select_n3A_1180 : memref<256x128xi32, #tpu.memory_space<vmem>>[vector<16xi32>, vector<16xi32>], vector<16xi32>,
      %add3A_1184 = arith.constant -1636879400 : i32
      %add3A_1185 = vector.broadcast %add3A_1184 : i32 to vector<16xi32>
      %add3A_1186 = arith.addi %add3A_49, %add3A_1185 : vector<16xi32>
      %ge3A_1187 = arith.constant -109408905 : i32
      %ge3A_1188 = vector.broadcast %ge3A_1187 : i32 to vector<16xi32>
      %ge3A_1189 = arith.cmpi sge, %add3A_1186, %ge3A_1188 : vector<16xi32>
      %jit3A_1190 = arith.constant 109408905 : i32
      %jit3A_1191 = arith.constant -2147483648 : i32
      %broadcast_in_dim3A_1192 = vector.broadcast %jit3A_1190 : i32 to vector<16xi32>
      %broadcast_in_dim3A_1193 = vector.broadcast %jit3A_1191 : i32 to vector<16xi32>
      %select_n3A_1194 = arith.select %ge3A_1189, %broadcast_in_dim3A_1192, %broadcast_in_dim3A_1193 : vector<16xi1>, vector<16xi32>
      %add3A_1195 = arith.addi %add3A_1186, %select_n3A_1194 : vector<16xi32>
      %shift_right_arithmetic3A_1196 = arith.constant 20 : i32
      %shift_right_arithmetic3A_1197 = vector.broadcast %shift_right_arithmetic3A_1196 : i32 to vector<16xi32>
      %shift_right_arithmetic3A_1198 = arith.shrsi %add3A_1195, %shift_right_arithmetic3A_1197 : vector<16xi32>
      %and3A_1199 = arith.constant 1048575 : i32
      %and3A_1200 = vector.broadcast %and3A_1199 : i32 to vector<16xi32>
      %and3A_1201 = arith.andi %add3A_1195, %and3A_1200 : vector<16xi32>
      %add3A_1202 = arith.addi %shift_right_arithmetic3A_1198, %and3A_1201 : vector<16xi32>
      %ge3A_1203 = arith.constant 1048575 : i32
      %ge3A_1204 = vector.broadcast %ge3A_1203 : i32 to vector<16xi32>
      %ge3A_1205 = arith.cmpi sge, %add3A_1202, %ge3A_1204 : vector<16xi32>
      %sub3A_1206 = arith.constant 1048575 : i32
      %sub3A_1207 = vector.broadcast %sub3A_1206 : i32 to vector<16xi32>
      %sub3A_1208 = arith.subi %add3A_1202, %sub3A_1207 : vector<16xi32>
      %select_n3A_1209 = arith.select %ge3A_1205, %sub3A_1208, %add3A_1202 : vector<16xi1>, vector<16xi32>
      %add3A_1210 = arith.constant 39 : i32
      %add3A_1211 = vector.broadcast %add3A_1210 : i32 to vector<16xi32>
      %add3A_1212 = arith.addi %mul3A_9, %add3A_1211 : vector<16xi32>
      tpu.vector_store_idx %arg10[%add3A_53, %add3A_1212], %select_n3A_1209 : memref<256x128xi32, #tpu.memory_space<vmem>>[vector<16xi32>, vector<16xi32>], vector<16xi32>,
      %add3A_1213 = arith.constant -1849701902 : i32
      %add3A_1214 = vector.broadcast %add3A_1213 : i32 to vector<16xi32>
      %add3A_1215 = arith.addi %add3A_49, %add3A_1214 : vector<16xi32>
      %ge3A_1216 = arith.constant -109408905 : i32
      %ge3A_1217 = vector.broadcast %ge3A_1216 : i32 to vector<16xi32>
      %ge3A_1218 = arith.cmpi sge, %add3A_1215, %ge3A_1217 : vector<16xi32>
      %jit3A_1219 = arith.constant 109408905 : i32
      %jit3A_1220 = arith.constant -2147483648 : i32
      %broadcast_in_dim3A_1221 = vector.broadcast %jit3A_1219 : i32 to vector<16xi32>
      %broadcast_in_dim3A_1222 = vector.broadcast %jit3A_1220 : i32 to vector<16xi32>
      %select_n3A_1223 = arith.select %ge3A_1218, %broadcast_in_dim3A_1221, %broadcast_in_dim3A_1222 : vector<16xi1>, vector<16xi32>
      %add3A_1224 = arith.addi %add3A_1215, %select_n3A_1223 : vector<16xi32>
      %shift_right_arithmetic3A_1225 = arith.constant 20 : i32
      %shift_right_arithmetic3A_1226 = vector.broadcast %shift_right_arithmetic3A_1225 : i32 to vector<16xi32>
      %shift_right_arithmetic3A_1227 = arith.shrsi %add3A_1224, %shift_right_arithmetic3A_1226 : vector<16xi32>
      %and3A_1228 = arith.constant 1048575 : i32
      %and3A_1229 = vector.broadcast %and3A_1228 : i32 to vector<16xi32>
      %and3A_1230 = arith.andi %add3A_1224, %and3A_1229 : vector<16xi32>
      %add3A_1231 = arith.addi %shift_right_arithmetic3A_1227, %and3A_1230 : vector<16xi32>
      %ge3A_1232 = arith.constant 1048575 : i32
      %ge3A_1233 = vector.broadcast %ge3A_1232 : i32 to vector<16xi32>
      %ge3A_1234 = arith.cmpi sge, %add3A_1231, %ge3A_1233 : vector<16xi32>
      %sub3A_1235 = arith.constant 1048575 : i32
      %sub3A_1236 = vector.broadcast %sub3A_1235 : i32 to vector<16xi32>
      %sub3A_1237 = arith.subi %add3A_1231, %sub3A_1236 : vector<16xi32>
      %select_n3A_1238 = arith.select %ge3A_1234, %sub3A_1237, %add3A_1231 : vector<16xi1>, vector<16xi32>
      %add3A_1239 = arith.constant 40 : i32
      %add3A_1240 = vector.broadcast %add3A_1239 : i32 to vector<16xi32>
      %add3A_1241 = arith.addi %mul3A_9, %add3A_1240 : vector<16xi32>
      tpu.vector_store_idx %arg10[%add3A_53, %add3A_1241], %select_n3A_1238 : memref<256x128xi32, #tpu.memory_space<vmem>>[vector<16xi32>, vector<16xi32>], vector<16xi32>,
      %add3A_1242 = arith.constant -2062524404 : i32
      %add3A_1243 = vector.broadcast %add3A_1242 : i32 to vector<16xi32>
      %add3A_1244 = arith.addi %add3A_49, %add3A_1243 : vector<16xi32>
      %ge3A_1245 = arith.constant -109408905 : i32
      %ge3A_1246 = vector.broadcast %ge3A_1245 : i32 to vector<16xi32>
      %ge3A_1247 = arith.cmpi sge, %add3A_1244, %ge3A_1246 : vector<16xi32>
      %jit3A_1248 = arith.constant 109408905 : i32
      %jit3A_1249 = arith.constant -2147483648 : i32
      %broadcast_in_dim3A_1250 = vector.broadcast %jit3A_1248 : i32 to vector<16xi32>
      %broadcast_in_dim3A_1251 = vector.broadcast %jit3A_1249 : i32 to vector<16xi32>
      %select_n3A_1252 = arith.select %ge3A_1247, %broadcast_in_dim3A_1250, %broadcast_in_dim3A_1251 : vector<16xi1>, vector<16xi32>
      %add3A_1253 = arith.addi %add3A_1244, %select_n3A_1252 : vector<16xi32>
      %shift_right_arithmetic3A_1254 = arith.constant 20 : i32
      %shift_right_arithmetic3A_1255 = vector.broadcast %shift_right_arithmetic3A_1254 : i32 to vector<16xi32>
      %shift_right_arithmetic3A_1256 = arith.shrsi %add3A_1253, %shift_right_arithmetic3A_1255 : vector<16xi32>
      %and3A_1257 = arith.constant 1048575 : i32
      %and3A_1258 = vector.broadcast %and3A_1257 : i32 to vector<16xi32>
      %and3A_1259 = arith.andi %add3A_1253, %and3A_1258 : vector<16xi32>
      %add3A_1260 = arith.addi %shift_right_arithmetic3A_1256, %and3A_1259 : vector<16xi32>
      %ge3A_1261 = arith.constant 1048575 : i32
      %ge3A_1262 = vector.broadcast %ge3A_1261 : i32 to vector<16xi32>
      %ge3A_1263 = arith.cmpi sge, %add3A_1260, %ge3A_1262 : vector<16xi32>
      %sub3A_1264 = arith.constant 1048575 : i32
      %sub3A_1265 = vector.broadcast %sub3A_1264 : i32 to vector<16xi32>
      %sub3A_1266 = arith.subi %add3A_1260, %sub3A_1265 : vector<16xi32>
      %select_n3A_1267 = arith.select %ge3A_1263, %sub3A_1266, %add3A_1260 : vector<16xi1>, vector<16xi32>
      %add3A_1268 = arith.constant 41 : i32
      %add3A_1269 = vector.broadcast %add3A_1268 : i32 to vector<16xi32>
      %add3A_1270 = arith.addi %mul3A_9, %add3A_1269 : vector<16xi32>
      tpu.vector_store_idx %arg10[%add3A_53, %add3A_1270], %select_n3A_1267 : memref<256x128xi32, #tpu.memory_space<vmem>>[vector<16xi32>, vector<16xi32>], vector<16xi32>,
      %add3A_1271 = arith.constant -237272163 : i32
      %add3A_1272 = vector.broadcast %add3A_1271 : i32 to vector<16xi32>
      %add3A_1273 = arith.addi %add3A_49, %add3A_1272 : vector<16xi32>
      %ge3A_1274 = arith.constant -109408905 : i32
      %ge3A_1275 = vector.broadcast %ge3A_1274 : i32 to vector<16xi32>
      %ge3A_1276 = arith.cmpi sge, %add3A_1273, %ge3A_1275 : vector<16xi32>
      %jit3A_1277 = arith.constant 109408905 : i32
      %jit3A_1278 = arith.constant -2147483648 : i32
      %broadcast_in_dim3A_1279 = vector.broadcast %jit3A_1277 : i32 to vector<16xi32>
      %broadcast_in_dim3A_1280 = vector.broadcast %jit3A_1278 : i32 to vector<16xi32>
      %select_n3A_1281 = arith.select %ge3A_1276, %broadcast_in_dim3A_1279, %broadcast_in_dim3A_1280 : vector<16xi1>, vector<16xi32>
      %add3A_1282 = arith.addi %add3A_1273, %select_n3A_1281 : vector<16xi32>
      %shift_right_arithmetic3A_1283 = arith.constant 20 : i32
      %shift_right_arithmetic3A_1284 = vector.broadcast %shift_right_arithmetic3A_1283 : i32 to vector<16xi32>
      %shift_right_arithmetic3A_1285 = arith.shrsi %add3A_1282, %shift_right_arithmetic3A_1284 : vector<16xi32>
      %and3A_1286 = arith.constant 1048575 : i32
      %and3A_1287 = vector.broadcast %and3A_1286 : i32 to vector<16xi32>
      %and3A_1288 = arith.andi %add3A_1282, %and3A_1287 : vector<16xi32>
      %add3A_1289 = arith.addi %shift_right_arithmetic3A_1285, %and3A_1288 : vector<16xi32>
      %ge3A_1290 = arith.constant 1048575 : i32
      %ge3A_1291 = vector.broadcast %ge3A_1290 : i32 to vector<16xi32>
      %ge3A_1292 = arith.cmpi sge, %add3A_1289, %ge3A_1291 : vector<16xi32>
      %sub3A_1293 = arith.constant 1048575 : i32
      %sub3A_1294 = vector.broadcast %sub3A_1293 : i32 to vector<16xi32>
      %sub3A_1295 = arith.subi %add3A_1289, %sub3A_1294 : vector<16xi32>
      %select_n3A_1296 = arith.select %ge3A_1292, %sub3A_1295, %add3A_1289 : vector<16xi1>, vector<16xi32>
      %add3A_1297 = arith.constant 42 : i32
      %add3A_1298 = vector.broadcast %add3A_1297 : i32 to vector<16xi32>
      %add3A_1299 = arith.addi %mul3A_9, %add3A_1298 : vector<16xi32>
      tpu.vector_store_idx %arg10[%add3A_53, %add3A_1299], %select_n3A_1296 : memref<256x128xi32, #tpu.memory_space<vmem>>[vector<16xi32>, vector<16xi32>], vector<16xi32>,
      %add3A_1300 = arith.constant -450094665 : i32
      %add3A_1301 = vector.broadcast %add3A_1300 : i32 to vector<16xi32>
      %add3A_1302 = arith.addi %add3A_49, %add3A_1301 : vector<16xi32>
      %ge3A_1303 = arith.constant -109408905 : i32
      %ge3A_1304 = vector.broadcast %ge3A_1303 : i32 to vector<16xi32>
      %ge3A_1305 = arith.cmpi sge, %add3A_1302, %ge3A_1304 : vector<16xi32>
      %jit3A_1306 = arith.constant 109408905 : i32
      %jit3A_1307 = arith.constant -2147483648 : i32
      %broadcast_in_dim3A_1308 = vector.broadcast %jit3A_1306 : i32 to vector<16xi32>
      %broadcast_in_dim3A_1309 = vector.broadcast %jit3A_1307 : i32 to vector<16xi32>
      %select_n3A_1310 = arith.select %ge3A_1305, %broadcast_in_dim3A_1308, %broadcast_in_dim3A_1309 : vector<16xi1>, vector<16xi32>
      %add3A_1311 = arith.addi %add3A_1302, %select_n3A_1310 : vector<16xi32>
      %shift_right_arithmetic3A_1312 = arith.constant 20 : i32
      %shift_right_arithmetic3A_1313 = vector.broadcast %shift_right_arithmetic3A_1312 : i32 to vector<16xi32>
      %shift_right_arithmetic3A_1314 = arith.shrsi %add3A_1311, %shift_right_arithmetic3A_1313 : vector<16xi32>
      %and3A_1315 = arith.constant 1048575 : i32
      %and3A_1316 = vector.broadcast %and3A_1315 : i32 to vector<16xi32>
      %and3A_1317 = arith.andi %add3A_1311, %and3A_1316 : vector<16xi32>
      %add3A_1318 = arith.addi %shift_right_arithmetic3A_1314, %and3A_1317 : vector<16xi32>
      %ge3A_1319 = arith.constant 1048575 : i32
      %ge3A_1320 = vector.broadcast %ge3A_1319 : i32 to vector<16xi32>
      %ge3A_1321 = arith.cmpi sge, %add3A_1318, %ge3A_1320 : vector<16xi32>
      %sub3A_1322 = arith.constant 1048575 : i32
      %sub3A_1323 = vector.broadcast %sub3A_1322 : i32 to vector<16xi32>
      %sub3A_1324 = arith.subi %add3A_1318, %sub3A_1323 : vector<16xi32>
      %select_n3A_1325 = arith.select %ge3A_1321, %sub3A_1324, %add3A_1318 : vector<16xi1>, vector<16xi32>
      %add3A_1326 = arith.constant 43 : i32
      %add3A_1327 = vector.broadcast %add3A_1326 : i32 to vector<16xi32>
      %add3A_1328 = arith.addi %mul3A_9, %add3A_1327 : vector<16xi32>
      tpu.vector_store_idx %arg10[%add3A_53, %add3A_1328], %select_n3A_1325 : memref<256x128xi32, #tpu.memory_space<vmem>>[vector<16xi32>, vector<16xi32>], vector<16xi32>,
      %add3A_1329 = arith.constant -662917167 : i32
      %add3A_1330 = vector.broadcast %add3A_1329 : i32 to vector<16xi32>
      %add3A_1331 = arith.addi %add3A_49, %add3A_1330 : vector<16xi32>
      %ge3A_1332 = arith.constant -109408905 : i32
      %ge3A_1333 = vector.broadcast %ge3A_1332 : i32 to vector<16xi32>
      %ge3A_1334 = arith.cmpi sge, %add3A_1331, %ge3A_1333 : vector<16xi32>
      %jit3A_1335 = arith.constant 109408905 : i32
      %jit3A_1336 = arith.constant -2147483648 : i32
      %broadcast_in_dim3A_1337 = vector.broadcast %jit3A_1335 : i32 to vector<16xi32>
      %broadcast_in_dim3A_1338 = vector.broadcast %jit3A_1336 : i32 to vector<16xi32>
      %select_n3A_1339 = arith.select %ge3A_1334, %broadcast_in_dim3A_1337, %broadcast_in_dim3A_1338 : vector<16xi1>, vector<16xi32>
      %add3A_1340 = arith.addi %add3A_1331, %select_n3A_1339 : vector<16xi32>
      %shift_right_arithmetic3A_1341 = arith.constant 20 : i32
      %shift_right_arithmetic3A_1342 = vector.broadcast %shift_right_arithmetic3A_1341 : i32 to vector<16xi32>
      %shift_right_arithmetic3A_1343 = arith.shrsi %add3A_1340, %shift_right_arithmetic3A_1342 : vector<16xi32>
      %and3A_1344 = arith.constant 1048575 : i32
      %and3A_1345 = vector.broadcast %and3A_1344 : i32 to vector<16xi32>
      %and3A_1346 = arith.andi %add3A_1340, %and3A_1345 : vector<16xi32>
      %add3A_1347 = arith.addi %shift_right_arithmetic3A_1343, %and3A_1346 : vector<16xi32>
      %ge3A_1348 = arith.constant 1048575 : i32
      %ge3A_1349 = vector.broadcast %ge3A_1348 : i32 to vector<16xi32>
      %ge3A_1350 = arith.cmpi sge, %add3A_1347, %ge3A_1349 : vector<16xi32>
      %sub3A_1351 = arith.constant 1048575 : i32
      %sub3A_1352 = vector.broadcast %sub3A_1351 : i32 to vector<16xi32>
      %sub3A_1353 = arith.subi %add3A_1347, %sub3A_1352 : vector<16xi32>
      %select_n3A_1354 = arith.select %ge3A_1350, %sub3A_1353, %add3A_1347 : vector<16xi1>, vector<16xi32>
      %add3A_1355 = arith.constant 44 : i32
      %add3A_1356 = vector.broadcast %add3A_1355 : i32 to vector<16xi32>
      %add3A_1357 = arith.addi %mul3A_9, %add3A_1356 : vector<16xi32>
      tpu.vector_store_idx %arg10[%add3A_53, %add3A_1357], %select_n3A_1354 : memref<256x128xi32, #tpu.memory_space<vmem>>[vector<16xi32>, vector<16xi32>], vector<16xi32>,
      %add3A_1358 = arith.constant -875739669 : i32
      %add3A_1359 = vector.broadcast %add3A_1358 : i32 to vector<16xi32>
      %add3A_1360 = arith.addi %add3A_49, %add3A_1359 : vector<16xi32>
      %ge3A_1361 = arith.constant -109408905 : i32
      %ge3A_1362 = vector.broadcast %ge3A_1361 : i32 to vector<16xi32>
      %ge3A_1363 = arith.cmpi sge, %add3A_1360, %ge3A_1362 : vector<16xi32>
      %jit3A_1364 = arith.constant 109408905 : i32
      %jit3A_1365 = arith.constant -2147483648 : i32
      %broadcast_in_dim3A_1366 = vector.broadcast %jit3A_1364 : i32 to vector<16xi32>
      %broadcast_in_dim3A_1367 = vector.broadcast %jit3A_1365 : i32 to vector<16xi32>
      %select_n3A_1368 = arith.select %ge3A_1363, %broadcast_in_dim3A_1366, %broadcast_in_dim3A_1367 : vector<16xi1>, vector<16xi32>
      %add3A_1369 = arith.addi %add3A_1360, %select_n3A_1368 : vector<16xi32>
      %shift_right_arithmetic3A_1370 = arith.constant 20 : i32
      %shift_right_arithmetic3A_1371 = vector.broadcast %shift_right_arithmetic3A_1370 : i32 to vector<16xi32>
      %shift_right_arithmetic3A_1372 = arith.shrsi %add3A_1369, %shift_right_arithmetic3A_1371 : vector<16xi32>
      %and3A_1373 = arith.constant 1048575 : i32
      %and3A_1374 = vector.broadcast %and3A_1373 : i32 to vector<16xi32>
      %and3A_1375 = arith.andi %add3A_1369, %and3A_1374 : vector<16xi32>
      %add3A_1376 = arith.addi %shift_right_arithmetic3A_1372, %and3A_1375 : vector<16xi32>
      %ge3A_1377 = arith.constant 1048575 : i32
      %ge3A_1378 = vector.broadcast %ge3A_1377 : i32 to vector<16xi32>
      %ge3A_1379 = arith.cmpi sge, %add3A_1376, %ge3A_1378 : vector<16xi32>
      %sub3A_1380 = arith.constant 1048575 : i32
      %sub3A_1381 = vector.broadcast %sub3A_1380 : i32 to vector<16xi32>
      %sub3A_1382 = arith.subi %add3A_1376, %sub3A_1381 : vector<16xi32>
      %select_n3A_1383 = arith.select %ge3A_1379, %sub3A_1382, %add3A_1376 : vector<16xi1>, vector<16xi32>
      %add3A_1384 = arith.constant 45 : i32
      %add3A_1385 = vector.broadcast %add3A_1384 : i32 to vector<16xi32>
      %add3A_1386 = arith.addi %mul3A_9, %add3A_1385 : vector<16xi32>
      tpu.vector_store_idx %arg10[%add3A_53, %add3A_1386], %select_n3A_1383 : memref<256x128xi32, #tpu.memory_space<vmem>>[vector<16xi32>, vector<16xi32>], vector<16xi32>,
      %add3A_1387 = arith.constant -1088562171 : i32
      %add3A_1388 = vector.broadcast %add3A_1387 : i32 to vector<16xi32>
      %add3A_1389 = arith.addi %add3A_49, %add3A_1388 : vector<16xi32>
      %ge3A_1390 = arith.constant -109408905 : i32
      %ge3A_1391 = vector.broadcast %ge3A_1390 : i32 to vector<16xi32>
      %ge3A_1392 = arith.cmpi sge, %add3A_1389, %ge3A_1391 : vector<16xi32>
      %jit3A_1393 = arith.constant 109408905 : i32
      %jit3A_1394 = arith.constant -2147483648 : i32
      %broadcast_in_dim3A_1395 = vector.broadcast %jit3A_1393 : i32 to vector<16xi32>
      %broadcast_in_dim3A_1396 = vector.broadcast %jit3A_1394 : i32 to vector<16xi32>
      %select_n3A_1397 = arith.select %ge3A_1392, %broadcast_in_dim3A_1395, %broadcast_in_dim3A_1396 : vector<16xi1>, vector<16xi32>
      %add3A_1398 = arith.addi %add3A_1389, %select_n3A_1397 : vector<16xi32>
      %shift_right_arithmetic3A_1399 = arith.constant 20 : i32
      %shift_right_arithmetic3A_1400 = vector.broadcast %shift_right_arithmetic3A_1399 : i32 to vector<16xi32>
      %shift_right_arithmetic3A_1401 = arith.shrsi %add3A_1398, %shift_right_arithmetic3A_1400 : vector<16xi32>
      %and3A_1402 = arith.constant 1048575 : i32
      %and3A_1403 = vector.broadcast %and3A_1402 : i32 to vector<16xi32>
      %and3A_1404 = arith.andi %add3A_1398, %and3A_1403 : vector<16xi32>
      %add3A_1405 = arith.addi %shift_right_arithmetic3A_1401, %and3A_1404 : vector<16xi32>
      %ge3A_1406 = arith.constant 1048575 : i32
      %ge3A_1407 = vector.broadcast %ge3A_1406 : i32 to vector<16xi32>
      %ge3A_1408 = arith.cmpi sge, %add3A_1405, %ge3A_1407 : vector<16xi32>
      %sub3A_1409 = arith.constant 1048575 : i32
      %sub3A_1410 = vector.broadcast %sub3A_1409 : i32 to vector<16xi32>
      %sub3A_1411 = arith.subi %add3A_1405, %sub3A_1410 : vector<16xi32>
      %select_n3A_1412 = arith.select %ge3A_1408, %sub3A_1411, %add3A_1405 : vector<16xi1>, vector<16xi32>
      %add3A_1413 = arith.constant 46 : i32
      %add3A_1414 = vector.broadcast %add3A_1413 : i32 to vector<16xi32>
      %add3A_1415 = arith.addi %mul3A_9, %add3A_1414 : vector<16xi32>
      tpu.vector_store_idx %arg10[%add3A_53, %add3A_1415], %select_n3A_1412 : memref<256x128xi32, #tpu.memory_space<vmem>>[vector<16xi32>, vector<16xi32>], vector<16xi32>,
      %add3A_1416 = arith.constant -1301384673 : i32
      %add3A_1417 = vector.broadcast %add3A_1416 : i32 to vector<16xi32>
      %add3A_1418 = arith.addi %add3A_49, %add3A_1417 : vector<16xi32>
      %ge3A_1419 = arith.constant -109408905 : i32
      %ge3A_1420 = vector.broadcast %ge3A_1419 : i32 to vector<16xi32>
      %ge3A_1421 = arith.cmpi sge, %add3A_1418, %ge3A_1420 : vector<16xi32>
      %jit3A_1422 = arith.constant 109408905 : i32
      %jit3A_1423 = arith.constant -2147483648 : i32
      %broadcast_in_dim3A_1424 = vector.broadcast %jit3A_1422 : i32 to vector<16xi32>
      %broadcast_in_dim3A_1425 = vector.broadcast %jit3A_1423 : i32 to vector<16xi32>
      %select_n3A_1426 = arith.select %ge3A_1421, %broadcast_in_dim3A_1424, %broadcast_in_dim3A_1425 : vector<16xi1>, vector<16xi32>
      %add3A_1427 = arith.addi %add3A_1418, %select_n3A_1426 : vector<16xi32>
      %shift_right_arithmetic3A_1428 = arith.constant 20 : i32
      %shift_right_arithmetic3A_1429 = vector.broadcast %shift_right_arithmetic3A_1428 : i32 to vector<16xi32>
      %shift_right_arithmetic3A_1430 = arith.shrsi %add3A_1427, %shift_right_arithmetic3A_1429 : vector<16xi32>
      %and3A_1431 = arith.constant 1048575 : i32
      %and3A_1432 = vector.broadcast %and3A_1431 : i32 to vector<16xi32>
      %and3A_1433 = arith.andi %add3A_1427, %and3A_1432 : vector<16xi32>
      %add3A_1434 = arith.addi %shift_right_arithmetic3A_1430, %and3A_1433 : vector<16xi32>
      %ge3A_1435 = arith.constant 1048575 : i32
      %ge3A_1436 = vector.broadcast %ge3A_1435 : i32 to vector<16xi32>
      %ge3A_1437 = arith.cmpi sge, %add3A_1434, %ge3A_1436 : vector<16xi32>
      %sub3A_1438 = arith.constant 1048575 : i32
      %sub3A_1439 = vector.broadcast %sub3A_1438 : i32 to vector<16xi32>
      %sub3A_1440 = arith.subi %add3A_1434, %sub3A_1439 : vector<16xi32>
      %select_n3A_1441 = arith.select %ge3A_1437, %sub3A_1440, %add3A_1434 : vector<16xi1>, vector<16xi32>
      %add3A_1442 = arith.constant 47 : i32
      %add3A_1443 = vector.broadcast %add3A_1442 : i32 to vector<16xi32>
      %add3A_1444 = arith.addi %mul3A_9, %add3A_1443 : vector<16xi32>
      tpu.vector_store_idx %arg10[%add3A_53, %add3A_1444], %select_n3A_1441 : memref<256x128xi32, #tpu.memory_space<vmem>>[vector<16xi32>, vector<16xi32>], vector<16xi32>,
      %add3A_1445 = arith.constant -1514207175 : i32
      %add3A_1446 = vector.broadcast %add3A_1445 : i32 to vector<16xi32>
      %add3A_1447 = arith.addi %add3A_49, %add3A_1446 : vector<16xi32>
      %ge3A_1448 = arith.constant -109408905 : i32
      %ge3A_1449 = vector.broadcast %ge3A_1448 : i32 to vector<16xi32>
      %ge3A_1450 = arith.cmpi sge, %add3A_1447, %ge3A_1449 : vector<16xi32>
      %jit3A_1451 = arith.constant 109408905 : i32
      %jit3A_1452 = arith.constant -2147483648 : i32
      %broadcast_in_dim3A_1453 = vector.broadcast %jit3A_1451 : i32 to vector<16xi32>
      %broadcast_in_dim3A_1454 = vector.broadcast %jit3A_1452 : i32 to vector<16xi32>
      %select_n3A_1455 = arith.select %ge3A_1450, %broadcast_in_dim3A_1453, %broadcast_in_dim3A_1454 : vector<16xi1>, vector<16xi32>
      %add3A_1456 = arith.addi %add3A_1447, %select_n3A_1455 : vector<16xi32>
      %shift_right_arithmetic3A_1457 = arith.constant 20 : i32
      %shift_right_arithmetic3A_1458 = vector.broadcast %shift_right_arithmetic3A_1457 : i32 to vector<16xi32>
      %shift_right_arithmetic3A_1459 = arith.shrsi %add3A_1456, %shift_right_arithmetic3A_1458 : vector<16xi32>
      %and3A_1460 = arith.constant 1048575 : i32
      %and3A_1461 = vector.broadcast %and3A_1460 : i32 to vector<16xi32>
      %and3A_1462 = arith.andi %add3A_1456, %and3A_1461 : vector<16xi32>
      %add3A_1463 = arith.addi %shift_right_arithmetic3A_1459, %and3A_1462 : vector<16xi32>
      %ge3A_1464 = arith.constant 1048575 : i32
      %ge3A_1465 = vector.broadcast %ge3A_1464 : i32 to vector<16xi32>
      %ge3A_1466 = arith.cmpi sge, %add3A_1463, %ge3A_1465 : vector<16xi32>
      %sub3A_1467 = arith.constant 1048575 : i32
      %sub3A_1468 = vector.broadcast %sub3A_1467 : i32 to vector<16xi32>
      %sub3A_1469 = arith.subi %add3A_1463, %sub3A_1468 : vector<16xi32>
      %select_n3A_1470 = arith.select %ge3A_1466, %sub3A_1469, %add3A_1463 : vector<16xi1>, vector<16xi32>
      %add3A_1471 = arith.constant 48 : i32
      %add3A_1472 = vector.broadcast %add3A_1471 : i32 to vector<16xi32>
      %add3A_1473 = arith.addi %mul3A_9, %add3A_1472 : vector<16xi32>
      tpu.vector_store_idx %arg10[%add3A_53, %add3A_1473], %select_n3A_1470 : memref<256x128xi32, #tpu.memory_space<vmem>>[vector<16xi32>, vector<16xi32>], vector<16xi32>,
      %add3A_1474 = arith.constant -1727029677 : i32
      %add3A_1475 = vector.broadcast %add3A_1474 : i32 to vector<16xi32>
      %add3A_1476 = arith.addi %add3A_49, %add3A_1475 : vector<16xi32>
      %ge3A_1477 = arith.constant -109408905 : i32
      %ge3A_1478 = vector.broadcast %ge3A_1477 : i32 to vector<16xi32>
      %ge3A_1479 = arith.cmpi sge, %add3A_1476, %ge3A_1478 : vector<16xi32>
      %jit3A_1480 = arith.constant 109408905 : i32
      %jit3A_1481 = arith.constant -2147483648 : i32
      %broadcast_in_dim3A_1482 = vector.broadcast %jit3A_1480 : i32 to vector<16xi32>
      %broadcast_in_dim3A_1483 = vector.broadcast %jit3A_1481 : i32 to vector<16xi32>
      %select_n3A_1484 = arith.select %ge3A_1479, %broadcast_in_dim3A_1482, %broadcast_in_dim3A_1483 : vector<16xi1>, vector<16xi32>
      %add3A_1485 = arith.addi %add3A_1476, %select_n3A_1484 : vector<16xi32>
      %shift_right_arithmetic3A_1486 = arith.constant 20 : i32
      %shift_right_arithmetic3A_1487 = vector.broadcast %shift_right_arithmetic3A_1486 : i32 to vector<16xi32>
      %shift_right_arithmetic3A_1488 = arith.shrsi %add3A_1485, %shift_right_arithmetic3A_1487 : vector<16xi32>
      %and3A_1489 = arith.constant 1048575 : i32
      %and3A_1490 = vector.broadcast %and3A_1489 : i32 to vector<16xi32>
      %and3A_1491 = arith.andi %add3A_1485, %and3A_1490 : vector<16xi32>
      %add3A_1492 = arith.addi %shift_right_arithmetic3A_1488, %and3A_1491 : vector<16xi32>
      %ge3A_1493 = arith.constant 1048575 : i32
      %ge3A_1494 = vector.broadcast %ge3A_1493 : i32 to vector<16xi32>
      %ge3A_1495 = arith.cmpi sge, %add3A_1492, %ge3A_1494 : vector<16xi32>
      %sub3A_1496 = arith.constant 1048575 : i32
      %sub3A_1497 = vector.broadcast %sub3A_1496 : i32 to vector<16xi32>
      %sub3A_1498 = arith.subi %add3A_1492, %sub3A_1497 : vector<16xi32>
      %select_n3A_1499 = arith.select %ge3A_1495, %sub3A_1498, %add3A_1492 : vector<16xi1>, vector<16xi32>
      %add3A_1500 = arith.constant 49 : i32
      %add3A_1501 = vector.broadcast %add3A_1500 : i32 to vector<16xi32>
      %add3A_1502 = arith.addi %mul3A_9, %add3A_1501 : vector<16xi32>
      tpu.vector_store_idx %arg10[%add3A_53, %add3A_1502], %select_n3A_1499 : memref<256x128xi32, #tpu.memory_space<vmem>>[vector<16xi32>, vector<16xi32>], vector<16xi32>,
      %add3A_1503 = arith.constant -1939852179 : i32
      %add3A_1504 = vector.broadcast %add3A_1503 : i32 to vector<16xi32>
      %add3A_1505 = arith.addi %add3A_49, %add3A_1504 : vector<16xi32>
      %ge3A_1506 = arith.constant -109408905 : i32
      %ge3A_1507 = vector.broadcast %ge3A_1506 : i32 to vector<16xi32>
      %ge3A_1508 = arith.cmpi sge, %add3A_1505, %ge3A_1507 : vector<16xi32>
      %jit3A_1509 = arith.constant 109408905 : i32
      %jit3A_1510 = arith.constant -2147483648 : i32
      %broadcast_in_dim3A_1511 = vector.broadcast %jit3A_1509 : i32 to vector<16xi32>
      %broadcast_in_dim3A_1512 = vector.broadcast %jit3A_1510 : i32 to vector<16xi32>
      %select_n3A_1513 = arith.select %ge3A_1508, %broadcast_in_dim3A_1511, %broadcast_in_dim3A_1512 : vector<16xi1>, vector<16xi32>
      %add3A_1514 = arith.addi %add3A_1505, %select_n3A_1513 : vector<16xi32>
      %shift_right_arithmetic3A_1515 = arith.constant 20 : i32
      %shift_right_arithmetic3A_1516 = vector.broadcast %shift_right_arithmetic3A_1515 : i32 to vector<16xi32>
      %shift_right_arithmetic3A_1517 = arith.shrsi %add3A_1514, %shift_right_arithmetic3A_1516 : vector<16xi32>
      %and3A_1518 = arith.constant 1048575 : i32
      %and3A_1519 = vector.broadcast %and3A_1518 : i32 to vector<16xi32>
      %and3A_1520 = arith.andi %add3A_1514, %and3A_1519 : vector<16xi32>
      %add3A_1521 = arith.addi %shift_right_arithmetic3A_1517, %and3A_1520 : vector<16xi32>
      %ge3A_1522 = arith.constant 1048575 : i32
      %ge3A_1523 = vector.broadcast %ge3A_1522 : i32 to vector<16xi32>
      %ge3A_1524 = arith.cmpi sge, %add3A_1521, %ge3A_1523 : vector<16xi32>
      %sub3A_1525 = arith.constant 1048575 : i32
      %sub3A_1526 = vector.broadcast %sub3A_1525 : i32 to vector<16xi32>
      %sub3A_1527 = arith.subi %add3A_1521, %sub3A_1526 : vector<16xi32>
      %select_n3A_1528 = arith.select %ge3A_1524, %sub3A_1527, %add3A_1521 : vector<16xi1>, vector<16xi32>
      %add3A_1529 = arith.constant 50 : i32
      %add3A_1530 = vector.broadcast %add3A_1529 : i32 to vector<16xi32>
      %add3A_1531 = arith.addi %mul3A_9, %add3A_1530 : vector<16xi32>
      tpu.vector_store_idx %arg10[%add3A_53, %add3A_1531], %select_n3A_1528 : memref<256x128xi32, #tpu.memory_space<vmem>>[vector<16xi32>, vector<16xi32>], vector<16xi32>,
      %add3A_1532 = arith.constant -114599938 : i32
      %add3A_1533 = vector.broadcast %add3A_1532 : i32 to vector<16xi32>
      %add3A_1534 = arith.addi %add3A_49, %add3A_1533 : vector<16xi32>
      %ge3A_1535 = arith.constant -109408905 : i32
      %ge3A_1536 = vector.broadcast %ge3A_1535 : i32 to vector<16xi32>
      %ge3A_1537 = arith.cmpi sge, %add3A_1534, %ge3A_1536 : vector<16xi32>
      %jit3A_1538 = arith.constant 109408905 : i32
      %jit3A_1539 = arith.constant -2147483648 : i32
      %broadcast_in_dim3A_1540 = vector.broadcast %jit3A_1538 : i32 to vector<16xi32>
      %broadcast_in_dim3A_1541 = vector.broadcast %jit3A_1539 : i32 to vector<16xi32>
      %select_n3A_1542 = arith.select %ge3A_1537, %broadcast_in_dim3A_1540, %broadcast_in_dim3A_1541 : vector<16xi1>, vector<16xi32>
      %add3A_1543 = arith.addi %add3A_1534, %select_n3A_1542 : vector<16xi32>
      %shift_right_arithmetic3A_1544 = arith.constant 20 : i32
      %shift_right_arithmetic3A_1545 = vector.broadcast %shift_right_arithmetic3A_1544 : i32 to vector<16xi32>
      %shift_right_arithmetic3A_1546 = arith.shrsi %add3A_1543, %shift_right_arithmetic3A_1545 : vector<16xi32>
      %and3A_1547 = arith.constant 1048575 : i32
      %and3A_1548 = vector.broadcast %and3A_1547 : i32 to vector<16xi32>
      %and3A_1549 = arith.andi %add3A_1543, %and3A_1548 : vector<16xi32>
      %add3A_1550 = arith.addi %shift_right_arithmetic3A_1546, %and3A_1549 : vector<16xi32>
      %ge3A_1551 = arith.constant 1048575 : i32
      %ge3A_1552 = vector.broadcast %ge3A_1551 : i32 to vector<16xi32>
      %ge3A_1553 = arith.cmpi sge, %add3A_1550, %ge3A_1552 : vector<16xi32>
      %sub3A_1554 = arith.constant 1048575 : i32
      %sub3A_1555 = vector.broadcast %sub3A_1554 : i32 to vector<16xi32>
      %sub3A_1556 = arith.subi %add3A_1550, %sub3A_1555 : vector<16xi32>
      %select_n3A_1557 = arith.select %ge3A_1553, %sub3A_1556, %add3A_1550 : vector<16xi1>, vector<16xi32>
      %add3A_1558 = arith.constant 51 : i32
      %add3A_1559 = vector.broadcast %add3A_1558 : i32 to vector<16xi32>
      %add3A_1560 = arith.addi %mul3A_9, %add3A_1559 : vector<16xi32>
      tpu.vector_store_idx %arg10[%add3A_53, %add3A_1560], %select_n3A_1557 : memref<256x128xi32, #tpu.memory_space<vmem>>[vector<16xi32>, vector<16xi32>], vector<16xi32>,
      %add3A_1561 = arith.constant -327422440 : i32
      %add3A_1562 = vector.broadcast %add3A_1561 : i32 to vector<16xi32>
      %add3A_1563 = arith.addi %add3A_49, %add3A_1562 : vector<16xi32>
      %ge3A_1564 = arith.constant -109408905 : i32
      %ge3A_1565 = vector.broadcast %ge3A_1564 : i32 to vector<16xi32>
      %ge3A_1566 = arith.cmpi sge, %add3A_1563, %ge3A_1565 : vector<16xi32>
      %jit3A_1567 = arith.constant 109408905 : i32
      %jit3A_1568 = arith.constant -2147483648 : i32
      %broadcast_in_dim3A_1569 = vector.broadcast %jit3A_1567 : i32 to vector<16xi32>
      %broadcast_in_dim3A_1570 = vector.broadcast %jit3A_1568 : i32 to vector<16xi32>
      %select_n3A_1571 = arith.select %ge3A_1566, %broadcast_in_dim3A_1569, %broadcast_in_dim3A_1570 : vector<16xi1>, vector<16xi32>
      %add3A_1572 = arith.addi %add3A_1563, %select_n3A_1571 : vector<16xi32>
      %shift_right_arithmetic3A_1573 = arith.constant 20 : i32
      %shift_right_arithmetic3A_1574 = vector.broadcast %shift_right_arithmetic3A_1573 : i32 to vector<16xi32>
      %shift_right_arithmetic3A_1575 = arith.shrsi %add3A_1572, %shift_right_arithmetic3A_1574 : vector<16xi32>
      %and3A_1576 = arith.constant 1048575 : i32
      %and3A_1577 = vector.broadcast %and3A_1576 : i32 to vector<16xi32>
      %and3A_1578 = arith.andi %add3A_1572, %and3A_1577 : vector<16xi32>
      %add3A_1579 = arith.addi %shift_right_arithmetic3A_1575, %and3A_1578 : vector<16xi32>
      %ge3A_1580 = arith.constant 1048575 : i32
      %ge3A_1581 = vector.broadcast %ge3A_1580 : i32 to vector<16xi32>
      %ge3A_1582 = arith.cmpi sge, %add3A_1579, %ge3A_1581 : vector<16xi32>
      %sub3A_1583 = arith.constant 1048575 : i32
      %sub3A_1584 = vector.broadcast %sub3A_1583 : i32 to vector<16xi32>
      %sub3A_1585 = arith.subi %add3A_1579, %sub3A_1584 : vector<16xi32>
      %select_n3A_1586 = arith.select %ge3A_1582, %sub3A_1585, %add3A_1579 : vector<16xi1>, vector<16xi32>
      %add3A_1587 = arith.constant 52 : i32
      %add3A_1588 = vector.broadcast %add3A_1587 : i32 to vector<16xi32>
      %add3A_1589 = arith.addi %mul3A_9, %add3A_1588 : vector<16xi32>
      tpu.vector_store_idx %arg10[%add3A_53, %add3A_1589], %select_n3A_1586 : memref<256x128xi32, #tpu.memory_space<vmem>>[vector<16xi32>, vector<16xi32>], vector<16xi32>,
      %add3A_1590 = arith.constant -540244942 : i32
      %add3A_1591 = vector.broadcast %add3A_1590 : i32 to vector<16xi32>
      %add3A_1592 = arith.addi %add3A_49, %add3A_1591 : vector<16xi32>
      %ge3A_1593 = arith.constant -109408905 : i32
      %ge3A_1594 = vector.broadcast %ge3A_1593 : i32 to vector<16xi32>
      %ge3A_1595 = arith.cmpi sge, %add3A_1592, %ge3A_1594 : vector<16xi32>
      %jit3A_1596 = arith.constant 109408905 : i32
      %jit3A_1597 = arith.constant -2147483648 : i32
      %broadcast_in_dim3A_1598 = vector.broadcast %jit3A_1596 : i32 to vector<16xi32>
      %broadcast_in_dim3A_1599 = vector.broadcast %jit3A_1597 : i32 to vector<16xi32>
      %select_n3A_1600 = arith.select %ge3A_1595, %broadcast_in_dim3A_1598, %broadcast_in_dim3A_1599 : vector<16xi1>, vector<16xi32>
      %add3A_1601 = arith.addi %add3A_1592, %select_n3A_1600 : vector<16xi32>
      %shift_right_arithmetic3A_1602 = arith.constant 20 : i32
      %shift_right_arithmetic3A_1603 = vector.broadcast %shift_right_arithmetic3A_1602 : i32 to vector<16xi32>
      %shift_right_arithmetic3A_1604 = arith.shrsi %add3A_1601, %shift_right_arithmetic3A_1603 : vector<16xi32>
      %and3A_1605 = arith.constant 1048575 : i32
      %and3A_1606 = vector.broadcast %and3A_1605 : i32 to vector<16xi32>
      %and3A_1607 = arith.andi %add3A_1601, %and3A_1606 : vector<16xi32>
      %add3A_1608 = arith.addi %shift_right_arithmetic3A_1604, %and3A_1607 : vector<16xi32>
      %ge3A_1609 = arith.constant 1048575 : i32
      %ge3A_1610 = vector.broadcast %ge3A_1609 : i32 to vector<16xi32>
      %ge3A_1611 = arith.cmpi sge, %add3A_1608, %ge3A_1610 : vector<16xi32>
      %sub3A_1612 = arith.constant 1048575 : i32
      %sub3A_1613 = vector.broadcast %sub3A_1612 : i32 to vector<16xi32>
      %sub3A_1614 = arith.subi %add3A_1608, %sub3A_1613 : vector<16xi32>
      %select_n3A_1615 = arith.select %ge3A_1611, %sub3A_1614, %add3A_1608 : vector<16xi1>, vector<16xi32>
      %add3A_1616 = arith.constant 53 : i32
      %add3A_1617 = vector.broadcast %add3A_1616 : i32 to vector<16xi32>
      %add3A_1618 = arith.addi %mul3A_9, %add3A_1617 : vector<16xi32>
      tpu.vector_store_idx %arg10[%add3A_53, %add3A_1618], %select_n3A_1615 : memref<256x128xi32, #tpu.memory_space<vmem>>[vector<16xi32>, vector<16xi32>], vector<16xi32>,
      %add3A_1619 = arith.constant -753067444 : i32
      %add3A_1620 = vector.broadcast %add3A_1619 : i32 to vector<16xi32>
      %add3A_1621 = arith.addi %add3A_49, %add3A_1620 : vector<16xi32>
      %ge3A_1622 = arith.constant -109408905 : i32
      %ge3A_1623 = vector.broadcast %ge3A_1622 : i32 to vector<16xi32>
      %ge3A_1624 = arith.cmpi sge, %add3A_1621, %ge3A_1623 : vector<16xi32>
      %jit3A_1625 = arith.constant 109408905 : i32
      %jit3A_1626 = arith.constant -2147483648 : i32
      %broadcast_in_dim3A_1627 = vector.broadcast %jit3A_1625 : i32 to vector<16xi32>
      %broadcast_in_dim3A_1628 = vector.broadcast %jit3A_1626 : i32 to vector<16xi32>
      %select_n3A_1629 = arith.select %ge3A_1624, %broadcast_in_dim3A_1627, %broadcast_in_dim3A_1628 : vector<16xi1>, vector<16xi32>
      %add3A_1630 = arith.addi %add3A_1621, %select_n3A_1629 : vector<16xi32>
      %shift_right_arithmetic3A_1631 = arith.constant 20 : i32
      %shift_right_arithmetic3A_1632 = vector.broadcast %shift_right_arithmetic3A_1631 : i32 to vector<16xi32>
      %shift_right_arithmetic3A_1633 = arith.shrsi %add3A_1630, %shift_right_arithmetic3A_1632 : vector<16xi32>
      %and3A_1634 = arith.constant 1048575 : i32
      %and3A_1635 = vector.broadcast %and3A_1634 : i32 to vector<16xi32>
      %and3A_1636 = arith.andi %add3A_1630, %and3A_1635 : vector<16xi32>
      %add3A_1637 = arith.addi %shift_right_arithmetic3A_1633, %and3A_1636 : vector<16xi32>
      %ge3A_1638 = arith.constant 1048575 : i32
      %ge3A_1639 = vector.broadcast %ge3A_1638 : i32 to vector<16xi32>
      %ge3A_1640 = arith.cmpi sge, %add3A_1637, %ge3A_1639 : vector<16xi32>
      %sub3A_1641 = arith.constant 1048575 : i32
      %sub3A_1642 = vector.broadcast %sub3A_1641 : i32 to vector<16xi32>
      %sub3A_1643 = arith.subi %add3A_1637, %sub3A_1642 : vector<16xi32>
      %select_n3A_1644 = arith.select %ge3A_1640, %sub3A_1643, %add3A_1637 : vector<16xi1>, vector<16xi32>
      %add3A_1645 = arith.constant 54 : i32
      %add3A_1646 = vector.broadcast %add3A_1645 : i32 to vector<16xi32>
      %add3A_1647 = arith.addi %mul3A_9, %add3A_1646 : vector<16xi32>
      tpu.vector_store_idx %arg10[%add3A_53, %add3A_1647], %select_n3A_1644 : memref<256x128xi32, #tpu.memory_space<vmem>>[vector<16xi32>, vector<16xi32>], vector<16xi32>,
      %add3A_1648 = arith.constant -965889946 : i32
      %add3A_1649 = vector.broadcast %add3A_1648 : i32 to vector<16xi32>
      %add3A_1650 = arith.addi %add3A_49, %add3A_1649 : vector<16xi32>
      %ge3A_1651 = arith.constant -109408905 : i32
      %ge3A_1652 = vector.broadcast %ge3A_1651 : i32 to vector<16xi32>
      %ge3A_1653 = arith.cmpi sge, %add3A_1650, %ge3A_1652 : vector<16xi32>
      %jit3A_1654 = arith.constant 109408905 : i32
      %jit3A_1655 = arith.constant -2147483648 : i32
      %broadcast_in_dim3A_1656 = vector.broadcast %jit3A_1654 : i32 to vector<16xi32>
      %broadcast_in_dim3A_1657 = vector.broadcast %jit3A_1655 : i32 to vector<16xi32>
      %select_n3A_1658 = arith.select %ge3A_1653, %broadcast_in_dim3A_1656, %broadcast_in_dim3A_1657 : vector<16xi1>, vector<16xi32>
      %add3A_1659 = arith.addi %add3A_1650, %select_n3A_1658 : vector<16xi32>
      %shift_right_arithmetic3A_1660 = arith.constant 20 : i32
      %shift_right_arithmetic3A_1661 = vector.broadcast %shift_right_arithmetic3A_1660 : i32 to vector<16xi32>
      %shift_right_arithmetic3A_1662 = arith.shrsi %add3A_1659, %shift_right_arithmetic3A_1661 : vector<16xi32>
      %and3A_1663 = arith.constant 1048575 : i32
      %and3A_1664 = vector.broadcast %and3A_1663 : i32 to vector<16xi32>
      %and3A_1665 = arith.andi %add3A_1659, %and3A_1664 : vector<16xi32>
      %add3A_1666 = arith.addi %shift_right_arithmetic3A_1662, %and3A_1665 : vector<16xi32>
      %ge3A_1667 = arith.constant 1048575 : i32
      %ge3A_1668 = vector.broadcast %ge3A_1667 : i32 to vector<16xi32>
      %ge3A_1669 = arith.cmpi sge, %add3A_1666, %ge3A_1668 : vector<16xi32>
      %sub3A_1670 = arith.constant 1048575 : i32
      %sub3A_1671 = vector.broadcast %sub3A_1670 : i32 to vector<16xi32>
      %sub3A_1672 = arith.subi %add3A_1666, %sub3A_1671 : vector<16xi32>
      %select_n3A_1673 = arith.select %ge3A_1669, %sub3A_1672, %add3A_1666 : vector<16xi1>, vector<16xi32>
      %add3A_1674 = arith.constant 55 : i32
      %add3A_1675 = vector.broadcast %add3A_1674 : i32 to vector<16xi32>
      %add3A_1676 = arith.addi %mul3A_9, %add3A_1675 : vector<16xi32>
      tpu.vector_store_idx %arg10[%add3A_53, %add3A_1676], %select_n3A_1673 : memref<256x128xi32, #tpu.memory_space<vmem>>[vector<16xi32>, vector<16xi32>], vector<16xi32>,
      %add3A_1677 = arith.constant -1178712448 : i32
      %add3A_1678 = vector.broadcast %add3A_1677 : i32 to vector<16xi32>
      %add3A_1679 = arith.addi %add3A_49, %add3A_1678 : vector<16xi32>
      %ge3A_1680 = arith.constant -109408905 : i32
      %ge3A_1681 = vector.broadcast %ge3A_1680 : i32 to vector<16xi32>
      %ge3A_1682 = arith.cmpi sge, %add3A_1679, %ge3A_1681 : vector<16xi32>
      %jit3A_1683 = arith.constant 109408905 : i32
      %jit3A_1684 = arith.constant -2147483648 : i32
      %broadcast_in_dim3A_1685 = vector.broadcast %jit3A_1683 : i32 to vector<16xi32>
      %broadcast_in_dim3A_1686 = vector.broadcast %jit3A_1684 : i32 to vector<16xi32>
      %select_n3A_1687 = arith.select %ge3A_1682, %broadcast_in_dim3A_1685, %broadcast_in_dim3A_1686 : vector<16xi1>, vector<16xi32>
      %add3A_1688 = arith.addi %add3A_1679, %select_n3A_1687 : vector<16xi32>
      %shift_right_arithmetic3A_1689 = arith.constant 20 : i32
      %shift_right_arithmetic3A_1690 = vector.broadcast %shift_right_arithmetic3A_1689 : i32 to vector<16xi32>
      %shift_right_arithmetic3A_1691 = arith.shrsi %add3A_1688, %shift_right_arithmetic3A_1690 : vector<16xi32>
      %and3A_1692 = arith.constant 1048575 : i32
      %and3A_1693 = vector.broadcast %and3A_1692 : i32 to vector<16xi32>
      %and3A_1694 = arith.andi %add3A_1688, %and3A_1693 : vector<16xi32>
      %add3A_1695 = arith.addi %shift_right_arithmetic3A_1691, %and3A_1694 : vector<16xi32>
      %ge3A_1696 = arith.constant 1048575 : i32
      %ge3A_1697 = vector.broadcast %ge3A_1696 : i32 to vector<16xi32>
      %ge3A_1698 = arith.cmpi sge, %add3A_1695, %ge3A_1697 : vector<16xi32>
      %sub3A_1699 = arith.constant 1048575 : i32
      %sub3A_1700 = vector.broadcast %sub3A_1699 : i32 to vector<16xi32>
      %sub3A_1701 = arith.subi %add3A_1695, %sub3A_1700 : vector<16xi32>
      %select_n3A_1702 = arith.select %ge3A_1698, %sub3A_1701, %add3A_1695 : vector<16xi1>, vector<16xi32>
      %add3A_1703 = arith.constant 56 : i32
      %add3A_1704 = vector.broadcast %add3A_1703 : i32 to vector<16xi32>
      %add3A_1705 = arith.addi %mul3A_9, %add3A_1704 : vector<16xi32>
      tpu.vector_store_idx %arg10[%add3A_53, %add3A_1705], %select_n3A_1702 : memref<256x128xi32, #tpu.memory_space<vmem>>[vector<16xi32>, vector<16xi32>], vector<16xi32>,
      %add3A_1706 = arith.constant -1391534950 : i32
      %add3A_1707 = vector.broadcast %add3A_1706 : i32 to vector<16xi32>
      %add3A_1708 = arith.addi %add3A_49, %add3A_1707 : vector<16xi32>
      %ge3A_1709 = arith.constant -109408905 : i32
      %ge3A_1710 = vector.broadcast %ge3A_1709 : i32 to vector<16xi32>
      %ge3A_1711 = arith.cmpi sge, %add3A_1708, %ge3A_1710 : vector<16xi32>
      %jit3A_1712 = arith.constant 109408905 : i32
      %jit3A_1713 = arith.constant -2147483648 : i32
      %broadcast_in_dim3A_1714 = vector.broadcast %jit3A_1712 : i32 to vector<16xi32>
      %broadcast_in_dim3A_1715 = vector.broadcast %jit3A_1713 : i32 to vector<16xi32>
      %select_n3A_1716 = arith.select %ge3A_1711, %broadcast_in_dim3A_1714, %broadcast_in_dim3A_1715 : vector<16xi1>, vector<16xi32>
      %add3A_1717 = arith.addi %add3A_1708, %select_n3A_1716 : vector<16xi32>
      %shift_right_arithmetic3A_1718 = arith.constant 20 : i32
      %shift_right_arithmetic3A_1719 = vector.broadcast %shift_right_arithmetic3A_1718 : i32 to vector<16xi32>
      %shift_right_arithmetic3A_1720 = arith.shrsi %add3A_1717, %shift_right_arithmetic3A_1719 : vector<16xi32>
      %and3A_1721 = arith.constant 1048575 : i32
      %and3A_1722 = vector.broadcast %and3A_1721 : i32 to vector<16xi32>
      %and3A_1723 = arith.andi %add3A_1717, %and3A_1722 : vector<16xi32>
      %add3A_1724 = arith.addi %shift_right_arithmetic3A_1720, %and3A_1723 : vector<16xi32>
      %ge3A_1725 = arith.constant 1048575 : i32
      %ge3A_1726 = vector.broadcast %ge3A_1725 : i32 to vector<16xi32>
      %ge3A_1727 = arith.cmpi sge, %add3A_1724, %ge3A_1726 : vector<16xi32>
      %sub3A_1728 = arith.constant 1048575 : i32
      %sub3A_1729 = vector.broadcast %sub3A_1728 : i32 to vector<16xi32>
      %sub3A_1730 = arith.subi %add3A_1724, %sub3A_1729 : vector<16xi32>
      %select_n3A_1731 = arith.select %ge3A_1727, %sub3A_1730, %add3A_1724 : vector<16xi1>, vector<16xi32>
      %add3A_1732 = arith.constant 57 : i32
      %add3A_1733 = vector.broadcast %add3A_1732 : i32 to vector<16xi32>
      %add3A_1734 = arith.addi %mul3A_9, %add3A_1733 : vector<16xi32>
      tpu.vector_store_idx %arg10[%add3A_53, %add3A_1734], %select_n3A_1731 : memref<256x128xi32, #tpu.memory_space<vmem>>[vector<16xi32>, vector<16xi32>], vector<16xi32>,
      %add3A_1735 = arith.constant -1604357452 : i32
      %add3A_1736 = vector.broadcast %add3A_1735 : i32 to vector<16xi32>
      %add3A_1737 = arith.addi %add3A_49, %add3A_1736 : vector<16xi32>
      %ge3A_1738 = arith.constant -109408905 : i32
      %ge3A_1739 = vector.broadcast %ge3A_1738 : i32 to vector<16xi32>
      %ge3A_1740 = arith.cmpi sge, %add3A_1737, %ge3A_1739 : vector<16xi32>
      %jit3A_1741 = arith.constant 109408905 : i32
      %jit3A_1742 = arith.constant -2147483648 : i32
      %broadcast_in_dim3A_1743 = vector.broadcast %jit3A_1741 : i32 to vector<16xi32>
      %broadcast_in_dim3A_1744 = vector.broadcast %jit3A_1742 : i32 to vector<16xi32>
      %select_n3A_1745 = arith.select %ge3A_1740, %broadcast_in_dim3A_1743, %broadcast_in_dim3A_1744 : vector<16xi1>, vector<16xi32>
      %add3A_1746 = arith.addi %add3A_1737, %select_n3A_1745 : vector<16xi32>
      %shift_right_arithmetic3A_1747 = arith.constant 20 : i32
      %shift_right_arithmetic3A_1748 = vector.broadcast %shift_right_arithmetic3A_1747 : i32 to vector<16xi32>
      %shift_right_arithmetic3A_1749 = arith.shrsi %add3A_1746, %shift_right_arithmetic3A_1748 : vector<16xi32>
      %and3A_1750 = arith.constant 1048575 : i32
      %and3A_1751 = vector.broadcast %and3A_1750 : i32 to vector<16xi32>
      %and3A_1752 = arith.andi %add3A_1746, %and3A_1751 : vector<16xi32>
      %add3A_1753 = arith.addi %shift_right_arithmetic3A_1749, %and3A_1752 : vector<16xi32>
      %ge3A_1754 = arith.constant 1048575 : i32
      %ge3A_1755 = vector.broadcast %ge3A_1754 : i32 to vector<16xi32>
      %ge3A_1756 = arith.cmpi sge, %add3A_1753, %ge3A_1755 : vector<16xi32>
      %sub3A_1757 = arith.constant 1048575 : i32
      %sub3A_1758 = vector.broadcast %sub3A_1757 : i32 to vector<16xi32>
      %sub3A_1759 = arith.subi %add3A_1753, %sub3A_1758 : vector<16xi32>
      %select_n3A_1760 = arith.select %ge3A_1756, %sub3A_1759, %add3A_1753 : vector<16xi1>, vector<16xi32>
      %add3A_1761 = arith.constant 58 : i32
      %add3A_1762 = vector.broadcast %add3A_1761 : i32 to vector<16xi32>
      %add3A_1763 = arith.addi %mul3A_9, %add3A_1762 : vector<16xi32>
      tpu.vector_store_idx %arg10[%add3A_53, %add3A_1763], %select_n3A_1760 : memref<256x128xi32, #tpu.memory_space<vmem>>[vector<16xi32>, vector<16xi32>], vector<16xi32>,
      %add3A_1764 = arith.constant -1817179954 : i32
      %add3A_1765 = vector.broadcast %add3A_1764 : i32 to vector<16xi32>
      %add3A_1766 = arith.addi %add3A_49, %add3A_1765 : vector<16xi32>
      %ge3A_1767 = arith.constant -109408905 : i32
      %ge3A_1768 = vector.broadcast %ge3A_1767 : i32 to vector<16xi32>
      %ge3A_1769 = arith.cmpi sge, %add3A_1766, %ge3A_1768 : vector<16xi32>
      %jit3A_1770 = arith.constant 109408905 : i32
      %jit3A_1771 = arith.constant -2147483648 : i32
      %broadcast_in_dim3A_1772 = vector.broadcast %jit3A_1770 : i32 to vector<16xi32>
      %broadcast_in_dim3A_1773 = vector.broadcast %jit3A_1771 : i32 to vector<16xi32>
      %select_n3A_1774 = arith.select %ge3A_1769, %broadcast_in_dim3A_1772, %broadcast_in_dim3A_1773 : vector<16xi1>, vector<16xi32>
      %add3A_1775 = arith.addi %add3A_1766, %select_n3A_1774 : vector<16xi32>
      %shift_right_arithmetic3A_1776 = arith.constant 20 : i32
      %shift_right_arithmetic3A_1777 = vector.broadcast %shift_right_arithmetic3A_1776 : i32 to vector<16xi32>
      %shift_right_arithmetic3A_1778 = arith.shrsi %add3A_1775, %shift_right_arithmetic3A_1777 : vector<16xi32>
      %and3A_1779 = arith.constant 1048575 : i32
      %and3A_1780 = vector.broadcast %and3A_1779 : i32 to vector<16xi32>
      %and3A_1781 = arith.andi %add3A_1775, %and3A_1780 : vector<16xi32>
      %add3A_1782 = arith.addi %shift_right_arithmetic3A_1778, %and3A_1781 : vector<16xi32>
      %ge3A_1783 = arith.constant 1048575 : i32
      %ge3A_1784 = vector.broadcast %ge3A_1783 : i32 to vector<16xi32>
      %ge3A_1785 = arith.cmpi sge, %add3A_1782, %ge3A_1784 : vector<16xi32>
      %sub3A_1786 = arith.constant 1048575 : i32
      %sub3A_1787 = vector.broadcast %sub3A_1786 : i32 to vector<16xi32>
      %sub3A_1788 = arith.subi %add3A_1782, %sub3A_1787 : vector<16xi32>
      %select_n3A_1789 = arith.select %ge3A_1785, %sub3A_1788, %add3A_1782 : vector<16xi1>, vector<16xi32>
      %add3A_1790 = arith.constant 59 : i32
      %add3A_1791 = vector.broadcast %add3A_1790 : i32 to vector<16xi32>
      %add3A_1792 = arith.addi %mul3A_9, %add3A_1791 : vector<16xi32>
      tpu.vector_store_idx %arg10[%add3A_53, %add3A_1792], %select_n3A_1789 : memref<256x128xi32, #tpu.memory_space<vmem>>[vector<16xi32>, vector<16xi32>], vector<16xi32>,
      %add3A_1793 = arith.constant -2030002456 : i32
      %add3A_1794 = vector.broadcast %add3A_1793 : i32 to vector<16xi32>
      %add3A_1795 = arith.addi %add3A_49, %add3A_1794 : vector<16xi32>
      %ge3A_1796 = arith.constant -109408905 : i32
      %ge3A_1797 = vector.broadcast %ge3A_1796 : i32 to vector<16xi32>
      %ge3A_1798 = arith.cmpi sge, %add3A_1795, %ge3A_1797 : vector<16xi32>
      %jit3A_1799 = arith.constant 109408905 : i32
      %jit3A_1800 = arith.constant -2147483648 : i32
      %broadcast_in_dim3A_1801 = vector.broadcast %jit3A_1799 : i32 to vector<16xi32>
      %broadcast_in_dim3A_1802 = vector.broadcast %jit3A_1800 : i32 to vector<16xi32>
      %select_n3A_1803 = arith.select %ge3A_1798, %broadcast_in_dim3A_1801, %broadcast_in_dim3A_1802 : vector<16xi1>, vector<16xi32>
      %add3A_1804 = arith.addi %add3A_1795, %select_n3A_1803 : vector<16xi32>
      %shift_right_arithmetic3A_1805 = arith.constant 20 : i32
      %shift_right_arithmetic3A_1806 = vector.broadcast %shift_right_arithmetic3A_1805 : i32 to vector<16xi32>
      %shift_right_arithmetic3A_1807 = arith.shrsi %add3A_1804, %shift_right_arithmetic3A_1806 : vector<16xi32>
      %and3A_1808 = arith.constant 1048575 : i32
      %and3A_1809 = vector.broadcast %and3A_1808 : i32 to vector<16xi32>
      %and3A_1810 = arith.andi %add3A_1804, %and3A_1809 : vector<16xi32>
      %add3A_1811 = arith.addi %shift_right_arithmetic3A_1807, %and3A_1810 : vector<16xi32>
      %ge3A_1812 = arith.constant 1048575 : i32
      %ge3A_1813 = vector.broadcast %ge3A_1812 : i32 to vector<16xi32>
      %ge3A_1814 = arith.cmpi sge, %add3A_1811, %ge3A_1813 : vector<16xi32>
      %sub3A_1815 = arith.constant 1048575 : i32
      %sub3A_1816 = vector.broadcast %sub3A_1815 : i32 to vector<16xi32>
      %sub3A_1817 = arith.subi %add3A_1811, %sub3A_1816 : vector<16xi32>
      %select_n3A_1818 = arith.select %ge3A_1814, %sub3A_1817, %add3A_1811 : vector<16xi1>, vector<16xi32>
      %add3A_1819 = arith.constant 60 : i32
      %add3A_1820 = vector.broadcast %add3A_1819 : i32 to vector<16xi32>
      %add3A_1821 = arith.addi %mul3A_9, %add3A_1820 : vector<16xi32>
      tpu.vector_store_idx %arg10[%add3A_53, %add3A_1821], %select_n3A_1818 : memref<256x128xi32, #tpu.memory_space<vmem>>[vector<16xi32>, vector<16xi32>], vector<16xi32>,
      %add3A_1822 = arith.constant -204750215 : i32
      %add3A_1823 = vector.broadcast %add3A_1822 : i32 to vector<16xi32>
      %add3A_1824 = arith.addi %add3A_49, %add3A_1823 : vector<16xi32>
      %ge3A_1825 = arith.constant -109408905 : i32
      %ge3A_1826 = vector.broadcast %ge3A_1825 : i32 to vector<16xi32>
      %ge3A_1827 = arith.cmpi sge, %add3A_1824, %ge3A_1826 : vector<16xi32>
      %jit3A_1828 = arith.constant 109408905 : i32
      %jit3A_1829 = arith.constant -2147483648 : i32
      %broadcast_in_dim3A_1830 = vector.broadcast %jit3A_1828 : i32 to vector<16xi32>
      %broadcast_in_dim3A_1831 = vector.broadcast %jit3A_1829 : i32 to vector<16xi32>
      %select_n3A_1832 = arith.select %ge3A_1827, %broadcast_in_dim3A_1830, %broadcast_in_dim3A_1831 : vector<16xi1>, vector<16xi32>
      %add3A_1833 = arith.addi %add3A_1824, %select_n3A_1832 : vector<16xi32>
      %shift_right_arithmetic3A_1834 = arith.constant 20 : i32
      %shift_right_arithmetic3A_1835 = vector.broadcast %shift_right_arithmetic3A_1834 : i32 to vector<16xi32>
      %shift_right_arithmetic3A_1836 = arith.shrsi %add3A_1833, %shift_right_arithmetic3A_1835 : vector<16xi32>
      %and3A_1837 = arith.constant 1048575 : i32
      %and3A_1838 = vector.broadcast %and3A_1837 : i32 to vector<16xi32>
      %and3A_1839 = arith.andi %add3A_1833, %and3A_1838 : vector<16xi32>
      %add3A_1840 = arith.addi %shift_right_arithmetic3A_1836, %and3A_1839 : vector<16xi32>
      %ge3A_1841 = arith.constant 1048575 : i32
      %ge3A_1842 = vector.broadcast %ge3A_1841 : i32 to vector<16xi32>
      %ge3A_1843 = arith.cmpi sge, %add3A_1840, %ge3A_1842 : vector<16xi32>
      %sub3A_1844 = arith.constant 1048575 : i32
      %sub3A_1845 = vector.broadcast %sub3A_1844 : i32 to vector<16xi32>
      %sub3A_1846 = arith.subi %add3A_1840, %sub3A_1845 : vector<16xi32>
      %select_n3A_1847 = arith.select %ge3A_1843, %sub3A_1846, %add3A_1840 : vector<16xi1>, vector<16xi32>
      %add3A_1848 = arith.constant 61 : i32
      %add3A_1849 = vector.broadcast %add3A_1848 : i32 to vector<16xi32>
      %add3A_1850 = arith.addi %mul3A_9, %add3A_1849 : vector<16xi32>
      tpu.vector_store_idx %arg10[%add3A_53, %add3A_1850], %select_n3A_1847 : memref<256x128xi32, #tpu.memory_space<vmem>>[vector<16xi32>, vector<16xi32>], vector<16xi32>,
      %add3A_1851 = arith.constant -417572717 : i32
      %add3A_1852 = vector.broadcast %add3A_1851 : i32 to vector<16xi32>
      %add3A_1853 = arith.addi %add3A_49, %add3A_1852 : vector<16xi32>
      %ge3A_1854 = arith.constant -109408905 : i32
      %ge3A_1855 = vector.broadcast %ge3A_1854 : i32 to vector<16xi32>
      %ge3A_1856 = arith.cmpi sge, %add3A_1853, %ge3A_1855 : vector<16xi32>
      %jit3A_1857 = arith.constant 109408905 : i32
      %jit3A_1858 = arith.constant -2147483648 : i32
      %broadcast_in_dim3A_1859 = vector.broadcast %jit3A_1857 : i32 to vector<16xi32>
      %broadcast_in_dim3A_1860 = vector.broadcast %jit3A_1858 : i32 to vector<16xi32>
      %select_n3A_1861 = arith.select %ge3A_1856, %broadcast_in_dim3A_1859, %broadcast_in_dim3A_1860 : vector<16xi1>, vector<16xi32>
      %add3A_1862 = arith.addi %add3A_1853, %select_n3A_1861 : vector<16xi32>
      %shift_right_arithmetic3A_1863 = arith.constant 20 : i32
      %shift_right_arithmetic3A_1864 = vector.broadcast %shift_right_arithmetic3A_1863 : i32 to vector<16xi32>
      %shift_right_arithmetic3A_1865 = arith.shrsi %add3A_1862, %shift_right_arithmetic3A_1864 : vector<16xi32>
      %and3A_1866 = arith.constant 1048575 : i32
      %and3A_1867 = vector.broadcast %and3A_1866 : i32 to vector<16xi32>
      %and3A_1868 = arith.andi %add3A_1862, %and3A_1867 : vector<16xi32>
      %add3A_1869 = arith.addi %shift_right_arithmetic3A_1865, %and3A_1868 : vector<16xi32>
      %ge3A_1870 = arith.constant 1048575 : i32
      %ge3A_1871 = vector.broadcast %ge3A_1870 : i32 to vector<16xi32>
      %ge3A_1872 = arith.cmpi sge, %add3A_1869, %ge3A_1871 : vector<16xi32>
      %sub3A_1873 = arith.constant 1048575 : i32
      %sub3A_1874 = vector.broadcast %sub3A_1873 : i32 to vector<16xi32>
      %sub3A_1875 = arith.subi %add3A_1869, %sub3A_1874 : vector<16xi32>
      %select_n3A_1876 = arith.select %ge3A_1872, %sub3A_1875, %add3A_1869 : vector<16xi1>, vector<16xi32>
      %add3A_1877 = arith.constant 62 : i32
      %add3A_1878 = vector.broadcast %add3A_1877 : i32 to vector<16xi32>
      %add3A_1879 = arith.addi %mul3A_9, %add3A_1878 : vector<16xi32>
      tpu.vector_store_idx %arg10[%add3A_53, %add3A_1879], %select_n3A_1876 : memref<256x128xi32, #tpu.memory_space<vmem>>[vector<16xi32>, vector<16xi32>], vector<16xi32>,
      %add3A_1880 = arith.constant -630395219 : i32
      %add3A_1881 = vector.broadcast %add3A_1880 : i32 to vector<16xi32>
      %add3A_1882 = arith.addi %add3A_49, %add3A_1881 : vector<16xi32>
      %ge3A_1883 = arith.constant -109408905 : i32
      %ge3A_1884 = vector.broadcast %ge3A_1883 : i32 to vector<16xi32>
      %ge3A_1885 = arith.cmpi sge, %add3A_1882, %ge3A_1884 : vector<16xi32>
      %jit3A_1886 = arith.constant 109408905 : i32
      %jit3A_1887 = arith.constant -2147483648 : i32
      %broadcast_in_dim3A_1888 = vector.broadcast %jit3A_1886 : i32 to vector<16xi32>
      %broadcast_in_dim3A_1889 = vector.broadcast %jit3A_1887 : i32 to vector<16xi32>
      %select_n3A_1890 = arith.select %ge3A_1885, %broadcast_in_dim3A_1888, %broadcast_in_dim3A_1889 : vector<16xi1>, vector<16xi32>
      %add3A_1891 = arith.addi %add3A_1882, %select_n3A_1890 : vector<16xi32>
      %shift_right_arithmetic3A_1892 = arith.constant 20 : i32
      %shift_right_arithmetic3A_1893 = vector.broadcast %shift_right_arithmetic3A_1892 : i32 to vector<16xi32>
      %shift_right_arithmetic3A_1894 = arith.shrsi %add3A_1891, %shift_right_arithmetic3A_1893 : vector<16xi32>
      %and3A_1895 = arith.constant 1048575 : i32
      %and3A_1896 = vector.broadcast %and3A_1895 : i32 to vector<16xi32>
      %and3A_1897 = arith.andi %add3A_1891, %and3A_1896 : vector<16xi32>
      %add3A_1898 = arith.addi %shift_right_arithmetic3A_1894, %and3A_1897 : vector<16xi32>
      %ge3A_1899 = arith.constant 1048575 : i32
      %ge3A_1900 = vector.broadcast %ge3A_1899 : i32 to vector<16xi32>
      %ge3A_1901 = arith.cmpi sge, %add3A_1898, %ge3A_1900 : vector<16xi32>
      %sub3A_1902 = arith.constant 1048575 : i32
      %sub3A_1903 = vector.broadcast %sub3A_1902 : i32 to vector<16xi32>
      %sub3A_1904 = arith.subi %add3A_1898, %sub3A_1903 : vector<16xi32>
      %select_n3A_1905 = arith.select %ge3A_1901, %sub3A_1904, %add3A_1898 : vector<16xi1>, vector<16xi32>
      %add3A_1906 = arith.constant 63 : i32
      %add3A_1907 = vector.broadcast %add3A_1906 : i32 to vector<16xi32>
      %add3A_1908 = arith.addi %mul3A_9, %add3A_1907 : vector<16xi32>
      tpu.vector_store_idx %arg10[%add3A_53, %add3A_1908], %select_n3A_1905 : memref<256x128xi32, #tpu.memory_space<vmem>>[vector<16xi32>, vector<16xi32>], vector<16xi32>,
      %mul3A_1909 = arith.constant 8 : i32
      %mul3A_1910 = arith.muli %while3A_33, %mul3A_1909 : i32
      %add3A_1911 = arith.constant 0 : i32
      %add3A_1912 = arith.addi %mul3A_1910, %add3A_1911 : i32
      %add3A_1913 = arith.constant 0 : i32
      %add3A_1914 = arith.addi %mul3A_1910, %add3A_1913 : i32
      %dma_start3A = arith.constant 0 : i32
      %dma_start3A_1915 = tpu.memref_slice %arg11[%add3A_1914, %dma_start3A] : memref<256x128xf32, #tpu.memory_space<vmem>> -> memref<1x128xf32, #tpu.memory_space<vmem>>
      %dma_start3A_1916 = tpu.memref_squeeze %dma_start3A_1915 : memref<1x128xf32, #tpu.memory_space<vmem>> -> memref<128xf32, #tpu.memory_space<vmem>>
      %dma_start3A_1917 = arith.constant 0 : i32
      %dma_start3A_1918 = tpu.memref_slice %arg10[%add3A_1912, %dma_start3A_1917] : memref<256x128xi32, #tpu.memory_space<vmem>> -> memref<1x128xi32, #tpu.memory_space<vmem>>
      %dma_start3A_1919 = tpu.memref_squeeze %dma_start3A_1918 : memref<1x128xi32, #tpu.memory_space<vmem>> -> memref<128xi32, #tpu.memory_space<vmem>>
      %dma_start3A_1920 = arith.constant 0 : i32
      %dma_start3A_1921 = tpu.memref_slice %arg5[%dma_start3A_1920] : memref<1048576xf32, #tpu.memory_space<hbm>> -> memref<1048576xf32, #tpu.memory_space<hbm>>
      tpu.enqueue_indirect_dma source(%dma_start3A_1921 : memref<1048576xf32, #tpu.memory_space<hbm>>) target(%dma_start3A_1916 : memref<128xf32, #tpu.memory_space<vmem>>) offsets(%dma_start3A_1919 : memref<128xi32, #tpu.memory_space<vmem>>) semaphore(%arg12 : memref<!tpu.dma_semaphore, #tpu.memory_space<semaphore_mem>>)
      %add3A_1922 = arith.constant 1 : i32
      %add3A_1923 = arith.addi %mul3A_1910, %add3A_1922 : i32
      %add3A_1924 = arith.constant 1 : i32
      %add3A_1925 = arith.addi %mul3A_1910, %add3A_1924 : i32
      %dma_start3A_1926 = arith.constant 0 : i32
      %dma_start3A_1927 = tpu.memref_slice %arg11[%add3A_1925, %dma_start3A_1926] : memref<256x128xf32, #tpu.memory_space<vmem>> -> memref<1x128xf32, #tpu.memory_space<vmem>>
      %dma_start3A_1928 = tpu.memref_squeeze %dma_start3A_1927 : memref<1x128xf32, #tpu.memory_space<vmem>> -> memref<128xf32, #tpu.memory_space<vmem>>
      %dma_start3A_1929 = arith.constant 0 : i32
      %dma_start3A_1930 = tpu.memref_slice %arg10[%add3A_1923, %dma_start3A_1929] : memref<256x128xi32, #tpu.memory_space<vmem>> -> memref<1x128xi32, #tpu.memory_space<vmem>>
      %dma_start3A_1931 = tpu.memref_squeeze %dma_start3A_1930 : memref<1x128xi32, #tpu.memory_space<vmem>> -> memref<128xi32, #tpu.memory_space<vmem>>
      %dma_start3A_1932 = arith.constant 0 : i32
      %dma_start3A_1933 = tpu.memref_slice %arg5[%dma_start3A_1932] : memref<1048576xf32, #tpu.memory_space<hbm>> -> memref<1048576xf32, #tpu.memory_space<hbm>>
      tpu.enqueue_indirect_dma source(%dma_start3A_1933 : memref<1048576xf32, #tpu.memory_space<hbm>>) target(%dma_start3A_1928 : memref<128xf32, #tpu.memory_space<vmem>>) offsets(%dma_start3A_1931 : memref<128xi32, #tpu.memory_space<vmem>>) semaphore(%arg12 : memref<!tpu.dma_semaphore, #tpu.memory_space<semaphore_mem>>)
      %add3A_1934 = arith.constant 2 : i32
      %add3A_1935 = arith.addi %mul3A_1910, %add3A_1934 : i32
      %add3A_1936 = arith.constant 2 : i32
      %add3A_1937 = arith.addi %mul3A_1910, %add3A_1936 : i32
      %dma_start3A_1938 = arith.constant 0 : i32
      %dma_start3A_1939 = tpu.memref_slice %arg11[%add3A_1937, %dma_start3A_1938] : memref<256x128xf32, #tpu.memory_space<vmem>> -> memref<1x128xf32, #tpu.memory_space<vmem>>
      %dma_start3A_1940 = tpu.memref_squeeze %dma_start3A_1939 : memref<1x128xf32, #tpu.memory_space<vmem>> -> memref<128xf32, #tpu.memory_space<vmem>>
      %dma_start3A_1941 = arith.constant 0 : i32
      %dma_start3A_1942 = tpu.memref_slice %arg10[%add3A_1935, %dma_start3A_1941] : memref<256x128xi32, #tpu.memory_space<vmem>> -> memref<1x128xi32, #tpu.memory_space<vmem>>
      %dma_start3A_1943 = tpu.memref_squeeze %dma_start3A_1942 : memref<1x128xi32, #tpu.memory_space<vmem>> -> memref<128xi32, #tpu.memory_space<vmem>>
      %dma_start3A_1944 = arith.constant 0 : i32
      %dma_start3A_1945 = tpu.memref_slice %arg5[%dma_start3A_1944] : memref<1048576xf32, #tpu.memory_space<hbm>> -> memref<1048576xf32, #tpu.memory_space<hbm>>
      tpu.enqueue_indirect_dma source(%dma_start3A_1945 : memref<1048576xf32, #tpu.memory_space<hbm>>) target(%dma_start3A_1940 : memref<128xf32, #tpu.memory_space<vmem>>) offsets(%dma_start3A_1943 : memref<128xi32, #tpu.memory_space<vmem>>) semaphore(%arg12 : memref<!tpu.dma_semaphore, #tpu.memory_space<semaphore_mem>>)
      %add3A_1946 = arith.constant 3 : i32
      %add3A_1947 = arith.addi %mul3A_1910, %add3A_1946 : i32
      %add3A_1948 = arith.constant 3 : i32
      %add3A_1949 = arith.addi %mul3A_1910, %add3A_1948 : i32
      %dma_start3A_1950 = arith.constant 0 : i32
      %dma_start3A_1951 = tpu.memref_slice %arg11[%add3A_1949, %dma_start3A_1950] : memref<256x128xf32, #tpu.memory_space<vmem>> -> memref<1x128xf32, #tpu.memory_space<vmem>>
      %dma_start3A_1952 = tpu.memref_squeeze %dma_start3A_1951 : memref<1x128xf32, #tpu.memory_space<vmem>> -> memref<128xf32, #tpu.memory_space<vmem>>
      %dma_start3A_1953 = arith.constant 0 : i32
      %dma_start3A_1954 = tpu.memref_slice %arg10[%add3A_1947, %dma_start3A_1953] : memref<256x128xi32, #tpu.memory_space<vmem>> -> memref<1x128xi32, #tpu.memory_space<vmem>>
      %dma_start3A_1955 = tpu.memref_squeeze %dma_start3A_1954 : memref<1x128xi32, #tpu.memory_space<vmem>> -> memref<128xi32, #tpu.memory_space<vmem>>
      %dma_start3A_1956 = arith.constant 0 : i32
      %dma_start3A_1957 = tpu.memref_slice %arg5[%dma_start3A_1956] : memref<1048576xf32, #tpu.memory_space<hbm>> -> memref<1048576xf32, #tpu.memory_space<hbm>>
      tpu.enqueue_indirect_dma source(%dma_start3A_1957 : memref<1048576xf32, #tpu.memory_space<hbm>>) target(%dma_start3A_1952 : memref<128xf32, #tpu.memory_space<vmem>>) offsets(%dma_start3A_1955 : memref<128xi32, #tpu.memory_space<vmem>>) semaphore(%arg12 : memref<!tpu.dma_semaphore, #tpu.memory_space<semaphore_mem>>)
      %add3A_1958 = arith.constant 4 : i32
      %add3A_1959 = arith.addi %mul3A_1910, %add3A_1958 : i32
      %add3A_1960 = arith.constant 4 : i32
      %add3A_1961 = arith.addi %mul3A_1910, %add3A_1960 : i32
      %dma_start3A_1962 = arith.constant 0 : i32
      %dma_start3A_1963 = tpu.memref_slice %arg11[%add3A_1961, %dma_start3A_1962] : memref<256x128xf32, #tpu.memory_space<vmem>> -> memref<1x128xf32, #tpu.memory_space<vmem>>
      %dma_start3A_1964 = tpu.memref_squeeze %dma_start3A_1963 : memref<1x128xf32, #tpu.memory_space<vmem>> -> memref<128xf32, #tpu.memory_space<vmem>>
      %dma_start3A_1965 = arith.constant 0 : i32
      %dma_start3A_1966 = tpu.memref_slice %arg10[%add3A_1959, %dma_start3A_1965] : memref<256x128xi32, #tpu.memory_space<vmem>> -> memref<1x128xi32, #tpu.memory_space<vmem>>
      %dma_start3A_1967 = tpu.memref_squeeze %dma_start3A_1966 : memref<1x128xi32, #tpu.memory_space<vmem>> -> memref<128xi32, #tpu.memory_space<vmem>>
      %dma_start3A_1968 = arith.constant 0 : i32
      %dma_start3A_1969 = tpu.memref_slice %arg5[%dma_start3A_1968] : memref<1048576xf32, #tpu.memory_space<hbm>> -> memref<1048576xf32, #tpu.memory_space<hbm>>
      tpu.enqueue_indirect_dma source(%dma_start3A_1969 : memref<1048576xf32, #tpu.memory_space<hbm>>) target(%dma_start3A_1964 : memref<128xf32, #tpu.memory_space<vmem>>) offsets(%dma_start3A_1967 : memref<128xi32, #tpu.memory_space<vmem>>) semaphore(%arg12 : memref<!tpu.dma_semaphore, #tpu.memory_space<semaphore_mem>>)
      %add3A_1970 = arith.constant 5 : i32
      %add3A_1971 = arith.addi %mul3A_1910, %add3A_1970 : i32
      %add3A_1972 = arith.constant 5 : i32
      %add3A_1973 = arith.addi %mul3A_1910, %add3A_1972 : i32
      %dma_start3A_1974 = arith.constant 0 : i32
      %dma_start3A_1975 = tpu.memref_slice %arg11[%add3A_1973, %dma_start3A_1974] : memref<256x128xf32, #tpu.memory_space<vmem>> -> memref<1x128xf32, #tpu.memory_space<vmem>>
      %dma_start3A_1976 = tpu.memref_squeeze %dma_start3A_1975 : memref<1x128xf32, #tpu.memory_space<vmem>> -> memref<128xf32, #tpu.memory_space<vmem>>
      %dma_start3A_1977 = arith.constant 0 : i32
      %dma_start3A_1978 = tpu.memref_slice %arg10[%add3A_1971, %dma_start3A_1977] : memref<256x128xi32, #tpu.memory_space<vmem>> -> memref<1x128xi32, #tpu.memory_space<vmem>>
      %dma_start3A_1979 = tpu.memref_squeeze %dma_start3A_1978 : memref<1x128xi32, #tpu.memory_space<vmem>> -> memref<128xi32, #tpu.memory_space<vmem>>
      %dma_start3A_1980 = arith.constant 0 : i32
      %dma_start3A_1981 = tpu.memref_slice %arg5[%dma_start3A_1980] : memref<1048576xf32, #tpu.memory_space<hbm>> -> memref<1048576xf32, #tpu.memory_space<hbm>>
      tpu.enqueue_indirect_dma source(%dma_start3A_1981 : memref<1048576xf32, #tpu.memory_space<hbm>>) target(%dma_start3A_1976 : memref<128xf32, #tpu.memory_space<vmem>>) offsets(%dma_start3A_1979 : memref<128xi32, #tpu.memory_space<vmem>>) semaphore(%arg12 : memref<!tpu.dma_semaphore, #tpu.memory_space<semaphore_mem>>)
      %add3A_1982 = arith.constant 6 : i32
      %add3A_1983 = arith.addi %mul3A_1910, %add3A_1982 : i32
      %add3A_1984 = arith.constant 6 : i32
      %add3A_1985 = arith.addi %mul3A_1910, %add3A_1984 : i32
      %dma_start3A_1986 = arith.constant 0 : i32
      %dma_start3A_1987 = tpu.memref_slice %arg11[%add3A_1985, %dma_start3A_1986] : memref<256x128xf32, #tpu.memory_space<vmem>> -> memref<1x128xf32, #tpu.memory_space<vmem>>
      %dma_start3A_1988 = tpu.memref_squeeze %dma_start3A_1987 : memref<1x128xf32, #tpu.memory_space<vmem>> -> memref<128xf32, #tpu.memory_space<vmem>>
      %dma_start3A_1989 = arith.constant 0 : i32
      %dma_start3A_1990 = tpu.memref_slice %arg10[%add3A_1983, %dma_start3A_1989] : memref<256x128xi32, #tpu.memory_space<vmem>> -> memref<1x128xi32, #tpu.memory_space<vmem>>
      %dma_start3A_1991 = tpu.memref_squeeze %dma_start3A_1990 : memref<1x128xi32, #tpu.memory_space<vmem>> -> memref<128xi32, #tpu.memory_space<vmem>>
      %dma_start3A_1992 = arith.constant 0 : i32
      %dma_start3A_1993 = tpu.memref_slice %arg5[%dma_start3A_1992] : memref<1048576xf32, #tpu.memory_space<hbm>> -> memref<1048576xf32, #tpu.memory_space<hbm>>
      tpu.enqueue_indirect_dma source(%dma_start3A_1993 : memref<1048576xf32, #tpu.memory_space<hbm>>) target(%dma_start3A_1988 : memref<128xf32, #tpu.memory_space<vmem>>) offsets(%dma_start3A_1991 : memref<128xi32, #tpu.memory_space<vmem>>) semaphore(%arg12 : memref<!tpu.dma_semaphore, #tpu.memory_space<semaphore_mem>>)
      %add3A_1994 = arith.constant 7 : i32
      %add3A_1995 = arith.addi %mul3A_1910, %add3A_1994 : i32
      %add3A_1996 = arith.constant 7 : i32
      %add3A_1997 = arith.addi %mul3A_1910, %add3A_1996 : i32
      %dma_start3A_1998 = arith.constant 0 : i32
      %dma_start3A_1999 = tpu.memref_slice %arg11[%add3A_1997, %dma_start3A_1998] : memref<256x128xf32, #tpu.memory_space<vmem>> -> memref<1x128xf32, #tpu.memory_space<vmem>>
      %dma_start3A_2000 = tpu.memref_squeeze %dma_start3A_1999 : memref<1x128xf32, #tpu.memory_space<vmem>> -> memref<128xf32, #tpu.memory_space<vmem>>
      %dma_start3A_2001 = arith.constant 0 : i32
      %dma_start3A_2002 = tpu.memref_slice %arg10[%add3A_1995, %dma_start3A_2001] : memref<256x128xi32, #tpu.memory_space<vmem>> -> memref<1x128xi32, #tpu.memory_space<vmem>>
      %dma_start3A_2003 = tpu.memref_squeeze %dma_start3A_2002 : memref<1x128xi32, #tpu.memory_space<vmem>> -> memref<128xi32, #tpu.memory_space<vmem>>
      %dma_start3A_2004 = arith.constant 0 : i32
      %dma_start3A_2005 = tpu.memref_slice %arg5[%dma_start3A_2004] : memref<1048576xf32, #tpu.memory_space<hbm>> -> memref<1048576xf32, #tpu.memory_space<hbm>>
      tpu.enqueue_indirect_dma source(%dma_start3A_2005 : memref<1048576xf32, #tpu.memory_space<hbm>>) target(%dma_start3A_2000 : memref<128xf32, #tpu.memory_space<vmem>>) offsets(%dma_start3A_2003 : memref<128xi32, #tpu.memory_space<vmem>>) semaphore(%arg12 : memref<!tpu.dma_semaphore, #tpu.memory_space<semaphore_mem>>)
    }
    %while3A_19 = arith.constant 1 : i32
    scf.for %while3A_33 = %while3A_17 to %while3A_13 step %while3A_19  : i32 {
      %mul3A_34 = arith.constant 16 : i32
      %mul3A_35 = arith.muli %while3A_33, %mul3A_34 : i32
      %get3A = arith.index_cast %mul3A_35 : i32 to index
      %get3A_36 = tpu.vector_load %arg7[%get3A] {strides = array<i32>} : memref<512xi32, #tpu.memory_space<vmem>>, vector<16xi32>,
      %shift_right_arithmetic3A_37 = arith.constant 10 : i32
      %shift_right_arithmetic3A_38 = vector.broadcast %shift_right_arithmetic3A_37 : i32 to vector<16xi32>
      %shift_right_arithmetic3A_39 = arith.shrsi %get3A_36, %shift_right_arithmetic3A_38 : vector<16xi32>
      %and3A_40 = arith.constant 1023 : i32
      %and3A_41 = vector.broadcast %and3A_40 : i32 to vector<16xi32>
      %and3A_42 = arith.andi %get3A_36, %and3A_41 : vector<16xi32>
      %gather3A = tpu.vector_load_idx %arg9[%shift_right_arithmetic3A_39] : memref<1024xi32, #tpu.memory_space<vmem>>[vector<16xi32>], vector<16xi32>,
      %gather3A_43 = tpu.vector_load_idx %arg8[%and3A_42] : memref<1024xi32, #tpu.memory_space<vmem>>[vector<16xi32>], vector<16xi32>,
      %add3A_44 = arith.addi %gather3A, %gather3A_43 : vector<16xi32>
      %ge3A = arith.constant -109408905 : i32
      %ge3A_45 = vector.broadcast %ge3A : i32 to vector<16xi32>
      %ge3A_46 = arith.cmpi sge, %add3A_44, %ge3A_45 : vector<16xi32>
      %jit3A = arith.constant 109408905 : i32
      %jit3A_47 = arith.constant -2147483648 : i32
      %broadcast_in_dim3A = vector.broadcast %jit3A : i32 to vector<16xi32>
      %broadcast_in_dim3A_48 = vector.broadcast %jit3A_47 : i32 to vector<16xi32>
      %select_n3A = arith.select %ge3A_46, %broadcast_in_dim3A, %broadcast_in_dim3A_48 : vector<16xi1>, vector<16xi32>
      %add3A_49 = arith.addi %add3A_44, %select_n3A : vector<16xi32>
      %mul3A_50 = arith.constant 8 : i32
      %mul3A_51 = arith.muli %while3A_33, %mul3A_50 : i32
      %add3A_52 = vector.broadcast %mul3A_51 : i32 to vector<16xi32>
      %add3A_53 = arith.addi %shift_right_arithmetic3A_4, %add3A_52 : vector<16xi32>
      %add3A_54 = arith.constant -1489100794 : i32
      %add3A_55 = vector.broadcast %add3A_54 : i32 to vector<16xi32>
      %add3A_56 = arith.addi %add3A_49, %add3A_55 : vector<16xi32>
      %ge3A_57 = arith.constant -109408905 : i32
      %ge3A_58 = vector.broadcast %ge3A_57 : i32 to vector<16xi32>
      %ge3A_59 = arith.cmpi sge, %add3A_56, %ge3A_58 : vector<16xi32>
      %jit3A_60 = arith.constant 109408905 : i32
      %jit3A_61 = arith.constant -2147483648 : i32
      %broadcast_in_dim3A_62 = vector.broadcast %jit3A_60 : i32 to vector<16xi32>
      %broadcast_in_dim3A_63 = vector.broadcast %jit3A_61 : i32 to vector<16xi32>
      %select_n3A_64 = arith.select %ge3A_59, %broadcast_in_dim3A_62, %broadcast_in_dim3A_63 : vector<16xi1>, vector<16xi32>
      %add3A_65 = arith.addi %add3A_56, %select_n3A_64 : vector<16xi32>
      %shift_right_arithmetic3A_66 = arith.constant 20 : i32
      %shift_right_arithmetic3A_67 = vector.broadcast %shift_right_arithmetic3A_66 : i32 to vector<16xi32>
      %shift_right_arithmetic3A_68 = arith.shrsi %add3A_65, %shift_right_arithmetic3A_67 : vector<16xi32>
      %and3A_69 = arith.constant 1048575 : i32
      %and3A_70 = vector.broadcast %and3A_69 : i32 to vector<16xi32>
      %and3A_71 = arith.andi %add3A_65, %and3A_70 : vector<16xi32>
      %add3A_72 = arith.addi %shift_right_arithmetic3A_68, %and3A_71 : vector<16xi32>
      %ge3A_73 = arith.constant 1048575 : i32
      %ge3A_74 = vector.broadcast %ge3A_73 : i32 to vector<16xi32>
      %ge3A_75 = arith.cmpi sge, %add3A_72, %ge3A_74 : vector<16xi32>
      %sub3A = arith.constant 1048575 : i32
      %sub3A_76 = vector.broadcast %sub3A : i32 to vector<16xi32>
      %sub3A_77 = arith.subi %add3A_72, %sub3A_76 : vector<16xi32>
      %select_n3A_78 = arith.select %ge3A_75, %sub3A_77, %add3A_72 : vector<16xi1>, vector<16xi32>
      %add3A_79 = arith.constant 0 : i32
      %add3A_80 = vector.broadcast %add3A_79 : i32 to vector<16xi32>
      %add3A_81 = arith.addi %mul3A_9, %add3A_80 : vector<16xi32>
      tpu.vector_store_idx %arg10[%add3A_53, %add3A_81], %select_n3A_78 : memref<256x128xi32, #tpu.memory_space<vmem>>[vector<16xi32>, vector<16xi32>], vector<16xi32>,
      %add3A_82 = arith.constant -1701923296 : i32
      %add3A_83 = vector.broadcast %add3A_82 : i32 to vector<16xi32>
      %add3A_84 = arith.addi %add3A_49, %add3A_83 : vector<16xi32>
      %ge3A_85 = arith.constant -109408905 : i32
      %ge3A_86 = vector.broadcast %ge3A_85 : i32 to vector<16xi32>
      %ge3A_87 = arith.cmpi sge, %add3A_84, %ge3A_86 : vector<16xi32>
      %jit3A_88 = arith.constant 109408905 : i32
      %jit3A_89 = arith.constant -2147483648 : i32
      %broadcast_in_dim3A_90 = vector.broadcast %jit3A_88 : i32 to vector<16xi32>
      %broadcast_in_dim3A_91 = vector.broadcast %jit3A_89 : i32 to vector<16xi32>
      %select_n3A_92 = arith.select %ge3A_87, %broadcast_in_dim3A_90, %broadcast_in_dim3A_91 : vector<16xi1>, vector<16xi32>
      %add3A_93 = arith.addi %add3A_84, %select_n3A_92 : vector<16xi32>
      %shift_right_arithmetic3A_94 = arith.constant 20 : i32
      %shift_right_arithmetic3A_95 = vector.broadcast %shift_right_arithmetic3A_94 : i32 to vector<16xi32>
      %shift_right_arithmetic3A_96 = arith.shrsi %add3A_93, %shift_right_arithmetic3A_95 : vector<16xi32>
      %and3A_97 = arith.constant 1048575 : i32
      %and3A_98 = vector.broadcast %and3A_97 : i32 to vector<16xi32>
      %and3A_99 = arith.andi %add3A_93, %and3A_98 : vector<16xi32>
      %add3A_100 = arith.addi %shift_right_arithmetic3A_96, %and3A_99 : vector<16xi32>
      %ge3A_101 = arith.constant 1048575 : i32
      %ge3A_102 = vector.broadcast %ge3A_101 : i32 to vector<16xi32>
      %ge3A_103 = arith.cmpi sge, %add3A_100, %ge3A_102 : vector<16xi32>
      %sub3A_104 = arith.constant 1048575 : i32
      %sub3A_105 = vector.broadcast %sub3A_104 : i32 to vector<16xi32>
      %sub3A_106 = arith.subi %add3A_100, %sub3A_105 : vector<16xi32>
      %select_n3A_107 = arith.select %ge3A_103, %sub3A_106, %add3A_100 : vector<16xi1>, vector<16xi32>
      %add3A_108 = arith.constant 1 : i32
      %add3A_109 = vector.broadcast %add3A_108 : i32 to vector<16xi32>
      %add3A_110 = arith.addi %mul3A_9, %add3A_109 : vector<16xi32>
      tpu.vector_store_idx %arg10[%add3A_53, %add3A_110], %select_n3A_107 : memref<256x128xi32, #tpu.memory_space<vmem>>[vector<16xi32>, vector<16xi32>], vector<16xi32>,
      %add3A_111 = arith.constant -1914745798 : i32
      %add3A_112 = vector.broadcast %add3A_111 : i32 to vector<16xi32>
      %add3A_113 = arith.addi %add3A_49, %add3A_112 : vector<16xi32>
      %ge3A_114 = arith.constant -109408905 : i32
      %ge3A_115 = vector.broadcast %ge3A_114 : i32 to vector<16xi32>
      %ge3A_116 = arith.cmpi sge, %add3A_113, %ge3A_115 : vector<16xi32>
      %jit3A_117 = arith.constant 109408905 : i32
      %jit3A_118 = arith.constant -2147483648 : i32
      %broadcast_in_dim3A_119 = vector.broadcast %jit3A_117 : i32 to vector<16xi32>
      %broadcast_in_dim3A_120 = vector.broadcast %jit3A_118 : i32 to vector<16xi32>
      %select_n3A_121 = arith.select %ge3A_116, %broadcast_in_dim3A_119, %broadcast_in_dim3A_120 : vector<16xi1>, vector<16xi32>
      %add3A_122 = arith.addi %add3A_113, %select_n3A_121 : vector<16xi32>
      %shift_right_arithmetic3A_123 = arith.constant 20 : i32
      %shift_right_arithmetic3A_124 = vector.broadcast %shift_right_arithmetic3A_123 : i32 to vector<16xi32>
      %shift_right_arithmetic3A_125 = arith.shrsi %add3A_122, %shift_right_arithmetic3A_124 : vector<16xi32>
      %and3A_126 = arith.constant 1048575 : i32
      %and3A_127 = vector.broadcast %and3A_126 : i32 to vector<16xi32>
      %and3A_128 = arith.andi %add3A_122, %and3A_127 : vector<16xi32>
      %add3A_129 = arith.addi %shift_right_arithmetic3A_125, %and3A_128 : vector<16xi32>
      %ge3A_130 = arith.constant 1048575 : i32
      %ge3A_131 = vector.broadcast %ge3A_130 : i32 to vector<16xi32>
      %ge3A_132 = arith.cmpi sge, %add3A_129, %ge3A_131 : vector<16xi32>
      %sub3A_133 = arith.constant 1048575 : i32
      %sub3A_134 = vector.broadcast %sub3A_133 : i32 to vector<16xi32>
      %sub3A_135 = arith.subi %add3A_129, %sub3A_134 : vector<16xi32>
      %select_n3A_136 = arith.select %ge3A_132, %sub3A_135, %add3A_129 : vector<16xi1>, vector<16xi32>
      %add3A_137 = arith.constant 2 : i32
      %add3A_138 = vector.broadcast %add3A_137 : i32 to vector<16xi32>
      %add3A_139 = arith.addi %mul3A_9, %add3A_138 : vector<16xi32>
      tpu.vector_store_idx %arg10[%add3A_53, %add3A_139], %select_n3A_136 : memref<256x128xi32, #tpu.memory_space<vmem>>[vector<16xi32>, vector<16xi32>], vector<16xi32>,
      %add3A_140 = arith.constant -2127568300 : i32
      %add3A_141 = vector.broadcast %add3A_140 : i32 to vector<16xi32>
      %add3A_142 = arith.addi %add3A_49, %add3A_141 : vector<16xi32>
      %ge3A_143 = arith.constant -109408905 : i32
      %ge3A_144 = vector.broadcast %ge3A_143 : i32 to vector<16xi32>
      %ge3A_145 = arith.cmpi sge, %add3A_142, %ge3A_144 : vector<16xi32>
      %jit3A_146 = arith.constant 109408905 : i32
      %jit3A_147 = arith.constant -2147483648 : i32
      %broadcast_in_dim3A_148 = vector.broadcast %jit3A_146 : i32 to vector<16xi32>
      %broadcast_in_dim3A_149 = vector.broadcast %jit3A_147 : i32 to vector<16xi32>
      %select_n3A_150 = arith.select %ge3A_145, %broadcast_in_dim3A_148, %broadcast_in_dim3A_149 : vector<16xi1>, vector<16xi32>
      %add3A_151 = arith.addi %add3A_142, %select_n3A_150 : vector<16xi32>
      %shift_right_arithmetic3A_152 = arith.constant 20 : i32
      %shift_right_arithmetic3A_153 = vector.broadcast %shift_right_arithmetic3A_152 : i32 to vector<16xi32>
      %shift_right_arithmetic3A_154 = arith.shrsi %add3A_151, %shift_right_arithmetic3A_153 : vector<16xi32>
      %and3A_155 = arith.constant 1048575 : i32
      %and3A_156 = vector.broadcast %and3A_155 : i32 to vector<16xi32>
      %and3A_157 = arith.andi %add3A_151, %and3A_156 : vector<16xi32>
      %add3A_158 = arith.addi %shift_right_arithmetic3A_154, %and3A_157 : vector<16xi32>
      %ge3A_159 = arith.constant 1048575 : i32
      %ge3A_160 = vector.broadcast %ge3A_159 : i32 to vector<16xi32>
      %ge3A_161 = arith.cmpi sge, %add3A_158, %ge3A_160 : vector<16xi32>
      %sub3A_162 = arith.constant 1048575 : i32
      %sub3A_163 = vector.broadcast %sub3A_162 : i32 to vector<16xi32>
      %sub3A_164 = arith.subi %add3A_158, %sub3A_163 : vector<16xi32>
      %select_n3A_165 = arith.select %ge3A_161, %sub3A_164, %add3A_158 : vector<16xi1>, vector<16xi32>
      %add3A_166 = arith.constant 3 : i32
      %add3A_167 = vector.broadcast %add3A_166 : i32 to vector<16xi32>
      %add3A_168 = arith.addi %mul3A_9, %add3A_167 : vector<16xi32>
      tpu.vector_store_idx %arg10[%add3A_53, %add3A_168], %select_n3A_165 : memref<256x128xi32, #tpu.memory_space<vmem>>[vector<16xi32>, vector<16xi32>], vector<16xi32>,
      %add3A_169 = arith.constant -302316059 : i32
      %add3A_170 = vector.broadcast %add3A_169 : i32 to vector<16xi32>
      %add3A_171 = arith.addi %add3A_49, %add3A_170 : vector<16xi32>
      %ge3A_172 = arith.constant -109408905 : i32
      %ge3A_173 = vector.broadcast %ge3A_172 : i32 to vector<16xi32>
      %ge3A_174 = arith.cmpi sge, %add3A_171, %ge3A_173 : vector<16xi32>
      %jit3A_175 = arith.constant 109408905 : i32
      %jit3A_176 = arith.constant -2147483648 : i32
      %broadcast_in_dim3A_177 = vector.broadcast %jit3A_175 : i32 to vector<16xi32>
      %broadcast_in_dim3A_178 = vector.broadcast %jit3A_176 : i32 to vector<16xi32>
      %select_n3A_179 = arith.select %ge3A_174, %broadcast_in_dim3A_177, %broadcast_in_dim3A_178 : vector<16xi1>, vector<16xi32>
      %add3A_180 = arith.addi %add3A_171, %select_n3A_179 : vector<16xi32>
      %shift_right_arithmetic3A_181 = arith.constant 20 : i32
      %shift_right_arithmetic3A_182 = vector.broadcast %shift_right_arithmetic3A_181 : i32 to vector<16xi32>
      %shift_right_arithmetic3A_183 = arith.shrsi %add3A_180, %shift_right_arithmetic3A_182 : vector<16xi32>
      %and3A_184 = arith.constant 1048575 : i32
      %and3A_185 = vector.broadcast %and3A_184 : i32 to vector<16xi32>
      %and3A_186 = arith.andi %add3A_180, %and3A_185 : vector<16xi32>
      %add3A_187 = arith.addi %shift_right_arithmetic3A_183, %and3A_186 : vector<16xi32>
      %ge3A_188 = arith.constant 1048575 : i32
      %ge3A_189 = vector.broadcast %ge3A_188 : i32 to vector<16xi32>
      %ge3A_190 = arith.cmpi sge, %add3A_187, %ge3A_189 : vector<16xi32>
      %sub3A_191 = arith.constant 1048575 : i32
      %sub3A_192 = vector.broadcast %sub3A_191 : i32 to vector<16xi32>
      %sub3A_193 = arith.subi %add3A_187, %sub3A_192 : vector<16xi32>
      %select_n3A_194 = arith.select %ge3A_190, %sub3A_193, %add3A_187 : vector<16xi1>, vector<16xi32>
      %add3A_195 = arith.constant 4 : i32
      %add3A_196 = vector.broadcast %add3A_195 : i32 to vector<16xi32>
      %add3A_197 = arith.addi %mul3A_9, %add3A_196 : vector<16xi32>
      tpu.vector_store_idx %arg10[%add3A_53, %add3A_197], %select_n3A_194 : memref<256x128xi32, #tpu.memory_space<vmem>>[vector<16xi32>, vector<16xi32>], vector<16xi32>,
      %add3A_198 = arith.constant -515138561 : i32
      %add3A_199 = vector.broadcast %add3A_198 : i32 to vector<16xi32>
      %add3A_200 = arith.addi %add3A_49, %add3A_199 : vector<16xi32>
      %ge3A_201 = arith.constant -109408905 : i32
      %ge3A_202 = vector.broadcast %ge3A_201 : i32 to vector<16xi32>
      %ge3A_203 = arith.cmpi sge, %add3A_200, %ge3A_202 : vector<16xi32>
      %jit3A_204 = arith.constant 109408905 : i32
      %jit3A_205 = arith.constant -2147483648 : i32
      %broadcast_in_dim3A_206 = vector.broadcast %jit3A_204 : i32 to vector<16xi32>
      %broadcast_in_dim3A_207 = vector.broadcast %jit3A_205 : i32 to vector<16xi32>
      %select_n3A_208 = arith.select %ge3A_203, %broadcast_in_dim3A_206, %broadcast_in_dim3A_207 : vector<16xi1>, vector<16xi32>
      %add3A_209 = arith.addi %add3A_200, %select_n3A_208 : vector<16xi32>
      %shift_right_arithmetic3A_210 = arith.constant 20 : i32
      %shift_right_arithmetic3A_211 = vector.broadcast %shift_right_arithmetic3A_210 : i32 to vector<16xi32>
      %shift_right_arithmetic3A_212 = arith.shrsi %add3A_209, %shift_right_arithmetic3A_211 : vector<16xi32>
      %and3A_213 = arith.constant 1048575 : i32
      %and3A_214 = vector.broadcast %and3A_213 : i32 to vector<16xi32>
      %and3A_215 = arith.andi %add3A_209, %and3A_214 : vector<16xi32>
      %add3A_216 = arith.addi %shift_right_arithmetic3A_212, %and3A_215 : vector<16xi32>
      %ge3A_217 = arith.constant 1048575 : i32
      %ge3A_218 = vector.broadcast %ge3A_217 : i32 to vector<16xi32>
      %ge3A_219 = arith.cmpi sge, %add3A_216, %ge3A_218 : vector<16xi32>
      %sub3A_220 = arith.constant 1048575 : i32
      %sub3A_221 = vector.broadcast %sub3A_220 : i32 to vector<16xi32>
      %sub3A_222 = arith.subi %add3A_216, %sub3A_221 : vector<16xi32>
      %select_n3A_223 = arith.select %ge3A_219, %sub3A_222, %add3A_216 : vector<16xi1>, vector<16xi32>
      %add3A_224 = arith.constant 5 : i32
      %add3A_225 = vector.broadcast %add3A_224 : i32 to vector<16xi32>
      %add3A_226 = arith.addi %mul3A_9, %add3A_225 : vector<16xi32>
      tpu.vector_store_idx %arg10[%add3A_53, %add3A_226], %select_n3A_223 : memref<256x128xi32, #tpu.memory_space<vmem>>[vector<16xi32>, vector<16xi32>], vector<16xi32>,
      %add3A_227 = arith.constant -727961063 : i32
      %add3A_228 = vector.broadcast %add3A_227 : i32 to vector<16xi32>
      %add3A_229 = arith.addi %add3A_49, %add3A_228 : vector<16xi32>
      %ge3A_230 = arith.constant -109408905 : i32
      %ge3A_231 = vector.broadcast %ge3A_230 : i32 to vector<16xi32>
      %ge3A_232 = arith.cmpi sge, %add3A_229, %ge3A_231 : vector<16xi32>
      %jit3A_233 = arith.constant 109408905 : i32
      %jit3A_234 = arith.constant -2147483648 : i32
      %broadcast_in_dim3A_235 = vector.broadcast %jit3A_233 : i32 to vector<16xi32>
      %broadcast_in_dim3A_236 = vector.broadcast %jit3A_234 : i32 to vector<16xi32>
      %select_n3A_237 = arith.select %ge3A_232, %broadcast_in_dim3A_235, %broadcast_in_dim3A_236 : vector<16xi1>, vector<16xi32>
      %add3A_238 = arith.addi %add3A_229, %select_n3A_237 : vector<16xi32>
      %shift_right_arithmetic3A_239 = arith.constant 20 : i32
      %shift_right_arithmetic3A_240 = vector.broadcast %shift_right_arithmetic3A_239 : i32 to vector<16xi32>
      %shift_right_arithmetic3A_241 = arith.shrsi %add3A_238, %shift_right_arithmetic3A_240 : vector<16xi32>
      %and3A_242 = arith.constant 1048575 : i32
      %and3A_243 = vector.broadcast %and3A_242 : i32 to vector<16xi32>
      %and3A_244 = arith.andi %add3A_238, %and3A_243 : vector<16xi32>
      %add3A_245 = arith.addi %shift_right_arithmetic3A_241, %and3A_244 : vector<16xi32>
      %ge3A_246 = arith.constant 1048575 : i32
      %ge3A_247 = vector.broadcast %ge3A_246 : i32 to vector<16xi32>
      %ge3A_248 = arith.cmpi sge, %add3A_245, %ge3A_247 : vector<16xi32>
      %sub3A_249 = arith.constant 1048575 : i32
      %sub3A_250 = vector.broadcast %sub3A_249 : i32 to vector<16xi32>
      %sub3A_251 = arith.subi %add3A_245, %sub3A_250 : vector<16xi32>
      %select_n3A_252 = arith.select %ge3A_248, %sub3A_251, %add3A_245 : vector<16xi1>, vector<16xi32>
      %add3A_253 = arith.constant 6 : i32
      %add3A_254 = vector.broadcast %add3A_253 : i32 to vector<16xi32>
      %add3A_255 = arith.addi %mul3A_9, %add3A_254 : vector<16xi32>
      tpu.vector_store_idx %arg10[%add3A_53, %add3A_255], %select_n3A_252 : memref<256x128xi32, #tpu.memory_space<vmem>>[vector<16xi32>, vector<16xi32>], vector<16xi32>,
      %add3A_256 = arith.constant -940783565 : i32
      %add3A_257 = vector.broadcast %add3A_256 : i32 to vector<16xi32>
      %add3A_258 = arith.addi %add3A_49, %add3A_257 : vector<16xi32>
      %ge3A_259 = arith.constant -109408905 : i32
      %ge3A_260 = vector.broadcast %ge3A_259 : i32 to vector<16xi32>
      %ge3A_261 = arith.cmpi sge, %add3A_258, %ge3A_260 : vector<16xi32>
      %jit3A_262 = arith.constant 109408905 : i32
      %jit3A_263 = arith.constant -2147483648 : i32
      %broadcast_in_dim3A_264 = vector.broadcast %jit3A_262 : i32 to vector<16xi32>
      %broadcast_in_dim3A_265 = vector.broadcast %jit3A_263 : i32 to vector<16xi32>
      %select_n3A_266 = arith.select %ge3A_261, %broadcast_in_dim3A_264, %broadcast_in_dim3A_265 : vector<16xi1>, vector<16xi32>
      %add3A_267 = arith.addi %add3A_258, %select_n3A_266 : vector<16xi32>
      %shift_right_arithmetic3A_268 = arith.constant 20 : i32
      %shift_right_arithmetic3A_269 = vector.broadcast %shift_right_arithmetic3A_268 : i32 to vector<16xi32>
      %shift_right_arithmetic3A_270 = arith.shrsi %add3A_267, %shift_right_arithmetic3A_269 : vector<16xi32>
      %and3A_271 = arith.constant 1048575 : i32
      %and3A_272 = vector.broadcast %and3A_271 : i32 to vector<16xi32>
      %and3A_273 = arith.andi %add3A_267, %and3A_272 : vector<16xi32>
      %add3A_274 = arith.addi %shift_right_arithmetic3A_270, %and3A_273 : vector<16xi32>
      %ge3A_275 = arith.constant 1048575 : i32
      %ge3A_276 = vector.broadcast %ge3A_275 : i32 to vector<16xi32>
      %ge3A_277 = arith.cmpi sge, %add3A_274, %ge3A_276 : vector<16xi32>
      %sub3A_278 = arith.constant 1048575 : i32
      %sub3A_279 = vector.broadcast %sub3A_278 : i32 to vector<16xi32>
      %sub3A_280 = arith.subi %add3A_274, %sub3A_279 : vector<16xi32>
      %select_n3A_281 = arith.select %ge3A_277, %sub3A_280, %add3A_274 : vector<16xi1>, vector<16xi32>
      %add3A_282 = arith.constant 7 : i32
      %add3A_283 = vector.broadcast %add3A_282 : i32 to vector<16xi32>
      %add3A_284 = arith.addi %mul3A_9, %add3A_283 : vector<16xi32>
      tpu.vector_store_idx %arg10[%add3A_53, %add3A_284], %select_n3A_281 : memref<256x128xi32, #tpu.memory_space<vmem>>[vector<16xi32>, vector<16xi32>], vector<16xi32>,
      %add3A_285 = arith.constant -1153606067 : i32
      %add3A_286 = vector.broadcast %add3A_285 : i32 to vector<16xi32>
      %add3A_287 = arith.addi %add3A_49, %add3A_286 : vector<16xi32>
      %ge3A_288 = arith.constant -109408905 : i32
      %ge3A_289 = vector.broadcast %ge3A_288 : i32 to vector<16xi32>
      %ge3A_290 = arith.cmpi sge, %add3A_287, %ge3A_289 : vector<16xi32>
      %jit3A_291 = arith.constant 109408905 : i32
      %jit3A_292 = arith.constant -2147483648 : i32
      %broadcast_in_dim3A_293 = vector.broadcast %jit3A_291 : i32 to vector<16xi32>
      %broadcast_in_dim3A_294 = vector.broadcast %jit3A_292 : i32 to vector<16xi32>
      %select_n3A_295 = arith.select %ge3A_290, %broadcast_in_dim3A_293, %broadcast_in_dim3A_294 : vector<16xi1>, vector<16xi32>
      %add3A_296 = arith.addi %add3A_287, %select_n3A_295 : vector<16xi32>
      %shift_right_arithmetic3A_297 = arith.constant 20 : i32
      %shift_right_arithmetic3A_298 = vector.broadcast %shift_right_arithmetic3A_297 : i32 to vector<16xi32>
      %shift_right_arithmetic3A_299 = arith.shrsi %add3A_296, %shift_right_arithmetic3A_298 : vector<16xi32>
      %and3A_300 = arith.constant 1048575 : i32
      %and3A_301 = vector.broadcast %and3A_300 : i32 to vector<16xi32>
      %and3A_302 = arith.andi %add3A_296, %and3A_301 : vector<16xi32>
      %add3A_303 = arith.addi %shift_right_arithmetic3A_299, %and3A_302 : vector<16xi32>
      %ge3A_304 = arith.constant 1048575 : i32
      %ge3A_305 = vector.broadcast %ge3A_304 : i32 to vector<16xi32>
      %ge3A_306 = arith.cmpi sge, %add3A_303, %ge3A_305 : vector<16xi32>
      %sub3A_307 = arith.constant 1048575 : i32
      %sub3A_308 = vector.broadcast %sub3A_307 : i32 to vector<16xi32>
      %sub3A_309 = arith.subi %add3A_303, %sub3A_308 : vector<16xi32>
      %select_n3A_310 = arith.select %ge3A_306, %sub3A_309, %add3A_303 : vector<16xi1>, vector<16xi32>
      %add3A_311 = arith.constant 8 : i32
      %add3A_312 = vector.broadcast %add3A_311 : i32 to vector<16xi32>
      %add3A_313 = arith.addi %mul3A_9, %add3A_312 : vector<16xi32>
      tpu.vector_store_idx %arg10[%add3A_53, %add3A_313], %select_n3A_310 : memref<256x128xi32, #tpu.memory_space<vmem>>[vector<16xi32>, vector<16xi32>], vector<16xi32>,
      %add3A_314 = arith.constant -1366428569 : i32
      %add3A_315 = vector.broadcast %add3A_314 : i32 to vector<16xi32>
      %add3A_316 = arith.addi %add3A_49, %add3A_315 : vector<16xi32>
      %ge3A_317 = arith.constant -109408905 : i32
      %ge3A_318 = vector.broadcast %ge3A_317 : i32 to vector<16xi32>
      %ge3A_319 = arith.cmpi sge, %add3A_316, %ge3A_318 : vector<16xi32>
      %jit3A_320 = arith.constant 109408905 : i32
      %jit3A_321 = arith.constant -2147483648 : i32
      %broadcast_in_dim3A_322 = vector.broadcast %jit3A_320 : i32 to vector<16xi32>
      %broadcast_in_dim3A_323 = vector.broadcast %jit3A_321 : i32 to vector<16xi32>
      %select_n3A_324 = arith.select %ge3A_319, %broadcast_in_dim3A_322, %broadcast_in_dim3A_323 : vector<16xi1>, vector<16xi32>
      %add3A_325 = arith.addi %add3A_316, %select_n3A_324 : vector<16xi32>
      %shift_right_arithmetic3A_326 = arith.constant 20 : i32
      %shift_right_arithmetic3A_327 = vector.broadcast %shift_right_arithmetic3A_326 : i32 to vector<16xi32>
      %shift_right_arithmetic3A_328 = arith.shrsi %add3A_325, %shift_right_arithmetic3A_327 : vector<16xi32>
      %and3A_329 = arith.constant 1048575 : i32
      %and3A_330 = vector.broadcast %and3A_329 : i32 to vector<16xi32>
      %and3A_331 = arith.andi %add3A_325, %and3A_330 : vector<16xi32>
      %add3A_332 = arith.addi %shift_right_arithmetic3A_328, %and3A_331 : vector<16xi32>
      %ge3A_333 = arith.constant 1048575 : i32
      %ge3A_334 = vector.broadcast %ge3A_333 : i32 to vector<16xi32>
      %ge3A_335 = arith.cmpi sge, %add3A_332, %ge3A_334 : vector<16xi32>
      %sub3A_336 = arith.constant 1048575 : i32
      %sub3A_337 = vector.broadcast %sub3A_336 : i32 to vector<16xi32>
      %sub3A_338 = arith.subi %add3A_332, %sub3A_337 : vector<16xi32>
      %select_n3A_339 = arith.select %ge3A_335, %sub3A_338, %add3A_332 : vector<16xi1>, vector<16xi32>
      %add3A_340 = arith.constant 9 : i32
      %add3A_341 = vector.broadcast %add3A_340 : i32 to vector<16xi32>
      %add3A_342 = arith.addi %mul3A_9, %add3A_341 : vector<16xi32>
      tpu.vector_store_idx %arg10[%add3A_53, %add3A_342], %select_n3A_339 : memref<256x128xi32, #tpu.memory_space<vmem>>[vector<16xi32>, vector<16xi32>], vector<16xi32>,
      %add3A_343 = arith.constant -1579251071 : i32
      %add3A_344 = vector.broadcast %add3A_343 : i32 to vector<16xi32>
      %add3A_345 = arith.addi %add3A_49, %add3A_344 : vector<16xi32>
      %ge3A_346 = arith.constant -109408905 : i32
      %ge3A_347 = vector.broadcast %ge3A_346 : i32 to vector<16xi32>
      %ge3A_348 = arith.cmpi sge, %add3A_345, %ge3A_347 : vector<16xi32>
      %jit3A_349 = arith.constant 109408905 : i32
      %jit3A_350 = arith.constant -2147483648 : i32
      %broadcast_in_dim3A_351 = vector.broadcast %jit3A_349 : i32 to vector<16xi32>
      %broadcast_in_dim3A_352 = vector.broadcast %jit3A_350 : i32 to vector<16xi32>
      %select_n3A_353 = arith.select %ge3A_348, %broadcast_in_dim3A_351, %broadcast_in_dim3A_352 : vector<16xi1>, vector<16xi32>
      %add3A_354 = arith.addi %add3A_345, %select_n3A_353 : vector<16xi32>
      %shift_right_arithmetic3A_355 = arith.constant 20 : i32
      %shift_right_arithmetic3A_356 = vector.broadcast %shift_right_arithmetic3A_355 : i32 to vector<16xi32>
      %shift_right_arithmetic3A_357 = arith.shrsi %add3A_354, %shift_right_arithmetic3A_356 : vector<16xi32>
      %and3A_358 = arith.constant 1048575 : i32
      %and3A_359 = vector.broadcast %and3A_358 : i32 to vector<16xi32>
      %and3A_360 = arith.andi %add3A_354, %and3A_359 : vector<16xi32>
      %add3A_361 = arith.addi %shift_right_arithmetic3A_357, %and3A_360 : vector<16xi32>
      %ge3A_362 = arith.constant 1048575 : i32
      %ge3A_363 = vector.broadcast %ge3A_362 : i32 to vector<16xi32>
      %ge3A_364 = arith.cmpi sge, %add3A_361, %ge3A_363 : vector<16xi32>
      %sub3A_365 = arith.constant 1048575 : i32
      %sub3A_366 = vector.broadcast %sub3A_365 : i32 to vector<16xi32>
      %sub3A_367 = arith.subi %add3A_361, %sub3A_366 : vector<16xi32>
      %select_n3A_368 = arith.select %ge3A_364, %sub3A_367, %add3A_361 : vector<16xi1>, vector<16xi32>
      %add3A_369 = arith.constant 10 : i32
      %add3A_370 = vector.broadcast %add3A_369 : i32 to vector<16xi32>
      %add3A_371 = arith.addi %mul3A_9, %add3A_370 : vector<16xi32>
      tpu.vector_store_idx %arg10[%add3A_53, %add3A_371], %select_n3A_368 : memref<256x128xi32, #tpu.memory_space<vmem>>[vector<16xi32>, vector<16xi32>], vector<16xi32>,
      %add3A_372 = arith.constant -1792073573 : i32
      %add3A_373 = vector.broadcast %add3A_372 : i32 to vector<16xi32>
      %add3A_374 = arith.addi %add3A_49, %add3A_373 : vector<16xi32>
      %ge3A_375 = arith.constant -109408905 : i32
      %ge3A_376 = vector.broadcast %ge3A_375 : i32 to vector<16xi32>
      %ge3A_377 = arith.cmpi sge, %add3A_374, %ge3A_376 : vector<16xi32>
      %jit3A_378 = arith.constant 109408905 : i32
      %jit3A_379 = arith.constant -2147483648 : i32
      %broadcast_in_dim3A_380 = vector.broadcast %jit3A_378 : i32 to vector<16xi32>
      %broadcast_in_dim3A_381 = vector.broadcast %jit3A_379 : i32 to vector<16xi32>
      %select_n3A_382 = arith.select %ge3A_377, %broadcast_in_dim3A_380, %broadcast_in_dim3A_381 : vector<16xi1>, vector<16xi32>
      %add3A_383 = arith.addi %add3A_374, %select_n3A_382 : vector<16xi32>
      %shift_right_arithmetic3A_384 = arith.constant 20 : i32
      %shift_right_arithmetic3A_385 = vector.broadcast %shift_right_arithmetic3A_384 : i32 to vector<16xi32>
      %shift_right_arithmetic3A_386 = arith.shrsi %add3A_383, %shift_right_arithmetic3A_385 : vector<16xi32>
      %and3A_387 = arith.constant 1048575 : i32
      %and3A_388 = vector.broadcast %and3A_387 : i32 to vector<16xi32>
      %and3A_389 = arith.andi %add3A_383, %and3A_388 : vector<16xi32>
      %add3A_390 = arith.addi %shift_right_arithmetic3A_386, %and3A_389 : vector<16xi32>
      %ge3A_391 = arith.constant 1048575 : i32
      %ge3A_392 = vector.broadcast %ge3A_391 : i32 to vector<16xi32>
      %ge3A_393 = arith.cmpi sge, %add3A_390, %ge3A_392 : vector<16xi32>
      %sub3A_394 = arith.constant 1048575 : i32
      %sub3A_395 = vector.broadcast %sub3A_394 : i32 to vector<16xi32>
      %sub3A_396 = arith.subi %add3A_390, %sub3A_395 : vector<16xi32>
      %select_n3A_397 = arith.select %ge3A_393, %sub3A_396, %add3A_390 : vector<16xi1>, vector<16xi32>
      %add3A_398 = arith.constant 11 : i32
      %add3A_399 = vector.broadcast %add3A_398 : i32 to vector<16xi32>
      %add3A_400 = arith.addi %mul3A_9, %add3A_399 : vector<16xi32>
      tpu.vector_store_idx %arg10[%add3A_53, %add3A_400], %select_n3A_397 : memref<256x128xi32, #tpu.memory_space<vmem>>[vector<16xi32>, vector<16xi32>], vector<16xi32>,
      %add3A_401 = arith.constant -2004896075 : i32
      %add3A_402 = vector.broadcast %add3A_401 : i32 to vector<16xi32>
      %add3A_403 = arith.addi %add3A_49, %add3A_402 : vector<16xi32>
      %ge3A_404 = arith.constant -109408905 : i32
      %ge3A_405 = vector.broadcast %ge3A_404 : i32 to vector<16xi32>
      %ge3A_406 = arith.cmpi sge, %add3A_403, %ge3A_405 : vector<16xi32>
      %jit3A_407 = arith.constant 109408905 : i32
      %jit3A_408 = arith.constant -2147483648 : i32
      %broadcast_in_dim3A_409 = vector.broadcast %jit3A_407 : i32 to vector<16xi32>
      %broadcast_in_dim3A_410 = vector.broadcast %jit3A_408 : i32 to vector<16xi32>
      %select_n3A_411 = arith.select %ge3A_406, %broadcast_in_dim3A_409, %broadcast_in_dim3A_410 : vector<16xi1>, vector<16xi32>
      %add3A_412 = arith.addi %add3A_403, %select_n3A_411 : vector<16xi32>
      %shift_right_arithmetic3A_413 = arith.constant 20 : i32
      %shift_right_arithmetic3A_414 = vector.broadcast %shift_right_arithmetic3A_413 : i32 to vector<16xi32>
      %shift_right_arithmetic3A_415 = arith.shrsi %add3A_412, %shift_right_arithmetic3A_414 : vector<16xi32>
      %and3A_416 = arith.constant 1048575 : i32
      %and3A_417 = vector.broadcast %and3A_416 : i32 to vector<16xi32>
      %and3A_418 = arith.andi %add3A_412, %and3A_417 : vector<16xi32>
      %add3A_419 = arith.addi %shift_right_arithmetic3A_415, %and3A_418 : vector<16xi32>
      %ge3A_420 = arith.constant 1048575 : i32
      %ge3A_421 = vector.broadcast %ge3A_420 : i32 to vector<16xi32>
      %ge3A_422 = arith.cmpi sge, %add3A_419, %ge3A_421 : vector<16xi32>
      %sub3A_423 = arith.constant 1048575 : i32
      %sub3A_424 = vector.broadcast %sub3A_423 : i32 to vector<16xi32>
      %sub3A_425 = arith.subi %add3A_419, %sub3A_424 : vector<16xi32>
      %select_n3A_426 = arith.select %ge3A_422, %sub3A_425, %add3A_419 : vector<16xi1>, vector<16xi32>
      %add3A_427 = arith.constant 12 : i32
      %add3A_428 = vector.broadcast %add3A_427 : i32 to vector<16xi32>
      %add3A_429 = arith.addi %mul3A_9, %add3A_428 : vector<16xi32>
      tpu.vector_store_idx %arg10[%add3A_53, %add3A_429], %select_n3A_426 : memref<256x128xi32, #tpu.memory_space<vmem>>[vector<16xi32>, vector<16xi32>], vector<16xi32>,
      %add3A_430 = arith.constant -179643834 : i32
      %add3A_431 = vector.broadcast %add3A_430 : i32 to vector<16xi32>
      %add3A_432 = arith.addi %add3A_49, %add3A_431 : vector<16xi32>
      %ge3A_433 = arith.constant -109408905 : i32
      %ge3A_434 = vector.broadcast %ge3A_433 : i32 to vector<16xi32>
      %ge3A_435 = arith.cmpi sge, %add3A_432, %ge3A_434 : vector<16xi32>
      %jit3A_436 = arith.constant 109408905 : i32
      %jit3A_437 = arith.constant -2147483648 : i32
      %broadcast_in_dim3A_438 = vector.broadcast %jit3A_436 : i32 to vector<16xi32>
      %broadcast_in_dim3A_439 = vector.broadcast %jit3A_437 : i32 to vector<16xi32>
      %select_n3A_440 = arith.select %ge3A_435, %broadcast_in_dim3A_438, %broadcast_in_dim3A_439 : vector<16xi1>, vector<16xi32>
      %add3A_441 = arith.addi %add3A_432, %select_n3A_440 : vector<16xi32>
      %shift_right_arithmetic3A_442 = arith.constant 20 : i32
      %shift_right_arithmetic3A_443 = vector.broadcast %shift_right_arithmetic3A_442 : i32 to vector<16xi32>
      %shift_right_arithmetic3A_444 = arith.shrsi %add3A_441, %shift_right_arithmetic3A_443 : vector<16xi32>
      %and3A_445 = arith.constant 1048575 : i32
      %and3A_446 = vector.broadcast %and3A_445 : i32 to vector<16xi32>
      %and3A_447 = arith.andi %add3A_441, %and3A_446 : vector<16xi32>
      %add3A_448 = arith.addi %shift_right_arithmetic3A_444, %and3A_447 : vector<16xi32>
      %ge3A_449 = arith.constant 1048575 : i32
      %ge3A_450 = vector.broadcast %ge3A_449 : i32 to vector<16xi32>
      %ge3A_451 = arith.cmpi sge, %add3A_448, %ge3A_450 : vector<16xi32>
      %sub3A_452 = arith.constant 1048575 : i32
      %sub3A_453 = vector.broadcast %sub3A_452 : i32 to vector<16xi32>
      %sub3A_454 = arith.subi %add3A_448, %sub3A_453 : vector<16xi32>
      %select_n3A_455 = arith.select %ge3A_451, %sub3A_454, %add3A_448 : vector<16xi1>, vector<16xi32>
      %add3A_456 = arith.constant 13 : i32
      %add3A_457 = vector.broadcast %add3A_456 : i32 to vector<16xi32>
      %add3A_458 = arith.addi %mul3A_9, %add3A_457 : vector<16xi32>
      tpu.vector_store_idx %arg10[%add3A_53, %add3A_458], %select_n3A_455 : memref<256x128xi32, #tpu.memory_space<vmem>>[vector<16xi32>, vector<16xi32>], vector<16xi32>,
      %add3A_459 = arith.constant -392466336 : i32
      %add3A_460 = vector.broadcast %add3A_459 : i32 to vector<16xi32>
      %add3A_461 = arith.addi %add3A_49, %add3A_460 : vector<16xi32>
      %ge3A_462 = arith.constant -109408905 : i32
      %ge3A_463 = vector.broadcast %ge3A_462 : i32 to vector<16xi32>
      %ge3A_464 = arith.cmpi sge, %add3A_461, %ge3A_463 : vector<16xi32>
      %jit3A_465 = arith.constant 109408905 : i32
      %jit3A_466 = arith.constant -2147483648 : i32
      %broadcast_in_dim3A_467 = vector.broadcast %jit3A_465 : i32 to vector<16xi32>
      %broadcast_in_dim3A_468 = vector.broadcast %jit3A_466 : i32 to vector<16xi32>
      %select_n3A_469 = arith.select %ge3A_464, %broadcast_in_dim3A_467, %broadcast_in_dim3A_468 : vector<16xi1>, vector<16xi32>
      %add3A_470 = arith.addi %add3A_461, %select_n3A_469 : vector<16xi32>
      %shift_right_arithmetic3A_471 = arith.constant 20 : i32
      %shift_right_arithmetic3A_472 = vector.broadcast %shift_right_arithmetic3A_471 : i32 to vector<16xi32>
      %shift_right_arithmetic3A_473 = arith.shrsi %add3A_470, %shift_right_arithmetic3A_472 : vector<16xi32>
      %and3A_474 = arith.constant 1048575 : i32
      %and3A_475 = vector.broadcast %and3A_474 : i32 to vector<16xi32>
      %and3A_476 = arith.andi %add3A_470, %and3A_475 : vector<16xi32>
      %add3A_477 = arith.addi %shift_right_arithmetic3A_473, %and3A_476 : vector<16xi32>
      %ge3A_478 = arith.constant 1048575 : i32
      %ge3A_479 = vector.broadcast %ge3A_478 : i32 to vector<16xi32>
      %ge3A_480 = arith.cmpi sge, %add3A_477, %ge3A_479 : vector<16xi32>
      %sub3A_481 = arith.constant 1048575 : i32
      %sub3A_482 = vector.broadcast %sub3A_481 : i32 to vector<16xi32>
      %sub3A_483 = arith.subi %add3A_477, %sub3A_482 : vector<16xi32>
      %select_n3A_484 = arith.select %ge3A_480, %sub3A_483, %add3A_477 : vector<16xi1>, vector<16xi32>
      %add3A_485 = arith.constant 14 : i32
      %add3A_486 = vector.broadcast %add3A_485 : i32 to vector<16xi32>
      %add3A_487 = arith.addi %mul3A_9, %add3A_486 : vector<16xi32>
      tpu.vector_store_idx %arg10[%add3A_53, %add3A_487], %select_n3A_484 : memref<256x128xi32, #tpu.memory_space<vmem>>[vector<16xi32>, vector<16xi32>], vector<16xi32>,
      %add3A_488 = arith.constant -605288838 : i32
      %add3A_489 = vector.broadcast %add3A_488 : i32 to vector<16xi32>
      %add3A_490 = arith.addi %add3A_49, %add3A_489 : vector<16xi32>
      %ge3A_491 = arith.constant -109408905 : i32
      %ge3A_492 = vector.broadcast %ge3A_491 : i32 to vector<16xi32>
      %ge3A_493 = arith.cmpi sge, %add3A_490, %ge3A_492 : vector<16xi32>
      %jit3A_494 = arith.constant 109408905 : i32
      %jit3A_495 = arith.constant -2147483648 : i32
      %broadcast_in_dim3A_496 = vector.broadcast %jit3A_494 : i32 to vector<16xi32>
      %broadcast_in_dim3A_497 = vector.broadcast %jit3A_495 : i32 to vector<16xi32>
      %select_n3A_498 = arith.select %ge3A_493, %broadcast_in_dim3A_496, %broadcast_in_dim3A_497 : vector<16xi1>, vector<16xi32>
      %add3A_499 = arith.addi %add3A_490, %select_n3A_498 : vector<16xi32>
      %shift_right_arithmetic3A_500 = arith.constant 20 : i32
      %shift_right_arithmetic3A_501 = vector.broadcast %shift_right_arithmetic3A_500 : i32 to vector<16xi32>
      %shift_right_arithmetic3A_502 = arith.shrsi %add3A_499, %shift_right_arithmetic3A_501 : vector<16xi32>
      %and3A_503 = arith.constant 1048575 : i32
      %and3A_504 = vector.broadcast %and3A_503 : i32 to vector<16xi32>
      %and3A_505 = arith.andi %add3A_499, %and3A_504 : vector<16xi32>
      %add3A_506 = arith.addi %shift_right_arithmetic3A_502, %and3A_505 : vector<16xi32>
      %ge3A_507 = arith.constant 1048575 : i32
      %ge3A_508 = vector.broadcast %ge3A_507 : i32 to vector<16xi32>
      %ge3A_509 = arith.cmpi sge, %add3A_506, %ge3A_508 : vector<16xi32>
      %sub3A_510 = arith.constant 1048575 : i32
      %sub3A_511 = vector.broadcast %sub3A_510 : i32 to vector<16xi32>
      %sub3A_512 = arith.subi %add3A_506, %sub3A_511 : vector<16xi32>
      %select_n3A_513 = arith.select %ge3A_509, %sub3A_512, %add3A_506 : vector<16xi1>, vector<16xi32>
      %add3A_514 = arith.constant 15 : i32
      %add3A_515 = vector.broadcast %add3A_514 : i32 to vector<16xi32>
      %add3A_516 = arith.addi %mul3A_9, %add3A_515 : vector<16xi32>
      tpu.vector_store_idx %arg10[%add3A_53, %add3A_516], %select_n3A_513 : memref<256x128xi32, #tpu.memory_space<vmem>>[vector<16xi32>, vector<16xi32>], vector<16xi32>,
      %add3A_517 = arith.constant -818111340 : i32
      %add3A_518 = vector.broadcast %add3A_517 : i32 to vector<16xi32>
      %add3A_519 = arith.addi %add3A_49, %add3A_518 : vector<16xi32>
      %ge3A_520 = arith.constant -109408905 : i32
      %ge3A_521 = vector.broadcast %ge3A_520 : i32 to vector<16xi32>
      %ge3A_522 = arith.cmpi sge, %add3A_519, %ge3A_521 : vector<16xi32>
      %jit3A_523 = arith.constant 109408905 : i32
      %jit3A_524 = arith.constant -2147483648 : i32
      %broadcast_in_dim3A_525 = vector.broadcast %jit3A_523 : i32 to vector<16xi32>
      %broadcast_in_dim3A_526 = vector.broadcast %jit3A_524 : i32 to vector<16xi32>
      %select_n3A_527 = arith.select %ge3A_522, %broadcast_in_dim3A_525, %broadcast_in_dim3A_526 : vector<16xi1>, vector<16xi32>
      %add3A_528 = arith.addi %add3A_519, %select_n3A_527 : vector<16xi32>
      %shift_right_arithmetic3A_529 = arith.constant 20 : i32
      %shift_right_arithmetic3A_530 = vector.broadcast %shift_right_arithmetic3A_529 : i32 to vector<16xi32>
      %shift_right_arithmetic3A_531 = arith.shrsi %add3A_528, %shift_right_arithmetic3A_530 : vector<16xi32>
      %and3A_532 = arith.constant 1048575 : i32
      %and3A_533 = vector.broadcast %and3A_532 : i32 to vector<16xi32>
      %and3A_534 = arith.andi %add3A_528, %and3A_533 : vector<16xi32>
      %add3A_535 = arith.addi %shift_right_arithmetic3A_531, %and3A_534 : vector<16xi32>
      %ge3A_536 = arith.constant 1048575 : i32
      %ge3A_537 = vector.broadcast %ge3A_536 : i32 to vector<16xi32>
      %ge3A_538 = arith.cmpi sge, %add3A_535, %ge3A_537 : vector<16xi32>
      %sub3A_539 = arith.constant 1048575 : i32
      %sub3A_540 = vector.broadcast %sub3A_539 : i32 to vector<16xi32>
      %sub3A_541 = arith.subi %add3A_535, %sub3A_540 : vector<16xi32>
      %select_n3A_542 = arith.select %ge3A_538, %sub3A_541, %add3A_535 : vector<16xi1>, vector<16xi32>
      %add3A_543 = arith.constant 16 : i32
      %add3A_544 = vector.broadcast %add3A_543 : i32 to vector<16xi32>
      %add3A_545 = arith.addi %mul3A_9, %add3A_544 : vector<16xi32>
      tpu.vector_store_idx %arg10[%add3A_53, %add3A_545], %select_n3A_542 : memref<256x128xi32, #tpu.memory_space<vmem>>[vector<16xi32>, vector<16xi32>], vector<16xi32>,
      %add3A_546 = arith.constant -1030933842 : i32
      %add3A_547 = vector.broadcast %add3A_546 : i32 to vector<16xi32>
      %add3A_548 = arith.addi %add3A_49, %add3A_547 : vector<16xi32>
      %ge3A_549 = arith.constant -109408905 : i32
      %ge3A_550 = vector.broadcast %ge3A_549 : i32 to vector<16xi32>
      %ge3A_551 = arith.cmpi sge, %add3A_548, %ge3A_550 : vector<16xi32>
      %jit3A_552 = arith.constant 109408905 : i32
      %jit3A_553 = arith.constant -2147483648 : i32
      %broadcast_in_dim3A_554 = vector.broadcast %jit3A_552 : i32 to vector<16xi32>
      %broadcast_in_dim3A_555 = vector.broadcast %jit3A_553 : i32 to vector<16xi32>
      %select_n3A_556 = arith.select %ge3A_551, %broadcast_in_dim3A_554, %broadcast_in_dim3A_555 : vector<16xi1>, vector<16xi32>
      %add3A_557 = arith.addi %add3A_548, %select_n3A_556 : vector<16xi32>
      %shift_right_arithmetic3A_558 = arith.constant 20 : i32
      %shift_right_arithmetic3A_559 = vector.broadcast %shift_right_arithmetic3A_558 : i32 to vector<16xi32>
      %shift_right_arithmetic3A_560 = arith.shrsi %add3A_557, %shift_right_arithmetic3A_559 : vector<16xi32>
      %and3A_561 = arith.constant 1048575 : i32
      %and3A_562 = vector.broadcast %and3A_561 : i32 to vector<16xi32>
      %and3A_563 = arith.andi %add3A_557, %and3A_562 : vector<16xi32>
      %add3A_564 = arith.addi %shift_right_arithmetic3A_560, %and3A_563 : vector<16xi32>
      %ge3A_565 = arith.constant 1048575 : i32
      %ge3A_566 = vector.broadcast %ge3A_565 : i32 to vector<16xi32>
      %ge3A_567 = arith.cmpi sge, %add3A_564, %ge3A_566 : vector<16xi32>
      %sub3A_568 = arith.constant 1048575 : i32
      %sub3A_569 = vector.broadcast %sub3A_568 : i32 to vector<16xi32>
      %sub3A_570 = arith.subi %add3A_564, %sub3A_569 : vector<16xi32>
      %select_n3A_571 = arith.select %ge3A_567, %sub3A_570, %add3A_564 : vector<16xi1>, vector<16xi32>
      %add3A_572 = arith.constant 17 : i32
      %add3A_573 = vector.broadcast %add3A_572 : i32 to vector<16xi32>
      %add3A_574 = arith.addi %mul3A_9, %add3A_573 : vector<16xi32>
      tpu.vector_store_idx %arg10[%add3A_53, %add3A_574], %select_n3A_571 : memref<256x128xi32, #tpu.memory_space<vmem>>[vector<16xi32>, vector<16xi32>], vector<16xi32>,
      %add3A_575 = arith.constant -1243756344 : i32
      %add3A_576 = vector.broadcast %add3A_575 : i32 to vector<16xi32>
      %add3A_577 = arith.addi %add3A_49, %add3A_576 : vector<16xi32>
      %ge3A_578 = arith.constant -109408905 : i32
      %ge3A_579 = vector.broadcast %ge3A_578 : i32 to vector<16xi32>
      %ge3A_580 = arith.cmpi sge, %add3A_577, %ge3A_579 : vector<16xi32>
      %jit3A_581 = arith.constant 109408905 : i32
      %jit3A_582 = arith.constant -2147483648 : i32
      %broadcast_in_dim3A_583 = vector.broadcast %jit3A_581 : i32 to vector<16xi32>
      %broadcast_in_dim3A_584 = vector.broadcast %jit3A_582 : i32 to vector<16xi32>
      %select_n3A_585 = arith.select %ge3A_580, %broadcast_in_dim3A_583, %broadcast_in_dim3A_584 : vector<16xi1>, vector<16xi32>
      %add3A_586 = arith.addi %add3A_577, %select_n3A_585 : vector<16xi32>
      %shift_right_arithmetic3A_587 = arith.constant 20 : i32
      %shift_right_arithmetic3A_588 = vector.broadcast %shift_right_arithmetic3A_587 : i32 to vector<16xi32>
      %shift_right_arithmetic3A_589 = arith.shrsi %add3A_586, %shift_right_arithmetic3A_588 : vector<16xi32>
      %and3A_590 = arith.constant 1048575 : i32
      %and3A_591 = vector.broadcast %and3A_590 : i32 to vector<16xi32>
      %and3A_592 = arith.andi %add3A_586, %and3A_591 : vector<16xi32>
      %add3A_593 = arith.addi %shift_right_arithmetic3A_589, %and3A_592 : vector<16xi32>
      %ge3A_594 = arith.constant 1048575 : i32
      %ge3A_595 = vector.broadcast %ge3A_594 : i32 to vector<16xi32>
      %ge3A_596 = arith.cmpi sge, %add3A_593, %ge3A_595 : vector<16xi32>
      %sub3A_597 = arith.constant 1048575 : i32
      %sub3A_598 = vector.broadcast %sub3A_597 : i32 to vector<16xi32>
      %sub3A_599 = arith.subi %add3A_593, %sub3A_598 : vector<16xi32>
      %select_n3A_600 = arith.select %ge3A_596, %sub3A_599, %add3A_593 : vector<16xi1>, vector<16xi32>
      %add3A_601 = arith.constant 18 : i32
      %add3A_602 = vector.broadcast %add3A_601 : i32 to vector<16xi32>
      %add3A_603 = arith.addi %mul3A_9, %add3A_602 : vector<16xi32>
      tpu.vector_store_idx %arg10[%add3A_53, %add3A_603], %select_n3A_600 : memref<256x128xi32, #tpu.memory_space<vmem>>[vector<16xi32>, vector<16xi32>], vector<16xi32>,
      %add3A_604 = arith.constant -1456578846 : i32
      %add3A_605 = vector.broadcast %add3A_604 : i32 to vector<16xi32>
      %add3A_606 = arith.addi %add3A_49, %add3A_605 : vector<16xi32>
      %ge3A_607 = arith.constant -109408905 : i32
      %ge3A_608 = vector.broadcast %ge3A_607 : i32 to vector<16xi32>
      %ge3A_609 = arith.cmpi sge, %add3A_606, %ge3A_608 : vector<16xi32>
      %jit3A_610 = arith.constant 109408905 : i32
      %jit3A_611 = arith.constant -2147483648 : i32
      %broadcast_in_dim3A_612 = vector.broadcast %jit3A_610 : i32 to vector<16xi32>
      %broadcast_in_dim3A_613 = vector.broadcast %jit3A_611 : i32 to vector<16xi32>
      %select_n3A_614 = arith.select %ge3A_609, %broadcast_in_dim3A_612, %broadcast_in_dim3A_613 : vector<16xi1>, vector<16xi32>
      %add3A_615 = arith.addi %add3A_606, %select_n3A_614 : vector<16xi32>
      %shift_right_arithmetic3A_616 = arith.constant 20 : i32
      %shift_right_arithmetic3A_617 = vector.broadcast %shift_right_arithmetic3A_616 : i32 to vector<16xi32>
      %shift_right_arithmetic3A_618 = arith.shrsi %add3A_615, %shift_right_arithmetic3A_617 : vector<16xi32>
      %and3A_619 = arith.constant 1048575 : i32
      %and3A_620 = vector.broadcast %and3A_619 : i32 to vector<16xi32>
      %and3A_621 = arith.andi %add3A_615, %and3A_620 : vector<16xi32>
      %add3A_622 = arith.addi %shift_right_arithmetic3A_618, %and3A_621 : vector<16xi32>
      %ge3A_623 = arith.constant 1048575 : i32
      %ge3A_624 = vector.broadcast %ge3A_623 : i32 to vector<16xi32>
      %ge3A_625 = arith.cmpi sge, %add3A_622, %ge3A_624 : vector<16xi32>
      %sub3A_626 = arith.constant 1048575 : i32
      %sub3A_627 = vector.broadcast %sub3A_626 : i32 to vector<16xi32>
      %sub3A_628 = arith.subi %add3A_622, %sub3A_627 : vector<16xi32>
      %select_n3A_629 = arith.select %ge3A_625, %sub3A_628, %add3A_622 : vector<16xi1>, vector<16xi32>
      %add3A_630 = arith.constant 19 : i32
      %add3A_631 = vector.broadcast %add3A_630 : i32 to vector<16xi32>
      %add3A_632 = arith.addi %mul3A_9, %add3A_631 : vector<16xi32>
      tpu.vector_store_idx %arg10[%add3A_53, %add3A_632], %select_n3A_629 : memref<256x128xi32, #tpu.memory_space<vmem>>[vector<16xi32>, vector<16xi32>], vector<16xi32>,
      %add3A_633 = arith.constant -1669401348 : i32
      %add3A_634 = vector.broadcast %add3A_633 : i32 to vector<16xi32>
      %add3A_635 = arith.addi %add3A_49, %add3A_634 : vector<16xi32>
      %ge3A_636 = arith.constant -109408905 : i32
      %ge3A_637 = vector.broadcast %ge3A_636 : i32 to vector<16xi32>
      %ge3A_638 = arith.cmpi sge, %add3A_635, %ge3A_637 : vector<16xi32>
      %jit3A_639 = arith.constant 109408905 : i32
      %jit3A_640 = arith.constant -2147483648 : i32
      %broadcast_in_dim3A_641 = vector.broadcast %jit3A_639 : i32 to vector<16xi32>
      %broadcast_in_dim3A_642 = vector.broadcast %jit3A_640 : i32 to vector<16xi32>
      %select_n3A_643 = arith.select %ge3A_638, %broadcast_in_dim3A_641, %broadcast_in_dim3A_642 : vector<16xi1>, vector<16xi32>
      %add3A_644 = arith.addi %add3A_635, %select_n3A_643 : vector<16xi32>
      %shift_right_arithmetic3A_645 = arith.constant 20 : i32
      %shift_right_arithmetic3A_646 = vector.broadcast %shift_right_arithmetic3A_645 : i32 to vector<16xi32>
      %shift_right_arithmetic3A_647 = arith.shrsi %add3A_644, %shift_right_arithmetic3A_646 : vector<16xi32>
      %and3A_648 = arith.constant 1048575 : i32
      %and3A_649 = vector.broadcast %and3A_648 : i32 to vector<16xi32>
      %and3A_650 = arith.andi %add3A_644, %and3A_649 : vector<16xi32>
      %add3A_651 = arith.addi %shift_right_arithmetic3A_647, %and3A_650 : vector<16xi32>
      %ge3A_652 = arith.constant 1048575 : i32
      %ge3A_653 = vector.broadcast %ge3A_652 : i32 to vector<16xi32>
      %ge3A_654 = arith.cmpi sge, %add3A_651, %ge3A_653 : vector<16xi32>
      %sub3A_655 = arith.constant 1048575 : i32
      %sub3A_656 = vector.broadcast %sub3A_655 : i32 to vector<16xi32>
      %sub3A_657 = arith.subi %add3A_651, %sub3A_656 : vector<16xi32>
      %select_n3A_658 = arith.select %ge3A_654, %sub3A_657, %add3A_651 : vector<16xi1>, vector<16xi32>
      %add3A_659 = arith.constant 20 : i32
      %add3A_660 = vector.broadcast %add3A_659 : i32 to vector<16xi32>
      %add3A_661 = arith.addi %mul3A_9, %add3A_660 : vector<16xi32>
      tpu.vector_store_idx %arg10[%add3A_53, %add3A_661], %select_n3A_658 : memref<256x128xi32, #tpu.memory_space<vmem>>[vector<16xi32>, vector<16xi32>], vector<16xi32>,
      %add3A_662 = arith.constant -1882223850 : i32
      %add3A_663 = vector.broadcast %add3A_662 : i32 to vector<16xi32>
      %add3A_664 = arith.addi %add3A_49, %add3A_663 : vector<16xi32>
      %ge3A_665 = arith.constant -109408905 : i32
      %ge3A_666 = vector.broadcast %ge3A_665 : i32 to vector<16xi32>
      %ge3A_667 = arith.cmpi sge, %add3A_664, %ge3A_666 : vector<16xi32>
      %jit3A_668 = arith.constant 109408905 : i32
      %jit3A_669 = arith.constant -2147483648 : i32
      %broadcast_in_dim3A_670 = vector.broadcast %jit3A_668 : i32 to vector<16xi32>
      %broadcast_in_dim3A_671 = vector.broadcast %jit3A_669 : i32 to vector<16xi32>
      %select_n3A_672 = arith.select %ge3A_667, %broadcast_in_dim3A_670, %broadcast_in_dim3A_671 : vector<16xi1>, vector<16xi32>
      %add3A_673 = arith.addi %add3A_664, %select_n3A_672 : vector<16xi32>
      %shift_right_arithmetic3A_674 = arith.constant 20 : i32
      %shift_right_arithmetic3A_675 = vector.broadcast %shift_right_arithmetic3A_674 : i32 to vector<16xi32>
      %shift_right_arithmetic3A_676 = arith.shrsi %add3A_673, %shift_right_arithmetic3A_675 : vector<16xi32>
      %and3A_677 = arith.constant 1048575 : i32
      %and3A_678 = vector.broadcast %and3A_677 : i32 to vector<16xi32>
      %and3A_679 = arith.andi %add3A_673, %and3A_678 : vector<16xi32>
      %add3A_680 = arith.addi %shift_right_arithmetic3A_676, %and3A_679 : vector<16xi32>
      %ge3A_681 = arith.constant 1048575 : i32
      %ge3A_682 = vector.broadcast %ge3A_681 : i32 to vector<16xi32>
      %ge3A_683 = arith.cmpi sge, %add3A_680, %ge3A_682 : vector<16xi32>
      %sub3A_684 = arith.constant 1048575 : i32
      %sub3A_685 = vector.broadcast %sub3A_684 : i32 to vector<16xi32>
      %sub3A_686 = arith.subi %add3A_680, %sub3A_685 : vector<16xi32>
      %select_n3A_687 = arith.select %ge3A_683, %sub3A_686, %add3A_680 : vector<16xi1>, vector<16xi32>
      %add3A_688 = arith.constant 21 : i32
      %add3A_689 = vector.broadcast %add3A_688 : i32 to vector<16xi32>
      %add3A_690 = arith.addi %mul3A_9, %add3A_689 : vector<16xi32>
      tpu.vector_store_idx %arg10[%add3A_53, %add3A_690], %select_n3A_687 : memref<256x128xi32, #tpu.memory_space<vmem>>[vector<16xi32>, vector<16xi32>], vector<16xi32>,
      %add3A_691 = arith.constant -2095046352 : i32
      %add3A_692 = vector.broadcast %add3A_691 : i32 to vector<16xi32>
      %add3A_693 = arith.addi %add3A_49, %add3A_692 : vector<16xi32>
      %ge3A_694 = arith.constant -109408905 : i32
      %ge3A_695 = vector.broadcast %ge3A_694 : i32 to vector<16xi32>
      %ge3A_696 = arith.cmpi sge, %add3A_693, %ge3A_695 : vector<16xi32>
      %jit3A_697 = arith.constant 109408905 : i32
      %jit3A_698 = arith.constant -2147483648 : i32
      %broadcast_in_dim3A_699 = vector.broadcast %jit3A_697 : i32 to vector<16xi32>
      %broadcast_in_dim3A_700 = vector.broadcast %jit3A_698 : i32 to vector<16xi32>
      %select_n3A_701 = arith.select %ge3A_696, %broadcast_in_dim3A_699, %broadcast_in_dim3A_700 : vector<16xi1>, vector<16xi32>
      %add3A_702 = arith.addi %add3A_693, %select_n3A_701 : vector<16xi32>
      %shift_right_arithmetic3A_703 = arith.constant 20 : i32
      %shift_right_arithmetic3A_704 = vector.broadcast %shift_right_arithmetic3A_703 : i32 to vector<16xi32>
      %shift_right_arithmetic3A_705 = arith.shrsi %add3A_702, %shift_right_arithmetic3A_704 : vector<16xi32>
      %and3A_706 = arith.constant 1048575 : i32
      %and3A_707 = vector.broadcast %and3A_706 : i32 to vector<16xi32>
      %and3A_708 = arith.andi %add3A_702, %and3A_707 : vector<16xi32>
      %add3A_709 = arith.addi %shift_right_arithmetic3A_705, %and3A_708 : vector<16xi32>
      %ge3A_710 = arith.constant 1048575 : i32
      %ge3A_711 = vector.broadcast %ge3A_710 : i32 to vector<16xi32>
      %ge3A_712 = arith.cmpi sge, %add3A_709, %ge3A_711 : vector<16xi32>
      %sub3A_713 = arith.constant 1048575 : i32
      %sub3A_714 = vector.broadcast %sub3A_713 : i32 to vector<16xi32>
      %sub3A_715 = arith.subi %add3A_709, %sub3A_714 : vector<16xi32>
      %select_n3A_716 = arith.select %ge3A_712, %sub3A_715, %add3A_709 : vector<16xi1>, vector<16xi32>
      %add3A_717 = arith.constant 22 : i32
      %add3A_718 = vector.broadcast %add3A_717 : i32 to vector<16xi32>
      %add3A_719 = arith.addi %mul3A_9, %add3A_718 : vector<16xi32>
      tpu.vector_store_idx %arg10[%add3A_53, %add3A_719], %select_n3A_716 : memref<256x128xi32, #tpu.memory_space<vmem>>[vector<16xi32>, vector<16xi32>], vector<16xi32>,
      %add3A_720 = arith.constant -269794111 : i32
      %add3A_721 = vector.broadcast %add3A_720 : i32 to vector<16xi32>
      %add3A_722 = arith.addi %add3A_49, %add3A_721 : vector<16xi32>
      %ge3A_723 = arith.constant -109408905 : i32
      %ge3A_724 = vector.broadcast %ge3A_723 : i32 to vector<16xi32>
      %ge3A_725 = arith.cmpi sge, %add3A_722, %ge3A_724 : vector<16xi32>
      %jit3A_726 = arith.constant 109408905 : i32
      %jit3A_727 = arith.constant -2147483648 : i32
      %broadcast_in_dim3A_728 = vector.broadcast %jit3A_726 : i32 to vector<16xi32>
      %broadcast_in_dim3A_729 = vector.broadcast %jit3A_727 : i32 to vector<16xi32>
      %select_n3A_730 = arith.select %ge3A_725, %broadcast_in_dim3A_728, %broadcast_in_dim3A_729 : vector<16xi1>, vector<16xi32>
      %add3A_731 = arith.addi %add3A_722, %select_n3A_730 : vector<16xi32>
      %shift_right_arithmetic3A_732 = arith.constant 20 : i32
      %shift_right_arithmetic3A_733 = vector.broadcast %shift_right_arithmetic3A_732 : i32 to vector<16xi32>
      %shift_right_arithmetic3A_734 = arith.shrsi %add3A_731, %shift_right_arithmetic3A_733 : vector<16xi32>
      %and3A_735 = arith.constant 1048575 : i32
      %and3A_736 = vector.broadcast %and3A_735 : i32 to vector<16xi32>
      %and3A_737 = arith.andi %add3A_731, %and3A_736 : vector<16xi32>
      %add3A_738 = arith.addi %shift_right_arithmetic3A_734, %and3A_737 : vector<16xi32>
      %ge3A_739 = arith.constant 1048575 : i32
      %ge3A_740 = vector.broadcast %ge3A_739 : i32 to vector<16xi32>
      %ge3A_741 = arith.cmpi sge, %add3A_738, %ge3A_740 : vector<16xi32>
      %sub3A_742 = arith.constant 1048575 : i32
      %sub3A_743 = vector.broadcast %sub3A_742 : i32 to vector<16xi32>
      %sub3A_744 = arith.subi %add3A_738, %sub3A_743 : vector<16xi32>
      %select_n3A_745 = arith.select %ge3A_741, %sub3A_744, %add3A_738 : vector<16xi1>, vector<16xi32>
      %add3A_746 = arith.constant 23 : i32
      %add3A_747 = vector.broadcast %add3A_746 : i32 to vector<16xi32>
      %add3A_748 = arith.addi %mul3A_9, %add3A_747 : vector<16xi32>
      tpu.vector_store_idx %arg10[%add3A_53, %add3A_748], %select_n3A_745 : memref<256x128xi32, #tpu.memory_space<vmem>>[vector<16xi32>, vector<16xi32>], vector<16xi32>,
      %add3A_749 = arith.constant -482616613 : i32
      %add3A_750 = vector.broadcast %add3A_749 : i32 to vector<16xi32>
      %add3A_751 = arith.addi %add3A_49, %add3A_750 : vector<16xi32>
      %ge3A_752 = arith.constant -109408905 : i32
      %ge3A_753 = vector.broadcast %ge3A_752 : i32 to vector<16xi32>
      %ge3A_754 = arith.cmpi sge, %add3A_751, %ge3A_753 : vector<16xi32>
      %jit3A_755 = arith.constant 109408905 : i32
      %jit3A_756 = arith.constant -2147483648 : i32
      %broadcast_in_dim3A_757 = vector.broadcast %jit3A_755 : i32 to vector<16xi32>
      %broadcast_in_dim3A_758 = vector.broadcast %jit3A_756 : i32 to vector<16xi32>
      %select_n3A_759 = arith.select %ge3A_754, %broadcast_in_dim3A_757, %broadcast_in_dim3A_758 : vector<16xi1>, vector<16xi32>
      %add3A_760 = arith.addi %add3A_751, %select_n3A_759 : vector<16xi32>
      %shift_right_arithmetic3A_761 = arith.constant 20 : i32
      %shift_right_arithmetic3A_762 = vector.broadcast %shift_right_arithmetic3A_761 : i32 to vector<16xi32>
      %shift_right_arithmetic3A_763 = arith.shrsi %add3A_760, %shift_right_arithmetic3A_762 : vector<16xi32>
      %and3A_764 = arith.constant 1048575 : i32
      %and3A_765 = vector.broadcast %and3A_764 : i32 to vector<16xi32>
      %and3A_766 = arith.andi %add3A_760, %and3A_765 : vector<16xi32>
      %add3A_767 = arith.addi %shift_right_arithmetic3A_763, %and3A_766 : vector<16xi32>
      %ge3A_768 = arith.constant 1048575 : i32
      %ge3A_769 = vector.broadcast %ge3A_768 : i32 to vector<16xi32>
      %ge3A_770 = arith.cmpi sge, %add3A_767, %ge3A_769 : vector<16xi32>
      %sub3A_771 = arith.constant 1048575 : i32
      %sub3A_772 = vector.broadcast %sub3A_771 : i32 to vector<16xi32>
      %sub3A_773 = arith.subi %add3A_767, %sub3A_772 : vector<16xi32>
      %select_n3A_774 = arith.select %ge3A_770, %sub3A_773, %add3A_767 : vector<16xi1>, vector<16xi32>
      %add3A_775 = arith.constant 24 : i32
      %add3A_776 = vector.broadcast %add3A_775 : i32 to vector<16xi32>
      %add3A_777 = arith.addi %mul3A_9, %add3A_776 : vector<16xi32>
      tpu.vector_store_idx %arg10[%add3A_53, %add3A_777], %select_n3A_774 : memref<256x128xi32, #tpu.memory_space<vmem>>[vector<16xi32>, vector<16xi32>], vector<16xi32>,
      %add3A_778 = arith.constant -695439115 : i32
      %add3A_779 = vector.broadcast %add3A_778 : i32 to vector<16xi32>
      %add3A_780 = arith.addi %add3A_49, %add3A_779 : vector<16xi32>
      %ge3A_781 = arith.constant -109408905 : i32
      %ge3A_782 = vector.broadcast %ge3A_781 : i32 to vector<16xi32>
      %ge3A_783 = arith.cmpi sge, %add3A_780, %ge3A_782 : vector<16xi32>
      %jit3A_784 = arith.constant 109408905 : i32
      %jit3A_785 = arith.constant -2147483648 : i32
      %broadcast_in_dim3A_786 = vector.broadcast %jit3A_784 : i32 to vector<16xi32>
      %broadcast_in_dim3A_787 = vector.broadcast %jit3A_785 : i32 to vector<16xi32>
      %select_n3A_788 = arith.select %ge3A_783, %broadcast_in_dim3A_786, %broadcast_in_dim3A_787 : vector<16xi1>, vector<16xi32>
      %add3A_789 = arith.addi %add3A_780, %select_n3A_788 : vector<16xi32>
      %shift_right_arithmetic3A_790 = arith.constant 20 : i32
      %shift_right_arithmetic3A_791 = vector.broadcast %shift_right_arithmetic3A_790 : i32 to vector<16xi32>
      %shift_right_arithmetic3A_792 = arith.shrsi %add3A_789, %shift_right_arithmetic3A_791 : vector<16xi32>
      %and3A_793 = arith.constant 1048575 : i32
      %and3A_794 = vector.broadcast %and3A_793 : i32 to vector<16xi32>
      %and3A_795 = arith.andi %add3A_789, %and3A_794 : vector<16xi32>
      %add3A_796 = arith.addi %shift_right_arithmetic3A_792, %and3A_795 : vector<16xi32>
      %ge3A_797 = arith.constant 1048575 : i32
      %ge3A_798 = vector.broadcast %ge3A_797 : i32 to vector<16xi32>
      %ge3A_799 = arith.cmpi sge, %add3A_796, %ge3A_798 : vector<16xi32>
      %sub3A_800 = arith.constant 1048575 : i32
      %sub3A_801 = vector.broadcast %sub3A_800 : i32 to vector<16xi32>
      %sub3A_802 = arith.subi %add3A_796, %sub3A_801 : vector<16xi32>
      %select_n3A_803 = arith.select %ge3A_799, %sub3A_802, %add3A_796 : vector<16xi1>, vector<16xi32>
      %add3A_804 = arith.constant 25 : i32
      %add3A_805 = vector.broadcast %add3A_804 : i32 to vector<16xi32>
      %add3A_806 = arith.addi %mul3A_9, %add3A_805 : vector<16xi32>
      tpu.vector_store_idx %arg10[%add3A_53, %add3A_806], %select_n3A_803 : memref<256x128xi32, #tpu.memory_space<vmem>>[vector<16xi32>, vector<16xi32>], vector<16xi32>,
      %add3A_807 = arith.constant -908261617 : i32
      %add3A_808 = vector.broadcast %add3A_807 : i32 to vector<16xi32>
      %add3A_809 = arith.addi %add3A_49, %add3A_808 : vector<16xi32>
      %ge3A_810 = arith.constant -109408905 : i32
      %ge3A_811 = vector.broadcast %ge3A_810 : i32 to vector<16xi32>
      %ge3A_812 = arith.cmpi sge, %add3A_809, %ge3A_811 : vector<16xi32>
      %jit3A_813 = arith.constant 109408905 : i32
      %jit3A_814 = arith.constant -2147483648 : i32
      %broadcast_in_dim3A_815 = vector.broadcast %jit3A_813 : i32 to vector<16xi32>
      %broadcast_in_dim3A_816 = vector.broadcast %jit3A_814 : i32 to vector<16xi32>
      %select_n3A_817 = arith.select %ge3A_812, %broadcast_in_dim3A_815, %broadcast_in_dim3A_816 : vector<16xi1>, vector<16xi32>
      %add3A_818 = arith.addi %add3A_809, %select_n3A_817 : vector<16xi32>
      %shift_right_arithmetic3A_819 = arith.constant 20 : i32
      %shift_right_arithmetic3A_820 = vector.broadcast %shift_right_arithmetic3A_819 : i32 to vector<16xi32>
      %shift_right_arithmetic3A_821 = arith.shrsi %add3A_818, %shift_right_arithmetic3A_820 : vector<16xi32>
      %and3A_822 = arith.constant 1048575 : i32
      %and3A_823 = vector.broadcast %and3A_822 : i32 to vector<16xi32>
      %and3A_824 = arith.andi %add3A_818, %and3A_823 : vector<16xi32>
      %add3A_825 = arith.addi %shift_right_arithmetic3A_821, %and3A_824 : vector<16xi32>
      %ge3A_826 = arith.constant 1048575 : i32
      %ge3A_827 = vector.broadcast %ge3A_826 : i32 to vector<16xi32>
      %ge3A_828 = arith.cmpi sge, %add3A_825, %ge3A_827 : vector<16xi32>
      %sub3A_829 = arith.constant 1048575 : i32
      %sub3A_830 = vector.broadcast %sub3A_829 : i32 to vector<16xi32>
      %sub3A_831 = arith.subi %add3A_825, %sub3A_830 : vector<16xi32>
      %select_n3A_832 = arith.select %ge3A_828, %sub3A_831, %add3A_825 : vector<16xi1>, vector<16xi32>
      %add3A_833 = arith.constant 26 : i32
      %add3A_834 = vector.broadcast %add3A_833 : i32 to vector<16xi32>
      %add3A_835 = arith.addi %mul3A_9, %add3A_834 : vector<16xi32>
      tpu.vector_store_idx %arg10[%add3A_53, %add3A_835], %select_n3A_832 : memref<256x128xi32, #tpu.memory_space<vmem>>[vector<16xi32>, vector<16xi32>], vector<16xi32>,
      %add3A_836 = arith.constant -1121084119 : i32
      %add3A_837 = vector.broadcast %add3A_836 : i32 to vector<16xi32>
      %add3A_838 = arith.addi %add3A_49, %add3A_837 : vector<16xi32>
      %ge3A_839 = arith.constant -109408905 : i32
      %ge3A_840 = vector.broadcast %ge3A_839 : i32 to vector<16xi32>
      %ge3A_841 = arith.cmpi sge, %add3A_838, %ge3A_840 : vector<16xi32>
      %jit3A_842 = arith.constant 109408905 : i32
      %jit3A_843 = arith.constant -2147483648 : i32
      %broadcast_in_dim3A_844 = vector.broadcast %jit3A_842 : i32 to vector<16xi32>
      %broadcast_in_dim3A_845 = vector.broadcast %jit3A_843 : i32 to vector<16xi32>
      %select_n3A_846 = arith.select %ge3A_841, %broadcast_in_dim3A_844, %broadcast_in_dim3A_845 : vector<16xi1>, vector<16xi32>
      %add3A_847 = arith.addi %add3A_838, %select_n3A_846 : vector<16xi32>
      %shift_right_arithmetic3A_848 = arith.constant 20 : i32
      %shift_right_arithmetic3A_849 = vector.broadcast %shift_right_arithmetic3A_848 : i32 to vector<16xi32>
      %shift_right_arithmetic3A_850 = arith.shrsi %add3A_847, %shift_right_arithmetic3A_849 : vector<16xi32>
      %and3A_851 = arith.constant 1048575 : i32
      %and3A_852 = vector.broadcast %and3A_851 : i32 to vector<16xi32>
      %and3A_853 = arith.andi %add3A_847, %and3A_852 : vector<16xi32>
      %add3A_854 = arith.addi %shift_right_arithmetic3A_850, %and3A_853 : vector<16xi32>
      %ge3A_855 = arith.constant 1048575 : i32
      %ge3A_856 = vector.broadcast %ge3A_855 : i32 to vector<16xi32>
      %ge3A_857 = arith.cmpi sge, %add3A_854, %ge3A_856 : vector<16xi32>
      %sub3A_858 = arith.constant 1048575 : i32
      %sub3A_859 = vector.broadcast %sub3A_858 : i32 to vector<16xi32>
      %sub3A_860 = arith.subi %add3A_854, %sub3A_859 : vector<16xi32>
      %select_n3A_861 = arith.select %ge3A_857, %sub3A_860, %add3A_854 : vector<16xi1>, vector<16xi32>
      %add3A_862 = arith.constant 27 : i32
      %add3A_863 = vector.broadcast %add3A_862 : i32 to vector<16xi32>
      %add3A_864 = arith.addi %mul3A_9, %add3A_863 : vector<16xi32>
      tpu.vector_store_idx %arg10[%add3A_53, %add3A_864], %select_n3A_861 : memref<256x128xi32, #tpu.memory_space<vmem>>[vector<16xi32>, vector<16xi32>], vector<16xi32>,
      %add3A_865 = arith.constant -1333906621 : i32
      %add3A_866 = vector.broadcast %add3A_865 : i32 to vector<16xi32>
      %add3A_867 = arith.addi %add3A_49, %add3A_866 : vector<16xi32>
      %ge3A_868 = arith.constant -109408905 : i32
      %ge3A_869 = vector.broadcast %ge3A_868 : i32 to vector<16xi32>
      %ge3A_870 = arith.cmpi sge, %add3A_867, %ge3A_869 : vector<16xi32>
      %jit3A_871 = arith.constant 109408905 : i32
      %jit3A_872 = arith.constant -2147483648 : i32
      %broadcast_in_dim3A_873 = vector.broadcast %jit3A_871 : i32 to vector<16xi32>
      %broadcast_in_dim3A_874 = vector.broadcast %jit3A_872 : i32 to vector<16xi32>
      %select_n3A_875 = arith.select %ge3A_870, %broadcast_in_dim3A_873, %broadcast_in_dim3A_874 : vector<16xi1>, vector<16xi32>
      %add3A_876 = arith.addi %add3A_867, %select_n3A_875 : vector<16xi32>
      %shift_right_arithmetic3A_877 = arith.constant 20 : i32
      %shift_right_arithmetic3A_878 = vector.broadcast %shift_right_arithmetic3A_877 : i32 to vector<16xi32>
      %shift_right_arithmetic3A_879 = arith.shrsi %add3A_876, %shift_right_arithmetic3A_878 : vector<16xi32>
      %and3A_880 = arith.constant 1048575 : i32
      %and3A_881 = vector.broadcast %and3A_880 : i32 to vector<16xi32>
      %and3A_882 = arith.andi %add3A_876, %and3A_881 : vector<16xi32>
      %add3A_883 = arith.addi %shift_right_arithmetic3A_879, %and3A_882 : vector<16xi32>
      %ge3A_884 = arith.constant 1048575 : i32
      %ge3A_885 = vector.broadcast %ge3A_884 : i32 to vector<16xi32>
      %ge3A_886 = arith.cmpi sge, %add3A_883, %ge3A_885 : vector<16xi32>
      %sub3A_887 = arith.constant 1048575 : i32
      %sub3A_888 = vector.broadcast %sub3A_887 : i32 to vector<16xi32>
      %sub3A_889 = arith.subi %add3A_883, %sub3A_888 : vector<16xi32>
      %select_n3A_890 = arith.select %ge3A_886, %sub3A_889, %add3A_883 : vector<16xi1>, vector<16xi32>
      %add3A_891 = arith.constant 28 : i32
      %add3A_892 = vector.broadcast %add3A_891 : i32 to vector<16xi32>
      %add3A_893 = arith.addi %mul3A_9, %add3A_892 : vector<16xi32>
      tpu.vector_store_idx %arg10[%add3A_53, %add3A_893], %select_n3A_890 : memref<256x128xi32, #tpu.memory_space<vmem>>[vector<16xi32>, vector<16xi32>], vector<16xi32>,
      %add3A_894 = arith.constant -1546729123 : i32
      %add3A_895 = vector.broadcast %add3A_894 : i32 to vector<16xi32>
      %add3A_896 = arith.addi %add3A_49, %add3A_895 : vector<16xi32>
      %ge3A_897 = arith.constant -109408905 : i32
      %ge3A_898 = vector.broadcast %ge3A_897 : i32 to vector<16xi32>
      %ge3A_899 = arith.cmpi sge, %add3A_896, %ge3A_898 : vector<16xi32>
      %jit3A_900 = arith.constant 109408905 : i32
      %jit3A_901 = arith.constant -2147483648 : i32
      %broadcast_in_dim3A_902 = vector.broadcast %jit3A_900 : i32 to vector<16xi32>
      %broadcast_in_dim3A_903 = vector.broadcast %jit3A_901 : i32 to vector<16xi32>
      %select_n3A_904 = arith.select %ge3A_899, %broadcast_in_dim3A_902, %broadcast_in_dim3A_903 : vector<16xi1>, vector<16xi32>
      %add3A_905 = arith.addi %add3A_896, %select_n3A_904 : vector<16xi32>
      %shift_right_arithmetic3A_906 = arith.constant 20 : i32
      %shift_right_arithmetic3A_907 = vector.broadcast %shift_right_arithmetic3A_906 : i32 to vector<16xi32>
      %shift_right_arithmetic3A_908 = arith.shrsi %add3A_905, %shift_right_arithmetic3A_907 : vector<16xi32>
      %and3A_909 = arith.constant 1048575 : i32
      %and3A_910 = vector.broadcast %and3A_909 : i32 to vector<16xi32>
      %and3A_911 = arith.andi %add3A_905, %and3A_910 : vector<16xi32>
      %add3A_912 = arith.addi %shift_right_arithmetic3A_908, %and3A_911 : vector<16xi32>
      %ge3A_913 = arith.constant 1048575 : i32
      %ge3A_914 = vector.broadcast %ge3A_913 : i32 to vector<16xi32>
      %ge3A_915 = arith.cmpi sge, %add3A_912, %ge3A_914 : vector<16xi32>
      %sub3A_916 = arith.constant 1048575 : i32
      %sub3A_917 = vector.broadcast %sub3A_916 : i32 to vector<16xi32>
      %sub3A_918 = arith.subi %add3A_912, %sub3A_917 : vector<16xi32>
      %select_n3A_919 = arith.select %ge3A_915, %sub3A_918, %add3A_912 : vector<16xi1>, vector<16xi32>
      %add3A_920 = arith.constant 29 : i32
      %add3A_921 = vector.broadcast %add3A_920 : i32 to vector<16xi32>
      %add3A_922 = arith.addi %mul3A_9, %add3A_921 : vector<16xi32>
      tpu.vector_store_idx %arg10[%add3A_53, %add3A_922], %select_n3A_919 : memref<256x128xi32, #tpu.memory_space<vmem>>[vector<16xi32>, vector<16xi32>], vector<16xi32>,
      %add3A_923 = arith.constant -1759551625 : i32
      %add3A_924 = vector.broadcast %add3A_923 : i32 to vector<16xi32>
      %add3A_925 = arith.addi %add3A_49, %add3A_924 : vector<16xi32>
      %ge3A_926 = arith.constant -109408905 : i32
      %ge3A_927 = vector.broadcast %ge3A_926 : i32 to vector<16xi32>
      %ge3A_928 = arith.cmpi sge, %add3A_925, %ge3A_927 : vector<16xi32>
      %jit3A_929 = arith.constant 109408905 : i32
      %jit3A_930 = arith.constant -2147483648 : i32
      %broadcast_in_dim3A_931 = vector.broadcast %jit3A_929 : i32 to vector<16xi32>
      %broadcast_in_dim3A_932 = vector.broadcast %jit3A_930 : i32 to vector<16xi32>
      %select_n3A_933 = arith.select %ge3A_928, %broadcast_in_dim3A_931, %broadcast_in_dim3A_932 : vector<16xi1>, vector<16xi32>
      %add3A_934 = arith.addi %add3A_925, %select_n3A_933 : vector<16xi32>
      %shift_right_arithmetic3A_935 = arith.constant 20 : i32
      %shift_right_arithmetic3A_936 = vector.broadcast %shift_right_arithmetic3A_935 : i32 to vector<16xi32>
      %shift_right_arithmetic3A_937 = arith.shrsi %add3A_934, %shift_right_arithmetic3A_936 : vector<16xi32>
      %and3A_938 = arith.constant 1048575 : i32
      %and3A_939 = vector.broadcast %and3A_938 : i32 to vector<16xi32>
      %and3A_940 = arith.andi %add3A_934, %and3A_939 : vector<16xi32>
      %add3A_941 = arith.addi %shift_right_arithmetic3A_937, %and3A_940 : vector<16xi32>
      %ge3A_942 = arith.constant 1048575 : i32
      %ge3A_943 = vector.broadcast %ge3A_942 : i32 to vector<16xi32>
      %ge3A_944 = arith.cmpi sge, %add3A_941, %ge3A_943 : vector<16xi32>
      %sub3A_945 = arith.constant 1048575 : i32
      %sub3A_946 = vector.broadcast %sub3A_945 : i32 to vector<16xi32>
      %sub3A_947 = arith.subi %add3A_941, %sub3A_946 : vector<16xi32>
      %select_n3A_948 = arith.select %ge3A_944, %sub3A_947, %add3A_941 : vector<16xi1>, vector<16xi32>
      %add3A_949 = arith.constant 30 : i32
      %add3A_950 = vector.broadcast %add3A_949 : i32 to vector<16xi32>
      %add3A_951 = arith.addi %mul3A_9, %add3A_950 : vector<16xi32>
      tpu.vector_store_idx %arg10[%add3A_53, %add3A_951], %select_n3A_948 : memref<256x128xi32, #tpu.memory_space<vmem>>[vector<16xi32>, vector<16xi32>], vector<16xi32>,
      %add3A_952 = arith.constant -1972374127 : i32
      %add3A_953 = vector.broadcast %add3A_952 : i32 to vector<16xi32>
      %add3A_954 = arith.addi %add3A_49, %add3A_953 : vector<16xi32>
      %ge3A_955 = arith.constant -109408905 : i32
      %ge3A_956 = vector.broadcast %ge3A_955 : i32 to vector<16xi32>
      %ge3A_957 = arith.cmpi sge, %add3A_954, %ge3A_956 : vector<16xi32>
      %jit3A_958 = arith.constant 109408905 : i32
      %jit3A_959 = arith.constant -2147483648 : i32
      %broadcast_in_dim3A_960 = vector.broadcast %jit3A_958 : i32 to vector<16xi32>
      %broadcast_in_dim3A_961 = vector.broadcast %jit3A_959 : i32 to vector<16xi32>
      %select_n3A_962 = arith.select %ge3A_957, %broadcast_in_dim3A_960, %broadcast_in_dim3A_961 : vector<16xi1>, vector<16xi32>
      %add3A_963 = arith.addi %add3A_954, %select_n3A_962 : vector<16xi32>
      %shift_right_arithmetic3A_964 = arith.constant 20 : i32
      %shift_right_arithmetic3A_965 = vector.broadcast %shift_right_arithmetic3A_964 : i32 to vector<16xi32>
      %shift_right_arithmetic3A_966 = arith.shrsi %add3A_963, %shift_right_arithmetic3A_965 : vector<16xi32>
      %and3A_967 = arith.constant 1048575 : i32
      %and3A_968 = vector.broadcast %and3A_967 : i32 to vector<16xi32>
      %and3A_969 = arith.andi %add3A_963, %and3A_968 : vector<16xi32>
      %add3A_970 = arith.addi %shift_right_arithmetic3A_966, %and3A_969 : vector<16xi32>
      %ge3A_971 = arith.constant 1048575 : i32
      %ge3A_972 = vector.broadcast %ge3A_971 : i32 to vector<16xi32>
      %ge3A_973 = arith.cmpi sge, %add3A_970, %ge3A_972 : vector<16xi32>
      %sub3A_974 = arith.constant 1048575 : i32
      %sub3A_975 = vector.broadcast %sub3A_974 : i32 to vector<16xi32>
      %sub3A_976 = arith.subi %add3A_970, %sub3A_975 : vector<16xi32>
      %select_n3A_977 = arith.select %ge3A_973, %sub3A_976, %add3A_970 : vector<16xi1>, vector<16xi32>
      %add3A_978 = arith.constant 31 : i32
      %add3A_979 = vector.broadcast %add3A_978 : i32 to vector<16xi32>
      %add3A_980 = arith.addi %mul3A_9, %add3A_979 : vector<16xi32>
      tpu.vector_store_idx %arg10[%add3A_53, %add3A_980], %select_n3A_977 : memref<256x128xi32, #tpu.memory_space<vmem>>[vector<16xi32>, vector<16xi32>], vector<16xi32>,
      %add3A_981 = arith.constant -147121886 : i32
      %add3A_982 = vector.broadcast %add3A_981 : i32 to vector<16xi32>
      %add3A_983 = arith.addi %add3A_49, %add3A_982 : vector<16xi32>
      %ge3A_984 = arith.constant -109408905 : i32
      %ge3A_985 = vector.broadcast %ge3A_984 : i32 to vector<16xi32>
      %ge3A_986 = arith.cmpi sge, %add3A_983, %ge3A_985 : vector<16xi32>
      %jit3A_987 = arith.constant 109408905 : i32
      %jit3A_988 = arith.constant -2147483648 : i32
      %broadcast_in_dim3A_989 = vector.broadcast %jit3A_987 : i32 to vector<16xi32>
      %broadcast_in_dim3A_990 = vector.broadcast %jit3A_988 : i32 to vector<16xi32>
      %select_n3A_991 = arith.select %ge3A_986, %broadcast_in_dim3A_989, %broadcast_in_dim3A_990 : vector<16xi1>, vector<16xi32>
      %add3A_992 = arith.addi %add3A_983, %select_n3A_991 : vector<16xi32>
      %shift_right_arithmetic3A_993 = arith.constant 20 : i32
      %shift_right_arithmetic3A_994 = vector.broadcast %shift_right_arithmetic3A_993 : i32 to vector<16xi32>
      %shift_right_arithmetic3A_995 = arith.shrsi %add3A_992, %shift_right_arithmetic3A_994 : vector<16xi32>
      %and3A_996 = arith.constant 1048575 : i32
      %and3A_997 = vector.broadcast %and3A_996 : i32 to vector<16xi32>
      %and3A_998 = arith.andi %add3A_992, %and3A_997 : vector<16xi32>
      %add3A_999 = arith.addi %shift_right_arithmetic3A_995, %and3A_998 : vector<16xi32>
      %ge3A_1000 = arith.constant 1048575 : i32
      %ge3A_1001 = vector.broadcast %ge3A_1000 : i32 to vector<16xi32>
      %ge3A_1002 = arith.cmpi sge, %add3A_999, %ge3A_1001 : vector<16xi32>
      %sub3A_1003 = arith.constant 1048575 : i32
      %sub3A_1004 = vector.broadcast %sub3A_1003 : i32 to vector<16xi32>
      %sub3A_1005 = arith.subi %add3A_999, %sub3A_1004 : vector<16xi32>
      %select_n3A_1006 = arith.select %ge3A_1002, %sub3A_1005, %add3A_999 : vector<16xi1>, vector<16xi32>
      %add3A_1007 = arith.constant 32 : i32
      %add3A_1008 = vector.broadcast %add3A_1007 : i32 to vector<16xi32>
      %add3A_1009 = arith.addi %mul3A_9, %add3A_1008 : vector<16xi32>
      tpu.vector_store_idx %arg10[%add3A_53, %add3A_1009], %select_n3A_1006 : memref<256x128xi32, #tpu.memory_space<vmem>>[vector<16xi32>, vector<16xi32>], vector<16xi32>,
      %add3A_1010 = arith.constant -359944388 : i32
      %add3A_1011 = vector.broadcast %add3A_1010 : i32 to vector<16xi32>
      %add3A_1012 = arith.addi %add3A_49, %add3A_1011 : vector<16xi32>
      %ge3A_1013 = arith.constant -109408905 : i32
      %ge3A_1014 = vector.broadcast %ge3A_1013 : i32 to vector<16xi32>
      %ge3A_1015 = arith.cmpi sge, %add3A_1012, %ge3A_1014 : vector<16xi32>
      %jit3A_1016 = arith.constant 109408905 : i32
      %jit3A_1017 = arith.constant -2147483648 : i32
      %broadcast_in_dim3A_1018 = vector.broadcast %jit3A_1016 : i32 to vector<16xi32>
      %broadcast_in_dim3A_1019 = vector.broadcast %jit3A_1017 : i32 to vector<16xi32>
      %select_n3A_1020 = arith.select %ge3A_1015, %broadcast_in_dim3A_1018, %broadcast_in_dim3A_1019 : vector<16xi1>, vector<16xi32>
      %add3A_1021 = arith.addi %add3A_1012, %select_n3A_1020 : vector<16xi32>
      %shift_right_arithmetic3A_1022 = arith.constant 20 : i32
      %shift_right_arithmetic3A_1023 = vector.broadcast %shift_right_arithmetic3A_1022 : i32 to vector<16xi32>
      %shift_right_arithmetic3A_1024 = arith.shrsi %add3A_1021, %shift_right_arithmetic3A_1023 : vector<16xi32>
      %and3A_1025 = arith.constant 1048575 : i32
      %and3A_1026 = vector.broadcast %and3A_1025 : i32 to vector<16xi32>
      %and3A_1027 = arith.andi %add3A_1021, %and3A_1026 : vector<16xi32>
      %add3A_1028 = arith.addi %shift_right_arithmetic3A_1024, %and3A_1027 : vector<16xi32>
      %ge3A_1029 = arith.constant 1048575 : i32
      %ge3A_1030 = vector.broadcast %ge3A_1029 : i32 to vector<16xi32>
      %ge3A_1031 = arith.cmpi sge, %add3A_1028, %ge3A_1030 : vector<16xi32>
      %sub3A_1032 = arith.constant 1048575 : i32
      %sub3A_1033 = vector.broadcast %sub3A_1032 : i32 to vector<16xi32>
      %sub3A_1034 = arith.subi %add3A_1028, %sub3A_1033 : vector<16xi32>
      %select_n3A_1035 = arith.select %ge3A_1031, %sub3A_1034, %add3A_1028 : vector<16xi1>, vector<16xi32>
      %add3A_1036 = arith.constant 33 : i32
      %add3A_1037 = vector.broadcast %add3A_1036 : i32 to vector<16xi32>
      %add3A_1038 = arith.addi %mul3A_9, %add3A_1037 : vector<16xi32>
      tpu.vector_store_idx %arg10[%add3A_53, %add3A_1038], %select_n3A_1035 : memref<256x128xi32, #tpu.memory_space<vmem>>[vector<16xi32>, vector<16xi32>], vector<16xi32>,
      %add3A_1039 = arith.constant -572766890 : i32
      %add3A_1040 = vector.broadcast %add3A_1039 : i32 to vector<16xi32>
      %add3A_1041 = arith.addi %add3A_49, %add3A_1040 : vector<16xi32>
      %ge3A_1042 = arith.constant -109408905 : i32
      %ge3A_1043 = vector.broadcast %ge3A_1042 : i32 to vector<16xi32>
      %ge3A_1044 = arith.cmpi sge, %add3A_1041, %ge3A_1043 : vector<16xi32>
      %jit3A_1045 = arith.constant 109408905 : i32
      %jit3A_1046 = arith.constant -2147483648 : i32
      %broadcast_in_dim3A_1047 = vector.broadcast %jit3A_1045 : i32 to vector<16xi32>
      %broadcast_in_dim3A_1048 = vector.broadcast %jit3A_1046 : i32 to vector<16xi32>
      %select_n3A_1049 = arith.select %ge3A_1044, %broadcast_in_dim3A_1047, %broadcast_in_dim3A_1048 : vector<16xi1>, vector<16xi32>
      %add3A_1050 = arith.addi %add3A_1041, %select_n3A_1049 : vector<16xi32>
      %shift_right_arithmetic3A_1051 = arith.constant 20 : i32
      %shift_right_arithmetic3A_1052 = vector.broadcast %shift_right_arithmetic3A_1051 : i32 to vector<16xi32>
      %shift_right_arithmetic3A_1053 = arith.shrsi %add3A_1050, %shift_right_arithmetic3A_1052 : vector<16xi32>
      %and3A_1054 = arith.constant 1048575 : i32
      %and3A_1055 = vector.broadcast %and3A_1054 : i32 to vector<16xi32>
      %and3A_1056 = arith.andi %add3A_1050, %and3A_1055 : vector<16xi32>
      %add3A_1057 = arith.addi %shift_right_arithmetic3A_1053, %and3A_1056 : vector<16xi32>
      %ge3A_1058 = arith.constant 1048575 : i32
      %ge3A_1059 = vector.broadcast %ge3A_1058 : i32 to vector<16xi32>
      %ge3A_1060 = arith.cmpi sge, %add3A_1057, %ge3A_1059 : vector<16xi32>
      %sub3A_1061 = arith.constant 1048575 : i32
      %sub3A_1062 = vector.broadcast %sub3A_1061 : i32 to vector<16xi32>
      %sub3A_1063 = arith.subi %add3A_1057, %sub3A_1062 : vector<16xi32>
      %select_n3A_1064 = arith.select %ge3A_1060, %sub3A_1063, %add3A_1057 : vector<16xi1>, vector<16xi32>
      %add3A_1065 = arith.constant 34 : i32
      %add3A_1066 = vector.broadcast %add3A_1065 : i32 to vector<16xi32>
      %add3A_1067 = arith.addi %mul3A_9, %add3A_1066 : vector<16xi32>
      tpu.vector_store_idx %arg10[%add3A_53, %add3A_1067], %select_n3A_1064 : memref<256x128xi32, #tpu.memory_space<vmem>>[vector<16xi32>, vector<16xi32>], vector<16xi32>,
      %add3A_1068 = arith.constant -785589392 : i32
      %add3A_1069 = vector.broadcast %add3A_1068 : i32 to vector<16xi32>
      %add3A_1070 = arith.addi %add3A_49, %add3A_1069 : vector<16xi32>
      %ge3A_1071 = arith.constant -109408905 : i32
      %ge3A_1072 = vector.broadcast %ge3A_1071 : i32 to vector<16xi32>
      %ge3A_1073 = arith.cmpi sge, %add3A_1070, %ge3A_1072 : vector<16xi32>
      %jit3A_1074 = arith.constant 109408905 : i32
      %jit3A_1075 = arith.constant -2147483648 : i32
      %broadcast_in_dim3A_1076 = vector.broadcast %jit3A_1074 : i32 to vector<16xi32>
      %broadcast_in_dim3A_1077 = vector.broadcast %jit3A_1075 : i32 to vector<16xi32>
      %select_n3A_1078 = arith.select %ge3A_1073, %broadcast_in_dim3A_1076, %broadcast_in_dim3A_1077 : vector<16xi1>, vector<16xi32>
      %add3A_1079 = arith.addi %add3A_1070, %select_n3A_1078 : vector<16xi32>
      %shift_right_arithmetic3A_1080 = arith.constant 20 : i32
      %shift_right_arithmetic3A_1081 = vector.broadcast %shift_right_arithmetic3A_1080 : i32 to vector<16xi32>
      %shift_right_arithmetic3A_1082 = arith.shrsi %add3A_1079, %shift_right_arithmetic3A_1081 : vector<16xi32>
      %and3A_1083 = arith.constant 1048575 : i32
      %and3A_1084 = vector.broadcast %and3A_1083 : i32 to vector<16xi32>
      %and3A_1085 = arith.andi %add3A_1079, %and3A_1084 : vector<16xi32>
      %add3A_1086 = arith.addi %shift_right_arithmetic3A_1082, %and3A_1085 : vector<16xi32>
      %ge3A_1087 = arith.constant 1048575 : i32
      %ge3A_1088 = vector.broadcast %ge3A_1087 : i32 to vector<16xi32>
      %ge3A_1089 = arith.cmpi sge, %add3A_1086, %ge3A_1088 : vector<16xi32>
      %sub3A_1090 = arith.constant 1048575 : i32
      %sub3A_1091 = vector.broadcast %sub3A_1090 : i32 to vector<16xi32>
      %sub3A_1092 = arith.subi %add3A_1086, %sub3A_1091 : vector<16xi32>
      %select_n3A_1093 = arith.select %ge3A_1089, %sub3A_1092, %add3A_1086 : vector<16xi1>, vector<16xi32>
      %add3A_1094 = arith.constant 35 : i32
      %add3A_1095 = vector.broadcast %add3A_1094 : i32 to vector<16xi32>
      %add3A_1096 = arith.addi %mul3A_9, %add3A_1095 : vector<16xi32>
      tpu.vector_store_idx %arg10[%add3A_53, %add3A_1096], %select_n3A_1093 : memref<256x128xi32, #tpu.memory_space<vmem>>[vector<16xi32>, vector<16xi32>], vector<16xi32>,
      %add3A_1097 = arith.constant -998411894 : i32
      %add3A_1098 = vector.broadcast %add3A_1097 : i32 to vector<16xi32>
      %add3A_1099 = arith.addi %add3A_49, %add3A_1098 : vector<16xi32>
      %ge3A_1100 = arith.constant -109408905 : i32
      %ge3A_1101 = vector.broadcast %ge3A_1100 : i32 to vector<16xi32>
      %ge3A_1102 = arith.cmpi sge, %add3A_1099, %ge3A_1101 : vector<16xi32>
      %jit3A_1103 = arith.constant 109408905 : i32
      %jit3A_1104 = arith.constant -2147483648 : i32
      %broadcast_in_dim3A_1105 = vector.broadcast %jit3A_1103 : i32 to vector<16xi32>
      %broadcast_in_dim3A_1106 = vector.broadcast %jit3A_1104 : i32 to vector<16xi32>
      %select_n3A_1107 = arith.select %ge3A_1102, %broadcast_in_dim3A_1105, %broadcast_in_dim3A_1106 : vector<16xi1>, vector<16xi32>
      %add3A_1108 = arith.addi %add3A_1099, %select_n3A_1107 : vector<16xi32>
      %shift_right_arithmetic3A_1109 = arith.constant 20 : i32
      %shift_right_arithmetic3A_1110 = vector.broadcast %shift_right_arithmetic3A_1109 : i32 to vector<16xi32>
      %shift_right_arithmetic3A_1111 = arith.shrsi %add3A_1108, %shift_right_arithmetic3A_1110 : vector<16xi32>
      %and3A_1112 = arith.constant 1048575 : i32
      %and3A_1113 = vector.broadcast %and3A_1112 : i32 to vector<16xi32>
      %and3A_1114 = arith.andi %add3A_1108, %and3A_1113 : vector<16xi32>
      %add3A_1115 = arith.addi %shift_right_arithmetic3A_1111, %and3A_1114 : vector<16xi32>
      %ge3A_1116 = arith.constant 1048575 : i32
      %ge3A_1117 = vector.broadcast %ge3A_1116 : i32 to vector<16xi32>
      %ge3A_1118 = arith.cmpi sge, %add3A_1115, %ge3A_1117 : vector<16xi32>
      %sub3A_1119 = arith.constant 1048575 : i32
      %sub3A_1120 = vector.broadcast %sub3A_1119 : i32 to vector<16xi32>
      %sub3A_1121 = arith.subi %add3A_1115, %sub3A_1120 : vector<16xi32>
      %select_n3A_1122 = arith.select %ge3A_1118, %sub3A_1121, %add3A_1115 : vector<16xi1>, vector<16xi32>
      %add3A_1123 = arith.constant 36 : i32
      %add3A_1124 = vector.broadcast %add3A_1123 : i32 to vector<16xi32>
      %add3A_1125 = arith.addi %mul3A_9, %add3A_1124 : vector<16xi32>
      tpu.vector_store_idx %arg10[%add3A_53, %add3A_1125], %select_n3A_1122 : memref<256x128xi32, #tpu.memory_space<vmem>>[vector<16xi32>, vector<16xi32>], vector<16xi32>,
      %add3A_1126 = arith.constant -1211234396 : i32
      %add3A_1127 = vector.broadcast %add3A_1126 : i32 to vector<16xi32>
      %add3A_1128 = arith.addi %add3A_49, %add3A_1127 : vector<16xi32>
      %ge3A_1129 = arith.constant -109408905 : i32
      %ge3A_1130 = vector.broadcast %ge3A_1129 : i32 to vector<16xi32>
      %ge3A_1131 = arith.cmpi sge, %add3A_1128, %ge3A_1130 : vector<16xi32>
      %jit3A_1132 = arith.constant 109408905 : i32
      %jit3A_1133 = arith.constant -2147483648 : i32
      %broadcast_in_dim3A_1134 = vector.broadcast %jit3A_1132 : i32 to vector<16xi32>
      %broadcast_in_dim3A_1135 = vector.broadcast %jit3A_1133 : i32 to vector<16xi32>
      %select_n3A_1136 = arith.select %ge3A_1131, %broadcast_in_dim3A_1134, %broadcast_in_dim3A_1135 : vector<16xi1>, vector<16xi32>
      %add3A_1137 = arith.addi %add3A_1128, %select_n3A_1136 : vector<16xi32>
      %shift_right_arithmetic3A_1138 = arith.constant 20 : i32
      %shift_right_arithmetic3A_1139 = vector.broadcast %shift_right_arithmetic3A_1138 : i32 to vector<16xi32>
      %shift_right_arithmetic3A_1140 = arith.shrsi %add3A_1137, %shift_right_arithmetic3A_1139 : vector<16xi32>
      %and3A_1141 = arith.constant 1048575 : i32
      %and3A_1142 = vector.broadcast %and3A_1141 : i32 to vector<16xi32>
      %and3A_1143 = arith.andi %add3A_1137, %and3A_1142 : vector<16xi32>
      %add3A_1144 = arith.addi %shift_right_arithmetic3A_1140, %and3A_1143 : vector<16xi32>
      %ge3A_1145 = arith.constant 1048575 : i32
      %ge3A_1146 = vector.broadcast %ge3A_1145 : i32 to vector<16xi32>
      %ge3A_1147 = arith.cmpi sge, %add3A_1144, %ge3A_1146 : vector<16xi32>
      %sub3A_1148 = arith.constant 1048575 : i32
      %sub3A_1149 = vector.broadcast %sub3A_1148 : i32 to vector<16xi32>
      %sub3A_1150 = arith.subi %add3A_1144, %sub3A_1149 : vector<16xi32>
      %select_n3A_1151 = arith.select %ge3A_1147, %sub3A_1150, %add3A_1144 : vector<16xi1>, vector<16xi32>
      %add3A_1152 = arith.constant 37 : i32
      %add3A_1153 = vector.broadcast %add3A_1152 : i32 to vector<16xi32>
      %add3A_1154 = arith.addi %mul3A_9, %add3A_1153 : vector<16xi32>
      tpu.vector_store_idx %arg10[%add3A_53, %add3A_1154], %select_n3A_1151 : memref<256x128xi32, #tpu.memory_space<vmem>>[vector<16xi32>, vector<16xi32>], vector<16xi32>,
      %add3A_1155 = arith.constant -1424056898 : i32
      %add3A_1156 = vector.broadcast %add3A_1155 : i32 to vector<16xi32>
      %add3A_1157 = arith.addi %add3A_49, %add3A_1156 : vector<16xi32>
      %ge3A_1158 = arith.constant -109408905 : i32
      %ge3A_1159 = vector.broadcast %ge3A_1158 : i32 to vector<16xi32>
      %ge3A_1160 = arith.cmpi sge, %add3A_1157, %ge3A_1159 : vector<16xi32>
      %jit3A_1161 = arith.constant 109408905 : i32
      %jit3A_1162 = arith.constant -2147483648 : i32
      %broadcast_in_dim3A_1163 = vector.broadcast %jit3A_1161 : i32 to vector<16xi32>
      %broadcast_in_dim3A_1164 = vector.broadcast %jit3A_1162 : i32 to vector<16xi32>
      %select_n3A_1165 = arith.select %ge3A_1160, %broadcast_in_dim3A_1163, %broadcast_in_dim3A_1164 : vector<16xi1>, vector<16xi32>
      %add3A_1166 = arith.addi %add3A_1157, %select_n3A_1165 : vector<16xi32>
      %shift_right_arithmetic3A_1167 = arith.constant 20 : i32
      %shift_right_arithmetic3A_1168 = vector.broadcast %shift_right_arithmetic3A_1167 : i32 to vector<16xi32>
      %shift_right_arithmetic3A_1169 = arith.shrsi %add3A_1166, %shift_right_arithmetic3A_1168 : vector<16xi32>
      %and3A_1170 = arith.constant 1048575 : i32
      %and3A_1171 = vector.broadcast %and3A_1170 : i32 to vector<16xi32>
      %and3A_1172 = arith.andi %add3A_1166, %and3A_1171 : vector<16xi32>
      %add3A_1173 = arith.addi %shift_right_arithmetic3A_1169, %and3A_1172 : vector<16xi32>
      %ge3A_1174 = arith.constant 1048575 : i32
      %ge3A_1175 = vector.broadcast %ge3A_1174 : i32 to vector<16xi32>
      %ge3A_1176 = arith.cmpi sge, %add3A_1173, %ge3A_1175 : vector<16xi32>
      %sub3A_1177 = arith.constant 1048575 : i32
      %sub3A_1178 = vector.broadcast %sub3A_1177 : i32 to vector<16xi32>
      %sub3A_1179 = arith.subi %add3A_1173, %sub3A_1178 : vector<16xi32>
      %select_n3A_1180 = arith.select %ge3A_1176, %sub3A_1179, %add3A_1173 : vector<16xi1>, vector<16xi32>
      %add3A_1181 = arith.constant 38 : i32
      %add3A_1182 = vector.broadcast %add3A_1181 : i32 to vector<16xi32>
      %add3A_1183 = arith.addi %mul3A_9, %add3A_1182 : vector<16xi32>
      tpu.vector_store_idx %arg10[%add3A_53, %add3A_1183], %select_n3A_1180 : memref<256x128xi32, #tpu.memory_space<vmem>>[vector<16xi32>, vector<16xi32>], vector<16xi32>,
      %add3A_1184 = arith.constant -1636879400 : i32
      %add3A_1185 = vector.broadcast %add3A_1184 : i32 to vector<16xi32>
      %add3A_1186 = arith.addi %add3A_49, %add3A_1185 : vector<16xi32>
      %ge3A_1187 = arith.constant -109408905 : i32
      %ge3A_1188 = vector.broadcast %ge3A_1187 : i32 to vector<16xi32>
      %ge3A_1189 = arith.cmpi sge, %add3A_1186, %ge3A_1188 : vector<16xi32>
      %jit3A_1190 = arith.constant 109408905 : i32
      %jit3A_1191 = arith.constant -2147483648 : i32
      %broadcast_in_dim3A_1192 = vector.broadcast %jit3A_1190 : i32 to vector<16xi32>
      %broadcast_in_dim3A_1193 = vector.broadcast %jit3A_1191 : i32 to vector<16xi32>
      %select_n3A_1194 = arith.select %ge3A_1189, %broadcast_in_dim3A_1192, %broadcast_in_dim3A_1193 : vector<16xi1>, vector<16xi32>
      %add3A_1195 = arith.addi %add3A_1186, %select_n3A_1194 : vector<16xi32>
      %shift_right_arithmetic3A_1196 = arith.constant 20 : i32
      %shift_right_arithmetic3A_1197 = vector.broadcast %shift_right_arithmetic3A_1196 : i32 to vector<16xi32>
      %shift_right_arithmetic3A_1198 = arith.shrsi %add3A_1195, %shift_right_arithmetic3A_1197 : vector<16xi32>
      %and3A_1199 = arith.constant 1048575 : i32
      %and3A_1200 = vector.broadcast %and3A_1199 : i32 to vector<16xi32>
      %and3A_1201 = arith.andi %add3A_1195, %and3A_1200 : vector<16xi32>
      %add3A_1202 = arith.addi %shift_right_arithmetic3A_1198, %and3A_1201 : vector<16xi32>
      %ge3A_1203 = arith.constant 1048575 : i32
      %ge3A_1204 = vector.broadcast %ge3A_1203 : i32 to vector<16xi32>
      %ge3A_1205 = arith.cmpi sge, %add3A_1202, %ge3A_1204 : vector<16xi32>
      %sub3A_1206 = arith.constant 1048575 : i32
      %sub3A_1207 = vector.broadcast %sub3A_1206 : i32 to vector<16xi32>
      %sub3A_1208 = arith.subi %add3A_1202, %sub3A_1207 : vector<16xi32>
      %select_n3A_1209 = arith.select %ge3A_1205, %sub3A_1208, %add3A_1202 : vector<16xi1>, vector<16xi32>
      %add3A_1210 = arith.constant 39 : i32
      %add3A_1211 = vector.broadcast %add3A_1210 : i32 to vector<16xi32>
      %add3A_1212 = arith.addi %mul3A_9, %add3A_1211 : vector<16xi32>
      tpu.vector_store_idx %arg10[%add3A_53, %add3A_1212], %select_n3A_1209 : memref<256x128xi32, #tpu.memory_space<vmem>>[vector<16xi32>, vector<16xi32>], vector<16xi32>,
      %add3A_1213 = arith.constant -1849701902 : i32
      %add3A_1214 = vector.broadcast %add3A_1213 : i32 to vector<16xi32>
      %add3A_1215 = arith.addi %add3A_49, %add3A_1214 : vector<16xi32>
      %ge3A_1216 = arith.constant -109408905 : i32
      %ge3A_1217 = vector.broadcast %ge3A_1216 : i32 to vector<16xi32>
      %ge3A_1218 = arith.cmpi sge, %add3A_1215, %ge3A_1217 : vector<16xi32>
      %jit3A_1219 = arith.constant 109408905 : i32
      %jit3A_1220 = arith.constant -2147483648 : i32
      %broadcast_in_dim3A_1221 = vector.broadcast %jit3A_1219 : i32 to vector<16xi32>
      %broadcast_in_dim3A_1222 = vector.broadcast %jit3A_1220 : i32 to vector<16xi32>
      %select_n3A_1223 = arith.select %ge3A_1218, %broadcast_in_dim3A_1221, %broadcast_in_dim3A_1222 : vector<16xi1>, vector<16xi32>
      %add3A_1224 = arith.addi %add3A_1215, %select_n3A_1223 : vector<16xi32>
      %shift_right_arithmetic3A_1225 = arith.constant 20 : i32
      %shift_right_arithmetic3A_1226 = vector.broadcast %shift_right_arithmetic3A_1225 : i32 to vector<16xi32>
      %shift_right_arithmetic3A_1227 = arith.shrsi %add3A_1224, %shift_right_arithmetic3A_1226 : vector<16xi32>
      %and3A_1228 = arith.constant 1048575 : i32
      %and3A_1229 = vector.broadcast %and3A_1228 : i32 to vector<16xi32>
      %and3A_1230 = arith.andi %add3A_1224, %and3A_1229 : vector<16xi32>
      %add3A_1231 = arith.addi %shift_right_arithmetic3A_1227, %and3A_1230 : vector<16xi32>
      %ge3A_1232 = arith.constant 1048575 : i32
      %ge3A_1233 = vector.broadcast %ge3A_1232 : i32 to vector<16xi32>
      %ge3A_1234 = arith.cmpi sge, %add3A_1231, %ge3A_1233 : vector<16xi32>
      %sub3A_1235 = arith.constant 1048575 : i32
      %sub3A_1236 = vector.broadcast %sub3A_1235 : i32 to vector<16xi32>
      %sub3A_1237 = arith.subi %add3A_1231, %sub3A_1236 : vector<16xi32>
      %select_n3A_1238 = arith.select %ge3A_1234, %sub3A_1237, %add3A_1231 : vector<16xi1>, vector<16xi32>
      %add3A_1239 = arith.constant 40 : i32
      %add3A_1240 = vector.broadcast %add3A_1239 : i32 to vector<16xi32>
      %add3A_1241 = arith.addi %mul3A_9, %add3A_1240 : vector<16xi32>
      tpu.vector_store_idx %arg10[%add3A_53, %add3A_1241], %select_n3A_1238 : memref<256x128xi32, #tpu.memory_space<vmem>>[vector<16xi32>, vector<16xi32>], vector<16xi32>,
      %add3A_1242 = arith.constant -2062524404 : i32
      %add3A_1243 = vector.broadcast %add3A_1242 : i32 to vector<16xi32>
      %add3A_1244 = arith.addi %add3A_49, %add3A_1243 : vector<16xi32>
      %ge3A_1245 = arith.constant -109408905 : i32
      %ge3A_1246 = vector.broadcast %ge3A_1245 : i32 to vector<16xi32>
      %ge3A_1247 = arith.cmpi sge, %add3A_1244, %ge3A_1246 : vector<16xi32>
      %jit3A_1248 = arith.constant 109408905 : i32
      %jit3A_1249 = arith.constant -2147483648 : i32
      %broadcast_in_dim3A_1250 = vector.broadcast %jit3A_1248 : i32 to vector<16xi32>
      %broadcast_in_dim3A_1251 = vector.broadcast %jit3A_1249 : i32 to vector<16xi32>
      %select_n3A_1252 = arith.select %ge3A_1247, %broadcast_in_dim3A_1250, %broadcast_in_dim3A_1251 : vector<16xi1>, vector<16xi32>
      %add3A_1253 = arith.addi %add3A_1244, %select_n3A_1252 : vector<16xi32>
      %shift_right_arithmetic3A_1254 = arith.constant 20 : i32
      %shift_right_arithmetic3A_1255 = vector.broadcast %shift_right_arithmetic3A_1254 : i32 to vector<16xi32>
      %shift_right_arithmetic3A_1256 = arith.shrsi %add3A_1253, %shift_right_arithmetic3A_1255 : vector<16xi32>
      %and3A_1257 = arith.constant 1048575 : i32
      %and3A_1258 = vector.broadcast %and3A_1257 : i32 to vector<16xi32>
      %and3A_1259 = arith.andi %add3A_1253, %and3A_1258 : vector<16xi32>
      %add3A_1260 = arith.addi %shift_right_arithmetic3A_1256, %and3A_1259 : vector<16xi32>
      %ge3A_1261 = arith.constant 1048575 : i32
      %ge3A_1262 = vector.broadcast %ge3A_1261 : i32 to vector<16xi32>
      %ge3A_1263 = arith.cmpi sge, %add3A_1260, %ge3A_1262 : vector<16xi32>
      %sub3A_1264 = arith.constant 1048575 : i32
      %sub3A_1265 = vector.broadcast %sub3A_1264 : i32 to vector<16xi32>
      %sub3A_1266 = arith.subi %add3A_1260, %sub3A_1265 : vector<16xi32>
      %select_n3A_1267 = arith.select %ge3A_1263, %sub3A_1266, %add3A_1260 : vector<16xi1>, vector<16xi32>
      %add3A_1268 = arith.constant 41 : i32
      %add3A_1269 = vector.broadcast %add3A_1268 : i32 to vector<16xi32>
      %add3A_1270 = arith.addi %mul3A_9, %add3A_1269 : vector<16xi32>
      tpu.vector_store_idx %arg10[%add3A_53, %add3A_1270], %select_n3A_1267 : memref<256x128xi32, #tpu.memory_space<vmem>>[vector<16xi32>, vector<16xi32>], vector<16xi32>,
      %add3A_1271 = arith.constant -237272163 : i32
      %add3A_1272 = vector.broadcast %add3A_1271 : i32 to vector<16xi32>
      %add3A_1273 = arith.addi %add3A_49, %add3A_1272 : vector<16xi32>
      %ge3A_1274 = arith.constant -109408905 : i32
      %ge3A_1275 = vector.broadcast %ge3A_1274 : i32 to vector<16xi32>
      %ge3A_1276 = arith.cmpi sge, %add3A_1273, %ge3A_1275 : vector<16xi32>
      %jit3A_1277 = arith.constant 109408905 : i32
      %jit3A_1278 = arith.constant -2147483648 : i32
      %broadcast_in_dim3A_1279 = vector.broadcast %jit3A_1277 : i32 to vector<16xi32>
      %broadcast_in_dim3A_1280 = vector.broadcast %jit3A_1278 : i32 to vector<16xi32>
      %select_n3A_1281 = arith.select %ge3A_1276, %broadcast_in_dim3A_1279, %broadcast_in_dim3A_1280 : vector<16xi1>, vector<16xi32>
      %add3A_1282 = arith.addi %add3A_1273, %select_n3A_1281 : vector<16xi32>
      %shift_right_arithmetic3A_1283 = arith.constant 20 : i32
      %shift_right_arithmetic3A_1284 = vector.broadcast %shift_right_arithmetic3A_1283 : i32 to vector<16xi32>
      %shift_right_arithmetic3A_1285 = arith.shrsi %add3A_1282, %shift_right_arithmetic3A_1284 : vector<16xi32>
      %and3A_1286 = arith.constant 1048575 : i32
      %and3A_1287 = vector.broadcast %and3A_1286 : i32 to vector<16xi32>
      %and3A_1288 = arith.andi %add3A_1282, %and3A_1287 : vector<16xi32>
      %add3A_1289 = arith.addi %shift_right_arithmetic3A_1285, %and3A_1288 : vector<16xi32>
      %ge3A_1290 = arith.constant 1048575 : i32
      %ge3A_1291 = vector.broadcast %ge3A_1290 : i32 to vector<16xi32>
      %ge3A_1292 = arith.cmpi sge, %add3A_1289, %ge3A_1291 : vector<16xi32>
      %sub3A_1293 = arith.constant 1048575 : i32
      %sub3A_1294 = vector.broadcast %sub3A_1293 : i32 to vector<16xi32>
      %sub3A_1295 = arith.subi %add3A_1289, %sub3A_1294 : vector<16xi32>
      %select_n3A_1296 = arith.select %ge3A_1292, %sub3A_1295, %add3A_1289 : vector<16xi1>, vector<16xi32>
      %add3A_1297 = arith.constant 42 : i32
      %add3A_1298 = vector.broadcast %add3A_1297 : i32 to vector<16xi32>
      %add3A_1299 = arith.addi %mul3A_9, %add3A_1298 : vector<16xi32>
      tpu.vector_store_idx %arg10[%add3A_53, %add3A_1299], %select_n3A_1296 : memref<256x128xi32, #tpu.memory_space<vmem>>[vector<16xi32>, vector<16xi32>], vector<16xi32>,
      %add3A_1300 = arith.constant -450094665 : i32
      %add3A_1301 = vector.broadcast %add3A_1300 : i32 to vector<16xi32>
      %add3A_1302 = arith.addi %add3A_49, %add3A_1301 : vector<16xi32>
      %ge3A_1303 = arith.constant -109408905 : i32
      %ge3A_1304 = vector.broadcast %ge3A_1303 : i32 to vector<16xi32>
      %ge3A_1305 = arith.cmpi sge, %add3A_1302, %ge3A_1304 : vector<16xi32>
      %jit3A_1306 = arith.constant 109408905 : i32
      %jit3A_1307 = arith.constant -2147483648 : i32
      %broadcast_in_dim3A_1308 = vector.broadcast %jit3A_1306 : i32 to vector<16xi32>
      %broadcast_in_dim3A_1309 = vector.broadcast %jit3A_1307 : i32 to vector<16xi32>
      %select_n3A_1310 = arith.select %ge3A_1305, %broadcast_in_dim3A_1308, %broadcast_in_dim3A_1309 : vector<16xi1>, vector<16xi32>
      %add3A_1311 = arith.addi %add3A_1302, %select_n3A_1310 : vector<16xi32>
      %shift_right_arithmetic3A_1312 = arith.constant 20 : i32
      %shift_right_arithmetic3A_1313 = vector.broadcast %shift_right_arithmetic3A_1312 : i32 to vector<16xi32>
      %shift_right_arithmetic3A_1314 = arith.shrsi %add3A_1311, %shift_right_arithmetic3A_1313 : vector<16xi32>
      %and3A_1315 = arith.constant 1048575 : i32
      %and3A_1316 = vector.broadcast %and3A_1315 : i32 to vector<16xi32>
      %and3A_1317 = arith.andi %add3A_1311, %and3A_1316 : vector<16xi32>
      %add3A_1318 = arith.addi %shift_right_arithmetic3A_1314, %and3A_1317 : vector<16xi32>
      %ge3A_1319 = arith.constant 1048575 : i32
      %ge3A_1320 = vector.broadcast %ge3A_1319 : i32 to vector<16xi32>
      %ge3A_1321 = arith.cmpi sge, %add3A_1318, %ge3A_1320 : vector<16xi32>
      %sub3A_1322 = arith.constant 1048575 : i32
      %sub3A_1323 = vector.broadcast %sub3A_1322 : i32 to vector<16xi32>
      %sub3A_1324 = arith.subi %add3A_1318, %sub3A_1323 : vector<16xi32>
      %select_n3A_1325 = arith.select %ge3A_1321, %sub3A_1324, %add3A_1318 : vector<16xi1>, vector<16xi32>
      %add3A_1326 = arith.constant 43 : i32
      %add3A_1327 = vector.broadcast %add3A_1326 : i32 to vector<16xi32>
      %add3A_1328 = arith.addi %mul3A_9, %add3A_1327 : vector<16xi32>
      tpu.vector_store_idx %arg10[%add3A_53, %add3A_1328], %select_n3A_1325 : memref<256x128xi32, #tpu.memory_space<vmem>>[vector<16xi32>, vector<16xi32>], vector<16xi32>,
      %add3A_1329 = arith.constant -662917167 : i32
      %add3A_1330 = vector.broadcast %add3A_1329 : i32 to vector<16xi32>
      %add3A_1331 = arith.addi %add3A_49, %add3A_1330 : vector<16xi32>
      %ge3A_1332 = arith.constant -109408905 : i32
      %ge3A_1333 = vector.broadcast %ge3A_1332 : i32 to vector<16xi32>
      %ge3A_1334 = arith.cmpi sge, %add3A_1331, %ge3A_1333 : vector<16xi32>
      %jit3A_1335 = arith.constant 109408905 : i32
      %jit3A_1336 = arith.constant -2147483648 : i32
      %broadcast_in_dim3A_1337 = vector.broadcast %jit3A_1335 : i32 to vector<16xi32>
      %broadcast_in_dim3A_1338 = vector.broadcast %jit3A_1336 : i32 to vector<16xi32>
      %select_n3A_1339 = arith.select %ge3A_1334, %broadcast_in_dim3A_1337, %broadcast_in_dim3A_1338 : vector<16xi1>, vector<16xi32>
      %add3A_1340 = arith.addi %add3A_1331, %select_n3A_1339 : vector<16xi32>
      %shift_right_arithmetic3A_1341 = arith.constant 20 : i32
      %shift_right_arithmetic3A_1342 = vector.broadcast %shift_right_arithmetic3A_1341 : i32 to vector<16xi32>
      %shift_right_arithmetic3A_1343 = arith.shrsi %add3A_1340, %shift_right_arithmetic3A_1342 : vector<16xi32>
      %and3A_1344 = arith.constant 1048575 : i32
      %and3A_1345 = vector.broadcast %and3A_1344 : i32 to vector<16xi32>
      %and3A_1346 = arith.andi %add3A_1340, %and3A_1345 : vector<16xi32>
      %add3A_1347 = arith.addi %shift_right_arithmetic3A_1343, %and3A_1346 : vector<16xi32>
      %ge3A_1348 = arith.constant 1048575 : i32
      %ge3A_1349 = vector.broadcast %ge3A_1348 : i32 to vector<16xi32>
      %ge3A_1350 = arith.cmpi sge, %add3A_1347, %ge3A_1349 : vector<16xi32>
      %sub3A_1351 = arith.constant 1048575 : i32
      %sub3A_1352 = vector.broadcast %sub3A_1351 : i32 to vector<16xi32>
      %sub3A_1353 = arith.subi %add3A_1347, %sub3A_1352 : vector<16xi32>
      %select_n3A_1354 = arith.select %ge3A_1350, %sub3A_1353, %add3A_1347 : vector<16xi1>, vector<16xi32>
      %add3A_1355 = arith.constant 44 : i32
      %add3A_1356 = vector.broadcast %add3A_1355 : i32 to vector<16xi32>
      %add3A_1357 = arith.addi %mul3A_9, %add3A_1356 : vector<16xi32>
      tpu.vector_store_idx %arg10[%add3A_53, %add3A_1357], %select_n3A_1354 : memref<256x128xi32, #tpu.memory_space<vmem>>[vector<16xi32>, vector<16xi32>], vector<16xi32>,
      %add3A_1358 = arith.constant -875739669 : i32
      %add3A_1359 = vector.broadcast %add3A_1358 : i32 to vector<16xi32>
      %add3A_1360 = arith.addi %add3A_49, %add3A_1359 : vector<16xi32>
      %ge3A_1361 = arith.constant -109408905 : i32
      %ge3A_1362 = vector.broadcast %ge3A_1361 : i32 to vector<16xi32>
      %ge3A_1363 = arith.cmpi sge, %add3A_1360, %ge3A_1362 : vector<16xi32>
      %jit3A_1364 = arith.constant 109408905 : i32
      %jit3A_1365 = arith.constant -2147483648 : i32
      %broadcast_in_dim3A_1366 = vector.broadcast %jit3A_1364 : i32 to vector<16xi32>
      %broadcast_in_dim3A_1367 = vector.broadcast %jit3A_1365 : i32 to vector<16xi32>
      %select_n3A_1368 = arith.select %ge3A_1363, %broadcast_in_dim3A_1366, %broadcast_in_dim3A_1367 : vector<16xi1>, vector<16xi32>
      %add3A_1369 = arith.addi %add3A_1360, %select_n3A_1368 : vector<16xi32>
      %shift_right_arithmetic3A_1370 = arith.constant 20 : i32
      %shift_right_arithmetic3A_1371 = vector.broadcast %shift_right_arithmetic3A_1370 : i32 to vector<16xi32>
      %shift_right_arithmetic3A_1372 = arith.shrsi %add3A_1369, %shift_right_arithmetic3A_1371 : vector<16xi32>
      %and3A_1373 = arith.constant 1048575 : i32
      %and3A_1374 = vector.broadcast %and3A_1373 : i32 to vector<16xi32>
      %and3A_1375 = arith.andi %add3A_1369, %and3A_1374 : vector<16xi32>
      %add3A_1376 = arith.addi %shift_right_arithmetic3A_1372, %and3A_1375 : vector<16xi32>
      %ge3A_1377 = arith.constant 1048575 : i32
      %ge3A_1378 = vector.broadcast %ge3A_1377 : i32 to vector<16xi32>
      %ge3A_1379 = arith.cmpi sge, %add3A_1376, %ge3A_1378 : vector<16xi32>
      %sub3A_1380 = arith.constant 1048575 : i32
      %sub3A_1381 = vector.broadcast %sub3A_1380 : i32 to vector<16xi32>
      %sub3A_1382 = arith.subi %add3A_1376, %sub3A_1381 : vector<16xi32>
      %select_n3A_1383 = arith.select %ge3A_1379, %sub3A_1382, %add3A_1376 : vector<16xi1>, vector<16xi32>
      %add3A_1384 = arith.constant 45 : i32
      %add3A_1385 = vector.broadcast %add3A_1384 : i32 to vector<16xi32>
      %add3A_1386 = arith.addi %mul3A_9, %add3A_1385 : vector<16xi32>
      tpu.vector_store_idx %arg10[%add3A_53, %add3A_1386], %select_n3A_1383 : memref<256x128xi32, #tpu.memory_space<vmem>>[vector<16xi32>, vector<16xi32>], vector<16xi32>,
      %add3A_1387 = arith.constant -1088562171 : i32
      %add3A_1388 = vector.broadcast %add3A_1387 : i32 to vector<16xi32>
      %add3A_1389 = arith.addi %add3A_49, %add3A_1388 : vector<16xi32>
      %ge3A_1390 = arith.constant -109408905 : i32
      %ge3A_1391 = vector.broadcast %ge3A_1390 : i32 to vector<16xi32>
      %ge3A_1392 = arith.cmpi sge, %add3A_1389, %ge3A_1391 : vector<16xi32>
      %jit3A_1393 = arith.constant 109408905 : i32
      %jit3A_1394 = arith.constant -2147483648 : i32
      %broadcast_in_dim3A_1395 = vector.broadcast %jit3A_1393 : i32 to vector<16xi32>
      %broadcast_in_dim3A_1396 = vector.broadcast %jit3A_1394 : i32 to vector<16xi32>
      %select_n3A_1397 = arith.select %ge3A_1392, %broadcast_in_dim3A_1395, %broadcast_in_dim3A_1396 : vector<16xi1>, vector<16xi32>
      %add3A_1398 = arith.addi %add3A_1389, %select_n3A_1397 : vector<16xi32>
      %shift_right_arithmetic3A_1399 = arith.constant 20 : i32
      %shift_right_arithmetic3A_1400 = vector.broadcast %shift_right_arithmetic3A_1399 : i32 to vector<16xi32>
      %shift_right_arithmetic3A_1401 = arith.shrsi %add3A_1398, %shift_right_arithmetic3A_1400 : vector<16xi32>
      %and3A_1402 = arith.constant 1048575 : i32
      %and3A_1403 = vector.broadcast %and3A_1402 : i32 to vector<16xi32>
      %and3A_1404 = arith.andi %add3A_1398, %and3A_1403 : vector<16xi32>
      %add3A_1405 = arith.addi %shift_right_arithmetic3A_1401, %and3A_1404 : vector<16xi32>
      %ge3A_1406 = arith.constant 1048575 : i32
      %ge3A_1407 = vector.broadcast %ge3A_1406 : i32 to vector<16xi32>
      %ge3A_1408 = arith.cmpi sge, %add3A_1405, %ge3A_1407 : vector<16xi32>
      %sub3A_1409 = arith.constant 1048575 : i32
      %sub3A_1410 = vector.broadcast %sub3A_1409 : i32 to vector<16xi32>
      %sub3A_1411 = arith.subi %add3A_1405, %sub3A_1410 : vector<16xi32>
      %select_n3A_1412 = arith.select %ge3A_1408, %sub3A_1411, %add3A_1405 : vector<16xi1>, vector<16xi32>
      %add3A_1413 = arith.constant 46 : i32
      %add3A_1414 = vector.broadcast %add3A_1413 : i32 to vector<16xi32>
      %add3A_1415 = arith.addi %mul3A_9, %add3A_1414 : vector<16xi32>
      tpu.vector_store_idx %arg10[%add3A_53, %add3A_1415], %select_n3A_1412 : memref<256x128xi32, #tpu.memory_space<vmem>>[vector<16xi32>, vector<16xi32>], vector<16xi32>,
      %add3A_1416 = arith.constant -1301384673 : i32
      %add3A_1417 = vector.broadcast %add3A_1416 : i32 to vector<16xi32>
      %add3A_1418 = arith.addi %add3A_49, %add3A_1417 : vector<16xi32>
      %ge3A_1419 = arith.constant -109408905 : i32
      %ge3A_1420 = vector.broadcast %ge3A_1419 : i32 to vector<16xi32>
      %ge3A_1421 = arith.cmpi sge, %add3A_1418, %ge3A_1420 : vector<16xi32>
      %jit3A_1422 = arith.constant 109408905 : i32
      %jit3A_1423 = arith.constant -2147483648 : i32
      %broadcast_in_dim3A_1424 = vector.broadcast %jit3A_1422 : i32 to vector<16xi32>
      %broadcast_in_dim3A_1425 = vector.broadcast %jit3A_1423 : i32 to vector<16xi32>
      %select_n3A_1426 = arith.select %ge3A_1421, %broadcast_in_dim3A_1424, %broadcast_in_dim3A_1425 : vector<16xi1>, vector<16xi32>
      %add3A_1427 = arith.addi %add3A_1418, %select_n3A_1426 : vector<16xi32>
      %shift_right_arithmetic3A_1428 = arith.constant 20 : i32
      %shift_right_arithmetic3A_1429 = vector.broadcast %shift_right_arithmetic3A_1428 : i32 to vector<16xi32>
      %shift_right_arithmetic3A_1430 = arith.shrsi %add3A_1427, %shift_right_arithmetic3A_1429 : vector<16xi32>
      %and3A_1431 = arith.constant 1048575 : i32
      %and3A_1432 = vector.broadcast %and3A_1431 : i32 to vector<16xi32>
      %and3A_1433 = arith.andi %add3A_1427, %and3A_1432 : vector<16xi32>
      %add3A_1434 = arith.addi %shift_right_arithmetic3A_1430, %and3A_1433 : vector<16xi32>
      %ge3A_1435 = arith.constant 1048575 : i32
      %ge3A_1436 = vector.broadcast %ge3A_1435 : i32 to vector<16xi32>
      %ge3A_1437 = arith.cmpi sge, %add3A_1434, %ge3A_1436 : vector<16xi32>
      %sub3A_1438 = arith.constant 1048575 : i32
      %sub3A_1439 = vector.broadcast %sub3A_1438 : i32 to vector<16xi32>
      %sub3A_1440 = arith.subi %add3A_1434, %sub3A_1439 : vector<16xi32>
      %select_n3A_1441 = arith.select %ge3A_1437, %sub3A_1440, %add3A_1434 : vector<16xi1>, vector<16xi32>
      %add3A_1442 = arith.constant 47 : i32
      %add3A_1443 = vector.broadcast %add3A_1442 : i32 to vector<16xi32>
      %add3A_1444 = arith.addi %mul3A_9, %add3A_1443 : vector<16xi32>
      tpu.vector_store_idx %arg10[%add3A_53, %add3A_1444], %select_n3A_1441 : memref<256x128xi32, #tpu.memory_space<vmem>>[vector<16xi32>, vector<16xi32>], vector<16xi32>,
      %add3A_1445 = arith.constant -1514207175 : i32
      %add3A_1446 = vector.broadcast %add3A_1445 : i32 to vector<16xi32>
      %add3A_1447 = arith.addi %add3A_49, %add3A_1446 : vector<16xi32>
      %ge3A_1448 = arith.constant -109408905 : i32
      %ge3A_1449 = vector.broadcast %ge3A_1448 : i32 to vector<16xi32>
      %ge3A_1450 = arith.cmpi sge, %add3A_1447, %ge3A_1449 : vector<16xi32>
      %jit3A_1451 = arith.constant 109408905 : i32
      %jit3A_1452 = arith.constant -2147483648 : i32
      %broadcast_in_dim3A_1453 = vector.broadcast %jit3A_1451 : i32 to vector<16xi32>
      %broadcast_in_dim3A_1454 = vector.broadcast %jit3A_1452 : i32 to vector<16xi32>
      %select_n3A_1455 = arith.select %ge3A_1450, %broadcast_in_dim3A_1453, %broadcast_in_dim3A_1454 : vector<16xi1>, vector<16xi32>
      %add3A_1456 = arith.addi %add3A_1447, %select_n3A_1455 : vector<16xi32>
      %shift_right_arithmetic3A_1457 = arith.constant 20 : i32
      %shift_right_arithmetic3A_1458 = vector.broadcast %shift_right_arithmetic3A_1457 : i32 to vector<16xi32>
      %shift_right_arithmetic3A_1459 = arith.shrsi %add3A_1456, %shift_right_arithmetic3A_1458 : vector<16xi32>
      %and3A_1460 = arith.constant 1048575 : i32
      %and3A_1461 = vector.broadcast %and3A_1460 : i32 to vector<16xi32>
      %and3A_1462 = arith.andi %add3A_1456, %and3A_1461 : vector<16xi32>
      %add3A_1463 = arith.addi %shift_right_arithmetic3A_1459, %and3A_1462 : vector<16xi32>
      %ge3A_1464 = arith.constant 1048575 : i32
      %ge3A_1465 = vector.broadcast %ge3A_1464 : i32 to vector<16xi32>
      %ge3A_1466 = arith.cmpi sge, %add3A_1463, %ge3A_1465 : vector<16xi32>
      %sub3A_1467 = arith.constant 1048575 : i32
      %sub3A_1468 = vector.broadcast %sub3A_1467 : i32 to vector<16xi32>
      %sub3A_1469 = arith.subi %add3A_1463, %sub3A_1468 : vector<16xi32>
      %select_n3A_1470 = arith.select %ge3A_1466, %sub3A_1469, %add3A_1463 : vector<16xi1>, vector<16xi32>
      %add3A_1471 = arith.constant 48 : i32
      %add3A_1472 = vector.broadcast %add3A_1471 : i32 to vector<16xi32>
      %add3A_1473 = arith.addi %mul3A_9, %add3A_1472 : vector<16xi32>
      tpu.vector_store_idx %arg10[%add3A_53, %add3A_1473], %select_n3A_1470 : memref<256x128xi32, #tpu.memory_space<vmem>>[vector<16xi32>, vector<16xi32>], vector<16xi32>,
      %add3A_1474 = arith.constant -1727029677 : i32
      %add3A_1475 = vector.broadcast %add3A_1474 : i32 to vector<16xi32>
      %add3A_1476 = arith.addi %add3A_49, %add3A_1475 : vector<16xi32>
      %ge3A_1477 = arith.constant -109408905 : i32
      %ge3A_1478 = vector.broadcast %ge3A_1477 : i32 to vector<16xi32>
      %ge3A_1479 = arith.cmpi sge, %add3A_1476, %ge3A_1478 : vector<16xi32>
      %jit3A_1480 = arith.constant 109408905 : i32
      %jit3A_1481 = arith.constant -2147483648 : i32
      %broadcast_in_dim3A_1482 = vector.broadcast %jit3A_1480 : i32 to vector<16xi32>
      %broadcast_in_dim3A_1483 = vector.broadcast %jit3A_1481 : i32 to vector<16xi32>
      %select_n3A_1484 = arith.select %ge3A_1479, %broadcast_in_dim3A_1482, %broadcast_in_dim3A_1483 : vector<16xi1>, vector<16xi32>
      %add3A_1485 = arith.addi %add3A_1476, %select_n3A_1484 : vector<16xi32>
      %shift_right_arithmetic3A_1486 = arith.constant 20 : i32
      %shift_right_arithmetic3A_1487 = vector.broadcast %shift_right_arithmetic3A_1486 : i32 to vector<16xi32>
      %shift_right_arithmetic3A_1488 = arith.shrsi %add3A_1485, %shift_right_arithmetic3A_1487 : vector<16xi32>
      %and3A_1489 = arith.constant 1048575 : i32
      %and3A_1490 = vector.broadcast %and3A_1489 : i32 to vector<16xi32>
      %and3A_1491 = arith.andi %add3A_1485, %and3A_1490 : vector<16xi32>
      %add3A_1492 = arith.addi %shift_right_arithmetic3A_1488, %and3A_1491 : vector<16xi32>
      %ge3A_1493 = arith.constant 1048575 : i32
      %ge3A_1494 = vector.broadcast %ge3A_1493 : i32 to vector<16xi32>
      %ge3A_1495 = arith.cmpi sge, %add3A_1492, %ge3A_1494 : vector<16xi32>
      %sub3A_1496 = arith.constant 1048575 : i32
      %sub3A_1497 = vector.broadcast %sub3A_1496 : i32 to vector<16xi32>
      %sub3A_1498 = arith.subi %add3A_1492, %sub3A_1497 : vector<16xi32>
      %select_n3A_1499 = arith.select %ge3A_1495, %sub3A_1498, %add3A_1492 : vector<16xi1>, vector<16xi32>
      %add3A_1500 = arith.constant 49 : i32
      %add3A_1501 = vector.broadcast %add3A_1500 : i32 to vector<16xi32>
      %add3A_1502 = arith.addi %mul3A_9, %add3A_1501 : vector<16xi32>
      tpu.vector_store_idx %arg10[%add3A_53, %add3A_1502], %select_n3A_1499 : memref<256x128xi32, #tpu.memory_space<vmem>>[vector<16xi32>, vector<16xi32>], vector<16xi32>,
      %add3A_1503 = arith.constant -1939852179 : i32
      %add3A_1504 = vector.broadcast %add3A_1503 : i32 to vector<16xi32>
      %add3A_1505 = arith.addi %add3A_49, %add3A_1504 : vector<16xi32>
      %ge3A_1506 = arith.constant -109408905 : i32
      %ge3A_1507 = vector.broadcast %ge3A_1506 : i32 to vector<16xi32>
      %ge3A_1508 = arith.cmpi sge, %add3A_1505, %ge3A_1507 : vector<16xi32>
      %jit3A_1509 = arith.constant 109408905 : i32
      %jit3A_1510 = arith.constant -2147483648 : i32
      %broadcast_in_dim3A_1511 = vector.broadcast %jit3A_1509 : i32 to vector<16xi32>
      %broadcast_in_dim3A_1512 = vector.broadcast %jit3A_1510 : i32 to vector<16xi32>
      %select_n3A_1513 = arith.select %ge3A_1508, %broadcast_in_dim3A_1511, %broadcast_in_dim3A_1512 : vector<16xi1>, vector<16xi32>
      %add3A_1514 = arith.addi %add3A_1505, %select_n3A_1513 : vector<16xi32>
      %shift_right_arithmetic3A_1515 = arith.constant 20 : i32
      %shift_right_arithmetic3A_1516 = vector.broadcast %shift_right_arithmetic3A_1515 : i32 to vector<16xi32>
      %shift_right_arithmetic3A_1517 = arith.shrsi %add3A_1514, %shift_right_arithmetic3A_1516 : vector<16xi32>
      %and3A_1518 = arith.constant 1048575 : i32
      %and3A_1519 = vector.broadcast %and3A_1518 : i32 to vector<16xi32>
      %and3A_1520 = arith.andi %add3A_1514, %and3A_1519 : vector<16xi32>
      %add3A_1521 = arith.addi %shift_right_arithmetic3A_1517, %and3A_1520 : vector<16xi32>
      %ge3A_1522 = arith.constant 1048575 : i32
      %ge3A_1523 = vector.broadcast %ge3A_1522 : i32 to vector<16xi32>
      %ge3A_1524 = arith.cmpi sge, %add3A_1521, %ge3A_1523 : vector<16xi32>
      %sub3A_1525 = arith.constant 1048575 : i32
      %sub3A_1526 = vector.broadcast %sub3A_1525 : i32 to vector<16xi32>
      %sub3A_1527 = arith.subi %add3A_1521, %sub3A_1526 : vector<16xi32>
      %select_n3A_1528 = arith.select %ge3A_1524, %sub3A_1527, %add3A_1521 : vector<16xi1>, vector<16xi32>
      %add3A_1529 = arith.constant 50 : i32
      %add3A_1530 = vector.broadcast %add3A_1529 : i32 to vector<16xi32>
      %add3A_1531 = arith.addi %mul3A_9, %add3A_1530 : vector<16xi32>
      tpu.vector_store_idx %arg10[%add3A_53, %add3A_1531], %select_n3A_1528 : memref<256x128xi32, #tpu.memory_space<vmem>>[vector<16xi32>, vector<16xi32>], vector<16xi32>,
      %add3A_1532 = arith.constant -114599938 : i32
      %add3A_1533 = vector.broadcast %add3A_1532 : i32 to vector<16xi32>
      %add3A_1534 = arith.addi %add3A_49, %add3A_1533 : vector<16xi32>
      %ge3A_1535 = arith.constant -109408905 : i32
      %ge3A_1536 = vector.broadcast %ge3A_1535 : i32 to vector<16xi32>
      %ge3A_1537 = arith.cmpi sge, %add3A_1534, %ge3A_1536 : vector<16xi32>
      %jit3A_1538 = arith.constant 109408905 : i32
      %jit3A_1539 = arith.constant -2147483648 : i32
      %broadcast_in_dim3A_1540 = vector.broadcast %jit3A_1538 : i32 to vector<16xi32>
      %broadcast_in_dim3A_1541 = vector.broadcast %jit3A_1539 : i32 to vector<16xi32>
      %select_n3A_1542 = arith.select %ge3A_1537, %broadcast_in_dim3A_1540, %broadcast_in_dim3A_1541 : vector<16xi1>, vector<16xi32>
      %add3A_1543 = arith.addi %add3A_1534, %select_n3A_1542 : vector<16xi32>
      %shift_right_arithmetic3A_1544 = arith.constant 20 : i32
      %shift_right_arithmetic3A_1545 = vector.broadcast %shift_right_arithmetic3A_1544 : i32 to vector<16xi32>
      %shift_right_arithmetic3A_1546 = arith.shrsi %add3A_1543, %shift_right_arithmetic3A_1545 : vector<16xi32>
      %and3A_1547 = arith.constant 1048575 : i32
      %and3A_1548 = vector.broadcast %and3A_1547 : i32 to vector<16xi32>
      %and3A_1549 = arith.andi %add3A_1543, %and3A_1548 : vector<16xi32>
      %add3A_1550 = arith.addi %shift_right_arithmetic3A_1546, %and3A_1549 : vector<16xi32>
      %ge3A_1551 = arith.constant 1048575 : i32
      %ge3A_1552 = vector.broadcast %ge3A_1551 : i32 to vector<16xi32>
      %ge3A_1553 = arith.cmpi sge, %add3A_1550, %ge3A_1552 : vector<16xi32>
      %sub3A_1554 = arith.constant 1048575 : i32
      %sub3A_1555 = vector.broadcast %sub3A_1554 : i32 to vector<16xi32>
      %sub3A_1556 = arith.subi %add3A_1550, %sub3A_1555 : vector<16xi32>
      %select_n3A_1557 = arith.select %ge3A_1553, %sub3A_1556, %add3A_1550 : vector<16xi1>, vector<16xi32>
      %add3A_1558 = arith.constant 51 : i32
      %add3A_1559 = vector.broadcast %add3A_1558 : i32 to vector<16xi32>
      %add3A_1560 = arith.addi %mul3A_9, %add3A_1559 : vector<16xi32>
      tpu.vector_store_idx %arg10[%add3A_53, %add3A_1560], %select_n3A_1557 : memref<256x128xi32, #tpu.memory_space<vmem>>[vector<16xi32>, vector<16xi32>], vector<16xi32>,
      %add3A_1561 = arith.constant -327422440 : i32
      %add3A_1562 = vector.broadcast %add3A_1561 : i32 to vector<16xi32>
      %add3A_1563 = arith.addi %add3A_49, %add3A_1562 : vector<16xi32>
      %ge3A_1564 = arith.constant -109408905 : i32
      %ge3A_1565 = vector.broadcast %ge3A_1564 : i32 to vector<16xi32>
      %ge3A_1566 = arith.cmpi sge, %add3A_1563, %ge3A_1565 : vector<16xi32>
      %jit3A_1567 = arith.constant 109408905 : i32
      %jit3A_1568 = arith.constant -2147483648 : i32
      %broadcast_in_dim3A_1569 = vector.broadcast %jit3A_1567 : i32 to vector<16xi32>
      %broadcast_in_dim3A_1570 = vector.broadcast %jit3A_1568 : i32 to vector<16xi32>
      %select_n3A_1571 = arith.select %ge3A_1566, %broadcast_in_dim3A_1569, %broadcast_in_dim3A_1570 : vector<16xi1>, vector<16xi32>
      %add3A_1572 = arith.addi %add3A_1563, %select_n3A_1571 : vector<16xi32>
      %shift_right_arithmetic3A_1573 = arith.constant 20 : i32
      %shift_right_arithmetic3A_1574 = vector.broadcast %shift_right_arithmetic3A_1573 : i32 to vector<16xi32>
      %shift_right_arithmetic3A_1575 = arith.shrsi %add3A_1572, %shift_right_arithmetic3A_1574 : vector<16xi32>
      %and3A_1576 = arith.constant 1048575 : i32
      %and3A_1577 = vector.broadcast %and3A_1576 : i32 to vector<16xi32>
      %and3A_1578 = arith.andi %add3A_1572, %and3A_1577 : vector<16xi32>
      %add3A_1579 = arith.addi %shift_right_arithmetic3A_1575, %and3A_1578 : vector<16xi32>
      %ge3A_1580 = arith.constant 1048575 : i32
      %ge3A_1581 = vector.broadcast %ge3A_1580 : i32 to vector<16xi32>
      %ge3A_1582 = arith.cmpi sge, %add3A_1579, %ge3A_1581 : vector<16xi32>
      %sub3A_1583 = arith.constant 1048575 : i32
      %sub3A_1584 = vector.broadcast %sub3A_1583 : i32 to vector<16xi32>
      %sub3A_1585 = arith.subi %add3A_1579, %sub3A_1584 : vector<16xi32>
      %select_n3A_1586 = arith.select %ge3A_1582, %sub3A_1585, %add3A_1579 : vector<16xi1>, vector<16xi32>
      %add3A_1587 = arith.constant 52 : i32
      %add3A_1588 = vector.broadcast %add3A_1587 : i32 to vector<16xi32>
      %add3A_1589 = arith.addi %mul3A_9, %add3A_1588 : vector<16xi32>
      tpu.vector_store_idx %arg10[%add3A_53, %add3A_1589], %select_n3A_1586 : memref<256x128xi32, #tpu.memory_space<vmem>>[vector<16xi32>, vector<16xi32>], vector<16xi32>,
      %add3A_1590 = arith.constant -540244942 : i32
      %add3A_1591 = vector.broadcast %add3A_1590 : i32 to vector<16xi32>
      %add3A_1592 = arith.addi %add3A_49, %add3A_1591 : vector<16xi32>
      %ge3A_1593 = arith.constant -109408905 : i32
      %ge3A_1594 = vector.broadcast %ge3A_1593 : i32 to vector<16xi32>
      %ge3A_1595 = arith.cmpi sge, %add3A_1592, %ge3A_1594 : vector<16xi32>
      %jit3A_1596 = arith.constant 109408905 : i32
      %jit3A_1597 = arith.constant -2147483648 : i32
      %broadcast_in_dim3A_1598 = vector.broadcast %jit3A_1596 : i32 to vector<16xi32>
      %broadcast_in_dim3A_1599 = vector.broadcast %jit3A_1597 : i32 to vector<16xi32>
      %select_n3A_1600 = arith.select %ge3A_1595, %broadcast_in_dim3A_1598, %broadcast_in_dim3A_1599 : vector<16xi1>, vector<16xi32>
      %add3A_1601 = arith.addi %add3A_1592, %select_n3A_1600 : vector<16xi32>
      %shift_right_arithmetic3A_1602 = arith.constant 20 : i32
      %shift_right_arithmetic3A_1603 = vector.broadcast %shift_right_arithmetic3A_1602 : i32 to vector<16xi32>
      %shift_right_arithmetic3A_1604 = arith.shrsi %add3A_1601, %shift_right_arithmetic3A_1603 : vector<16xi32>
      %and3A_1605 = arith.constant 1048575 : i32
      %and3A_1606 = vector.broadcast %and3A_1605 : i32 to vector<16xi32>
      %and3A_1607 = arith.andi %add3A_1601, %and3A_1606 : vector<16xi32>
      %add3A_1608 = arith.addi %shift_right_arithmetic3A_1604, %and3A_1607 : vector<16xi32>
      %ge3A_1609 = arith.constant 1048575 : i32
      %ge3A_1610 = vector.broadcast %ge3A_1609 : i32 to vector<16xi32>
      %ge3A_1611 = arith.cmpi sge, %add3A_1608, %ge3A_1610 : vector<16xi32>
      %sub3A_1612 = arith.constant 1048575 : i32
      %sub3A_1613 = vector.broadcast %sub3A_1612 : i32 to vector<16xi32>
      %sub3A_1614 = arith.subi %add3A_1608, %sub3A_1613 : vector<16xi32>
      %select_n3A_1615 = arith.select %ge3A_1611, %sub3A_1614, %add3A_1608 : vector<16xi1>, vector<16xi32>
      %add3A_1616 = arith.constant 53 : i32
      %add3A_1617 = vector.broadcast %add3A_1616 : i32 to vector<16xi32>
      %add3A_1618 = arith.addi %mul3A_9, %add3A_1617 : vector<16xi32>
      tpu.vector_store_idx %arg10[%add3A_53, %add3A_1618], %select_n3A_1615 : memref<256x128xi32, #tpu.memory_space<vmem>>[vector<16xi32>, vector<16xi32>], vector<16xi32>,
      %add3A_1619 = arith.constant -753067444 : i32
      %add3A_1620 = vector.broadcast %add3A_1619 : i32 to vector<16xi32>
      %add3A_1621 = arith.addi %add3A_49, %add3A_1620 : vector<16xi32>
      %ge3A_1622 = arith.constant -109408905 : i32
      %ge3A_1623 = vector.broadcast %ge3A_1622 : i32 to vector<16xi32>
      %ge3A_1624 = arith.cmpi sge, %add3A_1621, %ge3A_1623 : vector<16xi32>
      %jit3A_1625 = arith.constant 109408905 : i32
      %jit3A_1626 = arith.constant -2147483648 : i32
      %broadcast_in_dim3A_1627 = vector.broadcast %jit3A_1625 : i32 to vector<16xi32>
      %broadcast_in_dim3A_1628 = vector.broadcast %jit3A_1626 : i32 to vector<16xi32>
      %select_n3A_1629 = arith.select %ge3A_1624, %broadcast_in_dim3A_1627, %broadcast_in_dim3A_1628 : vector<16xi1>, vector<16xi32>
      %add3A_1630 = arith.addi %add3A_1621, %select_n3A_1629 : vector<16xi32>
      %shift_right_arithmetic3A_1631 = arith.constant 20 : i32
      %shift_right_arithmetic3A_1632 = vector.broadcast %shift_right_arithmetic3A_1631 : i32 to vector<16xi32>
      %shift_right_arithmetic3A_1633 = arith.shrsi %add3A_1630, %shift_right_arithmetic3A_1632 : vector<16xi32>
      %and3A_1634 = arith.constant 1048575 : i32
      %and3A_1635 = vector.broadcast %and3A_1634 : i32 to vector<16xi32>
      %and3A_1636 = arith.andi %add3A_1630, %and3A_1635 : vector<16xi32>
      %add3A_1637 = arith.addi %shift_right_arithmetic3A_1633, %and3A_1636 : vector<16xi32>
      %ge3A_1638 = arith.constant 1048575 : i32
      %ge3A_1639 = vector.broadcast %ge3A_1638 : i32 to vector<16xi32>
      %ge3A_1640 = arith.cmpi sge, %add3A_1637, %ge3A_1639 : vector<16xi32>
      %sub3A_1641 = arith.constant 1048575 : i32
      %sub3A_1642 = vector.broadcast %sub3A_1641 : i32 to vector<16xi32>
      %sub3A_1643 = arith.subi %add3A_1637, %sub3A_1642 : vector<16xi32>
      %select_n3A_1644 = arith.select %ge3A_1640, %sub3A_1643, %add3A_1637 : vector<16xi1>, vector<16xi32>
      %add3A_1645 = arith.constant 54 : i32
      %add3A_1646 = vector.broadcast %add3A_1645 : i32 to vector<16xi32>
      %add3A_1647 = arith.addi %mul3A_9, %add3A_1646 : vector<16xi32>
      tpu.vector_store_idx %arg10[%add3A_53, %add3A_1647], %select_n3A_1644 : memref<256x128xi32, #tpu.memory_space<vmem>>[vector<16xi32>, vector<16xi32>], vector<16xi32>,
      %add3A_1648 = arith.constant -965889946 : i32
      %add3A_1649 = vector.broadcast %add3A_1648 : i32 to vector<16xi32>
      %add3A_1650 = arith.addi %add3A_49, %add3A_1649 : vector<16xi32>
      %ge3A_1651 = arith.constant -109408905 : i32
      %ge3A_1652 = vector.broadcast %ge3A_1651 : i32 to vector<16xi32>
      %ge3A_1653 = arith.cmpi sge, %add3A_1650, %ge3A_1652 : vector<16xi32>
      %jit3A_1654 = arith.constant 109408905 : i32
      %jit3A_1655 = arith.constant -2147483648 : i32
      %broadcast_in_dim3A_1656 = vector.broadcast %jit3A_1654 : i32 to vector<16xi32>
      %broadcast_in_dim3A_1657 = vector.broadcast %jit3A_1655 : i32 to vector<16xi32>
      %select_n3A_1658 = arith.select %ge3A_1653, %broadcast_in_dim3A_1656, %broadcast_in_dim3A_1657 : vector<16xi1>, vector<16xi32>
      %add3A_1659 = arith.addi %add3A_1650, %select_n3A_1658 : vector<16xi32>
      %shift_right_arithmetic3A_1660 = arith.constant 20 : i32
      %shift_right_arithmetic3A_1661 = vector.broadcast %shift_right_arithmetic3A_1660 : i32 to vector<16xi32>
      %shift_right_arithmetic3A_1662 = arith.shrsi %add3A_1659, %shift_right_arithmetic3A_1661 : vector<16xi32>
      %and3A_1663 = arith.constant 1048575 : i32
      %and3A_1664 = vector.broadcast %and3A_1663 : i32 to vector<16xi32>
      %and3A_1665 = arith.andi %add3A_1659, %and3A_1664 : vector<16xi32>
      %add3A_1666 = arith.addi %shift_right_arithmetic3A_1662, %and3A_1665 : vector<16xi32>
      %ge3A_1667 = arith.constant 1048575 : i32
      %ge3A_1668 = vector.broadcast %ge3A_1667 : i32 to vector<16xi32>
      %ge3A_1669 = arith.cmpi sge, %add3A_1666, %ge3A_1668 : vector<16xi32>
      %sub3A_1670 = arith.constant 1048575 : i32
      %sub3A_1671 = vector.broadcast %sub3A_1670 : i32 to vector<16xi32>
      %sub3A_1672 = arith.subi %add3A_1666, %sub3A_1671 : vector<16xi32>
      %select_n3A_1673 = arith.select %ge3A_1669, %sub3A_1672, %add3A_1666 : vector<16xi1>, vector<16xi32>
      %add3A_1674 = arith.constant 55 : i32
      %add3A_1675 = vector.broadcast %add3A_1674 : i32 to vector<16xi32>
      %add3A_1676 = arith.addi %mul3A_9, %add3A_1675 : vector<16xi32>
      tpu.vector_store_idx %arg10[%add3A_53, %add3A_1676], %select_n3A_1673 : memref<256x128xi32, #tpu.memory_space<vmem>>[vector<16xi32>, vector<16xi32>], vector<16xi32>,
      %add3A_1677 = arith.constant -1178712448 : i32
      %add3A_1678 = vector.broadcast %add3A_1677 : i32 to vector<16xi32>
      %add3A_1679 = arith.addi %add3A_49, %add3A_1678 : vector<16xi32>
      %ge3A_1680 = arith.constant -109408905 : i32
      %ge3A_1681 = vector.broadcast %ge3A_1680 : i32 to vector<16xi32>
      %ge3A_1682 = arith.cmpi sge, %add3A_1679, %ge3A_1681 : vector<16xi32>
      %jit3A_1683 = arith.constant 109408905 : i32
      %jit3A_1684 = arith.constant -2147483648 : i32
      %broadcast_in_dim3A_1685 = vector.broadcast %jit3A_1683 : i32 to vector<16xi32>
      %broadcast_in_dim3A_1686 = vector.broadcast %jit3A_1684 : i32 to vector<16xi32>
      %select_n3A_1687 = arith.select %ge3A_1682, %broadcast_in_dim3A_1685, %broadcast_in_dim3A_1686 : vector<16xi1>, vector<16xi32>
      %add3A_1688 = arith.addi %add3A_1679, %select_n3A_1687 : vector<16xi32>
      %shift_right_arithmetic3A_1689 = arith.constant 20 : i32
      %shift_right_arithmetic3A_1690 = vector.broadcast %shift_right_arithmetic3A_1689 : i32 to vector<16xi32>
      %shift_right_arithmetic3A_1691 = arith.shrsi %add3A_1688, %shift_right_arithmetic3A_1690 : vector<16xi32>
      %and3A_1692 = arith.constant 1048575 : i32
      %and3A_1693 = vector.broadcast %and3A_1692 : i32 to vector<16xi32>
      %and3A_1694 = arith.andi %add3A_1688, %and3A_1693 : vector<16xi32>
      %add3A_1695 = arith.addi %shift_right_arithmetic3A_1691, %and3A_1694 : vector<16xi32>
      %ge3A_1696 = arith.constant 1048575 : i32
      %ge3A_1697 = vector.broadcast %ge3A_1696 : i32 to vector<16xi32>
      %ge3A_1698 = arith.cmpi sge, %add3A_1695, %ge3A_1697 : vector<16xi32>
      %sub3A_1699 = arith.constant 1048575 : i32
      %sub3A_1700 = vector.broadcast %sub3A_1699 : i32 to vector<16xi32>
      %sub3A_1701 = arith.subi %add3A_1695, %sub3A_1700 : vector<16xi32>
      %select_n3A_1702 = arith.select %ge3A_1698, %sub3A_1701, %add3A_1695 : vector<16xi1>, vector<16xi32>
      %add3A_1703 = arith.constant 56 : i32
      %add3A_1704 = vector.broadcast %add3A_1703 : i32 to vector<16xi32>
      %add3A_1705 = arith.addi %mul3A_9, %add3A_1704 : vector<16xi32>
      tpu.vector_store_idx %arg10[%add3A_53, %add3A_1705], %select_n3A_1702 : memref<256x128xi32, #tpu.memory_space<vmem>>[vector<16xi32>, vector<16xi32>], vector<16xi32>,
      %add3A_1706 = arith.constant -1391534950 : i32
      %add3A_1707 = vector.broadcast %add3A_1706 : i32 to vector<16xi32>
      %add3A_1708 = arith.addi %add3A_49, %add3A_1707 : vector<16xi32>
      %ge3A_1709 = arith.constant -109408905 : i32
      %ge3A_1710 = vector.broadcast %ge3A_1709 : i32 to vector<16xi32>
      %ge3A_1711 = arith.cmpi sge, %add3A_1708, %ge3A_1710 : vector<16xi32>
      %jit3A_1712 = arith.constant 109408905 : i32
      %jit3A_1713 = arith.constant -2147483648 : i32
      %broadcast_in_dim3A_1714 = vector.broadcast %jit3A_1712 : i32 to vector<16xi32>
      %broadcast_in_dim3A_1715 = vector.broadcast %jit3A_1713 : i32 to vector<16xi32>
      %select_n3A_1716 = arith.select %ge3A_1711, %broadcast_in_dim3A_1714, %broadcast_in_dim3A_1715 : vector<16xi1>, vector<16xi32>
      %add3A_1717 = arith.addi %add3A_1708, %select_n3A_1716 : vector<16xi32>
      %shift_right_arithmetic3A_1718 = arith.constant 20 : i32
      %shift_right_arithmetic3A_1719 = vector.broadcast %shift_right_arithmetic3A_1718 : i32 to vector<16xi32>
      %shift_right_arithmetic3A_1720 = arith.shrsi %add3A_1717, %shift_right_arithmetic3A_1719 : vector<16xi32>
      %and3A_1721 = arith.constant 1048575 : i32
      %and3A_1722 = vector.broadcast %and3A_1721 : i32 to vector<16xi32>
      %and3A_1723 = arith.andi %add3A_1717, %and3A_1722 : vector<16xi32>
      %add3A_1724 = arith.addi %shift_right_arithmetic3A_1720, %and3A_1723 : vector<16xi32>
      %ge3A_1725 = arith.constant 1048575 : i32
      %ge3A_1726 = vector.broadcast %ge3A_1725 : i32 to vector<16xi32>
      %ge3A_1727 = arith.cmpi sge, %add3A_1724, %ge3A_1726 : vector<16xi32>
      %sub3A_1728 = arith.constant 1048575 : i32
      %sub3A_1729 = vector.broadcast %sub3A_1728 : i32 to vector<16xi32>
      %sub3A_1730 = arith.subi %add3A_1724, %sub3A_1729 : vector<16xi32>
      %select_n3A_1731 = arith.select %ge3A_1727, %sub3A_1730, %add3A_1724 : vector<16xi1>, vector<16xi32>
      %add3A_1732 = arith.constant 57 : i32
      %add3A_1733 = vector.broadcast %add3A_1732 : i32 to vector<16xi32>
      %add3A_1734 = arith.addi %mul3A_9, %add3A_1733 : vector<16xi32>
      tpu.vector_store_idx %arg10[%add3A_53, %add3A_1734], %select_n3A_1731 : memref<256x128xi32, #tpu.memory_space<vmem>>[vector<16xi32>, vector<16xi32>], vector<16xi32>,
      %add3A_1735 = arith.constant -1604357452 : i32
      %add3A_1736 = vector.broadcast %add3A_1735 : i32 to vector<16xi32>
      %add3A_1737 = arith.addi %add3A_49, %add3A_1736 : vector<16xi32>
      %ge3A_1738 = arith.constant -109408905 : i32
      %ge3A_1739 = vector.broadcast %ge3A_1738 : i32 to vector<16xi32>
      %ge3A_1740 = arith.cmpi sge, %add3A_1737, %ge3A_1739 : vector<16xi32>
      %jit3A_1741 = arith.constant 109408905 : i32
      %jit3A_1742 = arith.constant -2147483648 : i32
      %broadcast_in_dim3A_1743 = vector.broadcast %jit3A_1741 : i32 to vector<16xi32>
      %broadcast_in_dim3A_1744 = vector.broadcast %jit3A_1742 : i32 to vector<16xi32>
      %select_n3A_1745 = arith.select %ge3A_1740, %broadcast_in_dim3A_1743, %broadcast_in_dim3A_1744 : vector<16xi1>, vector<16xi32>
      %add3A_1746 = arith.addi %add3A_1737, %select_n3A_1745 : vector<16xi32>
      %shift_right_arithmetic3A_1747 = arith.constant 20 : i32
      %shift_right_arithmetic3A_1748 = vector.broadcast %shift_right_arithmetic3A_1747 : i32 to vector<16xi32>
      %shift_right_arithmetic3A_1749 = arith.shrsi %add3A_1746, %shift_right_arithmetic3A_1748 : vector<16xi32>
      %and3A_1750 = arith.constant 1048575 : i32
      %and3A_1751 = vector.broadcast %and3A_1750 : i32 to vector<16xi32>
      %and3A_1752 = arith.andi %add3A_1746, %and3A_1751 : vector<16xi32>
      %add3A_1753 = arith.addi %shift_right_arithmetic3A_1749, %and3A_1752 : vector<16xi32>
      %ge3A_1754 = arith.constant 1048575 : i32
      %ge3A_1755 = vector.broadcast %ge3A_1754 : i32 to vector<16xi32>
      %ge3A_1756 = arith.cmpi sge, %add3A_1753, %ge3A_1755 : vector<16xi32>
      %sub3A_1757 = arith.constant 1048575 : i32
      %sub3A_1758 = vector.broadcast %sub3A_1757 : i32 to vector<16xi32>
      %sub3A_1759 = arith.subi %add3A_1753, %sub3A_1758 : vector<16xi32>
      %select_n3A_1760 = arith.select %ge3A_1756, %sub3A_1759, %add3A_1753 : vector<16xi1>, vector<16xi32>
      %add3A_1761 = arith.constant 58 : i32
      %add3A_1762 = vector.broadcast %add3A_1761 : i32 to vector<16xi32>
      %add3A_1763 = arith.addi %mul3A_9, %add3A_1762 : vector<16xi32>
      tpu.vector_store_idx %arg10[%add3A_53, %add3A_1763], %select_n3A_1760 : memref<256x128xi32, #tpu.memory_space<vmem>>[vector<16xi32>, vector<16xi32>], vector<16xi32>,
      %add3A_1764 = arith.constant -1817179954 : i32
      %add3A_1765 = vector.broadcast %add3A_1764 : i32 to vector<16xi32>
      %add3A_1766 = arith.addi %add3A_49, %add3A_1765 : vector<16xi32>
      %ge3A_1767 = arith.constant -109408905 : i32
      %ge3A_1768 = vector.broadcast %ge3A_1767 : i32 to vector<16xi32>
      %ge3A_1769 = arith.cmpi sge, %add3A_1766, %ge3A_1768 : vector<16xi32>
      %jit3A_1770 = arith.constant 109408905 : i32
      %jit3A_1771 = arith.constant -2147483648 : i32
      %broadcast_in_dim3A_1772 = vector.broadcast %jit3A_1770 : i32 to vector<16xi32>
      %broadcast_in_dim3A_1773 = vector.broadcast %jit3A_1771 : i32 to vector<16xi32>
      %select_n3A_1774 = arith.select %ge3A_1769, %broadcast_in_dim3A_1772, %broadcast_in_dim3A_1773 : vector<16xi1>, vector<16xi32>
      %add3A_1775 = arith.addi %add3A_1766, %select_n3A_1774 : vector<16xi32>
      %shift_right_arithmetic3A_1776 = arith.constant 20 : i32
      %shift_right_arithmetic3A_1777 = vector.broadcast %shift_right_arithmetic3A_1776 : i32 to vector<16xi32>
      %shift_right_arithmetic3A_1778 = arith.shrsi %add3A_1775, %shift_right_arithmetic3A_1777 : vector<16xi32>
      %and3A_1779 = arith.constant 1048575 : i32
      %and3A_1780 = vector.broadcast %and3A_1779 : i32 to vector<16xi32>
      %and3A_1781 = arith.andi %add3A_1775, %and3A_1780 : vector<16xi32>
      %add3A_1782 = arith.addi %shift_right_arithmetic3A_1778, %and3A_1781 : vector<16xi32>
      %ge3A_1783 = arith.constant 1048575 : i32
      %ge3A_1784 = vector.broadcast %ge3A_1783 : i32 to vector<16xi32>
      %ge3A_1785 = arith.cmpi sge, %add3A_1782, %ge3A_1784 : vector<16xi32>
      %sub3A_1786 = arith.constant 1048575 : i32
      %sub3A_1787 = vector.broadcast %sub3A_1786 : i32 to vector<16xi32>
      %sub3A_1788 = arith.subi %add3A_1782, %sub3A_1787 : vector<16xi32>
      %select_n3A_1789 = arith.select %ge3A_1785, %sub3A_1788, %add3A_1782 : vector<16xi1>, vector<16xi32>
      %add3A_1790 = arith.constant 59 : i32
      %add3A_1791 = vector.broadcast %add3A_1790 : i32 to vector<16xi32>
      %add3A_1792 = arith.addi %mul3A_9, %add3A_1791 : vector<16xi32>
      tpu.vector_store_idx %arg10[%add3A_53, %add3A_1792], %select_n3A_1789 : memref<256x128xi32, #tpu.memory_space<vmem>>[vector<16xi32>, vector<16xi32>], vector<16xi32>,
      %add3A_1793 = arith.constant -2030002456 : i32
      %add3A_1794 = vector.broadcast %add3A_1793 : i32 to vector<16xi32>
      %add3A_1795 = arith.addi %add3A_49, %add3A_1794 : vector<16xi32>
      %ge3A_1796 = arith.constant -109408905 : i32
      %ge3A_1797 = vector.broadcast %ge3A_1796 : i32 to vector<16xi32>
      %ge3A_1798 = arith.cmpi sge, %add3A_1795, %ge3A_1797 : vector<16xi32>
      %jit3A_1799 = arith.constant 109408905 : i32
      %jit3A_1800 = arith.constant -2147483648 : i32
      %broadcast_in_dim3A_1801 = vector.broadcast %jit3A_1799 : i32 to vector<16xi32>
      %broadcast_in_dim3A_1802 = vector.broadcast %jit3A_1800 : i32 to vector<16xi32>
      %select_n3A_1803 = arith.select %ge3A_1798, %broadcast_in_dim3A_1801, %broadcast_in_dim3A_1802 : vector<16xi1>, vector<16xi32>
      %add3A_1804 = arith.addi %add3A_1795, %select_n3A_1803 : vector<16xi32>
      %shift_right_arithmetic3A_1805 = arith.constant 20 : i32
      %shift_right_arithmetic3A_1806 = vector.broadcast %shift_right_arithmetic3A_1805 : i32 to vector<16xi32>
      %shift_right_arithmetic3A_1807 = arith.shrsi %add3A_1804, %shift_right_arithmetic3A_1806 : vector<16xi32>
      %and3A_1808 = arith.constant 1048575 : i32
      %and3A_1809 = vector.broadcast %and3A_1808 : i32 to vector<16xi32>
      %and3A_1810 = arith.andi %add3A_1804, %and3A_1809 : vector<16xi32>
      %add3A_1811 = arith.addi %shift_right_arithmetic3A_1807, %and3A_1810 : vector<16xi32>
      %ge3A_1812 = arith.constant 1048575 : i32
      %ge3A_1813 = vector.broadcast %ge3A_1812 : i32 to vector<16xi32>
      %ge3A_1814 = arith.cmpi sge, %add3A_1811, %ge3A_1813 : vector<16xi32>
      %sub3A_1815 = arith.constant 1048575 : i32
      %sub3A_1816 = vector.broadcast %sub3A_1815 : i32 to vector<16xi32>
      %sub3A_1817 = arith.subi %add3A_1811, %sub3A_1816 : vector<16xi32>
      %select_n3A_1818 = arith.select %ge3A_1814, %sub3A_1817, %add3A_1811 : vector<16xi1>, vector<16xi32>
      %add3A_1819 = arith.constant 60 : i32
      %add3A_1820 = vector.broadcast %add3A_1819 : i32 to vector<16xi32>
      %add3A_1821 = arith.addi %mul3A_9, %add3A_1820 : vector<16xi32>
      tpu.vector_store_idx %arg10[%add3A_53, %add3A_1821], %select_n3A_1818 : memref<256x128xi32, #tpu.memory_space<vmem>>[vector<16xi32>, vector<16xi32>], vector<16xi32>,
      %add3A_1822 = arith.constant -204750215 : i32
      %add3A_1823 = vector.broadcast %add3A_1822 : i32 to vector<16xi32>
      %add3A_1824 = arith.addi %add3A_49, %add3A_1823 : vector<16xi32>
      %ge3A_1825 = arith.constant -109408905 : i32
      %ge3A_1826 = vector.broadcast %ge3A_1825 : i32 to vector<16xi32>
      %ge3A_1827 = arith.cmpi sge, %add3A_1824, %ge3A_1826 : vector<16xi32>
      %jit3A_1828 = arith.constant 109408905 : i32
      %jit3A_1829 = arith.constant -2147483648 : i32
      %broadcast_in_dim3A_1830 = vector.broadcast %jit3A_1828 : i32 to vector<16xi32>
      %broadcast_in_dim3A_1831 = vector.broadcast %jit3A_1829 : i32 to vector<16xi32>
      %select_n3A_1832 = arith.select %ge3A_1827, %broadcast_in_dim3A_1830, %broadcast_in_dim3A_1831 : vector<16xi1>, vector<16xi32>
      %add3A_1833 = arith.addi %add3A_1824, %select_n3A_1832 : vector<16xi32>
      %shift_right_arithmetic3A_1834 = arith.constant 20 : i32
      %shift_right_arithmetic3A_1835 = vector.broadcast %shift_right_arithmetic3A_1834 : i32 to vector<16xi32>
      %shift_right_arithmetic3A_1836 = arith.shrsi %add3A_1833, %shift_right_arithmetic3A_1835 : vector<16xi32>
      %and3A_1837 = arith.constant 1048575 : i32
      %and3A_1838 = vector.broadcast %and3A_1837 : i32 to vector<16xi32>
      %and3A_1839 = arith.andi %add3A_1833, %and3A_1838 : vector<16xi32>
      %add3A_1840 = arith.addi %shift_right_arithmetic3A_1836, %and3A_1839 : vector<16xi32>
      %ge3A_1841 = arith.constant 1048575 : i32
      %ge3A_1842 = vector.broadcast %ge3A_1841 : i32 to vector<16xi32>
      %ge3A_1843 = arith.cmpi sge, %add3A_1840, %ge3A_1842 : vector<16xi32>
      %sub3A_1844 = arith.constant 1048575 : i32
      %sub3A_1845 = vector.broadcast %sub3A_1844 : i32 to vector<16xi32>
      %sub3A_1846 = arith.subi %add3A_1840, %sub3A_1845 : vector<16xi32>
      %select_n3A_1847 = arith.select %ge3A_1843, %sub3A_1846, %add3A_1840 : vector<16xi1>, vector<16xi32>
      %add3A_1848 = arith.constant 61 : i32
      %add3A_1849 = vector.broadcast %add3A_1848 : i32 to vector<16xi32>
      %add3A_1850 = arith.addi %mul3A_9, %add3A_1849 : vector<16xi32>
      tpu.vector_store_idx %arg10[%add3A_53, %add3A_1850], %select_n3A_1847 : memref<256x128xi32, #tpu.memory_space<vmem>>[vector<16xi32>, vector<16xi32>], vector<16xi32>,
      %add3A_1851 = arith.constant -417572717 : i32
      %add3A_1852 = vector.broadcast %add3A_1851 : i32 to vector<16xi32>
      %add3A_1853 = arith.addi %add3A_49, %add3A_1852 : vector<16xi32>
      %ge3A_1854 = arith.constant -109408905 : i32
      %ge3A_1855 = vector.broadcast %ge3A_1854 : i32 to vector<16xi32>
      %ge3A_1856 = arith.cmpi sge, %add3A_1853, %ge3A_1855 : vector<16xi32>
      %jit3A_1857 = arith.constant 109408905 : i32
      %jit3A_1858 = arith.constant -2147483648 : i32
      %broadcast_in_dim3A_1859 = vector.broadcast %jit3A_1857 : i32 to vector<16xi32>
      %broadcast_in_dim3A_1860 = vector.broadcast %jit3A_1858 : i32 to vector<16xi32>
      %select_n3A_1861 = arith.select %ge3A_1856, %broadcast_in_dim3A_1859, %broadcast_in_dim3A_1860 : vector<16xi1>, vector<16xi32>
      %add3A_1862 = arith.addi %add3A_1853, %select_n3A_1861 : vector<16xi32>
      %shift_right_arithmetic3A_1863 = arith.constant 20 : i32
      %shift_right_arithmetic3A_1864 = vector.broadcast %shift_right_arithmetic3A_1863 : i32 to vector<16xi32>
      %shift_right_arithmetic3A_1865 = arith.shrsi %add3A_1862, %shift_right_arithmetic3A_1864 : vector<16xi32>
      %and3A_1866 = arith.constant 1048575 : i32
      %and3A_1867 = vector.broadcast %and3A_1866 : i32 to vector<16xi32>
      %and3A_1868 = arith.andi %add3A_1862, %and3A_1867 : vector<16xi32>
      %add3A_1869 = arith.addi %shift_right_arithmetic3A_1865, %and3A_1868 : vector<16xi32>
      %ge3A_1870 = arith.constant 1048575 : i32
      %ge3A_1871 = vector.broadcast %ge3A_1870 : i32 to vector<16xi32>
      %ge3A_1872 = arith.cmpi sge, %add3A_1869, %ge3A_1871 : vector<16xi32>
      %sub3A_1873 = arith.constant 1048575 : i32
      %sub3A_1874 = vector.broadcast %sub3A_1873 : i32 to vector<16xi32>
      %sub3A_1875 = arith.subi %add3A_1869, %sub3A_1874 : vector<16xi32>
      %select_n3A_1876 = arith.select %ge3A_1872, %sub3A_1875, %add3A_1869 : vector<16xi1>, vector<16xi32>
      %add3A_1877 = arith.constant 62 : i32
      %add3A_1878 = vector.broadcast %add3A_1877 : i32 to vector<16xi32>
      %add3A_1879 = arith.addi %mul3A_9, %add3A_1878 : vector<16xi32>
      tpu.vector_store_idx %arg10[%add3A_53, %add3A_1879], %select_n3A_1876 : memref<256x128xi32, #tpu.memory_space<vmem>>[vector<16xi32>, vector<16xi32>], vector<16xi32>,
      %add3A_1880 = arith.constant -630395219 : i32
      %add3A_1881 = vector.broadcast %add3A_1880 : i32 to vector<16xi32>
      %add3A_1882 = arith.addi %add3A_49, %add3A_1881 : vector<16xi32>
      %ge3A_1883 = arith.constant -109408905 : i32
      %ge3A_1884 = vector.broadcast %ge3A_1883 : i32 to vector<16xi32>
      %ge3A_1885 = arith.cmpi sge, %add3A_1882, %ge3A_1884 : vector<16xi32>
      %jit3A_1886 = arith.constant 109408905 : i32
      %jit3A_1887 = arith.constant -2147483648 : i32
      %broadcast_in_dim3A_1888 = vector.broadcast %jit3A_1886 : i32 to vector<16xi32>
      %broadcast_in_dim3A_1889 = vector.broadcast %jit3A_1887 : i32 to vector<16xi32>
      %select_n3A_1890 = arith.select %ge3A_1885, %broadcast_in_dim3A_1888, %broadcast_in_dim3A_1889 : vector<16xi1>, vector<16xi32>
      %add3A_1891 = arith.addi %add3A_1882, %select_n3A_1890 : vector<16xi32>
      %shift_right_arithmetic3A_1892 = arith.constant 20 : i32
      %shift_right_arithmetic3A_1893 = vector.broadcast %shift_right_arithmetic3A_1892 : i32 to vector<16xi32>
      %shift_right_arithmetic3A_1894 = arith.shrsi %add3A_1891, %shift_right_arithmetic3A_1893 : vector<16xi32>
      %and3A_1895 = arith.constant 1048575 : i32
      %and3A_1896 = vector.broadcast %and3A_1895 : i32 to vector<16xi32>
      %and3A_1897 = arith.andi %add3A_1891, %and3A_1896 : vector<16xi32>
      %add3A_1898 = arith.addi %shift_right_arithmetic3A_1894, %and3A_1897 : vector<16xi32>
      %ge3A_1899 = arith.constant 1048575 : i32
      %ge3A_1900 = vector.broadcast %ge3A_1899 : i32 to vector<16xi32>
      %ge3A_1901 = arith.cmpi sge, %add3A_1898, %ge3A_1900 : vector<16xi32>
      %sub3A_1902 = arith.constant 1048575 : i32
      %sub3A_1903 = vector.broadcast %sub3A_1902 : i32 to vector<16xi32>
      %sub3A_1904 = arith.subi %add3A_1898, %sub3A_1903 : vector<16xi32>
      %select_n3A_1905 = arith.select %ge3A_1901, %sub3A_1904, %add3A_1898 : vector<16xi1>, vector<16xi32>
      %add3A_1906 = arith.constant 63 : i32
      %add3A_1907 = vector.broadcast %add3A_1906 : i32 to vector<16xi32>
      %add3A_1908 = arith.addi %mul3A_9, %add3A_1907 : vector<16xi32>
      tpu.vector_store_idx %arg10[%add3A_53, %add3A_1908], %select_n3A_1905 : memref<256x128xi32, #tpu.memory_space<vmem>>[vector<16xi32>, vector<16xi32>], vector<16xi32>,
      %mul3A_1909 = arith.constant 8 : i32
      %mul3A_1910 = arith.muli %while3A_33, %mul3A_1909 : i32
      %add3A_1911 = arith.constant 0 : i32
      %add3A_1912 = arith.addi %mul3A_1910, %add3A_1911 : i32
      %add3A_1913 = arith.constant 0 : i32
      %add3A_1914 = arith.addi %mul3A_1910, %add3A_1913 : i32
      %dma_start3A = arith.constant 0 : i32
      %dma_start3A_1915 = tpu.memref_slice %arg11[%add3A_1914, %dma_start3A] : memref<256x128xf32, #tpu.memory_space<vmem>> -> memref<1x128xf32, #tpu.memory_space<vmem>>
      %dma_start3A_1916 = tpu.memref_squeeze %dma_start3A_1915 : memref<1x128xf32, #tpu.memory_space<vmem>> -> memref<128xf32, #tpu.memory_space<vmem>>
      %dma_start3A_1917 = arith.constant 0 : i32
      %dma_start3A_1918 = tpu.memref_slice %arg10[%add3A_1912, %dma_start3A_1917] : memref<256x128xi32, #tpu.memory_space<vmem>> -> memref<1x128xi32, #tpu.memory_space<vmem>>
      %dma_start3A_1919 = tpu.memref_squeeze %dma_start3A_1918 : memref<1x128xi32, #tpu.memory_space<vmem>> -> memref<128xi32, #tpu.memory_space<vmem>>
      %dma_start3A_1920 = arith.constant 0 : i32
      %dma_start3A_1921 = tpu.memref_slice %arg5[%dma_start3A_1920] : memref<1048576xf32, #tpu.memory_space<hbm>> -> memref<1048576xf32, #tpu.memory_space<hbm>>
      tpu.enqueue_indirect_dma source(%dma_start3A_1921 : memref<1048576xf32, #tpu.memory_space<hbm>>) target(%dma_start3A_1916 : memref<128xf32, #tpu.memory_space<vmem>>) offsets(%dma_start3A_1919 : memref<128xi32, #tpu.memory_space<vmem>>) semaphore(%arg12 : memref<!tpu.dma_semaphore, #tpu.memory_space<semaphore_mem>>)
      %add3A_1922 = arith.constant 1 : i32
      %add3A_1923 = arith.addi %mul3A_1910, %add3A_1922 : i32
      %add3A_1924 = arith.constant 1 : i32
      %add3A_1925 = arith.addi %mul3A_1910, %add3A_1924 : i32
      %dma_start3A_1926 = arith.constant 0 : i32
      %dma_start3A_1927 = tpu.memref_slice %arg11[%add3A_1925, %dma_start3A_1926] : memref<256x128xf32, #tpu.memory_space<vmem>> -> memref<1x128xf32, #tpu.memory_space<vmem>>
      %dma_start3A_1928 = tpu.memref_squeeze %dma_start3A_1927 : memref<1x128xf32, #tpu.memory_space<vmem>> -> memref<128xf32, #tpu.memory_space<vmem>>
      %dma_start3A_1929 = arith.constant 0 : i32
      %dma_start3A_1930 = tpu.memref_slice %arg10[%add3A_1923, %dma_start3A_1929] : memref<256x128xi32, #tpu.memory_space<vmem>> -> memref<1x128xi32, #tpu.memory_space<vmem>>
      %dma_start3A_1931 = tpu.memref_squeeze %dma_start3A_1930 : memref<1x128xi32, #tpu.memory_space<vmem>> -> memref<128xi32, #tpu.memory_space<vmem>>
      %dma_start3A_1932 = arith.constant 0 : i32
      %dma_start3A_1933 = tpu.memref_slice %arg5[%dma_start3A_1932] : memref<1048576xf32, #tpu.memory_space<hbm>> -> memref<1048576xf32, #tpu.memory_space<hbm>>
      tpu.enqueue_indirect_dma source(%dma_start3A_1933 : memref<1048576xf32, #tpu.memory_space<hbm>>) target(%dma_start3A_1928 : memref<128xf32, #tpu.memory_space<vmem>>) offsets(%dma_start3A_1931 : memref<128xi32, #tpu.memory_space<vmem>>) semaphore(%arg12 : memref<!tpu.dma_semaphore, #tpu.memory_space<semaphore_mem>>)
      %add3A_1934 = arith.constant 2 : i32
      %add3A_1935 = arith.addi %mul3A_1910, %add3A_1934 : i32
      %add3A_1936 = arith.constant 2 : i32
      %add3A_1937 = arith.addi %mul3A_1910, %add3A_1936 : i32
      %dma_start3A_1938 = arith.constant 0 : i32
      %dma_start3A_1939 = tpu.memref_slice %arg11[%add3A_1937, %dma_start3A_1938] : memref<256x128xf32, #tpu.memory_space<vmem>> -> memref<1x128xf32, #tpu.memory_space<vmem>>
      %dma_start3A_1940 = tpu.memref_squeeze %dma_start3A_1939 : memref<1x128xf32, #tpu.memory_space<vmem>> -> memref<128xf32, #tpu.memory_space<vmem>>
      %dma_start3A_1941 = arith.constant 0 : i32
      %dma_start3A_1942 = tpu.memref_slice %arg10[%add3A_1935, %dma_start3A_1941] : memref<256x128xi32, #tpu.memory_space<vmem>> -> memref<1x128xi32, #tpu.memory_space<vmem>>
      %dma_start3A_1943 = tpu.memref_squeeze %dma_start3A_1942 : memref<1x128xi32, #tpu.memory_space<vmem>> -> memref<128xi32, #tpu.memory_space<vmem>>
      %dma_start3A_1944 = arith.constant 0 : i32
      %dma_start3A_1945 = tpu.memref_slice %arg5[%dma_start3A_1944] : memref<1048576xf32, #tpu.memory_space<hbm>> -> memref<1048576xf32, #tpu.memory_space<hbm>>
      tpu.enqueue_indirect_dma source(%dma_start3A_1945 : memref<1048576xf32, #tpu.memory_space<hbm>>) target(%dma_start3A_1940 : memref<128xf32, #tpu.memory_space<vmem>>) offsets(%dma_start3A_1943 : memref<128xi32, #tpu.memory_space<vmem>>) semaphore(%arg12 : memref<!tpu.dma_semaphore, #tpu.memory_space<semaphore_mem>>)
      %add3A_1946 = arith.constant 3 : i32
      %add3A_1947 = arith.addi %mul3A_1910, %add3A_1946 : i32
      %add3A_1948 = arith.constant 3 : i32
      %add3A_1949 = arith.addi %mul3A_1910, %add3A_1948 : i32
      %dma_start3A_1950 = arith.constant 0 : i32
      %dma_start3A_1951 = tpu.memref_slice %arg11[%add3A_1949, %dma_start3A_1950] : memref<256x128xf32, #tpu.memory_space<vmem>> -> memref<1x128xf32, #tpu.memory_space<vmem>>
      %dma_start3A_1952 = tpu.memref_squeeze %dma_start3A_1951 : memref<1x128xf32, #tpu.memory_space<vmem>> -> memref<128xf32, #tpu.memory_space<vmem>>
      %dma_start3A_1953 = arith.constant 0 : i32
      %dma_start3A_1954 = tpu.memref_slice %arg10[%add3A_1947, %dma_start3A_1953] : memref<256x128xi32, #tpu.memory_space<vmem>> -> memref<1x128xi32, #tpu.memory_space<vmem>>
      %dma_start3A_1955 = tpu.memref_squeeze %dma_start3A_1954 : memref<1x128xi32, #tpu.memory_space<vmem>> -> memref<128xi32, #tpu.memory_space<vmem>>
      %dma_start3A_1956 = arith.constant 0 : i32
      %dma_start3A_1957 = tpu.memref_slice %arg5[%dma_start3A_1956] : memref<1048576xf32, #tpu.memory_space<hbm>> -> memref<1048576xf32, #tpu.memory_space<hbm>>
      tpu.enqueue_indirect_dma source(%dma_start3A_1957 : memref<1048576xf32, #tpu.memory_space<hbm>>) target(%dma_start3A_1952 : memref<128xf32, #tpu.memory_space<vmem>>) offsets(%dma_start3A_1955 : memref<128xi32, #tpu.memory_space<vmem>>) semaphore(%arg12 : memref<!tpu.dma_semaphore, #tpu.memory_space<semaphore_mem>>)
      %add3A_1958 = arith.constant 4 : i32
      %add3A_1959 = arith.addi %mul3A_1910, %add3A_1958 : i32
      %add3A_1960 = arith.constant 4 : i32
      %add3A_1961 = arith.addi %mul3A_1910, %add3A_1960 : i32
      %dma_start3A_1962 = arith.constant 0 : i32
      %dma_start3A_1963 = tpu.memref_slice %arg11[%add3A_1961, %dma_start3A_1962] : memref<256x128xf32, #tpu.memory_space<vmem>> -> memref<1x128xf32, #tpu.memory_space<vmem>>
      %dma_start3A_1964 = tpu.memref_squeeze %dma_start3A_1963 : memref<1x128xf32, #tpu.memory_space<vmem>> -> memref<128xf32, #tpu.memory_space<vmem>>
      %dma_start3A_1965 = arith.constant 0 : i32
      %dma_start3A_1966 = tpu.memref_slice %arg10[%add3A_1959, %dma_start3A_1965] : memref<256x128xi32, #tpu.memory_space<vmem>> -> memref<1x128xi32, #tpu.memory_space<vmem>>
      %dma_start3A_1967 = tpu.memref_squeeze %dma_start3A_1966 : memref<1x128xi32, #tpu.memory_space<vmem>> -> memref<128xi32, #tpu.memory_space<vmem>>
      %dma_start3A_1968 = arith.constant 0 : i32
      %dma_start3A_1969 = tpu.memref_slice %arg5[%dma_start3A_1968] : memref<1048576xf32, #tpu.memory_space<hbm>> -> memref<1048576xf32, #tpu.memory_space<hbm>>
      tpu.enqueue_indirect_dma source(%dma_start3A_1969 : memref<1048576xf32, #tpu.memory_space<hbm>>) target(%dma_start3A_1964 : memref<128xf32, #tpu.memory_space<vmem>>) offsets(%dma_start3A_1967 : memref<128xi32, #tpu.memory_space<vmem>>) semaphore(%arg12 : memref<!tpu.dma_semaphore, #tpu.memory_space<semaphore_mem>>)
      %add3A_1970 = arith.constant 5 : i32
      %add3A_1971 = arith.addi %mul3A_1910, %add3A_1970 : i32
      %add3A_1972 = arith.constant 5 : i32
      %add3A_1973 = arith.addi %mul3A_1910, %add3A_1972 : i32
      %dma_start3A_1974 = arith.constant 0 : i32
      %dma_start3A_1975 = tpu.memref_slice %arg11[%add3A_1973, %dma_start3A_1974] : memref<256x128xf32, #tpu.memory_space<vmem>> -> memref<1x128xf32, #tpu.memory_space<vmem>>
      %dma_start3A_1976 = tpu.memref_squeeze %dma_start3A_1975 : memref<1x128xf32, #tpu.memory_space<vmem>> -> memref<128xf32, #tpu.memory_space<vmem>>
      %dma_start3A_1977 = arith.constant 0 : i32
      %dma_start3A_1978 = tpu.memref_slice %arg10[%add3A_1971, %dma_start3A_1977] : memref<256x128xi32, #tpu.memory_space<vmem>> -> memref<1x128xi32, #tpu.memory_space<vmem>>
      %dma_start3A_1979 = tpu.memref_squeeze %dma_start3A_1978 : memref<1x128xi32, #tpu.memory_space<vmem>> -> memref<128xi32, #tpu.memory_space<vmem>>
      %dma_start3A_1980 = arith.constant 0 : i32
      %dma_start3A_1981 = tpu.memref_slice %arg5[%dma_start3A_1980] : memref<1048576xf32, #tpu.memory_space<hbm>> -> memref<1048576xf32, #tpu.memory_space<hbm>>
      tpu.enqueue_indirect_dma source(%dma_start3A_1981 : memref<1048576xf32, #tpu.memory_space<hbm>>) target(%dma_start3A_1976 : memref<128xf32, #tpu.memory_space<vmem>>) offsets(%dma_start3A_1979 : memref<128xi32, #tpu.memory_space<vmem>>) semaphore(%arg12 : memref<!tpu.dma_semaphore, #tpu.memory_space<semaphore_mem>>)
      %add3A_1982 = arith.constant 6 : i32
      %add3A_1983 = arith.addi %mul3A_1910, %add3A_1982 : i32
      %add3A_1984 = arith.constant 6 : i32
      %add3A_1985 = arith.addi %mul3A_1910, %add3A_1984 : i32
      %dma_start3A_1986 = arith.constant 0 : i32
      %dma_start3A_1987 = tpu.memref_slice %arg11[%add3A_1985, %dma_start3A_1986] : memref<256x128xf32, #tpu.memory_space<vmem>> -> memref<1x128xf32, #tpu.memory_space<vmem>>
      %dma_start3A_1988 = tpu.memref_squeeze %dma_start3A_1987 : memref<1x128xf32, #tpu.memory_space<vmem>> -> memref<128xf32, #tpu.memory_space<vmem>>
      %dma_start3A_1989 = arith.constant 0 : i32
      %dma_start3A_1990 = tpu.memref_slice %arg10[%add3A_1983, %dma_start3A_1989] : memref<256x128xi32, #tpu.memory_space<vmem>> -> memref<1x128xi32, #tpu.memory_space<vmem>>
      %dma_start3A_1991 = tpu.memref_squeeze %dma_start3A_1990 : memref<1x128xi32, #tpu.memory_space<vmem>> -> memref<128xi32, #tpu.memory_space<vmem>>
      %dma_start3A_1992 = arith.constant 0 : i32
      %dma_start3A_1993 = tpu.memref_slice %arg5[%dma_start3A_1992] : memref<1048576xf32, #tpu.memory_space<hbm>> -> memref<1048576xf32, #tpu.memory_space<hbm>>
      tpu.enqueue_indirect_dma source(%dma_start3A_1993 : memref<1048576xf32, #tpu.memory_space<hbm>>) target(%dma_start3A_1988 : memref<128xf32, #tpu.memory_space<vmem>>) offsets(%dma_start3A_1991 : memref<128xi32, #tpu.memory_space<vmem>>) semaphore(%arg12 : memref<!tpu.dma_semaphore, #tpu.memory_space<semaphore_mem>>)
      %add3A_1994 = arith.constant 7 : i32
      %add3A_1995 = arith.addi %mul3A_1910, %add3A_1994 : i32
      %add3A_1996 = arith.constant 7 : i32
      %add3A_1997 = arith.addi %mul3A_1910, %add3A_1996 : i32
      %dma_start3A_1998 = arith.constant 0 : i32
      %dma_start3A_1999 = tpu.memref_slice %arg11[%add3A_1997, %dma_start3A_1998] : memref<256x128xf32, #tpu.memory_space<vmem>> -> memref<1x128xf32, #tpu.memory_space<vmem>>
      %dma_start3A_2000 = tpu.memref_squeeze %dma_start3A_1999 : memref<1x128xf32, #tpu.memory_space<vmem>> -> memref<128xf32, #tpu.memory_space<vmem>>
      %dma_start3A_2001 = arith.constant 0 : i32
      %dma_start3A_2002 = tpu.memref_slice %arg10[%add3A_1995, %dma_start3A_2001] : memref<256x128xi32, #tpu.memory_space<vmem>> -> memref<1x128xi32, #tpu.memory_space<vmem>>
      %dma_start3A_2003 = tpu.memref_squeeze %dma_start3A_2002 : memref<1x128xi32, #tpu.memory_space<vmem>> -> memref<128xi32, #tpu.memory_space<vmem>>
      %dma_start3A_2004 = arith.constant 0 : i32
      %dma_start3A_2005 = tpu.memref_slice %arg5[%dma_start3A_2004] : memref<1048576xf32, #tpu.memory_space<hbm>> -> memref<1048576xf32, #tpu.memory_space<hbm>>
      tpu.enqueue_indirect_dma source(%dma_start3A_2005 : memref<1048576xf32, #tpu.memory_space<hbm>>) target(%dma_start3A_2000 : memref<128xf32, #tpu.memory_space<vmem>>) offsets(%dma_start3A_2003 : memref<128xi32, #tpu.memory_space<vmem>>) semaphore(%arg12 : memref<!tpu.dma_semaphore, #tpu.memory_space<semaphore_mem>>)
    }
    %while3A_20 = arith.constant 0 : i32
    %while3A_21 = arith.constant 0 : i32
    %while3A_22 = arith.constant 256 : i32
    %while3A_23 = arith.subi %while3A_22, %while3A_21 : i32
    %while3A_24 = arith.addi %while3A_21, %while3A_23 : i32
    %while3A_25 = arith.constant 1 : i32
    %while3A_26 = arith.divsi %while3A_23, %while3A_25 : i32
    %while3A_27 = arith.muli %while3A_26, %while3A_25 : i32
    %while3A_28 = arith.addi %while3A_21, %while3A_27 : i32
    %while3A_29 = arith.constant 1 : i32
    scf.for %while3A_33 = %while3A_21 to %while3A_28 step %while3A_29  : i32 {
      %dma_wait3A = arith.constant 0 : i32
      %dma_wait3A_34 = tpu.memref_slice %arg11[%while3A_33, %dma_wait3A] : memref<256x128xf32, #tpu.memory_space<vmem>> -> memref<1x128xf32, #tpu.memory_space<vmem>>
      %dma_wait3A_35 = tpu.memref_squeeze %dma_wait3A_34 : memref<1x128xf32, #tpu.memory_space<vmem>> -> memref<128xf32, #tpu.memory_space<vmem>>
      %dma_wait3A_36 = arith.constant 0 : i32
      %dma_wait3A_37 = tpu.memref_slice %arg10[%while3A_33, %dma_wait3A_36] : memref<256x128xi32, #tpu.memory_space<vmem>> -> memref<1x128xi32, #tpu.memory_space<vmem>>
      %dma_wait3A_38 = tpu.memref_squeeze %dma_wait3A_37 : memref<1x128xi32, #tpu.memory_space<vmem>> -> memref<128xi32, #tpu.memory_space<vmem>>
      %dma_wait3A_39 = arith.constant 0 : i32
      %dma_wait3A_40 = tpu.memref_slice %arg5[%dma_wait3A_39] : memref<1048576xf32, #tpu.memory_space<hbm>> -> memref<1048576xf32, #tpu.memory_space<hbm>>
      tpu.wait_indirect_dma semaphore(%arg12 : memref<!tpu.dma_semaphore, #tpu.memory_space<semaphore_mem>>) src(%dma_wait3A_40 : memref<1048576xf32, #tpu.memory_space<hbm>>) dst(%dma_wait3A_35 : memref<128xf32, #tpu.memory_space<vmem>>)
    }
    %while3A_30 = arith.constant 1 : i32
    scf.for %while3A_33 = %while3A_28 to %while3A_24 step %while3A_30  : i32 {
      %dma_wait3A = arith.constant 0 : i32
      %dma_wait3A_34 = tpu.memref_slice %arg11[%while3A_33, %dma_wait3A] : memref<256x128xf32, #tpu.memory_space<vmem>> -> memref<1x128xf32, #tpu.memory_space<vmem>>
      %dma_wait3A_35 = tpu.memref_squeeze %dma_wait3A_34 : memref<1x128xf32, #tpu.memory_space<vmem>> -> memref<128xf32, #tpu.memory_space<vmem>>
      %dma_wait3A_36 = arith.constant 0 : i32
      %dma_wait3A_37 = tpu.memref_slice %arg10[%while3A_33, %dma_wait3A_36] : memref<256x128xi32, #tpu.memory_space<vmem>> -> memref<1x128xi32, #tpu.memory_space<vmem>>
      %dma_wait3A_38 = tpu.memref_squeeze %dma_wait3A_37 : memref<1x128xi32, #tpu.memory_space<vmem>> -> memref<128xi32, #tpu.memory_space<vmem>>
      %dma_wait3A_39 = arith.constant 0 : i32
      %dma_wait3A_40 = tpu.memref_slice %arg5[%dma_wait3A_39] : memref<1048576xf32, #tpu.memory_space<hbm>> -> memref<1048576xf32, #tpu.memory_space<hbm>>
      tpu.wait_indirect_dma semaphore(%arg12 : memref<!tpu.dma_semaphore, #tpu.memory_space<semaphore_mem>>) src(%dma_wait3A_40 : memref<1048576xf32, #tpu.memory_space<hbm>>) dst(%dma_wait3A_35 : memref<128xf32, #tpu.memory_space<vmem>>)
    }
    %mul3A_31 = arith.constant 256 : i32
    %mul3A_32 = arith.muli %add3A, %mul3A_31 : i32
    "tpu.region"() ({
      %run_scoped3A = tpu.sem_alloc : memref<!tpu.dma_semaphore, #tpu.memory_space<semaphore_mem>>
      %dma_start3A = arith.constant 0 : i32
      %dma_start3A_33 = tpu.memref_slice %arg6[%mul3A_32, %dma_start3A] : memref<8192x128xf32, #tpu.memory_space<hbm>> -> memref<256x128xf32, #tpu.memory_space<hbm>>
      %dma_start3A_34 = arith.constant 0 : i32
      %dma_start3A_35 = tpu.memref_slice %arg6[%mul3A_32, %dma_start3A_34] : memref<8192x128xf32, #tpu.memory_space<hbm>> -> memref<256x128xf32, #tpu.memory_space<hbm>>
      tpu.enqueue_dma source(%arg11 : memref<256x128xf32, #tpu.memory_space<vmem>>) target(%dma_start3A_35 : memref<256x128xf32, #tpu.memory_space<hbm>>) target_semaphore(%run_scoped3A : memref<!tpu.dma_semaphore, #tpu.memory_space<semaphore_mem>>)
      %dma_wait3A = arith.constant 0 : i32
      %dma_wait3A_36 = tpu.memref_slice %arg6[%mul3A_32, %dma_wait3A] : memref<8192x128xf32, #tpu.memory_space<hbm>> -> memref<256x128xf32, #tpu.memory_space<hbm>>
      %dma_wait3A_37 = arith.constant 0 : i32
      %dma_wait3A_38 = tpu.memref_slice %arg6[%mul3A_32, %dma_wait3A_37] : memref<8192x128xf32, #tpu.memory_space<hbm>> -> memref<256x128xf32, #tpu.memory_space<hbm>>
      tpu.wait_dma2 semaphore(%run_scoped3A : memref<!tpu.dma_semaphore, #tpu.memory_space<semaphore_mem>>) src(%arg11 : memref<256x128xf32, #tpu.memory_space<vmem>>) dst(%dma_wait3A_38 : memref<256x128xf32, #tpu.memory_space<hbm>>)
      tpu.yield
    }) : () -> ()
    return
  }
}

</mosaic_0001>

<sc_bundles>
// kernel: kernel.3.cloned.1.call-start
scs
__scs_entry_jumppad:
0x0: {  	(pc) =	sbr.rel $0x88, $3  }
0x1: {  	(tag) =	ssettag $0x0;
	lr =	simm.s32 $0x1  }
0x2: {  	[smem:$0x3F9F] =	sst lr;
	_ =	strace $0xD0000000  }
0x3: {  	_ = 	snop  }
0x4: {  	_ = 	snop  }
0x5: {  	_ = 	snop  }
0x6: {  	_ = 	snop  }
0x7: {  	_ = 	snop  }
__scs_overlays_trampoline_lowered:
0x8: {  	[smem:$0x3FAE] =	sst s0  }
0x9: {  	[smem:$0x3FAF] =	sst s1  }
0xa: {  	[smem:$0x3FB0] =	sst s2  }
0xb: {  	[smem:$0x3FB1] =	sst s3  }
0xc: {  	[smem:$0x3FB2] =	sst s4  }
0xd: {  	[smem:$0x3FB3] =	sst s5  }
0xe: {  	[smem:$0x3FB4] =	sst s6  }
0xf: {  	[smem:$0x3FB5] =	sst s7  }
0x10: {  	[smem:$0x3FB6] =	sst s8  }
0x11: {  	[smem:$0x3FB7] =	sst s9;
	s0 =	simm.s32 @!p0 $0x0  }
0x12: {  	s1 =	sld [smem:$0x3F9D];
	s0 =	simm.s32 @p0 $0x1  }
0x13: {  	[smem:$0x3FB8] =	sst s0;
	s0 =	simm.s32 @!p1 $0x0  }
0x14: {  	s2 =	sld [smem:$0x3F9C];
	s0 =	simm.s32 @p1 $0x1  }
0x15: {  	[smem:$0x3FB9] =	sst s0;
	s0 =	simm.s32 @!p2 $0x0  }
0x16: {  	s3 =	sld [smem:$0x3FDB];
	s0 =	simm.s32 @p2 $0x1  }
0x17: {  	s4 =	simm.s32 $0x1BF5;
	[smem:$0x3FBB] =	sst s0  }
0x18: {  	s0 =	sld [smem:$0x3F9E];
	_ =	swait.ge [sflag:s4], $0x0  }
0x19: {  	s7 =	sld [smem:$0x3F9F]  }
0x1a: {  	s8 =	sadd.s32 $0xFFFFE003, lr  }
0x1b: {  	s9 =	sadd.s32 $0xFFFFFEF7, lr;
	s5 =	simm.s32 $0xFFFFFFFF;
	p2 =	slt.u32 s8, $0xFFFFF086  }
0x1c: {  	p1 =	slt.u32 s9, $0xF7A;
	s5 =	simm.s32 @!p2 $0x0  }
0x1d: {  	s5 =	simm.s32 @p1 $0x1;
	p0 =	seq.s32 s7, s2  }
0x1e: {  	s7 =	smul.u32 @!p0 $0xF7A, s2;
	p2 =	seq.s32 @!p0 s5, $0x0  }
0x1f: {  	s9 =	smul.u32 $0xF7A, s1;
	s8 =	simm.s32 @!p0 $0x1BF5;
	p2 =	por !p2, p0  }
0x20: {  	[sflag:s8] =	ssyncset.s32 @!p0 $0xFFFFF086;
	s6 =	sadd.s32 @!p0 s3, s7;
	s7 =	simm.s32 @!p0 $0x108  }
0x21: {  	s3 =	sadd.s32 s3, s9;
	s6 =	sadd.s32 @!p0 $0x88, s6;
	s7 =	simm.s32 @p2 $0x1082  }
0x22: {  	[simem:s7], [sflag:s8] =	dma.local @!p0 [hbm:s6], $0xF7A  }
0x23: {  	s9 =	sor.u32 $0xD0000000, s2;
	s6 =	simm.s32 $0x108;
	_ =	swait.ge @!p0 [sflag:s8], $0x0  }
0x24: {  	s3 =	sadd.s32 $0x88, s3;
	s6 =	simm.s32 @!p1 $0x1082;
	[sflag:s4] =	ssyncset.s32 $0xFFFFF086  }
0x25: {  	[simem:s6], [sflag:s4] =	dma.local [hbm:s3], $0xF7A  }
0x26: {  	[smem:$0x3F9F] =	sst s1;
	(tag) =	ssettag s2;
	_ =	strace s9  }
0x27: {  	s1 =	sld [smem:$0x3FAF]  }
0x28: {  	s2 =	sld [smem:$0x3FB0]  }
0x29: {  	s4 =	sld [smem:$0x3FB2]  }
0x2a: {  	p0 =	seq.s32 s5, $0x0;
	s5 =	sld [smem:$0x3FB3]  }
0x2b: {  	s6 =	sld [smem:$0x3FB4]  }
0x2c: {  	s7 =	sld [smem:$0x3FB5]  }
0x2d: {  	s3 =	simm.s32 $0x108;
	s8 =	sld [smem:$0x3FB6]  }
0x2e: {  	s3 =	simm.s32 @!p0 $0x1082;
	s9 =	sld [smem:$0x3FB7]  }
0x2f: {  	lr =	sadd.s32 s0, s3;
	s0 =	sld [smem:$0x3FAE]  }
0x30: {  	s3 =	sld [smem:$0x3FB1]  }
0x31: {  	[smem:$0x3FBA] =	sst s10  }
0x32: {  	s10 =	sld [smem:$0x3FB8];
	_ =	sdelay $0x3  }
0x33: {  	p0 =	seq.s32 s10, $0x1;
	s10 =	sld [smem:$0x3FBA];
	_ =	sdelay $0x3  }
0x34: {  	[smem:$0x3FBA] =	sst s10  }
0x35: {  	s10 =	sld [smem:$0x3FB9];
	_ =	sdelay $0x3  }
0x36: {  	p1 =	seq.s32 s10, $0x1;
	s10 =	sld [smem:$0x3FBA];
	_ =	sdelay $0x3  }
0x37: {  	[smem:$0x3FBA] =	sst s10  }
0x38: {  	s10 =	sld [smem:$0x3FBB]  }
0x39: {  	_ = 	snop;
	(pc) =	sbr.ind lr, $3  }
0x3a: {  	_ = 	snop  }
0x3b: {  	_ = 	snop  }
0x3c: {  	p2 =	seq.s32 s10, $0x1;
	s10 =	sld [smem:$0x3FBA]  }
0x3d: {  	_ =	shalt  }
0x3e: {  	_ =	shalt  }
0x3f: {  	_ =	shalt  }
0x40: {  	_ =	shalt  }
0x41: {  	_ =	shalt  }
0x42: {  	_ =	shalt  }
0x43: {  	_ =	shalt  }
0x44: {  	_ =	shalt  }
0x45: {  	_ =	shalt  }
0x46: {  	_ =	shalt  }
0x47: {  	_ =	shalt  }
0x48: {  	_ =	shalt  }
0x49: {  	_ =	shalt  }
0x4a: {  	_ =	shalt  }
0x4b: {  	_ =	shalt  }
0x4c: {  	_ =	shalt  }
0x4d: {  	_ =	shalt  }
0x4e: {  	_ =	shalt  }
0x4f: {  	_ =	shalt  }
0x50: {  	_ =	shalt  }
0x51: {  	_ =	shalt  }
0x52: {  	_ =	shalt  }
0x53: {  	_ =	shalt  }
0x54: {  	_ =	shalt  }
0x55: {  	_ =	shalt  }
0x56: {  	_ =	shalt  }
0x57: {  	_ =	shalt  }
0x58: {  	_ =	shalt  }
0x59: {  	_ =	shalt  }
0x5a: {  	_ =	shalt  }
0x5b: {  	_ =	shalt  }
0x5c: {  	_ =	shalt  }
0x5d: {  	_ =	shalt  }
0x5e: {  	_ =	shalt  }
0x5f: {  	_ =	shalt  }
0x60: {  	_ =	shalt  }
0x61: {  	_ =	shalt  }
0x62: {  	_ =	shalt  }
0x63: {  	_ =	shalt  }
0x64: {  	_ =	shalt  }
0x65: {  	_ =	shalt  }
0x66: {  	_ =	shalt  }
0x67: {  	_ =	shalt  }
0x68: {  	_ =	shalt  }
0x69: {  	_ =	shalt  }
0x6a: {  	_ =	shalt  }
0x6b: {  	_ =	shalt  }
0x6c: {  	_ =	shalt  }
0x6d: {  	_ =	shalt  }
0x6e: {  	_ =	shalt  }
0x6f: {  	_ =	shalt  }
0x70: {  	_ =	shalt  }
0x71: {  	_ =	shalt  }
0x72: {  	_ =	shalt  }
0x73: {  	_ =	shalt  }
0x74: {  	_ =	shalt  }
0x75: {  	_ =	shalt  }
0x76: {  	_ =	shalt  }
0x77: {  	_ =	shalt  }
0x78: {  	_ =	shalt  }
0x79: {  	_ =	shalt  }
0x7a: {  	_ =	shalt  }
0x7b: {  	_ =	shalt  }
0x7c: {  	_ =	shalt  }
0x7d: {  	_ =	shalt  }
0x7e: {  	_ =	shalt  }
0x7f: {  	_ =	shalt  }
0x80: {  	_ =	shalt  }
0x81: {  	_ =	shalt  }
0x82: {  	_ =	shalt  }
0x83: {  	_ =	shalt  }
0x84: {  	_ =	shalt  }
0x85: {  	_ =	shalt  }
0x86: {  	_ =	shalt  }
0x87: {  	_ =	shalt  }
.Lfunc_end0:
.L_simem_size_0:
called_computation_lowered:
.L_overlay_start_0:
0x88: {  	s2 =	sld [smem:$0x3FD9]  }
0x89: {  	s3 =	sld [smem:$0x3FFE];
	_ =	sdelay $0x1  }
0x8a: {  	s1 =	srdreg.scid  }
0x8b: {  	s0 =	sand.u32 $0x1, s1  }
0x8c: {  	s17 =	sshll.u32 s0, $0xA;
	s2 =	sadd.s32 s3, s2  }
0x8d: {  	s2 =	sadd.s32 s2, s17  }
0x8e: {  	[smem:$0x3FC6] =	sst s2  }
0x8f: {  	_ = 	snop  }
0x90: {  	s2 =	sld [smem:$0x3FC8]  }
0x91: {  	s18 =	sld [smem:$0x3FD0];
	(tm) =	ssettm $0x1  }
0x92: {  	s4 =	sld [smem:$0x3FFB];
	_ =	sdelay $0x3  }
0x93: {  	_ =	strace s4  }
0x94: {  	s4 =	sld [smem:$0x3FFC];
	_ =	sdelay $0x3  }
0x95: {  	_ =	strace s4  }
0x96: {  	s4 =	sld [smem:$0x3FFD];
	_ =	sdelay $0x3  }
0x97: {  	_ =	strace s4  }
0x98: {  	_ =	strace $0x8FFFFFFF  }
0x99: {  	s19 =	sld [smem:$0x3FDB];
	_ =	sdelay $0x1  }
0x9a: {  	s5 =	simm.s32 $_scs_section_size  }
0x9b: {  	s6 =	simm.s32 $_size__tile_overlayer_lowered;
	s7 =	simm.s32 $_tile_overlayer_lowered  }
0x9c: {  	s22 =	simm.s32 $0x1BFF;
	s21 =	sshll.u32 s7, $0x1;
	s4 =	sadd.s32 s5, s19  }
0x9d: {  	s8 =	simm.s32 $0x0;
	s20 =	sshll.u32 s6, $0x1;
	s6 =	sadd.s32 s21, s4  }
0x9e: {  	[timem:s8], [sflag:s22] =	dma.local [hbm:s6], s20  }
0x9f: {  	_ =	swait.ge [sflag:s22], s20  }
0xa0: {  	s5 =	ssub.s32 $0x0, s20;
	[sflag:s22] =	ssyncset.done $0x0  }
0xa1: {  	[sflag:s22] =	ssyncadd.s32 s5;
	_ =	sdelay $0x1  }
0xa2: {  	s23 =	simm.s32 $0x1B8B  }
0xa3: {  	_ =	swait.ge [sflag:s23], $0x1  }
0xa4: {  	[sflag:s23] =	ssyncset.done $0x0  }
0xa5: {  	s25 =	simm.s32 $0x1B8E;
	s24 =	sld [smem:$0x3FFE];
	[sflag:s23] =	ssyncadd.s32 $0xFFFFFFFF  }
0xa6: {  	s26 =	simm.s32 $execute0_lowered;
	[smem:$0x3FD2] =	sst s25  }
0xa7: {  	s6 =	sshll.u32 s26, $0x1;
	_ =	strace $0x80000046;
	[dreg:$0x1] =	wrdreg $0xFFFFFFFF  }
0xa8: {  	s28 =	simm.s32 $_size_execute0_lowered;
	s4 =	sadd.s32 s4, s6;
	[dreg:$0x0] =	wrdreg $0x0  }
0xa9: {  	s6 =	sshll.u32 s28, $0x1;
	[dreg:$0x2] =	wrdreg s4  }
0xaa: {  	[dreg:$0x3] =	wrdreg s6  }
0xab: {  	[dreg:$0x4] =	wrdreg $0xC0  }
0xac: {  	_ =	task [dreg:s8], $0x5FFFF  }
0xad: {  	[dreg:$0x1] =	wrdreg $0xFFFFFFFF  }
0xae: {  	[dreg:$0x0] =	wrdreg $0x60  }
0xaf: {  	[dreg:$0x2] =	wrdreg s24  }
0xb0: {  	[dreg:$0x3] =	wrdreg s2  }
0xb1: {  	[dreg:$0x4] =	wrdreg s18  }
0xb2: {  	[dreg:$0x5] =	wrdreg $0x9  }
0xb3: {  	_ =	task.clear_ibuf [dreg:s8], $0x6FFFF;
	_ =	strace $0x90000046  }
0xb4: {  	s29 =	simm.s32 $0x9;
	_ =	strace $0x80000048  }
0xb5: {  	_ =	swait.ge [sflag:s29], $0x1  }
0xb6: {  	[sflag:s29] =	ssyncadd.s32 $0xFFFFFFFF  }
0xb7: {  	_ =	strace $0x90000048  }
0xb8: {  	_ =	sfence  }
0xb9: {  	s30 =	sld [smem:$0x0];
	_ =	sdelay $0x2  }
0xba: {  	s31 =	sshll.u32 s1, $0xD;
	s1 =	sshrl.u32 s1, $0x2  }
0xbb: {  	s3 =	sand.u32 $0x4000, s31;
	s1 =	sadd.s32 s1, s30  }
0xbc: {  	s0 =	sor.u32 s3, s0;
	s1 =	sshll.u32 s1, $0x11  }
0xbd: {  	s0 =	sor.u32 s1, s0  }
0xbe: {  	s0 =	sadd.s32 $0x8F2B, s0  }
0xbf: {  	[sflag:s0] =	ssyncadd.remote.s32 $0x1  }
0xc0: {  	_ =	sfence.sel $0xFFFF  }
0xc1: {  	[dreg:$0x0] =	wrdreg $0xFFFFFFFF;
	(pc) =	sbr.abs _section_cstart, $3  }
0xc2: {  	[dreg:$0x1] =	wrdreg $0xFFFFFFFF  }
0xc3: {  	_ =	task.clear_ibuf [dreg:s8], $0x2FFFF;
	_ =	strace $0x9FFFFFFF  }
0xc4: {  	(tm) =	ssettm $0x7FFFFFFF  }
0xc5: {  	_ =	shalt  }
tec
execute0_lowered:
.L_overlay_start_1:
0x0: {  	(tag) =	ssettag $0x1  }
0x1: {  	v0 =	vlaneseq.u32  }
0x2: {  	v1 =	vand.u32 $0x1, v0  }
0x3: {  	v36 =	vmul.u32 $0x40, v1  }
0x4: {  	v2 =	vshrl.u32 v0, $0x1  }
0x5: {  	v0 =	vmul.u32 $0x80, v2;
	v2 =	vor.u32 $0xB, v36  }
0x6: {  	[tilespmem:$0x1FD40] =	vst v2;
	v2 =	vor.u32 $0xC, v36  }
0x7: {  	[tilespmem:$0x1FD50] =	vst v2;
	v2 =	vor.u32 $0xD, v36  }
0x8: {  	[tilespmem:$0x1FD60] =	vst v2;
	v2 =	vor.u32 $0xE, v36  }
0x9: {  	[tilespmem:$0x1FD70] =	vst v2;
	v2 =	vor.u32 $0xF, v36  }
0xa: {  	[tilespmem:$0x1FD80] =	vst v2;
	v2 =	vor.u32 $0x10, v36  }
0xb: {  	[tilespmem:$0x1FD90] =	vst v2;
	v2 =	vor.u32 $0x11, v36  }
0xc: {  	[tilespmem:$0x1FDA0] =	vst v2;
	v2 =	vor.u32 $0x12, v36  }
0xd: {  	[tilespmem:$0x1FDB0] =	vst v2;
	v2 =	vor.u32 $0x13, v36  }
0xe: {  	[tilespmem:$0x1FDC0] =	vst v2;
	v2 =	vor.u32 $0x14, v36  }
0xf: {  	[tilespmem:$0x1FDD0] =	vst v2;
	v2 =	vor.u32 $0x15, v36  }
0x10: {  	[tilespmem:$0x1FDE0] =	vst v2;
	v2 =	vor.u32 $0x16, v36  }
0x11: {  	[tilespmem:$0x1FDF0] =	vst v2;
	v2 =	vor.u32 $0x17, v36  }
0x12: {  	[tilespmem:$0x1FE00] =	vst v2;
	v2 =	vor.u32 $0x18, v36  }
0x13: {  	[tilespmem:$0x1FE10] =	vst v2;
	v2 =	vor.u32 $0x19, v36  }
0x14: {  	[tilespmem:$0x1FE20] =	vst v2;
	v2 =	vor.u32 $0x1A, v36  }
0x15: {  	[tilespmem:$0x1FE30] =	vst v2;
	v2 =	vor.u32 $0x1D, v36  }
0x16: {  	[tilespmem:$0x1FE40] =	vst v2;
	v2 =	vor.u32 $0x1F, v36  }
0x17: {  	[tilespmem:$0x1FE50] =	vst v2;
	v2 =	vor.u32 $0x20, v36  }
0x18: {  	[tilespmem:$0x1FE60] =	vst v2;
	v2 =	vor.u32 $0x21, v36  }
0x19: {  	s5 =	rddreg [dreg:$0x0];
	[tilespmem:$0x1FE70] =	vst v2;
	v2 =	vor.u32 $0x22, v36  }
0x1a: {  	s0 =	rddreg [dreg:$0x1];
	[tilespmem:$0x1FE80] =	vst v2;
	v2 =	vor.u32 $0x24, v36  }
0x1b: {  	s7 =	rddreg [dreg:$0x2];
	s3 =	simm.s32 $0x0;
	[tilespmem:$0x1FE90] =	vst v2;
	v2 =	vor.u32 $0x27, v36  }
0x1c: {  	[smem:$0x7FF] =	sst s3;
	[tilespmem:$0x1FEA0] =	vst v2;
	v2 =	vor.u32 $0x2A, v36  }
0x1d: {  	s1 =	rddreg [dreg:$0x3];
	_ =	strace $0x80000047;
	[tilespmem:$0x1FEB0] =	vst v2  }
0x1e: {  	v39 =	vor.u32 $0x2, v36;
	[tilespmem:$0x1FF20] =	vst v36  }
0x1f: {  	v35 =	vor.u32 $0x2F, v36;
	[tilespmem:$0x1FF30] =	vst v39  }
0x20: {  	v37 =	vor.u32 $0x30, v36;
	[tilespmem:$0x1FF40] =	vst v35  }
0x21: {  	v38 =	vor.u32 $0x31, v36;
	[tilespmem:$0x1FF50] =	vst v37  }
0x22: {  	v40 =	vor.u32 $0x33, v36;
	[tilespmem:$0x1FF60] =	vst v38  }
0x23: {  	v42 =	vor.u32 $0x34, v36;
	[tilespmem:$0x1FF70] =	vst v40  }
0x24: {  	v33 =	vor.u32 $0x36, v36;
	[tilespmem:$0x1FF80] =	vst v42  }
0x25: {  	v32 =	vor.u32 $0x37, v36;
	[tilespmem:$0x1FF90] =	vst v33  }
0x26: {  	[tilespmem:$0x1FFA0] =	vst v32  }
0x27: {  	v34 =	vor.u32 $0x39, v36;
	[tilespmem:$0x1FFB0] =	vst v0  }
0x28: {  	v29 =	vor.u32 $0x3A, v36;
	[tilespmem:$0x1FFC0] =	vst v34  }
0x29: {  	v53 =	vimm.s32 $0x80000000;
	v1 =	vor.u32 $0x1, v36;
	v26 =	vor.u32 $0x3B, v36;
	[tilespmem:$0x1FFD0] =	vst v29  }
0x2a: {  	s2 =	srdreg.scid;
	s11 =	simm.s32 $0x600;
	s12 =	simm.s32 $0xA00;
	v41 =	vor.u32 $0x3, v36;
	v43 =	vor.u32 $0x4, v36;
	v10 =	vor.u32 $0x3C, v36;
	[tilespmem:$0x1FFE0] =	vst v26  }
0x2b: {  	s13 =	simm.s32 $0x80;
	s14 =	simm.s32 $0x1;
	s6 =	sand.u32 $0x1, s2;
	v45 =	vor.u32 $0x5, v36;
	v47 =	vor.u32 $0x6, v36;
	v2 =	vor.u32 $0x2B, v36;
	[tilespmem:$0x1FFF0] =	vst v10  }
0x2c: {  	s15 =	simm.s32 $0x8A00;
	s2 =	stileid.u32;
	s4 =	sshll.u32 s6, $0x4;
	v49 =	vor.u32 $0x7, v36;
	v52 =	vor.u32 $0x8, v36;
	[tilespmem:$0x1FEC0] =	vst v2;
	v2 =	vor.u32 $0x2C, v36  }
0x2d: {  	s16 =	simm.s32 $0x0;
	s6 =	ssub.s32 $0x2, s6;
	s8 =	sor.u32 s2, s4;
	v61 =	vor.u32 $0x9, v36;
	v62 =	vor.u32 $0xA, v36;
	[tilespmem:$0x1FED0] =	vst v2;
	v2 =	vor.u32 $0x2D, v36  }
0x2e: {  	s10 =	sshrl.u32 s6, $0x1;
	v59 =	vor.u32 $0x1B, v36;
	v56 =	vor.u32 $0x1C, v36;
	s4 =	sshll.u32 s8, $0x6;
	s8 =	sshll.u32 s8, $0xC;
	[tilespmem:$0x1FEE0] =	vst v2;
	v2 =	vor.u32 $0x2E, v36  }
0x2f: {  	v51 =	vor.u32 $0x1E, v36;
	v54 =	vor.u32 $0x23, v36;
	s10 =	ssub.s32 s6, s10;
	s9 =	sadd.s32 s4, s5;
	s4 =	sadd.s32 $0xE00, s5;
	[tilespmem:$0x1FEF0] =	vst v2;
	v2 =	vor.u32 $0x32, v36  }
0x30: {  	v55 =	vor.u32 $0x25, v36;
	v57 =	vor.u32 $0x26, v36;
	s5 =	sadd.s32 $0xC00, s5;
	s7 =	sadd.s32 s7, s8;
	s8 =	smax.u32 s10, $0x1;
	[tilespmem:$0x1FF00] =	vst v2;
	v2 =	vor.u32 $0x35, v36  }
0x31: {  	v58 =	vor.u32 $0x28, v36;
	v60 =	vor.u32 $0x29, v36;
	v44 =	vor.u32 $0x38, v36;
	s10 =	simm.s32 $0x200;
	s6 =	sadd.s32 $0x400, s9;
	s9 =	simm.s32 $0x2;
	[tilespmem:$0x1FF10] =	vst v2  }
.LBB2_1:
0x32: {  	[tilespmem:s3], [sflag:$0x2] =	stream.linear.gather [hbm4b:s6+s3], $0x200, $0x38;
	[tilespmem:$0x10A00] =	vst v63  }
0x33: {  	_ =	swait.ge [sflag:s9], $0x200  }
0x34: {  	[sflag:s9] =	ssyncset.done $0x0  }
0x35: {  	[sflag:s9] =	ssyncadd.s32 $0xFFFFFE00  }
0x36: {  	[tilespmem:s10], [sflag:$0x2] =	stream.linear.gather [hbm4b:s4+s3], $0x400, $0x38;
	[tilespmem:$0x10A00] =	vst v63  }
0x37: {  	_ =	swait.ge [sflag:s9], $0x400  }
0x38: {  	[sflag:s9] =	ssyncset.done $0x0  }
0x39: {  	[sflag:s9] =	ssyncadd.s32 $0xFFFFFC00  }
0x3a: {  	[tilespmem:s11], [sflag:$0x2] =	stream.linear.gather [hbm4b:s5+s3], $0x400, $0x38;
	[tilespmem:$0x10A00] =	vst v63  }
0x3b: {  	_ =	swait.ge [sflag:s9], $0x400  }
0x3c: {  	s17 =	simm.s32 $0x0;
	[sflag:s9] =	ssyncset.done $0x0  }
0x3d: {  	s18 =	simm.s32 $0x0;
	s19 =	simm.s32 $0x0;
	[sflag:s9] =	ssyncadd.s32 $0xFFFFFC00  }
.LBB2_2:
0x3e: {  	v2 =	vld [tilespmem:s17+$0x0];
	_ =	sdelay $0x4  }
0x3f: {  	v3 =	vshra.s32 v2, $0xA  }
0x40: {  	v2 =	vand.u32 $0x3FF, v2;
	_ =	sdelay $0x3  }
0x41: {  	v3 =	vld.idx.msk [tilespmem:v3+s11+$0x0], $0xffff  }
0x42: {  	v2 =	vld.idx.msk [tilespmem:v2+s10+$0x0], $0xffff;
	_ =	sdelay $0x4  }
0x43: {  	v2 =	vadd.s32 v3, v2  }
0x44: {  	vm0 =	vgt.s32 v2, $0xF97A8D76  }
0x45: {  	v3 =	vsel vm0, $0x6857289, v53  }
0x46: {  	v63 =	vadd.s32 v2, v3  }
0x47: {  	v2 =	vadd.s32 $0xA73E2006, v63  }
0x48: {  	v18 =	vadd.s32 $0x8DDF4C3A, v63;
	v20 =	vadd.s32 $0x812FE254, v63;
	v22 =	vadd.s32 $0xEDFB05E5, v63  }
0x49: {  	v24 =	vadd.s32 $0xE14B9BFF, v63;
	v26 =	vadd.s32 $0xD49C3219, v63;
	v30 =	vadd.s32 $0xC7ECC833, v63  }
0x4a: {  	v32 =	vadd.s32 $0xBB3D5E4D, v63;
	v34 =	vadd.s32 $0xAE8DF467, v63;
	v40 =	vadd.s32 $0xA1DE8A81, v63  }
0x4b: {  	v46 =	vadd.s32 $0x952F209B, v63;
	v50 =	vadd.s32 $0x887FB6B5, v63;
	vm9 =	vgt.s32 v2, $0xF97A8D76  }
0x4c: {  	vm1 =	vgt.s32 v18, $0xF97A8D76;
	vm13 =	vgt.s32 v20, $0xF97A8D76;
	vm15 =	vgt.s32 v22, $0xF97A8D76  }
0x4d: {  	vm5 =	vgt.s32 v24, $0xF97A8D76;
	vm7 =	vgt.s32 v26, $0xF97A8D76;
	v3 =	vsel vm9, $0x6857289, v53  }
0x4e: {  	v19 =	vsel vm1, $0x6857289, v53;
	v23 =	vsel vm15, $0x6857289, v53;
	v10 =	vsel vm5, $0x6857289, v53  }
0x4f: {  	v28 =	vsel vm7, $0x6857289, v53;
	vm9 =	vgt.s32 v30, $0xF97A8D76;
	vm15 =	vgt.s32 v40, $0xF97A8D76  }
0x50: {  	vm5 =	vgt.s32 v46, $0xF97A8D76;
	vm7 =	vgt.s32 v50, $0xF97A8D76;
	v2 =	vadd.s32 v2, v3  }
0x51: {  	v3 =	vadd.s32 $0x9A8EB620, v63;
	v31 =	vsel vm9, $0x6857289, v53;
	v42 =	vsel vm15, $0x6857289, v53  }
0x52: {  	v4 =	vshra.s32 v2, $0x14;
	v2 =	vand.u32 $0xFFFFF, v2;
	vm10 =	vgt.s32 v3, $0xF97A8D76  }
0x53: {  	v16 =	vsel vm5, $0x6857289, v53;
	v2 =	vadd.s32 v2, v4;
	v17 =	vsel vm10, $0x6857289, v53  }
0x54: {  	v4 =	vadd.s32 v18, v19;
	vm11 =	vgt.s32 v2, $0xFFFFE;
	v3 =	vadd.s32 v3, v17  }
0x55: {  	v6 =	vadd.s32 $0xFFF00001, v2;
	v5 =	vshra.s32 v3, $0x14;
	v3 =	vand.u32 $0xFFFFF, v3  }
0x56: {  	v2 =	vsel vm11, v6, v2;
	v6 =	vadd.s32 v22, v23;
	vm11 =	vgt.s32 v32, $0xF97A8D76  }
0x57: {  	v22 =	vadd.s32 $0xDBEC067A, v63;
	v3 =	vadd.s32 v3, v5;
	v5 =	vshra.s32 v4, $0x14  }
0x58: {  	v4 =	vand.u32 $0xFFFFF, v4;
	v25 =	vshra.s32 v6, $0x14;
	v6 =	vand.u32 $0xFFFFF, v6  }
0x59: {  	v13 =	vsel vm11, $0x6857289, v53;
	vm12 =	vgt.s32 v3, $0xFFFFE;
	v7 =	vadd.s32 $0xFFF00001, v3  }
0x5a: {  	[tilespmem:$0x1FB80] =	vst v2;
	v5 =	vadd.s32 v4, v5;
	v2 =	vsel vm12, v7, v3;
	v3 =	vsel vm13, $0x6857289, v53  }
0x5b: {  	vm14 =	vgt.s32 v5, $0xFFFFE;
	v21 =	vadd.s32 $0xFFF00001, v5;
	v3 =	vadd.s32 v20, v3  }
0x5c: {  	vm13 =	vgt.s32 v34, $0xF97A8D76;
	v8 =	vshra.s32 v3, $0x14;
	v3 =	vand.u32 $0xFFFFF, v3  }
0x5d: {  	[tilespmem:$0x1FB90] =	vst v2;
	v2 =	vsel vm14, v21, v5;
	v37 =	vsel vm13, $0x6857289, v53;
	v3 =	vadd.s32 v3, v8  }
0x5e: {  	vm13 =	vgt.s32 v22, $0xF97A8D76;
	v8 =	vadd.s32 v6, v25;
	vm4 =	vgt.s32 v3, $0xFFFFE  }
0x5f: {  	v9 =	vadd.s32 $0xFFF00001, v3;
	vm6 =	vgt.s32 v8, $0xFFFFE;
	v27 =	vadd.s32 $0xFFF00001, v8  }
0x60: {  	[tilespmem:$0x1FBA0] =	vst v2;
	v2 =	vsel vm4, v9, v3;
	v3 =	vadd.s32 v24, v10;
	v9 =	vadd.s32 v30, v31  }
0x61: {  	v24 =	vsel vm13, $0x6857289, v53;
	v30 =	vadd.s32 $0xB5DDC8C8, v63;
	v7 =	vshra.s32 v3, $0x14  }
0x62: {  	[tilespmem:$0x1FBB0] =	vst v2;
	v3 =	vand.u32 $0xFFFFF, v3;
	v2 =	vsel vm6, v27, v8;
	v8 =	vadd.s32 v26, v28  }
0x63: {  	v33 =	vshra.s32 v9, $0x14;
	v9 =	vand.u32 $0xFFFFF, v9;
	v26 =	vadd.s32 $0xCF3C9C94, v63  }
0x64: {  	v28 =	vadd.s32 $0xC28D32AE, v63;
	v3 =	vadd.s32 v3, v7;
	v11 =	vshra.s32 v8, $0x14  }
0x65: {  	v12 =	vand.u32 $0xFFFFF, v8;
	v7 =	vsel vm7, $0x6857289, v53;
	vm15 =	vgt.s32 v26, $0xF97A8D76  }
0x66: {  	vm5 =	vgt.s32 v28, $0xF97A8D76;
	vm8 =	vgt.s32 v3, $0xFFFFE;
	v29 =	vadd.s32 $0xFFF00001, v3  }
0x67: {  	[tilespmem:$0x1FBC0] =	vst v2;
	vm7 =	vgt.s32 v30, $0xF97A8D76;
	v27 =	vsel vm15, $0x6857289, v53;
	v2 =	vsel vm8, v29, v3  }
0x68: {  	v3 =	vadd.s32 v12, v11;
	v11 =	vadd.s32 v9, v33;
	v9 =	vadd.s32 $0xF54ADA46, v63  }
0x69: {  	vm10 =	vgt.s32 v3, $0xFFFFE;
	v12 =	vadd.s32 $0xFFF00001, v3;
	vm12 =	vgt.s32 v11, $0xFFFFE  }
0x6a: {  	[tilespmem:$0x1FBD0] =	vst v2;
	v35 =	vadd.s32 $0xFFF00001, v11;
	vm9 =	vgt.s32 v9, $0xF97A8D76;
	v2 =	vsel vm10, v12, v3  }
0x6b: {  	v3 =	vadd.s32 v32, v13;
	v12 =	vadd.s32 v40, v42;
	v32 =	vsel vm7, $0x6857289, v53  }
0x6c: {  	v40 =	vadd.s32 $0x8FCF8B16, v63;
	v10 =	vshra.s32 v3, $0x14;
	v3 =	vand.u32 $0xFFFFF, v3  }
0x6d: {  	[tilespmem:$0x1FBE0] =	vst v2;
	v2 =	vsel vm12, v35, v11;
	v11 =	vadd.s32 v34, v37;
	v48 =	vshra.s32 v12, $0x14  }
0x6e: {  	v12 =	vand.u32 $0xFFFFF, v12;
	v34 =	vadd.s32 $0xA92E5EE2, v63;
	v37 =	vadd.s32 $0x9C7EF4FC, v63  }
0x6f: {  	vm13 =	vgt.s32 v40, $0xF97A8D76;
	v3 =	vadd.s32 v3, v10;
	v14 =	vshra.s32 v11, $0x14  }
0x70: {  	v15 =	vand.u32 $0xFFFFF, v11;
	v10 =	vsel vm9, $0x6857289, v53;
	v11 =	vadd.s32 $0xE89B7060, v63  }
0x71: {  	vm9 =	vgt.s32 v34, $0xF97A8D76;
	vm14 =	vgt.s32 v3, $0xFFFFE;
	v38 =	vadd.s32 $0xFFF00001, v3  }
0x72: {  	[tilespmem:$0x1FBF0] =	vst v2;
	vm11 =	vgt.s32 v11, $0xF97A8D76;
	v35 =	vsel vm9, $0x6857289, v53;
	v2 =	vsel vm14, v38, v3  }
0x73: {  	v3 =	vadd.s32 v15, v14;
	v14 =	vadd.s32 v12, v48;
	v19 =	vsel vm11, $0x6857289, v53  }
0x74: {  	vm11 =	vgt.s32 v37, $0xF97A8D76;
	vm4 =	vgt.s32 v3, $0xFFFFE;
	v15 =	vadd.s32 $0xFFF00001, v3  }
0x75: {  	[tilespmem:$0x1FC00] =	vst v2;
	vm6 =	vgt.s32 v14, $0xFFFFE;
	v6 =	vadd.s32 $0xFFF00001, v14;
	v2 =	vsel vm4, v15, v3  }
0x76: {  	v3 =	vadd.s32 v46, v16;
	v15 =	vadd.s32 v9, v10;
	v46 =	vsel vm13, $0x6857289, v53  }
0x77: {  	v9 =	vadd.s32 $0xE33BDADB, v63;
	v13 =	vshra.s32 v3, $0x14;
	v3 =	vand.u32 $0xFFFFF, v3  }
0x78: {  	[tilespmem:$0x1FC10] =	vst v2;
	v2 =	vsel vm6, v6, v14;
	v14 =	vadd.s32 v50, v7;
	v21 =	vshra.s32 v15, $0x14  }
0x79: {  	v15 =	vand.u32 $0xFFFFF, v15;
	v50 =	vadd.s32 $0x83202130, v63;
	vm7 =	vgt.s32 v9, $0xF97A8D76  }
0x7a: {  	v3 =	vadd.s32 v3, v13;
	v17 =	vshra.s32 v14, $0x14;
	v18 =	vand.u32 $0xFFFFF, v14  }
0x7b: {  	vm15 =	vgt.s32 v50, $0xF97A8D76;
	v12 =	vsel vm7, $0x6857289, v53;
	v14 =	vadd.s32 $0xC9DD070F, v63  }
0x7c: {  	vm8 =	vgt.s32 v3, $0xFFFFE;
	v8 =	vadd.s32 $0xFFF00001, v3;
	v6 =	vsel vm15, $0x6857289, v53  }
0x7d: {  	[tilespmem:$0x1FC20] =	vst v2;
	v2 =	vsel vm8, v8, v3;
	v3 =	vadd.s32 v18, v17;
	v17 =	vadd.s32 v15, v21  }
0x7e: {  	vm10 =	vgt.s32 v3, $0xFFFFE;
	v18 =	vadd.s32 $0xFFF00001, v3;
	vm12 =	vgt.s32 v17, $0xFFFFE  }
0x7f: {  	[tilespmem:$0x1FC30] =	vst v2;
	v23 =	vadd.s32 $0xFFF00001, v17;
	v2 =	vsel vm10, v18, v3;
	v3 =	vadd.s32 v11, v19  }
0x80: {  	v15 =	vsel vm12, v23, v17;
	v17 =	vadd.s32 v22, v24;
	v18 =	vadd.s32 v26, v27  }
0x81: {  	v22 =	vsel vm5, $0x6857289, v53;
	v16 =	vshra.s32 v3, $0x14;
	v3 =	vand.u32 $0xFFFFF, v3  }
0x82: {  	v11 =	vmov s18;
	v20 =	vshra.s32 v17, $0x14;
	v3 =	vadd.s32 v3, v16  }
0x83: {  	v21 =	vand.u32 $0xFFFFF, v17;
	vm14 =	vgt.s32 v3, $0xFFFFE;
	v25 =	vadd.s32 $0xFFF00001, v3  }
0x84: {  	[tilespmem:$0x1FC40] =	vst v2;
	v29 =	vshra.s32 v18, $0x14;
	v18 =	vand.u32 $0xFFFFF, v18;
	v2 =	vsel vm14, v25, v3  }
0x85: {  	v3 =	vadd.s32 v21, v20;
	v20 =	vadd.s32 v18, v29;
	v25 =	vsel vm11, $0x6857289, v53  }
0x86: {  	vm11 =	vgt.s32 v14, $0xF97A8D76;
	v18 =	vshll.u32 v11, $0x7;
	vm4 =	vgt.s32 v3, $0xFFFFE  }
0x87: {  	v21 =	vadd.s32 $0xFFF00001, v3;
	vm6 =	vgt.s32 v20, $0xFFFFE;
	v31 =	vadd.s32 $0xFFF00001, v20  }
0x88: {  	[tilespmem:$0x1FC50] =	vst v2;
	v17 =	vsel vm4, v21, v3;
	v3 =	vadd.s32 v28, v22;
	v2 =	vsel vm6, v31, v20  }
0x89: {  	v20 =	vadd.s32 v30, v32;
	v21 =	vadd.s32 v34, v35;
	v28 =	vadd.s32 $0xEFEB44C1, v63  }
0x8a: {  	v31 =	vadd.s32 $0xD68C70F5, v63;
	v35 =	vadd.s32 $0xA3CEC95D, v63;
	v19 =	vshra.s32 v3, $0x14  }
0x8b: {  	v3 =	vand.u32 $0xFFFFF, v3;
	v23 =	vshra.s32 v20, $0x14;
	v24 =	vand.u32 $0xFFFFF, v20  }
0x8c: {  	v38 =	vshra.s32 v21, $0x14;
	v21 =	vand.u32 $0xFFFFF, v21;
	vm5 =	vgt.s32 v28, $0xF97A8D76  }
0x8d: {  	vm9 =	vgt.s32 v31, $0xF97A8D76;
	v3 =	vadd.s32 v3, v19;
	v8 =	vsel vm5, $0x6857289, v53  }
0x8e: {  	v13 =	vsel vm9, $0x6857289, v53;
	vm8 =	vgt.s32 v3, $0xFFFFE;
	v33 =	vadd.s32 $0xFFF00001, v3  }
0x8f: {  	[tilespmem:$0x1FC60] =	vst v2;
	v19 =	vsel vm11, $0x6857289, v53;
	vm5 =	vgt.s32 v35, $0xF97A8D76;
	v2 =	vsel vm8, v33, v3  }
0x90: {  	v3 =	vadd.s32 v24, v23;
	v23 =	vadd.s32 v21, v38;
	v33 =	vadd.s32 $0xBD2D9D29, v63  }
0x91: {  	v21 =	vadd.s32 $0xB07E3343, v63;
	vm10 =	vgt.s32 v3, $0xFFFFE;
	v24 =	vadd.s32 $0xFFF00001, v3  }
0x92: {  	vm12 =	vgt.s32 v23, $0xFFFFE;
	v42 =	vadd.s32 $0xFFF00001, v23;
	vm13 =	vgt.s32 v33, $0xF97A8D76  }
0x93: {  	[tilespmem:$0x1FC70] =	vst v2;
	vm15 =	vgt.s32 v21, $0xF97A8D76;
	v2 =	vsel vm10, v24, v3;
	v3 =	vadd.s32 v37, v25  }
0x94: {  	v24 =	vadd.s32 v50, v6;
	v20 =	vsel vm13, $0x6857289, v53;
	v50 =	vadd.s32 $0xF73B1922, v63  }
0x95: {  	[tilespmem:$0x1FC80] =	vst v2;
	v22 =	vshra.s32 v3, $0x14;
	v3 =	vand.u32 $0xFFFFF, v3;
	v2 =	vsel vm12, v42, v23  }
0x96: {  	v23 =	vadd.s32 v40, v46;
	v25 =	vshra.s32 v24, $0x14;
	v7 =	vand.u32 $0xFFFFF, v24  }
0x97: {  	v42 =	vadd.s32 $0x8A6FF591, v63;
	v3 =	vadd.s32 v3, v22;
	v26 =	vshra.s32 v23, $0x14  }
0x98: {  	v27 =	vand.u32 $0xFFFFF, v23;
	vm14 =	vgt.s32 v3, $0xFFFFE;
	v48 =	vadd.s32 $0xFFF00001, v3  }
0x99: {  	vm11 =	vgt.s32 v50, $0xF97A8D76;
	[tilespmem:$0x1FC90] =	vst v2;
	v2 =	vsel vm14, v48, v3;
	v3 =	vadd.s32 v27, v26  }
0x9a: {  	vm9 =	vgt.s32 v42, $0xF97A8D76;
	vm4 =	vgt.s32 v3, $0xFFFFE;
	v26 =	vadd.s32 $0xFFF00001, v3  }
0x9b: {  	v5 =	vsel vm11, $0x6857289, v53;
	[tilespmem:$0x1FCA0] =	vst v2;
	v2 =	vsel vm4, v26, v3;
	v3 =	vadd.s32 v7, v25  }
0x9c: {  	v46 =	vsel vm9, $0x6857289, v53;
	vm6 =	vgt.s32 v3, $0xFFFFE;
	v25 =	vadd.s32 $0xFFF00001, v3  }
0x9d: {  	v26 =	vadd.s32 v9, v12;
	[tilespmem:$0x1FCB0] =	vst v2;
	v2 =	vsel vm6, v25, v3;
	v3 =	vadd.s32 v28, v8  }
0x9e: {  	v9 =	vadd.s32 $0xDDDC4556, v63;
	v10 =	vshra.s32 v3, $0x14;
	v3 =	vand.u32 $0xFFFFF, v3  }
0x9f: {  	v27 =	vshra.s32 v26, $0x14;
	v30 =	vand.u32 $0xFFFFF, v26;
	v3 =	vadd.s32 v3, v10  }
0xa0: {  	v28 =	vadd.s32 v14, v19;
	vm8 =	vgt.s32 v3, $0xFFFFE;
	v29 =	vadd.s32 $0xFFF00001, v3  }
0xa1: {  	v25 =	vsel vm15, $0x6857289, v53;
	v22 =	vsel vm8, v29, v3;
	v3 =	vadd.s32 v30, v27  }
0xa2: {  	vm15 =	vgt.s32 v9, $0xF97A8D76;
	vm10 =	vgt.s32 v3, $0xFFFFE;
	v27 =	vadd.s32 $0xFFF00001, v3  }
0xa3: {  	v14 =	vadd.s32 $0xC47D718A, v63;
	[tilespmem:$0x1FCC0] =	vst v2;
	v2 =	vsel vm10, v27, v3;
	v3 =	vadd.s32 v31, v13  }
0xa4: {  	v32 =	vand.u32 $0xFFFFF, v28;
	v16 =	vshra.s32 v3, $0x14;
	v3 =	vand.u32 $0xFFFFF, v3  }
0xa5: {  	v10 =	vsel vm15, $0x6857289, v53;
	v29 =	vshra.s32 v28, $0x14;
	v3 =	vadd.s32 v3, v16  }
0xa6: {  	v27 =	vsel vm5, $0x6857289, v53;
	vm12 =	vgt.s32 v3, $0xFFFFE;
	v30 =	vadd.s32 $0xFFF00001, v3  }
0xa7: {  	[tilespmem:$0x1FCD0] =	vst v2;
	v2 =	vsel vm12, v30, v3;
	v3 =	vadd.s32 v32, v29;
	v30 =	vadd.s32 v21, v25  }
0xa8: {  	vm14 =	vgt.s32 v3, $0xFFFFE;
	v29 =	vadd.s32 $0xFFF00001, v3;
	v32 =	vshra.s32 v30, $0x14  }
0xa9: {  	[tilespmem:$0x1FCE0] =	vst v2;
	v34 =	vand.u32 $0xFFFFF, v30;
	v2 =	vsel vm14, v29, v3;
	v3 =	vadd.s32 v33, v20  }
0xaa: {  	v26 =	vadd.s32 v34, v32;
	v32 =	vadd.s32 v35, v27;
	v29 =	vadd.s32 $0x971F5F77, v63  }
0xab: {  	v35 =	vadd.s32 v50, v5;
	v50 =	vadd.s32 $0x91BFC9F2, v63;
	v23 =	vshra.s32 v3, $0x14  }
0xac: {  	v33 =	vand.u32 $0xFFFFF, v3;
	v3 =	vor.u32 v0, v18;
	vm6 =	vgt.s32 v26, $0xFFFFE  }
0xad: {  	v28 =	vadd.s32 $0xFFF00001, v26;
	v37 =	vshra.s32 v32, $0x14;
	v32 =	vand.u32 $0xFFFFF, v32  }
0xae: {  	vm7 =	vgt.s32 v29, $0xF97A8D76;
	vm15 =	vgt.s32 v50, $0xF97A8D76;
	v24 =	vadd.s32 v33, v23  }
0xaf: {  	v16 =	vmovc v51;
	v51 =	vor.u32 v36, v3;
	v32 =	vadd.s32 v32, v37;
	v38 =	vsel vm7, $0x6857289, v53  }
0xb0: {  	v20 =	vmovc v54;
	v5 =	vor.u32 v39, v3;
	vm7 =	vgt.s32 v14, $0xF97A8D76;
	v54 =	vor.u32 v41, v3  }
0xb1: {  	v19 =	vmovc v55;
	v21 =	vmovc v57;
	v55 =	vor.u32 v43, v3;
	v4 =	vsel vm15, $0x6857289, v53;
	v57 =	vor.u32 v47, v3  }
0xb2: {  	vm4 =	vgt.s32 v24, $0xFFFFE;
	v33 =	vadd.s32 $0xFFF00001, v24;
	vm8 =	vgt.s32 v32, $0xFFFFE  }
0xb3: {  	v40 =	vadd.s32 $0xFFF00001, v32;
	v23 =	vsel vm7, $0x6857289, v53;
	v0 =	vsel vm4, v33, v24  }
0xb4: {  	v33 =	vadd.s32 v29, v38;
	v38 =	vadd.s32 $0xEA8BAF3C, v63;
	v39 =	vadd.s32 v14, v23  }
0xb5: {  	v29 =	vadd.s32 $0xAB1E9DBE, v63;
	v14 =	vmovc v56;
	v56 =	vor.u32 v45, v3;
	[tilespmem:$0x1FD00] =	vst v0;
	v0 =	vsel vm6, v28, v26  }
0xb6: {  	v34 =	vshra.s32 v33, $0x14;
	v33 =	vand.u32 $0xFFFFF, v33;
	vm13 =	vgt.s32 v38, $0xF97A8D76  }
0xb7: {  	vm11 =	vgt.s32 v29, $0xF97A8D76;
	[tilespmem:$0x1FD10] =	vst v0;
	v0 =	vsel vm8, v40, v32;
	v33 =	vadd.s32 v33, v34  }
0xb8: {  	v34 =	vadd.s32 v42, v46;
	v7 =	vsel vm13, $0x6857289, v53;
	v40 =	vadd.s32 $0xD12CDB70, v63  }
0xb9: {  	v42 =	vadd.s32 $0xB7CE07A4, v63;
	v30 =	vsel vm11, $0x6857289, v53;
	v32 =	vadd.s32 $0x9E6F33D8, v63  }
0xba: {  	v23 =	vmovc v58;
	v58 =	vor.u32 v49, v3;
	vm10 =	vgt.s32 v33, $0xFFFFE;
	v48 =	vadd.s32 $0xFFF00001, v33  }
0xbb: {  	v36 =	vshra.s32 v34, $0x14;
	v34 =	vand.u32 $0xFFFFF, v34;
	vm5 =	vgt.s32 v40, $0xF97A8D76  }
0xbc: {  	v26 =	vmovc v41;
	vm9 =	vgt.s32 v42, $0xF97A8D76;
	v41 =	vadd.s32 v29, v30;
	vm13 =	vgt.s32 v32, $0xF97A8D76  }
0xbd: {  	[tilespmem:$0x1FD20] =	vst v0;
	v30 =	vadd.s32 $0xBF1DDC05, v63;
	v0 =	vsel vm10, v48, v33;
	v34 =	vadd.s32 v34, v36  }
0xbe: {  	v36 =	vshra.s32 v35, $0x14;
	v35 =	vand.u32 $0xFFFFF, v35;
	v12 =	vsel vm5, $0x6857289, v53  }
0xbf: {  	v27 =	vsel vm9, $0x6857289, v53;
	v46 =	vsel vm13, $0x6857289, v53;
	vm12 =	vgt.s32 v34, $0xFFFFE  }
0xc0: {  	v37 =	vadd.s32 $0xFFF00001, v34;
	v35 =	vadd.s32 v35, v36;
	v36 =	vadd.s32 v38, v7  }
0xc1: {  	v33 =	vmovc v43;
	v43 =	vadd.s32 v50, v4;
	v50 =	vadd.s32 $0xCBCD45EB, v63;
	v25 =	vsel vm12, v37, v34  }
0xc2: {  	vm14 =	vgt.s32 v35, $0xFFFFE;
	v8 =	vadd.s32 $0xFFF00001, v35;
	v38 =	vshra.s32 v36, $0x14  }
0xc3: {  	v36 =	vand.u32 $0xFFFFF, v36;
	v37 =	vadd.s32 v9, v10;
	v10 =	vadd.s32 $0xF1DB839D, v63  }
0xc4: {  	v35 =	vsel vm14, v8, v35;
	v36 =	vadd.s32 v36, v38;
	v38 =	vshra.s32 v37, $0x14  }
0xc5: {  	v37 =	vand.u32 $0xFFFFF, v37;
	vm7 =	vgt.s32 v10, $0xF97A8D76;
	vm4 =	vgt.s32 v36, $0xFFFFE  }
0xc6: {  	v11 =	vadd.s32 $0xFFF00001, v36;
	v37 =	vadd.s32 v37, v38;
	v38 =	vadd.s32 v40, v12  }
0xc7: {  	v36 =	vsel vm4, v11, v36;
	vm6 =	vgt.s32 v37, $0xFFFFE;
	v13 =	vadd.s32 $0xFFF00001, v37  }
0xc8: {  	v40 =	vshra.s32 v38, $0x14;
	v38 =	vand.u32 $0xFFFFF, v38;
	v11 =	vsel vm7, $0x6857289, v53  }
0xc9: {  	v37 =	vsel vm6, v13, v37;
	v38 =	vadd.s32 v38, v40;
	v40 =	vshra.s32 v39, $0x14  }
0xca: {  	v39 =	vand.u32 $0xFFFFF, v39;
	vm8 =	vgt.s32 v38, $0xFFFFE;
	v24 =	vadd.s32 $0xFFF00001, v38  }
0xcb: {  	v39 =	vadd.s32 v39, v40;
	v40 =	vadd.s32 v42, v27;
	v38 =	vsel vm8, v24, v38  }
0xcc: {  	vm10 =	vgt.s32 v39, $0xFFFFE;
	v28 =	vadd.s32 $0xFFF00001, v39;
	v42 =	vshra.s32 v40, $0x14  }
0xcd: {  	v40 =	vand.u32 $0xFFFFF, v40;
	v24 =	vadd.s32 $0xD87CAFD1, v63;
	v39 =	vsel vm10, v28, v39  }
0xce: {  	v40 =	vadd.s32 v40, v42;
	v42 =	vshra.s32 v41, $0x14;
	v41 =	vand.u32 $0xFFFFF, v41  }
0xcf: {  	vm11 =	vgt.s32 v24, $0xF97A8D76;
	vm12 =	vgt.s32 v40, $0xFFFFE;
	v31 =	vadd.s32 $0xFFF00001, v40  }
0xd0: {  	v41 =	vadd.s32 v41, v42;
	v42 =	vadd.s32 v32, v46;
	v46 =	vadd.s32 $0x8510600C, v63  }
0xd1: {  	v32 =	vmovc v45;
	v45 =	vadd.s32 v10, v11;
	v40 =	vsel vm12, v31, v40;
	vm14 =	vgt.s32 v41, $0xFFFFE  }
0xd2: {  	v34 =	vmovc v44;
	v48 =	vadd.s32 $0xFFF00001, v41;
	v44 =	vshra.s32 v42, $0x14;
	v42 =	vand.u32 $0xFFFFF, v42  }
0xd3: {  	vm5 =	vgt.s32 v46, $0xF97A8D76;
	vm12 =	vgt.s32 v50, $0xF97A8D76;
	v41 =	vsel vm14, v48, v41  }
0xd4: {  	v42 =	vadd.s32 v42, v44;
	v44 =	vshra.s32 v43, $0x14;
	v43 =	vand.u32 $0xFFFFF, v43  }
0xd5: {  	v8 =	vsel vm5, $0x6857289, v53;
	v48 =	vadd.s32 $0xE52C19B7, v63;
	vm4 =	vgt.s32 v42, $0xFFFFE  }
0xd6: {  	v7 =	vadd.s32 $0xFFF00001, v42;
	v43 =	vadd.s32 v43, v44;
	v44 =	vadd.s32 v46, v8  }
0xd7: {  	vm9 =	vgt.s32 v48, $0xF97A8D76;
	v42 =	vsel vm4, v7, v42;
	vm6 =	vgt.s32 v43, $0xFFFFE  }
0xd8: {  	v9 =	vadd.s32 $0xFFF00001, v43;
	v46 =	vshra.s32 v44, $0x14;
	v44 =	vand.u32 $0xFFFFF, v44  }
0xd9: {  	v13 =	vsel vm9, $0x6857289, v53;
	v7 =	vsel vm11, $0x6857289, v53;
	vm4 =	vgt.s32 v30, $0xF97A8D76  }
0xda: {  	v43 =	vsel vm6, v9, v43;
	v44 =	vadd.s32 v44, v46;
	v46 =	vshra.s32 v45, $0x14  }
0xdb: {  	v45 =	vand.u32 $0xFFFFF, v45;
	v8 =	vadd.s32 v24, v7;
	v9 =	vsel vm12, $0x6857289, v53  }
0xdc: {  	v7 =	vsel vm4, $0x6857289, v53;
	vm8 =	vgt.s32 v44, $0xFFFFE;
	v45 =	vadd.s32 v45, v46  }
0xdd: {  	v31 =	vmovc v47;
	v46 =	vadd.s32 v48, v13;
	v48 =	vshra.s32 v8, $0x14;
	v47 =	vand.u32 $0xFFFFF, v8  }
0xde: {  	v11 =	vadd.s32 v50, v9;
	vm10 =	vgt.s32 v45, $0xFFFFE;
	v18 =	vadd.s32 $0xFFF00001, v45  }
0xdf: {  	v4 =	vshra.s32 v46, $0x14;
	v46 =	vand.u32 $0xFFFFF, v46;
	v47 =	vadd.s32 v47, v48  }
0xe0: {  	v50 =	vshra.s32 v11, $0x14;
	v45 =	vsel vm10, v18, v45;
	v46 =	vadd.s32 v46, v4  }
0xe1: {  	vm14 =	vgt.s32 v47, $0xFFFFE;
	v13 =	vadd.s32 $0xFFF00001, v47;
	v18 =	vand.u32 $0xFFFFF, v11  }
0xe2: {  	v4 =	vadd.s32 $0xB26E721F, v63;
	v48 =	vsel vm14, v13, v47;
	v27 =	vadd.s32 v18, v50  }
0xe3: {  	vm5 =	vgt.s32 v4, $0xF97A8D76;
	v50 =	vadd.s32 v30, v7;
	vm15 =	vgt.s32 v27, $0xFFFFE  }
0xe4: {  	[tilespmem:$0x1FD30] =	vst v0;
	v28 =	vadd.s32 $0xFFF00001, v27;
	v13 =	vsel vm5, $0x6857289, v53;
	v0 =	vshra.s32 v50, $0x14  }
0xe5: {  	v29 =	vmovc v49;
	v50 =	vand.u32 $0xFFFFF, v50;
	v47 =	vsel vm15, v28, v27;
	v49 =	vadd.s32 v4, v13  }
0xe6: {  	v30 =	vld [tilespmem:$0x1FB80];
	v0 =	vadd.s32 v50, v0;
	v18 =	vshra.s32 v49, $0x14;
	v49 =	vand.u32 $0xFFFFF, v49  }
0xe7: {  	vm6 =	vgt.s32 v0, $0xFFFFE;
	v27 =	vadd.s32 $0xFFF00001, v0;
	v50 =	vadd.s32 v49, v18  }
0xe8: {  	v49 =	vsel vm6, v27, v0;
	vm7 =	vgt.s32 v50, $0xFFFFE;
	v0 =	vadd.s32 $0xFFF00001, v50  }
0xe9: {  	v12 =	vadd.s32 $0xFFF00001, v44;
	v50 =	vsel vm7, v0, v50;
	v0 =	vadd.s32 $0xA5BF0839, v63  }
0xea: {  	v44 =	vsel vm8, v12, v44;
	vm8 =	vgt.s32 v0, $0xF97A8D76  }
0xeb: {  	v6 =	vor.u32 v1, v3;
	[tilespmem:v51+s12+$0x0] =	vst.idx.msk $0xffff, v30;
	v30 =	vmov v1;
	v1 =	vsel vm8, $0x6857289, v53  }
0xec: {  	v0 =	vadd.s32 v0, v1;
	v1 =	vld [tilespmem:$0x1FD80];
	_ =	sdelay $0x3  }
0xed: {  	v27 =	vld [tilespmem:$0x1FB90]  }
0xee: {  	v7 =	vor.u32 v1, v3;
	v1 =	vld [tilespmem:$0x1FBA0];
	_ =	sdelay $0x3  }
0xef: {  	[tilespmem:v6+s12+$0x0] =	vst.idx.msk $0xffff, v27  }
0xf0: {  	[tilespmem:v5+s12+$0x0] =	vst.idx.msk $0xffff, v1;
	v1 =	vld [tilespmem:$0x1FD90];
	_ =	sdelay $0x4  }
0xf1: {  	v5 =	vor.u32 v1, v3;
	v1 =	vld [tilespmem:$0x1FDA0];
	_ =	sdelay $0x4  }
0xf2: {  	v24 =	vmovc v60;
	v60 =	vor.u32 v52, v3;
	v18 =	vmov v52;
	v52 =	vor.u32 v1, v3;
	v1 =	vld [tilespmem:$0x1FDB0];
	_ =	sdelay $0x2  }
0xf3: {  	vm13 =	vgt.s32 v46, $0xFFFFE;
	v10 =	vadd.s32 $0xFFF00001, v46  }
0xf4: {  	v46 =	vsel vm13, v10, v46;
	v10 =	vld [tilespmem:$0x1FD70]  }
0xf5: {  	v8 =	vor.u32 v1, v3;
	v1 =	vld [tilespmem:$0x1FDC0];
	_ =	sdelay $0x1  }
0xf6: {  	v13 =	vadd.s32 $0x990F9E53, v63  }
0xf7: {  	vm9 =	vgt.s32 v13, $0xF97A8D76  }
0xf8: {  	v51 =	vor.u32 v10, v3;
	v10 =	vsel vm9, $0x6857289, v53  }
0xf9: {  	v6 =	vadd.s32 v13, v10;
	v10 =	vor.u32 v1, v3;
	v1 =	vld [tilespmem:$0x1FBB0];
	_ =	sdelay $0x2  }
0xfa: {  	v28 =	vld [tilespmem:$0x1FD60];
	_ =	sdelay $0x1  }
0xfb: {  	[tilespmem:v54+s12+$0x0] =	vst.idx.msk $0xffff, v1;
	v1 =	vld [tilespmem:$0x1FDD0];
	_ =	sdelay $0x2  }
0xfc: {  	v4 =	vor.u32 v28, v3;
	v13 =	vld [tilespmem:$0x1FBC0];
	v28 =	vshra.s32 v0, $0x14;
	v0 =	vand.u32 $0xFFFFF, v0  }
0xfd: {  	v27 =	vld [tilespmem:$0x1FBD0];
	v0 =	vadd.s32 v0, v28  }
0xfe: {  	vm10 =	vgt.s32 v0, $0xFFFFE;
	v54 =	vor.u32 v1, v3;
	v1 =	vadd.s32 $0xFFF00001, v0  }
0xff: {  	v28 =	vsel vm10, v1, v0;
	v1 =	vshra.s32 v6, $0x14;
	v6 =	vand.u32 $0xFFFFF, v6  }
0x100: {  	v1 =	vadd.s32 v6, v1  }
0x101: {  	[tilespmem:v55+s12+$0x0] =	vst.idx.msk $0xffff, v13;
	v13 =	vld [tilespmem:$0x1FBE0];
	vm11 =	vgt.s32 v1, $0xFFFFE;
	v6 =	vadd.s32 $0xFFF00001, v1  }
0x102: {  	[tilespmem:v56+s12+$0x0] =	vst.idx.msk $0xffff, v27;
	v27 =	vsel vm11, v6, v1;
	v1 =	vld [tilespmem:$0x1FE00];
	_ =	sdelay $0x4  }
0x103: {  	[tilespmem:v57+s12+$0x0] =	vst.idx.msk $0xffff, v13;
	v57 =	vor.u32 v1, v3;
	v1 =	vld [tilespmem:$0x1FBF0]  }
0x104: {  	v13 =	vld [tilespmem:$0x1FC00];
	_ =	sdelay $0x3  }
0x105: {  	[tilespmem:v58+s12+$0x0] =	vst.idx.msk $0xffff, v1  }
0x106: {  	[tilespmem:v60+s12+$0x0] =	vst.idx.msk $0xffff, v13;
	v13 =	vld [tilespmem:$0x1FE30];
	_ =	sdelay $0x4  }
0x107: {  	v12 =	vmov v59;
	v59 =	vor.u32 v61, v3;
	v60 =	vor.u32 v13, v3;
	v13 =	vld [tilespmem:$0x1FC10];
	_ =	sdelay $0x3  }
0x108: {  	[tilespmem:$0x1FCF0] =	vst v2;
	v2 =	vld [tilespmem:$0x1FD40]  }
0x109: {  	v9 =	vor.u32 v62, v3;
	[tilespmem:v59+s12+$0x0] =	vst.idx.msk $0xffff, v13;
	v13 =	vld [tilespmem:$0x1FC20];
	_ =	sdelay $0x3  }
0x10a: {  	v11 =	vmov v61;
	v61 =	vor.u32 v2, v3;
	v2 =	vld [tilespmem:$0x1FD50]  }
0x10b: {  	[tilespmem:v9+s12+$0x0] =	vst.idx.msk $0xffff, v13;
	v9 =	vld [tilespmem:$0x1FC30];
	_ =	sdelay $0x4  }
0x10c: {  	v2 =	vor.u32 v2, v3;
	[tilespmem:v61+s12+$0x0] =	vst.idx.msk $0xffff, v9;
	v9 =	vld [tilespmem:$0x1FC40];
	_ =	sdelay $0x4  }
0x10d: {  	v56 =	vadd.s32 $0x8C60346D, v63;
	[tilespmem:v2+s12+$0x0] =	vst.idx.msk $0xffff, v9;
	v9 =	vld [tilespmem:$0x1FC50]  }
0x10e: {  	vm12 =	vgt.s32 v56, $0xF97A8D76  }
0x10f: {  	v6 =	vsel vm12, $0x6857289, v53  }
0x110: {  	v6 =	vadd.s32 v56, v6;
	v56 =	vadd.s32 $0xF92B57FE, v63  }
0x111: {  	vm13 =	vgt.s32 v56, $0xF97A8D76;
	v59 =	vmovc v12;
	v12 =	vshra.s32 v6, $0x14;
	v6 =	vand.u32 $0xFFFFF, v6;
	[tilespmem:v4+s12+$0x0] =	vst.idx.msk $0xffff, v15  }
0x112: {  	v6 =	vadd.s32 v6, v12;
	v13 =	vsel vm13, $0x6857289, v53;
	[tilespmem:v51+s12+$0x0] =	vst.idx.msk $0xffff, v9;
	v9 =	vld [tilespmem:$0x1FE60]  }
0x113: {  	vm14 =	vgt.s32 v6, $0xFFFFE;
	v13 =	vadd.s32 v56, v13;
	[tilespmem:v7+s12+$0x0] =	vst.idx.msk $0xffff, v17;
	v17 =	vld [tilespmem:$0x1FE50]  }
0x114: {  	v56 =	vmovc v14;
	v14 =	vadd.s32 $0xFFF00001, v6;
	v61 =	vmovc v11;
	v11 =	vshra.s32 v13, $0x14;
	v13 =	vand.u32 $0xFFFFF, v13  }
0x115: {  	v2 =	vsel vm14, v14, v6;
	v6 =	vadd.s32 v13, v11  }
0x116: {  	vm15 =	vgt.s32 v6, $0xFFFFE;
	v4 =	vadd.s32 $0xFFF00001, v6  }
0x117: {  	v6 =	vsel vm15, v4, v6  }
0x118: {  	v4 =	vor.u32 v16, v3;
	v51 =	vmovc v16;
	v16 =	vor.u32 v17, v3;
	v17 =	vor.u32 v9, v3;
	v9 =	vld [tilespmem:$0x1FC60];
	_ =	sdelay $0x4  }
0x119: {  	[tilespmem:v5+s12+$0x0] =	vst.idx.msk $0xffff, v9;
	v9 =	vld [tilespmem:$0x1FC70];
	_ =	sdelay $0x4  }
0x11a: {  	v15 =	vadd.s32 $0xEC7BEE18, v63;
	[tilespmem:v52+s12+$0x0] =	vst.idx.msk $0xffff, v9;
	v9 =	vld [tilespmem:$0x1FC80]  }
0x11b: {  	vm4 =	vgt.s32 v15, $0xF97A8D76  }
0x11c: {  	v7 =	vsel vm4, $0x6857289, v53  }
0x11d: {  	v7 =	vadd.s32 v15, v7;
	v15 =	vadd.s32 $0xDFCC8432, v63  }
0x11e: {  	vm5 =	vgt.s32 v15, $0xF97A8D76  }
0x11f: {  	[tilespmem:v8+s12+$0x0] =	vst.idx.msk $0xffff, v9;
	v8 =	vsel vm5, $0x6857289, v53;
	v9 =	vld [tilespmem:$0x1FC90]  }
0x120: {  	v8 =	vadd.s32 v15, v8;
	v15 =	vld [tilespmem:$0x1FCA0]  }
0x121: {  	v0 =	vld [tilespmem:$0x1FDE0];
	_ =	sdelay $0x2  }
0x122: {  	[tilespmem:v10+s12+$0x0] =	vst.idx.msk $0xffff, v9  }
0x123: {  	[tilespmem:v54+s12+$0x0] =	vst.idx.msk $0xffff, v15;
	v54 =	vmov v20;
	v15 =	vor.u32 v20, v3;
	v20 =	vld [tilespmem:$0x1FE90]  }
0x124: {  	v55 =	vor.u32 v0, v3;
	v0 =	vld [tilespmem:$0x1FDF0];
	v52 =	vmovc v18;
	v18 =	vshra.s32 v7, $0x14;
	v7 =	vand.u32 $0xFFFFF, v7  }
0x125: {  	v7 =	vadd.s32 v7, v18  }
0x126: {  	vm6 =	vgt.s32 v7, $0xFFFFE;
	v9 =	vadd.s32 $0xFFF00001, v7  }
0x127: {  	v1 =	vld [tilespmem:$0x1FE10];
	v7 =	vsel vm6, v9, v7;
	v9 =	vshra.s32 v8, $0x14;
	v8 =	vand.u32 $0xFFFFF, v8  }
0x128: {  	v8 =	vadd.s32 v8, v9;
	v9 =	vor.u32 v20, v3;
	v20 =	vld [tilespmem:$0x1FCB0]  }
0x129: {  	v0 =	vor.u32 v0, v3;
	v10 =	vld [tilespmem:$0x1FCC0];
	_ =	sdelay $0x3  }
0x12a: {  	v58 =	vor.u32 v1, v3;
	v1 =	vld [tilespmem:$0x1FE20];
	[tilespmem:v55+s12+$0x0] =	vst.idx.msk $0xffff, v20  }
0x12b: {  	[tilespmem:v0+s12+$0x0] =	vst.idx.msk $0xffff, v10;
	v10 =	vld [tilespmem:$0x1FCD0];
	_ =	sdelay $0x3  }
0x12c: {  	[tilespmem:v57+s12+$0x0] =	vst.idx.msk $0xffff, v22  }
0x12d: {  	v1 =	vor.u32 v1, v3;
	[tilespmem:v58+s12+$0x0] =	vst.idx.msk $0xffff, v10;
	v10 =	vld [tilespmem:$0x1FCE0];
	_ =	sdelay $0x4  }
0x12e: {  	[tilespmem:v1+s12+$0x0] =	vst.idx.msk $0xffff, v10;
	v10 =	vld [tilespmem:$0x1FCF0]  }
0x12f: {  	v22 =	vld [tilespmem:$0x1FEA0];
	_ =	sdelay $0x2  }
0x130: {  	vm7 =	vgt.s32 v8, $0xFFFFE;
	v55 =	vmovc v19;
	v19 =	vadd.s32 $0xFFF00001, v8;
	v20 =	vadd.s32 $0xD31D1A4C, v63  }
0x131: {  	v12 =	vor.u32 v59, v3;
	v8 =	vsel vm7, v19, v8;
	vm8 =	vgt.s32 v20, $0xF97A8D76;
	[tilespmem:v60+s12+$0x0] =	vst.idx.msk $0xffff, v10;
	v10 =	vld [tilespmem:$0x1FD00]  }
0x132: {  	v19 =	vor.u32 v21, v3;
	v57 =	vmovc v21;
	v21 =	vor.u32 v22, v3;
	v22 =	vsel vm8, $0x6857289, v53  }
0x133: {  	v20 =	vadd.s32 v20, v22;
	v22 =	vadd.s32 $0xC66DB066, v63  }
0x134: {  	vm9 =	vgt.s32 v22, $0xF97A8D76;
	v1 =	vshra.s32 v20, $0x14;
	v20 =	vand.u32 $0xFFFFF, v20  }
0x135: {  	v1 =	vadd.s32 v20, v1;
	v20 =	vor.u32 v24, v3;
	v60 =	vmovc v24;
	v24 =	vsel vm9, $0x6857289, v53  }
0x136: {  	v14 =	vor.u32 v56, v3;
	[tilespmem:v12+s12+$0x0] =	vst.idx.msk $0xffff, v10;
	v12 =	vadd.s32 v22, v24;
	v24 =	vld [tilespmem:$0x1FD10];
	_ =	sdelay $0x3  }
0x137: {  	v13 =	vld [tilespmem:$0x1FE40]  }
0x138: {  	[tilespmem:v14+s12+$0x0] =	vst.idx.msk $0xffff, v24;
	v24 =	vld [tilespmem:$0x1FEB0];
	_ =	sdelay $0x3  }
0x139: {  	v11 =	vld [tilespmem:$0x1FE70];
	vm10 =	vgt.s32 v1, $0xFFFFE;
	v22 =	vadd.s32 $0xFFF00001, v1  }
0x13a: {  	v13 =	vor.u32 v13, v3;
	v1 =	vsel vm10, v22, v1;
	v22 =	vor.u32 v24, v3;
	v24 =	vld [tilespmem:$0x1FD20]  }
0x13b: {  	v10 =	vld [tilespmem:$0x1FD30]  }
0x13c: {  	v18 =	vld [tilespmem:$0x1FE80]  }
0x13d: {  	v14 =	vshra.s32 v12, $0x14;
	v12 =	vand.u32 $0xFFFFF, v12  }
0x13e: {  	v12 =	vadd.s32 v12, v14  }
0x13f: {  	vm11 =	vgt.s32 v12, $0xFFFFE;
	[tilespmem:v13+s12+$0x0] =	vst.idx.msk $0xffff, v24;
	v13 =	vadd.s32 $0xFFF00001, v12  }
0x140: {  	v5 =	vor.u32 v11, v3;
	[tilespmem:v4+s12+$0x0] =	vst.idx.msk $0xffff, v10;
	v4 =	vsel vm11, v13, v12;
	v13 =	vld [tilespmem:$0x1FED0]  }
0x141: {  	v18 =	vor.u32 v18, v3;
	v24 =	vadd.s32 $0xB9BE4680, v63;
	[tilespmem:v16+s12+$0x0] =	vst.idx.msk $0xffff, v25;
	v16 =	vld [tilespmem:$0x1FEE0]  }
0x142: {  	vm12 =	vgt.s32 v24, $0xF97A8D76;
	v25 =	vld [tilespmem:$0x1FEF0]  }
0x143: {  	v11 =	vsel vm12, $0x6857289, v53  }
0x144: {  	v0 =	vor.u32 v55, v3;
	v14 =	vld [tilespmem:$0x1FEC0];
	[tilespmem:v17+s12+$0x0] =	vst.idx.msk $0xffff, v35;
	v24 =	vadd.s32 v24, v11  }
0x145: {  	v58 =	vmovc v23;
	v23 =	vor.u32 v23, v3;
	v10 =	vld [tilespmem:$0x1FF50];
	[tilespmem:v5+s12+$0x0] =	vst.idx.msk $0xffff, v36;
	v35 =	vshra.s32 v24, $0x14;
	v24 =	vand.u32 $0xFFFFF, v24  }
0x146: {  	v17 =	vld [tilespmem:$0x1FF40];
	[tilespmem:v18+s12+$0x0] =	vst.idx.msk $0xffff, v37;
	v5 =	vadd.s32 v24, v35;
	v12 =	vor.u32 v13, v3  }
0x147: {  	[tilespmem:v15+s12+$0x0] =	vst.idx.msk $0xffff, v38;
	v38 =	vld [tilespmem:$0x1FF60];
	v13 =	vor.u32 v16, v3;
	v16 =	vor.u32 v25, v3;
	v25 =	vadd.s32 $0xAD0EDC9A, v63  }
0x148: {  	vm14 =	vgt.s32 v5, $0xFFFFE;
	v35 =	vadd.s32 $0xFFF00001, v5;
	[tilespmem:v9+s12+$0x0] =	vst.idx.msk $0xffff, v39;
	vm13 =	vgt.s32 v25, $0xF97A8D76  }
0x149: {  	v14 =	vor.u32 v14, v3;
	v5 =	vsel vm14, v35, v5;
	v35 =	vld [tilespmem:$0x1FF70];
	[tilespmem:v0+s12+$0x0] =	vst.idx.msk $0xffff, v40;
	v11 =	vsel vm13, $0x6857289, v53  }
0x14a: {  	v18 =	vor.u32 v10, v3;
	[tilespmem:v19+s12+$0x0] =	vst.idx.msk $0xffff, v41;
	v15 =	vadd.s32 v25, v11;
	v25 =	vld [tilespmem:$0x1FF00]  }
0x14b: {  	v17 =	vor.u32 v17, v3;
	[tilespmem:v21+s12+$0x0] =	vst.idx.msk $0xffff, v42;
	v42 =	vld [tilespmem:$0x1FF10];
	v37 =	vshra.s32 v15, $0x14;
	v15 =	vand.u32 $0xFFFFF, v15  }
0x14c: {  	v24 =	vor.u32 v38, v3;
	v38 =	vld [tilespmem:$0x1FF80];
	[tilespmem:v23+s12+$0x0] =	vst.idx.msk $0xffff, v43;
	v9 =	vadd.s32 v15, v37;
	v37 =	vadd.s32 $0xA05F72B4, v63  }
0x14d: {  	v23 =	vld [tilespmem:$0x1FF90];
	[tilespmem:v20+s12+$0x0] =	vst.idx.msk $0xffff, v44;
	v44 =	vmovc v34;
	v34 =	vadd.s32 $0xDA6CEEAD, v63;
	vm15 =	vgt.s32 v9, $0xFFFFE;
	v0 =	vadd.s32 $0xFFF00001, v9  }
0x14e: {  	vm4 =	vgt.s32 v37, $0xF97A8D76;
	vm13 =	vgt.s32 v34, $0xF97A8D76;
	v0 =	vsel vm15, v0, v9  }
0x14f: {  	v9 =	vor.u32 v35, v3;
	v11 =	vsel vm4, $0x6857289, v53;
	v15 =	vor.u32 v25, v3  }
0x150: {  	v21 =	vor.u32 v42, v3;
	v25 =	vadd.s32 v37, v11;
	v37 =	vadd.s32 $0x93B008CE, v63  }
0x151: {  	[tilespmem:v22+s12+$0x0] =	vst.idx.msk $0xffff, v45;
	v19 =	vor.u32 v38, v3;
	v40 =	vshra.s32 v25, $0x14;
	v25 =	vand.u32 $0xFFFFF, v25  }
0x152: {  	[tilespmem:v14+s12+$0x0] =	vst.idx.msk $0xffff, v46;
	v42 =	vld [tilespmem:$0x1FFA0];
	v23 =	vor.u32 v23, v3;
	vm5 =	vgt.s32 v37, $0xF97A8D76;
	v20 =	vadd.s32 v25, v40  }
0x153: {  	[tilespmem:v12+s12+$0x0] =	vst.idx.msk $0xffff, v48;
	v48 =	vld [tilespmem:$0x1FFE0];
	v10 =	vsel vm5, $0x6857289, v53;
	v25 =	vor.u32 v44, v3;
	v40 =	vadd.s32 $0xF3CBC279, v63  }
0x154: {  	v45 =	vmovc v32;
	v38 =	vld [tilespmem:$0x1FFC0];
	vm6 =	vgt.s32 v20, $0xFFFFE;
	v11 =	vadd.s32 v37, v10;
	v32 =	vadd.s32 $0xFFF00001, v20  }
0x155: {  	[tilespmem:v13+s12+$0x0] =	vst.idx.msk $0xffff, v47;
	v37 =	vadd.s32 $0x87009EE8, v63;
	vm9 =	vgt.s32 v40, $0xF97A8D76;
	v12 =	vsel vm6, v32, v20  }
0x156: {  	v36 =	vld [tilespmem:$0x1FF20];
	v43 =	vmovc v33;
	[tilespmem:v16+s12+$0x0] =	vst.idx.msk $0xffff, v49;
	v33 =	vshra.s32 v11, $0x14;
	v14 =	vand.u32 $0xFFFFF, v11;
	vm8 =	vgt.s32 v37, $0xF97A8D76  }
0x157: {  	[tilespmem:v17+s12+$0x0] =	vst.idx.msk $0xffff, v50;
	v10 =	vsel vm9, $0x6857289, v53;
	v22 =	vor.u32 v42, v3;
	v14 =	vadd.s32 v14, v33  }
0x158: {  	[tilespmem:v18+s12+$0x0] =	vst.idx.msk $0xffff, v28;
	v42 =	vsel vm8, $0x6857289, v53;
	v50 =	vor.u32 v48, v3;
	v18 =	vadd.s32 v40, v10  }
0x159: {  	v33 =	vadd.s32 $0xE71C5893, v63;
	v20 =	vor.u32 v38, v3;
	vm7 =	vgt.s32 v14, $0xFFFFE;
	v38 =	vld [tilespmem:$0x1FFD0]  }
0x15a: {  	v41 =	vmovc v26;
	[tilespmem:v24+s12+$0x0] =	vst.idx.msk $0xffff, v27;
	v35 =	vadd.s32 $0xFFF00001, v14;
	v46 =	vadd.s32 v37, v42;
	v26 =	vshra.s32 v18, $0x14  }
0x15b: {  	v28 =	vld [tilespmem:$0x1FFF0];
	[tilespmem:v15+s12+$0x0] =	vst.idx.msk $0xffff, v2;
	v10 =	vand.u32 $0xFFFFF, v18;
	vm12 =	vgt.s32 v33, $0xF97A8D76;
	v37 =	vor.u32 $0x3E, v36  }
0x15c: {  	v13 =	vsel vm7, v35, v14;
	v24 =	vshra.s32 v46, $0x14;
	v11 =	vand.u32 $0xFFFFF, v46;
	[tilespmem:v9+s12+$0x0] =	vst.idx.msk $0xffff, v6  }
0x15d: {  	v27 =	vadd.s32 v10, v26;
	v35 =	vsel vm12, $0x6857289, v53;
	v2 =	vadd.s32 v11, v24;
	[tilespmem:v19+s12+$0x0] =	vst.idx.msk $0xffff, v7  }
0x15e: {  	v47 =	vmovc v31;
	vm11 =	vgt.s32 v27, $0xFFFFE;
	v31 =	vadd.s32 $0xFFF00001, v27;
	[tilespmem:v21+s12+$0x0] =	vst.idx.msk $0xffff, v8;
	v16 =	vor.u32 v38, v3  }
0x15f: {  	v49 =	vmovc v29;
	vm10 =	vgt.s32 v2, $0xFFFFE;
	v29 =	vadd.s32 $0xFFF00001, v2;
	v6 =	vsel vm11, v31, v27;
	[tilespmem:v23+s12+$0x0] =	vst.idx.msk $0xffff, v1  }
0x160: {  	v32 =	vor.u32 v28, v3;
	v2 =	vsel vm10, v29, v2;
	v1 =	vor.u32 $0x3D, v36;
	[tilespmem:v22+s12+$0x0] =	vst.idx.msk $0xffff, v4  }
0x161: {  	v1 =	vor.u32 v1, v3;
	v4 =	vadd.s32 v33, v35;
	v38 =	vsel vm13, $0x6857289, v53;
	[tilespmem:v25+s12+$0x0] =	vst.idx.msk $0xffff, v5  }
0x162: {  	v42 =	vor.u32 $0x3F, v36;
	v40 =	vadd.s32 v34, v38;
	[tilespmem:v20+s12+$0x0] =	vst.idx.msk $0xffff, v0;
	v0 =	vor.u32 v37, v3  }
0x163: {  	v46 =	vshra.s32 v4, $0x14;
	v4 =	vand.u32 $0xFFFFF, v4;
	v3 =	vor.u32 v42, v3;
	[tilespmem:v16+s12+$0x0] =	vst.idx.msk $0xffff, v12  }
0x164: {  	v4 =	vadd.s32 v4, v46;
	v48 =	vshra.s32 v40, $0x14;
	v5 =	vand.u32 $0xFFFFF, v40;
	[tilespmem:v50+s12+$0x0] =	vst.idx.msk $0xffff, v13  }
0x165: {  	vm14 =	vgt.s32 v4, $0xFFFFE;
	v50 =	vadd.s32 $0xFFF00001, v4;
	[tilespmem:v32+s12+$0x0] =	vst.idx.msk $0xffff, v2;
	v2 =	vadd.s32 v5, v48  }
0x166: {  	[tilespmem:v1+s12+$0x0] =	vst.idx.msk $0xffff, v6;
	v1 =	vsel vm14, v50, v4;
	vm15 =	vgt.s32 v2, $0xFFFFE;
	v63 =	vadd.s32 $0xFFF00001, v2  }
0x167: {  	s20 =	sshra.s32 s19, $0x2;
	[tilespmem:v0+s12+$0x0] =	vst.idx.msk $0xffff, v1;
	v0 =	vsel vm15, v63, v2  }
0x168: {  	s21 =	sadd.s32 $0x8A00, s20;
	s22 =	sadd.s32 $0xA00, s20;
	[tilespmem:v3+s12+$0x0] =	vst.idx.msk $0xffff, v0  }
0x169: {  	[tilespmem:s21], [sflag:$0x1] =	stream.indirect.gather [hbm4b:s0+s13], $0x1, s22, s13, $0xb8;
	[tilespmem:$0x10A00] =	vst v63  }
0x16a: {  	s28 =	sadd.s32 $0x8A80, s20;
	s29 =	sadd.s32 $0xA80, s20  }
0x16b: {  	[tilespmem:s28], [sflag:$0x1] =	stream.indirect.gather [hbm4b:s0+s13], $0x1, s29, s13, $0xb8;
	[tilespmem:$0x10A00] =	vst v63  }
0x16c: {  	s30 =	sadd.s32 $0x8B00, s20;
	s31 =	sadd.s32 $0xB00, s20  }
0x16d: {  	[tilespmem:s30], [sflag:$0x1] =	stream.indirect.gather [hbm4b:s0+s13], $0x1, s31, s13, $0xb8;
	[tilespmem:$0x10A00] =	vst v63  }
0x16e: {  	s23 =	sadd.s32 $0xB80, s20;
	s22 =	sadd.s32 $0x8B80, s20  }
0x16f: {  	[tilespmem:s22], [sflag:$0x1] =	stream.indirect.gather [hbm4b:s0+s13], $0x1, s23, s13, $0xb8;
	[tilespmem:$0x10A00] =	vst v63  }
0x170: {  	s24 =	sadd.s32 $0x8C00, s20;
	s25 =	sadd.s32 $0xC00, s20  }
0x171: {  	[tilespmem:s24], [sflag:$0x1] =	stream.indirect.gather [hbm4b:s0+s13], $0x1, s25, s13, $0xb8;
	[tilespmem:$0x10A00] =	vst v63  }
0x172: {  	p0 =	sne.s32 s19, $0x1F000;
	s26 =	sadd.s32 $0x8C80, s20;
	s28 =	sadd.s32 $0xC80, s20  }
0x173: {  	[tilespmem:s26], [sflag:$0x1] =	stream.indirect.gather [hbm4b:s0+s13], $0x1, s28, s13, $0xb8;
	[tilespmem:$0x10A00] =	vst v63  }
.Ltmp0:
0x174: {  	s17 =	sadd.s32 $0x10, s17;
	(pc) =	sbr.rel @p0 .LBB2_2-.Ltmp0, $4  }
0x175: {  	s19 =	sadd.s32 $0x1000, s19;
	s29 =	sadd.s32 $0x8D00, s20;
	s30 =	sadd.s32 $0xD00, s20  }
0x176: {  	[tilespmem:s29], [sflag:$0x1] =	stream.indirect.gather [hbm4b:s0+s13], $0x1, s30, s13, $0xb8;
	[tilespmem:$0x10A00] =	vst v63  }
0x177: {  	s18 =	sadd.s32 $0x8, s18;
	v39 =	vld [tilespmem:$0x1FF30];
	s31 =	sadd.s32 $0x8D80, s20;
	s20 =	sadd.s32 $0xD80, s20  }
0x178: {  	v0 =	vld [tilespmem:$0x1FFB0];
	v1 =	vmov v30;
	[tilespmem:s31], [sflag:$0x1] =	stream.indirect.gather [hbm4b:s0+s13], $0x1, s20, s13, $0xb8  }
0x179: {  	_ =	swait.ge [sflag:s14], $0x80  }
0x17a: {  	s17 =	simm.s32 $0xFF;
	[sflag:s14] =	ssyncset.done $0x0  }
.LBB2_4:
0x17b: {  	p0 =	sne.s32 s17, $0x1;
	s17 =	sadd.s32 $0xFFFFFFFF, s17;
	[sflag:s14] =	ssyncadd.s32 $0xFFFFFF80  }
.Ltmp1:
0x17c: {  	(pc) =	sbr.rel @p0 .LBB2_4-.Ltmp1, $3  }
0x17d: {  	_ =	sdelay $0x1  }
0x17e: {  	_ =	swait.ge [sflag:s14], $0x80  }
0x17f: {  	[sflag:s14] =	ssyncset.done $0x0  }
0x180: {  	s16 =	sadd.s32 $0x1, s16  }
0x181: {  	p0 =	sne.s32 s16, s8  }
.Ltmp2:
0x182: {  	[sflag:s14] =	ssyncadd.s32 $0xFFFFFF80;
	(pc) =	sbr.rel @p0 .LBB2_1-.Ltmp2, $4  }
0x183: {  	[hbm4b:s7+s3] =	stream.linear.scatter [tilespmem:s15], [sflag:$0x2], $0x8000, $0x38;
	[tilespmem:$0x10A00] =	vst v63  }
0x184: {  	_ =	swait.ge [sflag:s9], $0x8000  }
0x185: {  	[sflag:s9] =	ssyncset.done $0x0  }
0x186: {  	[sflag:s9] =	ssyncadd.s32 $0xFFFF8000  }
0x187: {  	_ =	sfence.sel $0x180000  }
0x188: {  	[bflag:$0x0] =	sbarrier.arrive $0xFFFF  }
0x189: {  	p0 =	sne.s32 s2, $0x0;
	_ =	strace $0x90000047  }
0x18a: {  	s0 =	sadd.s32 @!p0 $0x100000, s1;
	[bflag:$0x2] =	sbarrier.arrive $0xFFFF  }
0x18b: {  	[sflag:s0] =	ssyncadd.tile.s32 @!p0 $0x1;
	_ =	shalt  }
.Lfunc_end2:
_tile_overlayer_lowered:
.L_overlay_start_2:
0x18c: {  	(tag) =	ssettag $0x2  }
0x18d: {  	s0 =	rddreg [dreg:$0x0];
	s2 =	stileid.u32  }
0x18e: {  	s1 =	rddreg [dreg:$0x1];
	p0 =	sne.s32 s2, $0x0  }
0x18f: {  	s3 =	rddreg [dreg:$0x2];
	[bflag:$0x3] =	sbarrier.arrive $0xFFFF;
	s2 =	simm.s32 @!p0 $0x1C02  }
0x190: {  	[timem:s3], [sflag:s2] =	dma.local @!p0 [hbm:s0], s1  }
0x191: {  	s0 =	simm.s32 @!p0 $0x2  }
0x192: {  	_ =	swait.ge @!p0 [sflag:s0], s1  }
0x193: {  	s1 =	ssub.s32 @!p0 $0x0, s1;
	[sflag:s0] =	ssyncset.done @!p0 $0x0  }
0x194: {  	[sflag:s0] =	ssyncadd.s32 @!p0 s1  }
0x195: {  	[bflag:$0x3] =	sbarrier.arrive $0xFFFF  }
0x196: {  	_ =	shalt  }

</sc_bundles>
